<compile_context>
chip_gen: v7x
topology: tpu7x:2x2x1
jax: 0.10.2.dev20260603
libtpu: 0.0.44.dev20260713+nightly
codegen_flags: <defaults>
</compile_context>

<pallas_src>
import functools

import jax
import jax.numpy as jnp
from jax import lax
from jax.experimental import pallas as pl
from jax.experimental.pallas import tpu as pltpu
from jax.experimental.pallas import tpu_sc as plsc

N = 10000
E = 320000
D = 128
H = 128
C = 10
G = 32

NC = 2
NS = 16
NW = NC * NS
EPW = E // NW
CHUNK = 128
NCHUNK = 80
EPP = NCHUNK * CHUNK
NP = 10240
RPP = NP // NS
DUMP = NP - 1
GRP = 8
NGRP = NCHUNK // GRP


@functools.cache
def _mesh():
    return plsc.VectorSubcoreMesh(
        core_axis_name="c", subcore_axis_name="s", num_cores=NC, num_subcores=NS
    )


def _deg_body(dst3, degp, shared, dbuf, ones_v, zb, sem, sem2):
    c = lax.axis_index("c")
    s = lax.axis_index("s")
    wid = c * NS + s

    ones16 = jnp.ones((16,), jnp.float32)
    zeros16 = jnp.zeros((16,), jnp.float32)

    def fill(i, _):
        ones_v[i, :] = ones16
        return 0

    lax.fori_loop(0, CHUNK, fill, 0)

    def fill2(i, _):
        zb[i, :] = zeros16
        return 0

    lax.fori_loop(0, RPP, fill2, 0)

    pltpu.sync_copy(zb, shared.at[pl.ds(s * RPP, RPP)])
    pltpu.sync_copy(dst3.at[wid], dbuf)
    plsc.subcore_barrier()

    pltpu.async_copy(ones_v, shared.at[dbuf.at[0]], sem, add=True)

    def step(t, _):
        j0 = 2 * t
        j1 = 2 * t + 1
        pltpu.async_copy(ones_v, shared.at[dbuf.at[j1]], sem2, add=True)
        pltpu.make_async_copy(ones_v, shared.at[dbuf.at[j0]], sem).wait()

        @pl.when(t < NCHUNK // 2 - 1)
        def _():
            pltpu.async_copy(ones_v, shared.at[dbuf.at[j0 + 2]], sem, add=True)

        pltpu.make_async_copy(ones_v, shared.at[dbuf.at[j1]], sem2).wait()
        return 0

    lax.fori_loop(0, NCHUNK // 2, step, 0)
    plsc.subcore_barrier()
    pltpu.sync_copy(shared.at[pl.ds(s * RPP, RPP)], degp.at[c, pl.ds(s * RPP, RPP)])


@functools.cache
def _deg_kernel():
  return pl.kernel(
    _deg_body,
    out_type=jax.ShapeDtypeStruct((NC, NP, 16), jnp.float32),
    mesh=_mesh(),
    scratch_types=[
        pltpu.VMEM_SHARED((NP, 16), jnp.float32),
        pltpu.VMEM((NCHUNK, CHUNK), jnp.int32),
        pltpu.VMEM((CHUNK, 16), jnp.float32),
        pltpu.VMEM((RPP, 16), jnp.float32),
        pltpu.SemaphoreType.DMA,
        pltpu.SemaphoreType.DMA,
    ],
  )


def _agg_body(h, e3g, aggp, shared, ib0, ib1, rb0, rb1,
              is0, is1, gs0, gs1, ss0, ss1):
    c = lax.axis_index("c")
    s = lax.axis_index("s")
    wid = c * NS + s

    zeros16 = jnp.zeros((16,), jnp.float32)

    def zrow(i, _):
        for k in range(D // 16):
            rb0[i, pl.ds(k * 16, 16)] = zeros16
        return 0

    lax.fori_loop(0, CHUNK, zrow, 0)

    for r in range(RPP // CHUNK):
        pltpu.sync_copy(rb0, shared.at[pl.ds(s * RPP + r * CHUNK, CHUNK)])
    plsc.subcore_barrier()

    rbs = (rb0, rb1)
    gss = (gs0, gs1)
    sss = (ss0, ss1)

    def run_group(ib):
        pltpu.async_copy(h.at[ib.at[0]], rb0, gs0)
        pltpu.async_copy(h.at[ib.at[2]], rb1, gs1)
        for k in range(GRP):
            b = k % 2
            pltpu.make_async_copy(h.at[ib.at[2 * k]], rbs[b], gss[b]).wait()
            pltpu.async_copy(rbs[b], shared.at[ib.at[2 * k + 1]], sss[b], add=True)
            pltpu.make_async_copy(rbs[b], shared.at[ib.at[2 * k + 1]], sss[b]).wait()
            if k + 2 < GRP:
                pltpu.async_copy(h.at[ib.at[2 * (k + 2)]], rbs[b], gss[b])

    pltpu.async_copy(e3g.at[wid, 0], ib0, is0)

    def pair(t, _):
        g0 = 2 * t
        pltpu.make_async_copy(e3g.at[wid, g0], ib0, is0).wait()
        pltpu.async_copy(e3g.at[wid, g0 + 1], ib1, is1)
        run_group(ib0)
        pltpu.make_async_copy(e3g.at[wid, g0 + 1], ib1, is1).wait()

        @pl.when(t < NGRP // 2 - 1)
        def _():
            pltpu.async_copy(e3g.at[wid, g0 + 2], ib0, is0)

        run_group(ib1)
        return 0

    lax.fori_loop(0, NGRP // 2, pair, 0)
    plsc.subcore_barrier()

    pltpu.sync_copy(shared.at[pl.ds(s * RPP, RPP)], aggp.at[c, pl.ds(s * RPP, RPP)])


@functools.cache
def _agg_kernel():
  return pl.kernel(
    _agg_body,
    out_type=jax.ShapeDtypeStruct((NC, NP, H), jnp.float32),
    mesh=_mesh(),
    scratch_types=[
        pltpu.VMEM_SHARED((NP, H), jnp.float32),
        pltpu.VMEM((2 * GRP, CHUNK), jnp.int32),
        pltpu.VMEM((2 * GRP, CHUNK), jnp.int32),
        pltpu.VMEM((CHUNK, H), jnp.float32),
        pltpu.VMEM((CHUNK, H), jnp.float32),
        pltpu.SemaphoreType.DMA,
        pltpu.SemaphoreType.DMA,
        pltpu.SemaphoreType.DMA,
        pltpu.SemaphoreType.DMA,
        pltpu.SemaphoreType.DMA,
        pltpu.SemaphoreType.DMA,
    ],
  )


BLK = 400
NBLK = N // BLK


def _dinv_from_degp(degp_blk):
    deg = degp_blk[0, :, 0] + degp_blk[1, :, 0] + 1.0
    return lax.rsqrt(deg)


def _mm1_body(degp_ref, x_ref, w_ref, o_ref):
    dinv = _dinv_from_degp(degp_ref[...])
    xs = x_ref[...] * dinv[:, None]
    o_ref[...] = jnp.dot(xs, w_ref[...], preferred_element_type=jnp.float32,
                         precision=lax.Precision.HIGHEST)


def _mm2_body(degp_ref, aggp_ref, hp_ref, b_ref, w_ref, o_ref):
    dinv = _dinv_from_degp(degp_ref[...])
    tot = aggp_ref[0] + aggp_ref[1] + hp_ref[...]
    z = jnp.maximum(tot * dinv[:, None] + b_ref[...], 0.0)
    o_ref[...] = jnp.dot(z * dinv[:, None], w_ref[...],
                         preferred_element_type=jnp.float32,
                         precision=lax.Precision.HIGHEST)


def _final_body(degp_ref, aggp_ref, hp_ref, b_ref, batch_ref, wlin_ref,
                blin_ref, o_ref, acc, cnt):
    i = pl.program_id(0)

    @pl.when(i == 0)
    def _():
        acc[...] = jnp.zeros_like(acc)
        cnt[...] = jnp.zeros_like(cnt)

    dinv = _dinv_from_degp(degp_ref[...])
    tot = aggp_ref[0] + aggp_ref[1] + hp_ref[...]
    z = jnp.maximum(tot * dinv[:, None] + b_ref[...], 0.0)

    gids = lax.broadcasted_iota(jnp.int32, (G, BLK), 0)
    m = (batch_ref[0] == gids).astype(jnp.float32)
    acc[...] += jnp.dot(m, z, preferred_element_type=jnp.float32,
                        precision=lax.Precision.HIGHEST)
    cnt[...] += jnp.broadcast_to(jnp.sum(m, axis=1, keepdims=True), (G, H))

    @pl.when(i == NBLK - 1)
    def _():
        pooled = acc[...] / jnp.maximum(cnt[...], 1.0)
        o_ref[...] = jnp.dot(pooled, wlin_ref[...],
                             preferred_element_type=jnp.float32,
                             precision=lax.Precision.HIGHEST) + blin_ref[...]


def _degp_spec():
    return pl.BlockSpec((NC, BLK, 16), lambda i: (0, i, 0))


_mm1 = pl.pallas_call(
    _mm1_body,
    grid=(NBLK,),
    in_specs=[
        _degp_spec(),
        pl.BlockSpec((BLK, D), lambda i: (i, 0)),
        pl.BlockSpec((D, H), lambda i: (0, 0)),
    ],
    out_specs=pl.BlockSpec((BLK, H), lambda i: (i, 0)),
    out_shape=jax.ShapeDtypeStruct((N, H), jnp.float32),
)

_mm2 = pl.pallas_call(
    _mm2_body,
    grid=(NBLK,),
    in_specs=[
        _degp_spec(),
        pl.BlockSpec((NC, BLK, H), lambda i: (0, i, 0)),
        pl.BlockSpec((BLK, H), lambda i: (i, 0)),
        pl.BlockSpec((1, H), lambda i: (0, 0)),
        pl.BlockSpec((H, H), lambda i: (0, 0)),
    ],
    out_specs=pl.BlockSpec((BLK, H), lambda i: (i, 0)),
    out_shape=jax.ShapeDtypeStruct((N, H), jnp.float32),
)

_final = pl.pallas_call(
    _final_body,
    grid=(NBLK,),
    in_specs=[
        _degp_spec(),
        pl.BlockSpec((NC, BLK, H), lambda i: (0, i, 0)),
        pl.BlockSpec((BLK, H), lambda i: (i, 0)),
        pl.BlockSpec((1, H), lambda i: (0, 0)),
        pl.BlockSpec((1, 1, BLK), lambda i: (i, 0, 0)),
        pl.BlockSpec((H, C), lambda i: (0, 0)),
        pl.BlockSpec((1, C), lambda i: (0, 0)),
    ],
    out_specs=pl.BlockSpec((G, C), lambda i: (0, 0)),
    out_shape=jax.ShapeDtypeStruct((G, C), jnp.float32),
    scratch_shapes=[
        pltpu.VMEM((G, H), jnp.float32),
        pltpu.VMEM((G, H), jnp.float32),
    ],
)


@jax.jit
def kernel(x, edge_index, batch, W1, b1, W2, b2, Wlin, blin):
    pad = EPP - EPW
    srcp = jnp.pad(edge_index[0].reshape(NW, EPW), ((0, 0), (0, pad)))
    dstp = jnp.pad(edge_index[1].reshape(NW, EPW), ((0, 0), (0, pad)),
                   constant_values=DUMP)
    src3 = srcp.reshape(NW, NCHUNK, CHUNK)
    dst3 = dstp.reshape(NW, NCHUNK, CHUNK)
    e4 = jnp.stack([src3, dst3], axis=2)
    e3g = e4.reshape(NW, NGRP, 2 * GRP, CHUNK)

    degp = _deg_kernel()(dst3)
    h1p = _mm1(degp, x, W1)
    agg1 = _agg_kernel()(h1p, e3g)
    h2p = _mm2(degp, agg1, h1p, b1.reshape(1, H), W2)
    agg2 = _agg_kernel()(h2p, e3g)
    return _final(degp, agg2, h2p, b2.reshape(1, H),
                  batch.reshape(NBLK, 1, BLK), Wlin, blin.reshape(1, C))

# --- scband reference (transcript-rebuilt; emitter-appended) ---
"""Pipeline reference for scband-gcn-72748156059703 (READ-ONLY COPY).

The authoritative reference and input builder live on the scoring server;
editing this copy changes nothing except your own understanding.
"""

import jax, jax.numpy as jnp
import numpy as np

N = 10000
E = 320000
D = 128
H = 128
C = 10
G = 32


def setup_inputs(seed: int = 0) -> dict:
    key = jax.random.key(seed)
    ks = jax.random.split(key, 10)
    x = jax.random.normal(ks[0], (N, D), dtype=jnp.float32)
    edge_index = jax.random.randint(ks[1], (2, E), 0, N, dtype=jnp.int32)
    batch = jnp.sort(jax.random.randint(ks[2], (N,), 0, G, dtype=jnp.int32))
    W1 = jax.random.normal(ks[3], (D, H), dtype=jnp.float32) * (1.0 / np.sqrt(D))
    b1 = jnp.zeros((H,), dtype=jnp.float32)
    W2 = jax.random.normal(ks[4], (H, H), dtype=jnp.float32) * (1.0 / np.sqrt(H))
    b2 = jnp.zeros((H,), dtype=jnp.float32)
    Wlin = jax.random.normal(ks[5], (H, C), dtype=jnp.float32) * (1.0 / np.sqrt(H))
    blin = jnp.zeros((C,), dtype=jnp.float32)
    return {"x": x, "edge_index": edge_index, "batch": batch,
            "W1": W1, "b1": b1, "W2": W2, "b2": b2, "Wlin": Wlin, "blin": blin}


def _gcn_conv(x, src, dst, W, b, num_nodes):
    # GCNConv with self-loops and symmetric normalization:
    # out = D^{-1/2} (A + I) D^{-1/2} (x W) + b
    h = x @ W
    deg = jax.ops.segment_sum(jnp.ones_like(dst, dtype=h.dtype), dst, num_segments=num_nodes)
    dinv = jnp.where(deg > 0, jax.lax.rsqrt(jnp.maximum(deg, 1e-12)), 0.0)
    norm = dinv[src] * dinv[dst]
    msg = h[src] * norm[:, None]
    out = jax.ops.segment_sum(msg, dst, num_segments=num_nodes)
    return out + b


def reference(x, edge_index, batch, W1, b1, W2, b2, Wlin, blin):
    loop = jnp.arange(N, dtype=edge_index.dtype)
    src = jnp.concatenate([edge_index[0], loop])
    dst = jnp.concatenate([edge_index[1], loop])
    # layer 1
    h = _gcn_conv(x, src, dst, W1, b1, N)
    h = jax.nn.relu(h)
    # dropout is identity in eval mode
    # layer 2
    h = _gcn_conv(h, src, dst, W2, b2, N)
    h = jax.nn.relu(h)
    # global mean pool over batch ids
    sums = jax.ops.segment_sum(h, batch, num_segments=G)
    cnt = jax.ops.segment_sum(jnp.ones((N,), dtype=h.dtype), batch, num_segments=G)
    pooled = sums / jnp.maximum(cnt, 1.0)[:, None]
    return pooled @ Wlin + blin

if __name__ == "__main__":
    import jax
    _d = setup_inputs()
    print(jax.jit(kernel)(*tuple(_d.values())))

</pallas_src>

<mosaic_0001>
#map = affine_map<(d0, d1) -> (0, 0)>
#map1 = affine_map<(d0, d1) -> (0, 0, 0, 0)>
#map2 = affine_map<(d0, d1) -> (0, 0, 0)>
module attributes {stable_mosaic.version = 14 : i64} {
  func.func @_agg_body(%arg0: i32, %arg1: i32, %arg2: memref<10000x128xf32, #tpu.memory_space<hbm>>, %arg3: memref<32x10x16x128xi32, #tpu.memory_space<hbm>>, %arg4: memref<2x10240x128xf32, #tpu.memory_space<hbm>>, %arg5: memref<10240x128xf32, #tpu.memory_space<vmem_shared>>, %arg6: memref<16x128xi32, #tpu.memory_space<vmem>>, %arg7: memref<16x128xi32, #tpu.memory_space<vmem>>, %arg8: memref<128x128xf32, #tpu.memory_space<vmem>>, %arg9: memref<128x128xf32, #tpu.memory_space<vmem>>, %arg10: memref<!tpu.dma_semaphore, #tpu.memory_space<semaphore_mem>>, %arg11: memref<!tpu.dma_semaphore, #tpu.memory_space<semaphore_mem>>, %arg12: memref<!tpu.dma_semaphore, #tpu.memory_space<semaphore_mem>>, %arg13: memref<!tpu.dma_semaphore, #tpu.memory_space<semaphore_mem>>, %arg14: memref<!tpu.dma_semaphore, #tpu.memory_space<semaphore_mem>>, %arg15: memref<!tpu.dma_semaphore, #tpu.memory_space<semaphore_mem>>) attributes {dimension_semantics = [#tpu.dimension_semantics<core_parallel>, #tpu.dimension_semantics<subcore_parallel>], iteration_bounds = array<i64: 2, 16>, scalar_prefetch = 0 : i64, scratch_operands = 11 : i64, tpu.core_type = #tpu.core_type<sc_vector_subcore>, window_params = [{transform_indices = #map}, {transform_indices = #map1}, {transform_indices = #map2}]} {
    %mul3A = arith.constant 16 : i32
    %mul3A_0 = arith.muli %arg0, %mul3A : i32
    %add3A = arith.addi %mul3A_0, %arg1 : i32
    %broadcast_in_dim3A = arith.constant 0.000000e+00 : f32
    %broadcast_in_dim3A_1 = vector.broadcast %broadcast_in_dim3A : f32 to vector<16xf32>
    %scan3A = arith.constant 0 : i32
    %scan3A_2 = arith.constant 0 : i32
    %scan3A_3 = arith.constant 128 : i32
    %scan3A_4 = arith.addi %scan3A_2, %scan3A_3 : i32
    %scan3A_5 = arith.constant 1 : i32
    %scan3A_6 = scf.for %scan3A_48 = %scan3A_2 to %scan3A_4 step %scan3A_5 iter_args(%scan3A_49 = %scan3A) -> (i32)  : i32 {
      %swap3A = arith.index_cast %scan3A_48 : i32 to index
      %swap3A_50 = arith.constant 0 : index
      %swap3A_51 = tpu.vector_load %arg8[%swap3A, %swap3A_50] {strides = array<i32>} : memref<128x128xf32, #tpu.memory_space<vmem>>, vector<1x16xf32>,
      %swap3A_52 = vector.shape_cast %swap3A_51 : vector<1x16xf32> to vector<16xf32>
      %swap3A_53 = vector.shape_cast %broadcast_in_dim3A_1 : vector<16xf32> to vector<1x16xf32>
      tpu.vector_store %arg8[%swap3A, %swap3A_50], %swap3A_53 {strides = array<i32>} : memref<128x128xf32, #tpu.memory_space<vmem>>, vector<1x16xf32>,
      %swap3A_54 = arith.index_cast %scan3A_48 : i32 to index
      %swap3A_55 = arith.constant 16 : index
      %swap3A_56 = tpu.vector_load %arg8[%swap3A_54, %swap3A_55] {strides = array<i32>} : memref<128x128xf32, #tpu.memory_space<vmem>>, vector<1x16xf32>,
      %swap3A_57 = vector.shape_cast %swap3A_56 : vector<1x16xf32> to vector<16xf32>
      %swap3A_58 = vector.shape_cast %broadcast_in_dim3A_1 : vector<16xf32> to vector<1x16xf32>
      tpu.vector_store %arg8[%swap3A_54, %swap3A_55], %swap3A_58 {strides = array<i32>} : memref<128x128xf32, #tpu.memory_space<vmem>>, vector<1x16xf32>,
      %swap3A_59 = arith.index_cast %scan3A_48 : i32 to index
      %swap3A_60 = arith.constant 32 : index
      %swap3A_61 = tpu.vector_load %arg8[%swap3A_59, %swap3A_60] {strides = array<i32>} : memref<128x128xf32, #tpu.memory_space<vmem>>, vector<1x16xf32>,
      %swap3A_62 = vector.shape_cast %swap3A_61 : vector<1x16xf32> to vector<16xf32>
      %swap3A_63 = vector.shape_cast %broadcast_in_dim3A_1 : vector<16xf32> to vector<1x16xf32>
      tpu.vector_store %arg8[%swap3A_59, %swap3A_60], %swap3A_63 {strides = array<i32>} : memref<128x128xf32, #tpu.memory_space<vmem>>, vector<1x16xf32>,
      %swap3A_64 = arith.index_cast %scan3A_48 : i32 to index
      %swap3A_65 = arith.constant 48 : index
      %swap3A_66 = tpu.vector_load %arg8[%swap3A_64, %swap3A_65] {strides = array<i32>} : memref<128x128xf32, #tpu.memory_space<vmem>>, vector<1x16xf32>,
      %swap3A_67 = vector.shape_cast %swap3A_66 : vector<1x16xf32> to vector<16xf32>
      %swap3A_68 = vector.shape_cast %broadcast_in_dim3A_1 : vector<16xf32> to vector<1x16xf32>
      tpu.vector_store %arg8[%swap3A_64, %swap3A_65], %swap3A_68 {strides = array<i32>} : memref<128x128xf32, #tpu.memory_space<vmem>>, vector<1x16xf32>,
      %swap3A_69 = arith.index_cast %scan3A_48 : i32 to index
      %swap3A_70 = arith.constant 64 : index
      %swap3A_71 = tpu.vector_load %arg8[%swap3A_69, %swap3A_70] {strides = array<i32>} : memref<128x128xf32, #tpu.memory_space<vmem>>, vector<1x16xf32>,
      %swap3A_72 = vector.shape_cast %swap3A_71 : vector<1x16xf32> to vector<16xf32>
      %swap3A_73 = vector.shape_cast %broadcast_in_dim3A_1 : vector<16xf32> to vector<1x16xf32>
      tpu.vector_store %arg8[%swap3A_69, %swap3A_70], %swap3A_73 {strides = array<i32>} : memref<128x128xf32, #tpu.memory_space<vmem>>, vector<1x16xf32>,
      %swap3A_74 = arith.index_cast %scan3A_48 : i32 to index
      %swap3A_75 = arith.constant 80 : index
      %swap3A_76 = tpu.vector_load %arg8[%swap3A_74, %swap3A_75] {strides = array<i32>} : memref<128x128xf32, #tpu.memory_space<vmem>>, vector<1x16xf32>,
      %swap3A_77 = vector.shape_cast %swap3A_76 : vector<1x16xf32> to vector<16xf32>
      %swap3A_78 = vector.shape_cast %broadcast_in_dim3A_1 : vector<16xf32> to vector<1x16xf32>
      tpu.vector_store %arg8[%swap3A_74, %swap3A_75], %swap3A_78 {strides = array<i32>} : memref<128x128xf32, #tpu.memory_space<vmem>>, vector<1x16xf32>,
      %swap3A_79 = arith.index_cast %scan3A_48 : i32 to index
      %swap3A_80 = arith.constant 96 : index
      %swap3A_81 = tpu.vector_load %arg8[%swap3A_79, %swap3A_80] {strides = array<i32>} : memref<128x128xf32, #tpu.memory_space<vmem>>, vector<1x16xf32>,
      %swap3A_82 = vector.shape_cast %swap3A_81 : vector<1x16xf32> to vector<16xf32>
      %swap3A_83 = vector.shape_cast %broadcast_in_dim3A_1 : vector<16xf32> to vector<1x16xf32>
      tpu.vector_store %arg8[%swap3A_79, %swap3A_80], %swap3A_83 {strides = array<i32>} : memref<128x128xf32, #tpu.memory_space<vmem>>, vector<1x16xf32>,
      %swap3A_84 = arith.index_cast %scan3A_48 : i32 to index
      %swap3A_85 = arith.constant 112 : index
      %swap3A_86 = tpu.vector_load %arg8[%swap3A_84, %swap3A_85] {strides = array<i32>} : memref<128x128xf32, #tpu.memory_space<vmem>>, vector<1x16xf32>,
      %swap3A_87 = vector.shape_cast %swap3A_86 : vector<1x16xf32> to vector<16xf32>
      %swap3A_88 = vector.shape_cast %broadcast_in_dim3A_1 : vector<16xf32> to vector<1x16xf32>
      tpu.vector_store %arg8[%swap3A_84, %swap3A_85], %swap3A_88 {strides = array<i32>} : memref<128x128xf32, #tpu.memory_space<vmem>>, vector<1x16xf32>,
      %scan3A_89 = arith.constant 0 : i32
      scf.yield %scan3A_89 : i32
    }
    %scan3A_7 = arith.constant 128 : i32
    %mul3A_8 = arith.constant 640 : i32
    %mul3A_9 = arith.muli %arg1, %mul3A_8 : i32
    %add3A_10 = arith.constant 0 : i32
    %add3A_11 = arith.addi %mul3A_9, %add3A_10 : i32
    "tpu.region"() ({
      %run_scoped3A = tpu.sem_alloc : memref<!tpu.dma_semaphore, #tpu.memory_space<semaphore_mem>>
      %dma_start3A_48 = arith.constant 0 : i32
      %dma_start3A_49 = tpu.memref_slice %arg5[%add3A_11, %dma_start3A_48] : memref<10240x128xf32, #tpu.memory_space<vmem_shared>> -> memref<128x128xf32, #tpu.memory_space<vmem_shared>>
      %dma_start3A_50 = arith.constant 0 : i32
      %dma_start3A_51 = tpu.memref_slice %arg5[%add3A_11, %dma_start3A_50] : memref<10240x128xf32, #tpu.memory_space<vmem_shared>> -> memref<128x128xf32, #tpu.memory_space<vmem_shared>>
      tpu.enqueue_dma source(%arg8 : memref<128x128xf32, #tpu.memory_space<vmem>>) target(%dma_start3A_51 : memref<128x128xf32, #tpu.memory_space<vmem_shared>>) target_semaphore(%run_scoped3A : memref<!tpu.dma_semaphore, #tpu.memory_space<semaphore_mem>>)
      %dma_wait3A = arith.constant 0 : i32
      %dma_wait3A_52 = tpu.memref_slice %arg5[%add3A_11, %dma_wait3A] : memref<10240x128xf32, #tpu.memory_space<vmem_shared>> -> memref<128x128xf32, #tpu.memory_space<vmem_shared>>
      %dma_wait3A_53 = arith.constant 0 : i32
      %dma_wait3A_54 = tpu.memref_slice %arg5[%add3A_11, %dma_wait3A_53] : memref<10240x128xf32, #tpu.memory_space<vmem_shared>> -> memref<128x128xf32, #tpu.memory_space<vmem_shared>>
      tpu.wait_dma2 semaphore(%run_scoped3A : memref<!tpu.dma_semaphore, #tpu.memory_space<semaphore_mem>>) src(%arg8 : memref<128x128xf32, #tpu.memory_space<vmem>>) dst(%dma_wait3A_54 : memref<128x128xf32, #tpu.memory_space<vmem_shared>>)
      tpu.yield
    }) : () -> ()
    %mul3A_12 = arith.constant 640 : i32
    %mul3A_13 = arith.muli %arg1, %mul3A_12 : i32
    %add3A_14 = arith.constant 128 : i32
    %add3A_15 = arith.addi %mul3A_13, %add3A_14 : i32
    "tpu.region"() ({
      %run_scoped3A = tpu.sem_alloc : memref<!tpu.dma_semaphore, #tpu.memory_space<semaphore_mem>>
      %dma_start3A_48 = arith.constant 0 : i32
      %dma_start3A_49 = tpu.memref_slice %arg5[%add3A_15, %dma_start3A_48] : memref<10240x128xf32, #tpu.memory_space<vmem_shared>> -> memref<128x128xf32, #tpu.memory_space<vmem_shared>>
      %dma_start3A_50 = arith.constant 0 : i32
      %dma_start3A_51 = tpu.memref_slice %arg5[%add3A_15, %dma_start3A_50] : memref<10240x128xf32, #tpu.memory_space<vmem_shared>> -> memref<128x128xf32, #tpu.memory_space<vmem_shared>>
      tpu.enqueue_dma source(%arg8 : memref<128x128xf32, #tpu.memory_space<vmem>>) target(%dma_start3A_51 : memref<128x128xf32, #tpu.memory_space<vmem_shared>>) target_semaphore(%run_scoped3A : memref<!tpu.dma_semaphore, #tpu.memory_space<semaphore_mem>>)
      %dma_wait3A = arith.constant 0 : i32
      %dma_wait3A_52 = tpu.memref_slice %arg5[%add3A_15, %dma_wait3A] : memref<10240x128xf32, #tpu.memory_space<vmem_shared>> -> memref<128x128xf32, #tpu.memory_space<vmem_shared>>
      %dma_wait3A_53 = arith.constant 0 : i32
      %dma_wait3A_54 = tpu.memref_slice %arg5[%add3A_15, %dma_wait3A_53] : memref<10240x128xf32, #tpu.memory_space<vmem_shared>> -> memref<128x128xf32, #tpu.memory_space<vmem_shared>>
      tpu.wait_dma2 semaphore(%run_scoped3A : memref<!tpu.dma_semaphore, #tpu.memory_space<semaphore_mem>>) src(%arg8 : memref<128x128xf32, #tpu.memory_space<vmem>>) dst(%dma_wait3A_54 : memref<128x128xf32, #tpu.memory_space<vmem_shared>>)
      tpu.yield
    }) : () -> ()
    %mul3A_16 = arith.constant 640 : i32
    %mul3A_17 = arith.muli %arg1, %mul3A_16 : i32
    %add3A_18 = arith.constant 256 : i32
    %add3A_19 = arith.addi %mul3A_17, %add3A_18 : i32
    "tpu.region"() ({
      %run_scoped3A = tpu.sem_alloc : memref<!tpu.dma_semaphore, #tpu.memory_space<semaphore_mem>>
      %dma_start3A_48 = arith.constant 0 : i32
      %dma_start3A_49 = tpu.memref_slice %arg5[%add3A_19, %dma_start3A_48] : memref<10240x128xf32, #tpu.memory_space<vmem_shared>> -> memref<128x128xf32, #tpu.memory_space<vmem_shared>>
      %dma_start3A_50 = arith.constant 0 : i32
      %dma_start3A_51 = tpu.memref_slice %arg5[%add3A_19, %dma_start3A_50] : memref<10240x128xf32, #tpu.memory_space<vmem_shared>> -> memref<128x128xf32, #tpu.memory_space<vmem_shared>>
      tpu.enqueue_dma source(%arg8 : memref<128x128xf32, #tpu.memory_space<vmem>>) target(%dma_start3A_51 : memref<128x128xf32, #tpu.memory_space<vmem_shared>>) target_semaphore(%run_scoped3A : memref<!tpu.dma_semaphore, #tpu.memory_space<semaphore_mem>>)
      %dma_wait3A = arith.constant 0 : i32
      %dma_wait3A_52 = tpu.memref_slice %arg5[%add3A_19, %dma_wait3A] : memref<10240x128xf32, #tpu.memory_space<vmem_shared>> -> memref<128x128xf32, #tpu.memory_space<vmem_shared>>
      %dma_wait3A_53 = arith.constant 0 : i32
      %dma_wait3A_54 = tpu.memref_slice %arg5[%add3A_19, %dma_wait3A_53] : memref<10240x128xf32, #tpu.memory_space<vmem_shared>> -> memref<128x128xf32, #tpu.memory_space<vmem_shared>>
      tpu.wait_dma2 semaphore(%run_scoped3A : memref<!tpu.dma_semaphore, #tpu.memory_space<semaphore_mem>>) src(%arg8 : memref<128x128xf32, #tpu.memory_space<vmem>>) dst(%dma_wait3A_54 : memref<128x128xf32, #tpu.memory_space<vmem_shared>>)
      tpu.yield
    }) : () -> ()
    %mul3A_20 = arith.constant 640 : i32
    %mul3A_21 = arith.muli %arg1, %mul3A_20 : i32
    %add3A_22 = arith.constant 384 : i32
    %add3A_23 = arith.addi %mul3A_21, %add3A_22 : i32
    "tpu.region"() ({
      %run_scoped3A = tpu.sem_alloc : memref<!tpu.dma_semaphore, #tpu.memory_space<semaphore_mem>>
      %dma_start3A_48 = arith.constant 0 : i32
      %dma_start3A_49 = tpu.memref_slice %arg5[%add3A_23, %dma_start3A_48] : memref<10240x128xf32, #tpu.memory_space<vmem_shared>> -> memref<128x128xf32, #tpu.memory_space<vmem_shared>>
      %dma_start3A_50 = arith.constant 0 : i32
      %dma_start3A_51 = tpu.memref_slice %arg5[%add3A_23, %dma_start3A_50] : memref<10240x128xf32, #tpu.memory_space<vmem_shared>> -> memref<128x128xf32, #tpu.memory_space<vmem_shared>>
      tpu.enqueue_dma source(%arg8 : memref<128x128xf32, #tpu.memory_space<vmem>>) target(%dma_start3A_51 : memref<128x128xf32, #tpu.memory_space<vmem_shared>>) target_semaphore(%run_scoped3A : memref<!tpu.dma_semaphore, #tpu.memory_space<semaphore_mem>>)
      %dma_wait3A = arith.constant 0 : i32
      %dma_wait3A_52 = tpu.memref_slice %arg5[%add3A_23, %dma_wait3A] : memref<10240x128xf32, #tpu.memory_space<vmem_shared>> -> memref<128x128xf32, #tpu.memory_space<vmem_shared>>
      %dma_wait3A_53 = arith.constant 0 : i32
      %dma_wait3A_54 = tpu.memref_slice %arg5[%add3A_23, %dma_wait3A_53] : memref<10240x128xf32, #tpu.memory_space<vmem_shared>> -> memref<128x128xf32, #tpu.memory_space<vmem_shared>>
      tpu.wait_dma2 semaphore(%run_scoped3A : memref<!tpu.dma_semaphore, #tpu.memory_space<semaphore_mem>>) src(%arg8 : memref<128x128xf32, #tpu.memory_space<vmem>>) dst(%dma_wait3A_54 : memref<128x128xf32, #tpu.memory_space<vmem_shared>>)
      tpu.yield
    }) : () -> ()
    %mul3A_24 = arith.constant 640 : i32
    %mul3A_25 = arith.muli %arg1, %mul3A_24 : i32
    %add3A_26 = arith.constant 512 : i32
    %add3A_27 = arith.addi %mul3A_25, %add3A_26 : i32
    "tpu.region"() ({
      %run_scoped3A = tpu.sem_alloc : memref<!tpu.dma_semaphore, #tpu.memory_space<semaphore_mem>>
      %dma_start3A_48 = arith.constant 0 : i32
      %dma_start3A_49 = tpu.memref_slice %arg5[%add3A_27, %dma_start3A_48] : memref<10240x128xf32, #tpu.memory_space<vmem_shared>> -> memref<128x128xf32, #tpu.memory_space<vmem_shared>>
      %dma_start3A_50 = arith.constant 0 : i32
      %dma_start3A_51 = tpu.memref_slice %arg5[%add3A_27, %dma_start3A_50] : memref<10240x128xf32, #tpu.memory_space<vmem_shared>> -> memref<128x128xf32, #tpu.memory_space<vmem_shared>>
      tpu.enqueue_dma source(%arg8 : memref<128x128xf32, #tpu.memory_space<vmem>>) target(%dma_start3A_51 : memref<128x128xf32, #tpu.memory_space<vmem_shared>>) target_semaphore(%run_scoped3A : memref<!tpu.dma_semaphore, #tpu.memory_space<semaphore_mem>>)
      %dma_wait3A = arith.constant 0 : i32
      %dma_wait3A_52 = tpu.memref_slice %arg5[%add3A_27, %dma_wait3A] : memref<10240x128xf32, #tpu.memory_space<vmem_shared>> -> memref<128x128xf32, #tpu.memory_space<vmem_shared>>
      %dma_wait3A_53 = arith.constant 0 : i32
      %dma_wait3A_54 = tpu.memref_slice %arg5[%add3A_27, %dma_wait3A_53] : memref<10240x128xf32, #tpu.memory_space<vmem_shared>> -> memref<128x128xf32, #tpu.memory_space<vmem_shared>>
      tpu.wait_dma2 semaphore(%run_scoped3A : memref<!tpu.dma_semaphore, #tpu.memory_space<semaphore_mem>>) src(%arg8 : memref<128x128xf32, #tpu.memory_space<vmem>>) dst(%dma_wait3A_54 : memref<128x128xf32, #tpu.memory_space<vmem_shared>>)
      tpu.yield
    }) : () -> ()
    %barrier3A = arith.constant 0 : index
    tpu.barrier barrier_id(%barrier3A)
    %dma_start3A = arith.constant 0 : i32
    %dma_start3A_28 = arith.constant 0 : i32
    %dma_start3A_29 = arith.constant 0 : i32
    %dma_start3A_30 = tpu.memref_slice %arg3[%add3A, %dma_start3A, %dma_start3A_28, %dma_start3A_29] : memref<32x10x16x128xi32, #tpu.memory_space<hbm>> -> memref<1x1x16x128xi32, #tpu.memory_space<hbm>>
    %dma_start3A_31 = tpu.memref_squeeze %dma_start3A_30 : memref<1x1x16x128xi32, #tpu.memory_space<hbm>> -> memref<16x128xi32, #tpu.memory_space<hbm>>
    %dma_start3A_32 = arith.constant 0 : i32
    %dma_start3A_33 = arith.constant 0 : i32
    %dma_start3A_34 = tpu.memref_slice %arg3[%add3A, %dma_start3A, %dma_start3A_32, %dma_start3A_33] : memref<32x10x16x128xi32, #tpu.memory_space<hbm>> -> memref<1x1x16x128xi32, #tpu.memory_space<hbm>>
    %dma_start3A_35 = tpu.memref_squeeze %dma_start3A_34 : memref<1x1x16x128xi32, #tpu.memory_space<hbm>> -> memref<16x128xi32, #tpu.memory_space<hbm>>
    tpu.enqueue_dma source(%dma_start3A_35 : memref<16x128xi32, #tpu.memory_space<hbm>>) target(%arg6 : memref<16x128xi32, #tpu.memory_space<vmem>>) target_semaphore(%arg10 : memref<!tpu.dma_semaphore, #tpu.memory_space<semaphore_mem>>)
    %scan3A_36 = arith.constant 0 : i32
    %scan3A_37 = arith.constant 0 : i32
    %scan3A_38 = arith.constant 5 : i32
    %scan3A_39 = arith.addi %scan3A_37, %scan3A_38 : i32
    %scan3A_40 = arith.constant 1 : i32
    %scan3A_41 = scf.for %scan3A_48 = %scan3A_37 to %scan3A_39 step %scan3A_40 iter_args(%scan3A_49 = %scan3A_36) -> (i32)  : i32 {
      %mul3A_50 = arith.constant 2 : i32
      %mul3A_51 = arith.muli %mul3A_50, %scan3A_48 : i32
      %dma_wait3A = arith.constant 0 : i32
      %dma_wait3A_52 = arith.constant 0 : i32
      %dma_wait3A_53 = tpu.memref_slice %arg3[%add3A, %mul3A_51, %dma_wait3A, %dma_wait3A_52] : memref<32x10x16x128xi32, #tpu.memory_space<hbm>> -> memref<1x1x16x128xi32, #tpu.memory_space<hbm>>
      %dma_wait3A_54 = tpu.memref_squeeze %dma_wait3A_53 : memref<1x1x16x128xi32, #tpu.memory_space<hbm>> -> memref<16x128xi32, #tpu.memory_space<hbm>>
      %dma_wait3A_55 = arith.constant 0 : i32
      %dma_wait3A_56 = arith.constant 0 : i32
      %dma_wait3A_57 = tpu.memref_slice %arg3[%add3A, %mul3A_51, %dma_wait3A_55, %dma_wait3A_56] : memref<32x10x16x128xi32, #tpu.memory_space<hbm>> -> memref<1x1x16x128xi32, #tpu.memory_space<hbm>>
      %dma_wait3A_58 = tpu.memref_squeeze %dma_wait3A_57 : memref<1x1x16x128xi32, #tpu.memory_space<hbm>> -> memref<16x128xi32, #tpu.memory_space<hbm>>
      tpu.wait_dma2 semaphore(%arg10 : memref<!tpu.dma_semaphore, #tpu.memory_space<semaphore_mem>>) src(%dma_wait3A_58 : memref<16x128xi32, #tpu.memory_space<hbm>>) dst(%arg6 : memref<16x128xi32, #tpu.memory_space<vmem>>)
      %add3A_59 = arith.constant 1 : i32
      %add3A_60 = arith.addi %mul3A_51, %add3A_59 : i32
      %dma_start3A_61 = arith.constant 0 : i32
      %dma_start3A_62 = arith.constant 0 : i32
      %dma_start3A_63 = tpu.memref_slice %arg3[%add3A, %add3A_60, %dma_start3A_61, %dma_start3A_62] : memref<32x10x16x128xi32, #tpu.memory_space<hbm>> -> memref<1x1x16x128xi32, #tpu.memory_space<hbm>>
      %dma_start3A_64 = tpu.memref_squeeze %dma_start3A_63 : memref<1x1x16x128xi32, #tpu.memory_space<hbm>> -> memref<16x128xi32, #tpu.memory_space<hbm>>
      %dma_start3A_65 = arith.constant 0 : i32
      %dma_start3A_66 = arith.constant 0 : i32
      %dma_start3A_67 = tpu.memref_slice %arg3[%add3A, %add3A_60, %dma_start3A_65, %dma_start3A_66] : memref<32x10x16x128xi32, #tpu.memory_space<hbm>> -> memref<1x1x16x128xi32, #tpu.memory_space<hbm>>
      %dma_start3A_68 = tpu.memref_squeeze %dma_start3A_67 : memref<1x1x16x128xi32, #tpu.memory_space<hbm>> -> memref<16x128xi32, #tpu.memory_space<hbm>>
      tpu.enqueue_dma source(%dma_start3A_68 : memref<16x128xi32, #tpu.memory_space<hbm>>) target(%arg7 : memref<16x128xi32, #tpu.memory_space<vmem>>) target_semaphore(%arg11 : memref<!tpu.dma_semaphore, #tpu.memory_space<semaphore_mem>>)
      %dma_start3A_69 = arith.constant 0 : i32
      %dma_start3A_70 = arith.constant 0 : i32
      %dma_start3A_71 = tpu.memref_slice %arg6[%dma_start3A_69, %dma_start3A_70] : memref<16x128xi32, #tpu.memory_space<vmem>> -> memref<1x128xi32, #tpu.memory_space<vmem>>
      %dma_start3A_72 = tpu.memref_squeeze %dma_start3A_71 : memref<1x128xi32, #tpu.memory_space<vmem>> -> memref<128xi32, #tpu.memory_space<vmem>>
      %dma_start3A_73 = arith.constant 0 : i32
      %dma_start3A_74 = arith.constant 0 : i32
      %dma_start3A_75 = tpu.memref_slice %arg2[%dma_start3A_73, %dma_start3A_74] : memref<10000x128xf32, #tpu.memory_space<hbm>> -> memref<10000x128xf32, #tpu.memory_space<hbm>>
      tpu.enqueue_indirect_dma source(%dma_start3A_75 : memref<10000x128xf32, #tpu.memory_space<hbm>>) target(%arg8 : memref<128x128xf32, #tpu.memory_space<vmem>>) offsets(%dma_start3A_72 : memref<128xi32, #tpu.memory_space<vmem>>) semaphore(%arg12 : memref<!tpu.dma_semaphore, #tpu.memory_space<semaphore_mem>>)
      %dma_start3A_76 = arith.constant 2 : i32
      %dma_start3A_77 = arith.constant 0 : i32
      %dma_start3A_78 = tpu.memref_slice %arg6[%dma_start3A_76, %dma_start3A_77] : memref<16x128xi32, #tpu.memory_space<vmem>> -> memref<1x128xi32, #tpu.memory_space<vmem>>
      %dma_start3A_79 = tpu.memref_squeeze %dma_start3A_78 : memref<1x128xi32, #tpu.memory_space<vmem>> -> memref<128xi32, #tpu.memory_space<vmem>>
      %dma_start3A_80 = arith.constant 0 : i32
      %dma_start3A_81 = arith.constant 0 : i32
      %dma_start3A_82 = tpu.memref_slice %arg2[%dma_start3A_80, %dma_start3A_81] : memref<10000x128xf32, #tpu.memory_space<hbm>> -> memref<10000x128xf32, #tpu.memory_space<hbm>>
      tpu.enqueue_indirect_dma source(%dma_start3A_82 : memref<10000x128xf32, #tpu.memory_space<hbm>>) target(%arg9 : memref<128x128xf32, #tpu.memory_space<vmem>>) offsets(%dma_start3A_79 : memref<128xi32, #tpu.memory_space<vmem>>) semaphore(%arg13 : memref<!tpu.dma_semaphore, #tpu.memory_space<semaphore_mem>>)
      %dma_wait3A_83 = arith.constant 0 : i32
      %dma_wait3A_84 = arith.constant 0 : i32
      %dma_wait3A_85 = tpu.memref_slice %arg6[%dma_wait3A_83, %dma_wait3A_84] : memref<16x128xi32, #tpu.memory_space<vmem>> -> memref<1x128xi32, #tpu.memory_space<vmem>>
      %dma_wait3A_86 = tpu.memref_squeeze %dma_wait3A_85 : memref<1x128xi32, #tpu.memory_space<vmem>> -> memref<128xi32, #tpu.memory_space<vmem>>
      %dma_wait3A_87 = arith.constant 0 : i32
      %dma_wait3A_88 = arith.constant 0 : i32
      %dma_wait3A_89 = tpu.memref_slice %arg2[%dma_wait3A_87, %dma_wait3A_88] : memref<10000x128xf32, #tpu.memory_space<hbm>> -> memref<10000x128xf32, #tpu.memory_space<hbm>>
      tpu.wait_indirect_dma semaphore(%arg12 : memref<!tpu.dma_semaphore, #tpu.memory_space<semaphore_mem>>) src(%dma_wait3A_89 : memref<10000x128xf32, #tpu.memory_space<hbm>>) dst(%arg8 : memref<128x128xf32, #tpu.memory_space<vmem>>)
      %dma_start3A_90 = arith.constant 1 : i32
      %dma_start3A_91 = arith.constant 0 : i32
      %dma_start3A_92 = tpu.memref_slice %arg6[%dma_start3A_90, %dma_start3A_91] : memref<16x128xi32, #tpu.memory_space<vmem>> -> memref<1x128xi32, #tpu.memory_space<vmem>>
      %dma_start3A_93 = tpu.memref_squeeze %dma_start3A_92 : memref<1x128xi32, #tpu.memory_space<vmem>> -> memref<128xi32, #tpu.memory_space<vmem>>
      %dma_start3A_94 = arith.constant 0 : i32
      %dma_start3A_95 = arith.constant 0 : i32
      %dma_start3A_96 = tpu.memref_slice %arg5[%dma_start3A_94, %dma_start3A_95] : memref<10240x128xf32, #tpu.memory_space<vmem_shared>> -> memref<10240x128xf32, #tpu.memory_space<vmem_shared>>
      tpu.enqueue_indirect_dma source(%arg8 : memref<128x128xf32, #tpu.memory_space<vmem>>) target(%dma_start3A_96 : memref<10240x128xf32, #tpu.memory_space<vmem_shared>>) offsets(%dma_start3A_93 : memref<128xi32, #tpu.memory_space<vmem>>) semaphore(%arg14 : memref<!tpu.dma_semaphore, #tpu.memory_space<semaphore_mem>>) {add = true}
      %dma_wait3A_97 = arith.constant 1 : i32
      %dma_wait3A_98 = arith.constant 0 : i32
      %dma_wait3A_99 = tpu.memref_slice %arg6[%dma_wait3A_97, %dma_wait3A_98] : memref<16x128xi32, #tpu.memory_space<vmem>> -> memref<1x128xi32, #tpu.memory_space<vmem>>
      %dma_wait3A_100 = tpu.memref_squeeze %dma_wait3A_99 : memref<1x128xi32, #tpu.memory_space<vmem>> -> memref<128xi32, #tpu.memory_space<vmem>>
      %dma_wait3A_101 = arith.constant 0 : i32
      %dma_wait3A_102 = arith.constant 0 : i32
      %dma_wait3A_103 = tpu.memref_slice %arg5[%dma_wait3A_101, %dma_wait3A_102] : memref<10240x128xf32, #tpu.memory_space<vmem_shared>> -> memref<10240x128xf32, #tpu.memory_space<vmem_shared>>
      tpu.wait_indirect_dma semaphore(%arg14 : memref<!tpu.dma_semaphore, #tpu.memory_space<semaphore_mem>>) src(%arg8 : memref<128x128xf32, #tpu.memory_space<vmem>>) dst(%dma_wait3A_103 : memref<10240x128xf32, #tpu.memory_space<vmem_shared>>)
      %dma_start3A_104 = arith.constant 4 : i32
      %dma_start3A_105 = arith.constant 0 : i32
      %dma_start3A_106 = tpu.memref_slice %arg6[%dma_start3A_104, %dma_start3A_105] : memref<16x128xi32, #tpu.memory_space<vmem>> -> memref<1x128xi32, #tpu.memory_space<vmem>>
      %dma_start3A_107 = tpu.memref_squeeze %dma_start3A_106 : memref<1x128xi32, #tpu.memory_space<vmem>> -> memref<128xi32, #tpu.memory_space<vmem>>
      %dma_start3A_108 = arith.constant 0 : i32
      %dma_start3A_109 = arith.constant 0 : i32
      %dma_start3A_110 = tpu.memref_slice %arg2[%dma_start3A_108, %dma_start3A_109] : memref<10000x128xf32, #tpu.memory_space<hbm>> -> memref<10000x128xf32, #tpu.memory_space<hbm>>
      tpu.enqueue_indirect_dma source(%dma_start3A_110 : memref<10000x128xf32, #tpu.memory_space<hbm>>) target(%arg8 : memref<128x128xf32, #tpu.memory_space<vmem>>) offsets(%dma_start3A_107 : memref<128xi32, #tpu.memory_space<vmem>>) semaphore(%arg12 : memref<!tpu.dma_semaphore, #tpu.memory_space<semaphore_mem>>)
      %dma_wait3A_111 = arith.constant 2 : i32
      %dma_wait3A_112 = arith.constant 0 : i32
      %dma_wait3A_113 = tpu.memref_slice %arg6[%dma_wait3A_111, %dma_wait3A_112] : memref<16x128xi32, #tpu.memory_space<vmem>> -> memref<1x128xi32, #tpu.memory_space<vmem>>
      %dma_wait3A_114 = tpu.memref_squeeze %dma_wait3A_113 : memref<1x128xi32, #tpu.memory_space<vmem>> -> memref<128xi32, #tpu.memory_space<vmem>>
      %dma_wait3A_115 = arith.constant 0 : i32
      %dma_wait3A_116 = arith.constant 0 : i32
      %dma_wait3A_117 = tpu.memref_slice %arg2[%dma_wait3A_115, %dma_wait3A_116] : memref<10000x128xf32, #tpu.memory_space<hbm>> -> memref<10000x128xf32, #tpu.memory_space<hbm>>
      tpu.wait_indirect_dma semaphore(%arg13 : memref<!tpu.dma_semaphore, #tpu.memory_space<semaphore_mem>>) src(%dma_wait3A_117 : memref<10000x128xf32, #tpu.memory_space<hbm>>) dst(%arg9 : memref<128x128xf32, #tpu.memory_space<vmem>>)
      %dma_start3A_118 = arith.constant 3 : i32
      %dma_start3A_119 = arith.constant 0 : i32
      %dma_start3A_120 = tpu.memref_slice %arg6[%dma_start3A_118, %dma_start3A_119] : memref<16x128xi32, #tpu.memory_space<vmem>> -> memref<1x128xi32, #tpu.memory_space<vmem>>
      %dma_start3A_121 = tpu.memref_squeeze %dma_start3A_120 : memref<1x128xi32, #tpu.memory_space<vmem>> -> memref<128xi32, #tpu.memory_space<vmem>>
      %dma_start3A_122 = arith.constant 0 : i32
      %dma_start3A_123 = arith.constant 0 : i32
      %dma_start3A_124 = tpu.memref_slice %arg5[%dma_start3A_122, %dma_start3A_123] : memref<10240x128xf32, #tpu.memory_space<vmem_shared>> -> memref<10240x128xf32, #tpu.memory_space<vmem_shared>>
      tpu.enqueue_indirect_dma source(%arg9 : memref<128x128xf32, #tpu.memory_space<vmem>>) target(%dma_start3A_124 : memref<10240x128xf32, #tpu.memory_space<vmem_shared>>) offsets(%dma_start3A_121 : memref<128xi32, #tpu.memory_space<vmem>>) semaphore(%arg15 : memref<!tpu.dma_semaphore, #tpu.memory_space<semaphore_mem>>) {add = true}
      %dma_wait3A_125 = arith.constant 3 : i32
      %dma_wait3A_126 = arith.constant 0 : i32
      %dma_wait3A_127 = tpu.memref_slice %arg6[%dma_wait3A_125, %dma_wait3A_126] : memref<16x128xi32, #tpu.memory_space<vmem>> -> memref<1x128xi32, #tpu.memory_space<vmem>>
      %dma_wait3A_128 = tpu.memref_squeeze %dma_wait3A_127 : memref<1x128xi32, #tpu.memory_space<vmem>> -> memref<128xi32, #tpu.memory_space<vmem>>
      %dma_wait3A_129 = arith.constant 0 : i32
      %dma_wait3A_130 = arith.constant 0 : i32
      %dma_wait3A_131 = tpu.memref_slice %arg5[%dma_wait3A_129, %dma_wait3A_130] : memref<10240x128xf32, #tpu.memory_space<vmem_shared>> -> memref<10240x128xf32, #tpu.memory_space<vmem_shared>>
      tpu.wait_indirect_dma semaphore(%arg15 : memref<!tpu.dma_semaphore, #tpu.memory_space<semaphore_mem>>) src(%arg9 : memref<128x128xf32, #tpu.memory_space<vmem>>) dst(%dma_wait3A_131 : memref<10240x128xf32, #tpu.memory_space<vmem_shared>>)
      %dma_start3A_132 = arith.constant 6 : i32
      %dma_start3A_133 = arith.constant 0 : i32
      %dma_start3A_134 = tpu.memref_slice %arg6[%dma_start3A_132, %dma_start3A_133] : memref<16x128xi32, #tpu.memory_space<vmem>> -> memref<1x128xi32, #tpu.memory_space<vmem>>
      %dma_start3A_135 = tpu.memref_squeeze %dma_start3A_134 : memref<1x128xi32, #tpu.memory_space<vmem>> -> memref<128xi32, #tpu.memory_space<vmem>>
      %dma_start3A_136 = arith.constant 0 : i32
      %dma_start3A_137 = arith.constant 0 : i32
      %dma_start3A_138 = tpu.memref_slice %arg2[%dma_start3A_136, %dma_start3A_137] : memref<10000x128xf32, #tpu.memory_space<hbm>> -> memref<10000x128xf32, #tpu.memory_space<hbm>>
      tpu.enqueue_indirect_dma source(%dma_start3A_138 : memref<10000x128xf32, #tpu.memory_space<hbm>>) target(%arg9 : memref<128x128xf32, #tpu.memory_space<vmem>>) offsets(%dma_start3A_135 : memref<128xi32, #tpu.memory_space<vmem>>) semaphore(%arg13 : memref<!tpu.dma_semaphore, #tpu.memory_space<semaphore_mem>>)
      %dma_wait3A_139 = arith.constant 4 : i32
      %dma_wait3A_140 = arith.constant 0 : i32
      %dma_wait3A_141 = tpu.memref_slice %arg6[%dma_wait3A_139, %dma_wait3A_140] : memref<16x128xi32, #tpu.memory_space<vmem>> -> memref<1x128xi32, #tpu.memory_space<vmem>>
      %dma_wait3A_142 = tpu.memref_squeeze %dma_wait3A_141 : memref<1x128xi32, #tpu.memory_space<vmem>> -> memref<128xi32, #tpu.memory_space<vmem>>
      %dma_wait3A_143 = arith.constant 0 : i32
      %dma_wait3A_144 = arith.constant 0 : i32
      %dma_wait3A_145 = tpu.memref_slice %arg2[%dma_wait3A_143, %dma_wait3A_144] : memref<10000x128xf32, #tpu.memory_space<hbm>> -> memref<10000x128xf32, #tpu.memory_space<hbm>>
      tpu.wait_indirect_dma semaphore(%arg12 : memref<!tpu.dma_semaphore, #tpu.memory_space<semaphore_mem>>) src(%dma_wait3A_145 : memref<10000x128xf32, #tpu.memory_space<hbm>>) dst(%arg8 : memref<128x128xf32, #tpu.memory_space<vmem>>)
      %dma_start3A_146 = arith.constant 5 : i32
      %dma_start3A_147 = arith.constant 0 : i32
      %dma_start3A_148 = tpu.memref_slice %arg6[%dma_start3A_146, %dma_start3A_147] : memref<16x128xi32, #tpu.memory_space<vmem>> -> memref<1x128xi32, #tpu.memory_space<vmem>>
      %dma_start3A_149 = tpu.memref_squeeze %dma_start3A_148 : memref<1x128xi32, #tpu.memory_space<vmem>> -> memref<128xi32, #tpu.memory_space<vmem>>
      %dma_start3A_150 = arith.constant 0 : i32
      %dma_start3A_151 = arith.constant 0 : i32
      %dma_start3A_152 = tpu.memref_slice %arg5[%dma_start3A_150, %dma_start3A_151] : memref<10240x128xf32, #tpu.memory_space<vmem_shared>> -> memref<10240x128xf32, #tpu.memory_space<vmem_shared>>
      tpu.enqueue_indirect_dma source(%arg8 : memref<128x128xf32, #tpu.memory_space<vmem>>) target(%dma_start3A_152 : memref<10240x128xf32, #tpu.memory_space<vmem_shared>>) offsets(%dma_start3A_149 : memref<128xi32, #tpu.memory_space<vmem>>) semaphore(%arg14 : memref<!tpu.dma_semaphore, #tpu.memory_space<semaphore_mem>>) {add = true}
      %dma_wait3A_153 = arith.constant 5 : i32
      %dma_wait3A_154 = arith.constant 0 : i32
      %dma_wait3A_155 = tpu.memref_slice %arg6[%dma_wait3A_153, %dma_wait3A_154] : memref<16x128xi32, #tpu.memory_space<vmem>> -> memref<1x128xi32, #tpu.memory_space<vmem>>
      %dma_wait3A_156 = tpu.memref_squeeze %dma_wait3A_155 : memref<1x128xi32, #tpu.memory_space<vmem>> -> memref<128xi32, #tpu.memory_space<vmem>>
      %dma_wait3A_157 = arith.constant 0 : i32
      %dma_wait3A_158 = arith.constant 0 : i32
      %dma_wait3A_159 = tpu.memref_slice %arg5[%dma_wait3A_157, %dma_wait3A_158] : memref<10240x128xf32, #tpu.memory_space<vmem_shared>> -> memref<10240x128xf32, #tpu.memory_space<vmem_shared>>
      tpu.wait_indirect_dma semaphore(%arg14 : memref<!tpu.dma_semaphore, #tpu.memory_space<semaphore_mem>>) src(%arg8 : memref<128x128xf32, #tpu.memory_space<vmem>>) dst(%dma_wait3A_159 : memref<10240x128xf32, #tpu.memory_space<vmem_shared>>)
      %dma_start3A_160 = arith.constant 8 : i32
      %dma_start3A_161 = arith.constant 0 : i32
      %dma_start3A_162 = tpu.memref_slice %arg6[%dma_start3A_160, %dma_start3A_161] : memref<16x128xi32, #tpu.memory_space<vmem>> -> memref<1x128xi32, #tpu.memory_space<vmem>>
      %dma_start3A_163 = tpu.memref_squeeze %dma_start3A_162 : memref<1x128xi32, #tpu.memory_space<vmem>> -> memref<128xi32, #tpu.memory_space<vmem>>
      %dma_start3A_164 = arith.constant 0 : i32
      %dma_start3A_165 = arith.constant 0 : i32
      %dma_start3A_166 = tpu.memref_slice %arg2[%dma_start3A_164, %dma_start3A_165] : memref<10000x128xf32, #tpu.memory_space<hbm>> -> memref<10000x128xf32, #tpu.memory_space<hbm>>
      tpu.enqueue_indirect_dma source(%dma_start3A_166 : memref<10000x128xf32, #tpu.memory_space<hbm>>) target(%arg8 : memref<128x128xf32, #tpu.memory_space<vmem>>) offsets(%dma_start3A_163 : memref<128xi32, #tpu.memory_space<vmem>>) semaphore(%arg12 : memref<!tpu.dma_semaphore, #tpu.memory_space<semaphore_mem>>)
      %dma_wait3A_167 = arith.constant 6 : i32
      %dma_wait3A_168 = arith.constant 0 : i32
      %dma_wait3A_169 = tpu.memref_slice %arg6[%dma_wait3A_167, %dma_wait3A_168] : memref<16x128xi32, #tpu.memory_space<vmem>> -> memref<1x128xi32, #tpu.memory_space<vmem>>
      %dma_wait3A_170 = tpu.memref_squeeze %dma_wait3A_169 : memref<1x128xi32, #tpu.memory_space<vmem>> -> memref<128xi32, #tpu.memory_space<vmem>>
      %dma_wait3A_171 = arith.constant 0 : i32
      %dma_wait3A_172 = arith.constant 0 : i32
      %dma_wait3A_173 = tpu.memref_slice %arg2[%dma_wait3A_171, %dma_wait3A_172] : memref<10000x128xf32, #tpu.memory_space<hbm>> -> memref<10000x128xf32, #tpu.memory_space<hbm>>
      tpu.wait_indirect_dma semaphore(%arg13 : memref<!tpu.dma_semaphore, #tpu.memory_space<semaphore_mem>>) src(%dma_wait3A_173 : memref<10000x128xf32, #tpu.memory_space<hbm>>) dst(%arg9 : memref<128x128xf32, #tpu.memory_space<vmem>>)
      %dma_start3A_174 = arith.constant 7 : i32
      %dma_start3A_175 = arith.constant 0 : i32
      %dma_start3A_176 = tpu.memref_slice %arg6[%dma_start3A_174, %dma_start3A_175] : memref<16x128xi32, #tpu.memory_space<vmem>> -> memref<1x128xi32, #tpu.memory_space<vmem>>
      %dma_start3A_177 = tpu.memref_squeeze %dma_start3A_176 : memref<1x128xi32, #tpu.memory_space<vmem>> -> memref<128xi32, #tpu.memory_space<vmem>>
      %dma_start3A_178 = arith.constant 0 : i32
      %dma_start3A_179 = arith.constant 0 : i32
      %dma_start3A_180 = tpu.memref_slice %arg5[%dma_start3A_178, %dma_start3A_179] : memref<10240x128xf32, #tpu.memory_space<vmem_shared>> -> memref<10240x128xf32, #tpu.memory_space<vmem_shared>>
      tpu.enqueue_indirect_dma source(%arg9 : memref<128x128xf32, #tpu.memory_space<vmem>>) target(%dma_start3A_180 : memref<10240x128xf32, #tpu.memory_space<vmem_shared>>) offsets(%dma_start3A_177 : memref<128xi32, #tpu.memory_space<vmem>>) semaphore(%arg15 : memref<!tpu.dma_semaphore, #tpu.memory_space<semaphore_mem>>) {add = true}
      %dma_wait3A_181 = arith.constant 7 : i32
      %dma_wait3A_182 = arith.constant 0 : i32
      %dma_wait3A_183 = tpu.memref_slice %arg6[%dma_wait3A_181, %dma_wait3A_182] : memref<16x128xi32, #tpu.memory_space<vmem>> -> memref<1x128xi32, #tpu.memory_space<vmem>>
      %dma_wait3A_184 = tpu.memref_squeeze %dma_wait3A_183 : memref<1x128xi32, #tpu.memory_space<vmem>> -> memref<128xi32, #tpu.memory_space<vmem>>
      %dma_wait3A_185 = arith.constant 0 : i32
      %dma_wait3A_186 = arith.constant 0 : i32
      %dma_wait3A_187 = tpu.memref_slice %arg5[%dma_wait3A_185, %dma_wait3A_186] : memref<10240x128xf32, #tpu.memory_space<vmem_shared>> -> memref<10240x128xf32, #tpu.memory_space<vmem_shared>>
      tpu.wait_indirect_dma semaphore(%arg15 : memref<!tpu.dma_semaphore, #tpu.memory_space<semaphore_mem>>) src(%arg9 : memref<128x128xf32, #tpu.memory_space<vmem>>) dst(%dma_wait3A_187 : memref<10240x128xf32, #tpu.memory_space<vmem_shared>>)
      %dma_start3A_188 = arith.constant 10 : i32
      %dma_start3A_189 = arith.constant 0 : i32
      %dma_start3A_190 = tpu.memref_slice %arg6[%dma_start3A_188, %dma_start3A_189] : memref<16x128xi32, #tpu.memory_space<vmem>> -> memref<1x128xi32, #tpu.memory_space<vmem>>
      %dma_start3A_191 = tpu.memref_squeeze %dma_start3A_190 : memref<1x128xi32, #tpu.memory_space<vmem>> -> memref<128xi32, #tpu.memory_space<vmem>>
      %dma_start3A_192 = arith.constant 0 : i32
      %dma_start3A_193 = arith.constant 0 : i32
      %dma_start3A_194 = tpu.memref_slice %arg2[%dma_start3A_192, %dma_start3A_193] : memref<10000x128xf32, #tpu.memory_space<hbm>> -> memref<10000x128xf32, #tpu.memory_space<hbm>>
      tpu.enqueue_indirect_dma source(%dma_start3A_194 : memref<10000x128xf32, #tpu.memory_space<hbm>>) target(%arg9 : memref<128x128xf32, #tpu.memory_space<vmem>>) offsets(%dma_start3A_191 : memref<128xi32, #tpu.memory_space<vmem>>) semaphore(%arg13 : memref<!tpu.dma_semaphore, #tpu.memory_space<semaphore_mem>>)
      %dma_wait3A_195 = arith.constant 8 : i32
      %dma_wait3A_196 = arith.constant 0 : i32
      %dma_wait3A_197 = tpu.memref_slice %arg6[%dma_wait3A_195, %dma_wait3A_196] : memref<16x128xi32, #tpu.memory_space<vmem>> -> memref<1x128xi32, #tpu.memory_space<vmem>>
      %dma_wait3A_198 = tpu.memref_squeeze %dma_wait3A_197 : memref<1x128xi32, #tpu.memory_space<vmem>> -> memref<128xi32, #tpu.memory_space<vmem>>
      %dma_wait3A_199 = arith.constant 0 : i32
      %dma_wait3A_200 = arith.constant 0 : i32
      %dma_wait3A_201 = tpu.memref_slice %arg2[%dma_wait3A_199, %dma_wait3A_200] : memref<10000x128xf32, #tpu.memory_space<hbm>> -> memref<10000x128xf32, #tpu.memory_space<hbm>>
      tpu.wait_indirect_dma semaphore(%arg12 : memref<!tpu.dma_semaphore, #tpu.memory_space<semaphore_mem>>) src(%dma_wait3A_201 : memref<10000x128xf32, #tpu.memory_space<hbm>>) dst(%arg8 : memref<128x128xf32, #tpu.memory_space<vmem>>)
      %dma_start3A_202 = arith.constant 9 : i32
      %dma_start3A_203 = arith.constant 0 : i32
      %dma_start3A_204 = tpu.memref_slice %arg6[%dma_start3A_202, %dma_start3A_203] : memref<16x128xi32, #tpu.memory_space<vmem>> -> memref<1x128xi32, #tpu.memory_space<vmem>>
      %dma_start3A_205 = tpu.memref_squeeze %dma_start3A_204 : memref<1x128xi32, #tpu.memory_space<vmem>> -> memref<128xi32, #tpu.memory_space<vmem>>
      %dma_start3A_206 = arith.constant 0 : i32
      %dma_start3A_207 = arith.constant 0 : i32
      %dma_start3A_208 = tpu.memref_slice %arg5[%dma_start3A_206, %dma_start3A_207] : memref<10240x128xf32, #tpu.memory_space<vmem_shared>> -> memref<10240x128xf32, #tpu.memory_space<vmem_shared>>
      tpu.enqueue_indirect_dma source(%arg8 : memref<128x128xf32, #tpu.memory_space<vmem>>) target(%dma_start3A_208 : memref<10240x128xf32, #tpu.memory_space<vmem_shared>>) offsets(%dma_start3A_205 : memref<128xi32, #tpu.memory_space<vmem>>) semaphore(%arg14 : memref<!tpu.dma_semaphore, #tpu.memory_space<semaphore_mem>>) {add = true}
      %dma_wait3A_209 = arith.constant 9 : i32
      %dma_wait3A_210 = arith.constant 0 : i32
      %dma_wait3A_211 = tpu.memref_slice %arg6[%dma_wait3A_209, %dma_wait3A_210] : memref<16x128xi32, #tpu.memory_space<vmem>> -> memref<1x128xi32, #tpu.memory_space<vmem>>
      %dma_wait3A_212 = tpu.memref_squeeze %dma_wait3A_211 : memref<1x128xi32, #tpu.memory_space<vmem>> -> memref<128xi32, #tpu.memory_space<vmem>>
      %dma_wait3A_213 = arith.constant 0 : i32
      %dma_wait3A_214 = arith.constant 0 : i32
      %dma_wait3A_215 = tpu.memref_slice %arg5[%dma_wait3A_213, %dma_wait3A_214] : memref<10240x128xf32, #tpu.memory_space<vmem_shared>> -> memref<10240x128xf32, #tpu.memory_space<vmem_shared>>
      tpu.wait_indirect_dma semaphore(%arg14 : memref<!tpu.dma_semaphore, #tpu.memory_space<semaphore_mem>>) src(%arg8 : memref<128x128xf32, #tpu.memory_space<vmem>>) dst(%dma_wait3A_215 : memref<10240x128xf32, #tpu.memory_space<vmem_shared>>)
      %dma_start3A_216 = arith.constant 12 : i32
      %dma_start3A_217 = arith.constant 0 : i32
      %dma_start3A_218 = tpu.memref_slice %arg6[%dma_start3A_216, %dma_start3A_217] : memref<16x128xi32, #tpu.memory_space<vmem>> -> memref<1x128xi32, #tpu.memory_space<vmem>>
      %dma_start3A_219 = tpu.memref_squeeze %dma_start3A_218 : memref<1x128xi32, #tpu.memory_space<vmem>> -> memref<128xi32, #tpu.memory_space<vmem>>
      %dma_start3A_220 = arith.constant 0 : i32
      %dma_start3A_221 = arith.constant 0 : i32
      %dma_start3A_222 = tpu.memref_slice %arg2[%dma_start3A_220, %dma_start3A_221] : memref<10000x128xf32, #tpu.memory_space<hbm>> -> memref<10000x128xf32, #tpu.memory_space<hbm>>
      tpu.enqueue_indirect_dma source(%dma_start3A_222 : memref<10000x128xf32, #tpu.memory_space<hbm>>) target(%arg8 : memref<128x128xf32, #tpu.memory_space<vmem>>) offsets(%dma_start3A_219 : memref<128xi32, #tpu.memory_space<vmem>>) semaphore(%arg12 : memref<!tpu.dma_semaphore, #tpu.memory_space<semaphore_mem>>)
      %dma_wait3A_223 = arith.constant 10 : i32
      %dma_wait3A_224 = arith.constant 0 : i32
      %dma_wait3A_225 = tpu.memref_slice %arg6[%dma_wait3A_223, %dma_wait3A_224] : memref<16x128xi32, #tpu.memory_space<vmem>> -> memref<1x128xi32, #tpu.memory_space<vmem>>
      %dma_wait3A_226 = tpu.memref_squeeze %dma_wait3A_225 : memref<1x128xi32, #tpu.memory_space<vmem>> -> memref<128xi32, #tpu.memory_space<vmem>>
      %dma_wait3A_227 = arith.constant 0 : i32
      %dma_wait3A_228 = arith.constant 0 : i32
      %dma_wait3A_229 = tpu.memref_slice %arg2[%dma_wait3A_227, %dma_wait3A_228] : memref<10000x128xf32, #tpu.memory_space<hbm>> -> memref<10000x128xf32, #tpu.memory_space<hbm>>
      tpu.wait_indirect_dma semaphore(%arg13 : memref<!tpu.dma_semaphore, #tpu.memory_space<semaphore_mem>>) src(%dma_wait3A_229 : memref<10000x128xf32, #tpu.memory_space<hbm>>) dst(%arg9 : memref<128x128xf32, #tpu.memory_space<vmem>>)
      %dma_start3A_230 = arith.constant 11 : i32
      %dma_start3A_231 = arith.constant 0 : i32
      %dma_start3A_232 = tpu.memref_slice %arg6[%dma_start3A_230, %dma_start3A_231] : memref<16x128xi32, #tpu.memory_space<vmem>> -> memref<1x128xi32, #tpu.memory_space<vmem>>
      %dma_start3A_233 = tpu.memref_squeeze %dma_start3A_232 : memref<1x128xi32, #tpu.memory_space<vmem>> -> memref<128xi32, #tpu.memory_space<vmem>>
      %dma_start3A_234 = arith.constant 0 : i32
      %dma_start3A_235 = arith.constant 0 : i32
      %dma_start3A_236 = tpu.memref_slice %arg5[%dma_start3A_234, %dma_start3A_235] : memref<10240x128xf32, #tpu.memory_space<vmem_shared>> -> memref<10240x128xf32, #tpu.memory_space<vmem_shared>>
      tpu.enqueue_indirect_dma source(%arg9 : memref<128x128xf32, #tpu.memory_space<vmem>>) target(%dma_start3A_236 : memref<10240x128xf32, #tpu.memory_space<vmem_shared>>) offsets(%dma_start3A_233 : memref<128xi32, #tpu.memory_space<vmem>>) semaphore(%arg15 : memref<!tpu.dma_semaphore, #tpu.memory_space<semaphore_mem>>) {add = true}
      %dma_wait3A_237 = arith.constant 11 : i32
      %dma_wait3A_238 = arith.constant 0 : i32
      %dma_wait3A_239 = tpu.memref_slice %arg6[%dma_wait3A_237, %dma_wait3A_238] : memref<16x128xi32, #tpu.memory_space<vmem>> -> memref<1x128xi32, #tpu.memory_space<vmem>>
      %dma_wait3A_240 = tpu.memref_squeeze %dma_wait3A_239 : memref<1x128xi32, #tpu.memory_space<vmem>> -> memref<128xi32, #tpu.memory_space<vmem>>
      %dma_wait3A_241 = arith.constant 0 : i32
      %dma_wait3A_242 = arith.constant 0 : i32
      %dma_wait3A_243 = tpu.memref_slice %arg5[%dma_wait3A_241, %dma_wait3A_242] : memref<10240x128xf32, #tpu.memory_space<vmem_shared>> -> memref<10240x128xf32, #tpu.memory_space<vmem_shared>>
      tpu.wait_indirect_dma semaphore(%arg15 : memref<!tpu.dma_semaphore, #tpu.memory_space<semaphore_mem>>) src(%arg9 : memref<128x128xf32, #tpu.memory_space<vmem>>) dst(%dma_wait3A_243 : memref<10240x128xf32, #tpu.memory_space<vmem_shared>>)
      %dma_start3A_244 = arith.constant 14 : i32
      %dma_start3A_245 = arith.constant 0 : i32
      %dma_start3A_246 = tpu.memref_slice %arg6[%dma_start3A_244, %dma_start3A_245] : memref<16x128xi32, #tpu.memory_space<vmem>> -> memref<1x128xi32, #tpu.memory_space<vmem>>
      %dma_start3A_247 = tpu.memref_squeeze %dma_start3A_246 : memref<1x128xi32, #tpu.memory_space<vmem>> -> memref<128xi32, #tpu.memory_space<vmem>>
      %dma_start3A_248 = arith.constant 0 : i32
      %dma_start3A_249 = arith.constant 0 : i32
      %dma_start3A_250 = tpu.memref_slice %arg2[%dma_start3A_248, %dma_start3A_249] : memref<10000x128xf32, #tpu.memory_space<hbm>> -> memref<10000x128xf32, #tpu.memory_space<hbm>>
      tpu.enqueue_indirect_dma source(%dma_start3A_250 : memref<10000x128xf32, #tpu.memory_space<hbm>>) target(%arg9 : memref<128x128xf32, #tpu.memory_space<vmem>>) offsets(%dma_start3A_247 : memref<128xi32, #tpu.memory_space<vmem>>) semaphore(%arg13 : memref<!tpu.dma_semaphore, #tpu.memory_space<semaphore_mem>>)
      %dma_wait3A_251 = arith.constant 12 : i32
      %dma_wait3A_252 = arith.constant 0 : i32
      %dma_wait3A_253 = tpu.memref_slice %arg6[%dma_wait3A_251, %dma_wait3A_252] : memref<16x128xi32, #tpu.memory_space<vmem>> -> memref<1x128xi32, #tpu.memory_space<vmem>>
      %dma_wait3A_254 = tpu.memref_squeeze %dma_wait3A_253 : memref<1x128xi32, #tpu.memory_space<vmem>> -> memref<128xi32, #tpu.memory_space<vmem>>
      %dma_wait3A_255 = arith.constant 0 : i32
      %dma_wait3A_256 = arith.constant 0 : i32
      %dma_wait3A_257 = tpu.memref_slice %arg2[%dma_wait3A_255, %dma_wait3A_256] : memref<10000x128xf32, #tpu.memory_space<hbm>> -> memref<10000x128xf32, #tpu.memory_space<hbm>>
      tpu.wait_indirect_dma semaphore(%arg12 : memref<!tpu.dma_semaphore, #tpu.memory_space<semaphore_mem>>) src(%dma_wait3A_257 : memref<10000x128xf32, #tpu.memory_space<hbm>>) dst(%arg8 : memref<128x128xf32, #tpu.memory_space<vmem>>)
      %dma_start3A_258 = arith.constant 13 : i32
      %dma_start3A_259 = arith.constant 0 : i32
      %dma_start3A_260 = tpu.memref_slice %arg6[%dma_start3A_258, %dma_start3A_259] : memref<16x128xi32, #tpu.memory_space<vmem>> -> memref<1x128xi32, #tpu.memory_space<vmem>>
      %dma_start3A_261 = tpu.memref_squeeze %dma_start3A_260 : memref<1x128xi32, #tpu.memory_space<vmem>> -> memref<128xi32, #tpu.memory_space<vmem>>
      %dma_start3A_262 = arith.constant 0 : i32
      %dma_start3A_263 = arith.constant 0 : i32
      %dma_start3A_264 = tpu.memref_slice %arg5[%dma_start3A_262, %dma_start3A_263] : memref<10240x128xf32, #tpu.memory_space<vmem_shared>> -> memref<10240x128xf32, #tpu.memory_space<vmem_shared>>
      tpu.enqueue_indirect_dma source(%arg8 : memref<128x128xf32, #tpu.memory_space<vmem>>) target(%dma_start3A_264 : memref<10240x128xf32, #tpu.memory_space<vmem_shared>>) offsets(%dma_start3A_261 : memref<128xi32, #tpu.memory_space<vmem>>) semaphore(%arg14 : memref<!tpu.dma_semaphore, #tpu.memory_space<semaphore_mem>>) {add = true}
      %dma_wait3A_265 = arith.constant 13 : i32
      %dma_wait3A_266 = arith.constant 0 : i32
      %dma_wait3A_267 = tpu.memref_slice %arg6[%dma_wait3A_265, %dma_wait3A_266] : memref<16x128xi32, #tpu.memory_space<vmem>> -> memref<1x128xi32, #tpu.memory_space<vmem>>
      %dma_wait3A_268 = tpu.memref_squeeze %dma_wait3A_267 : memref<1x128xi32, #tpu.memory_space<vmem>> -> memref<128xi32, #tpu.memory_space<vmem>>
      %dma_wait3A_269 = arith.constant 0 : i32
      %dma_wait3A_270 = arith.constant 0 : i32
      %dma_wait3A_271 = tpu.memref_slice %arg5[%dma_wait3A_269, %dma_wait3A_270] : memref<10240x128xf32, #tpu.memory_space<vmem_shared>> -> memref<10240x128xf32, #tpu.memory_space<vmem_shared>>
      tpu.wait_indirect_dma semaphore(%arg14 : memref<!tpu.dma_semaphore, #tpu.memory_space<semaphore_mem>>) src(%arg8 : memref<128x128xf32, #tpu.memory_space<vmem>>) dst(%dma_wait3A_271 : memref<10240x128xf32, #tpu.memory_space<vmem_shared>>)
      %dma_wait3A_272 = arith.constant 14 : i32
      %dma_wait3A_273 = arith.constant 0 : i32
      %dma_wait3A_274 = tpu.memref_slice %arg6[%dma_wait3A_272, %dma_wait3A_273] : memref<16x128xi32, #tpu.memory_space<vmem>> -> memref<1x128xi32, #tpu.memory_space<vmem>>
      %dma_wait3A_275 = tpu.memref_squeeze %dma_wait3A_274 : memref<1x128xi32, #tpu.memory_space<vmem>> -> memref<128xi32, #tpu.memory_space<vmem>>
      %dma_wait3A_276 = arith.constant 0 : i32
      %dma_wait3A_277 = arith.constant 0 : i32
      %dma_wait3A_278 = tpu.memref_slice %arg2[%dma_wait3A_276, %dma_wait3A_277] : memref<10000x128xf32, #tpu.memory_space<hbm>> -> memref<10000x128xf32, #tpu.memory_space<hbm>>
      tpu.wait_indirect_dma semaphore(%arg13 : memref<!tpu.dma_semaphore, #tpu.memory_space<semaphore_mem>>) src(%dma_wait3A_278 : memref<10000x128xf32, #tpu.memory_space<hbm>>) dst(%arg9 : memref<128x128xf32, #tpu.memory_space<vmem>>)
      %dma_start3A_279 = arith.constant 15 : i32
      %dma_start3A_280 = arith.constant 0 : i32
      %dma_start3A_281 = tpu.memref_slice %arg6[%dma_start3A_279, %dma_start3A_280] : memref<16x128xi32, #tpu.memory_space<vmem>> -> memref<1x128xi32, #tpu.memory_space<vmem>>
      %dma_start3A_282 = tpu.memref_squeeze %dma_start3A_281 : memref<1x128xi32, #tpu.memory_space<vmem>> -> memref<128xi32, #tpu.memory_space<vmem>>
      %dma_start3A_283 = arith.constant 0 : i32
      %dma_start3A_284 = arith.constant 0 : i32
      %dma_start3A_285 = tpu.memref_slice %arg5[%dma_start3A_283, %dma_start3A_284] : memref<10240x128xf32, #tpu.memory_space<vmem_shared>> -> memref<10240x128xf32, #tpu.memory_space<vmem_shared>>
      tpu.enqueue_indirect_dma source(%arg9 : memref<128x128xf32, #tpu.memory_space<vmem>>) target(%dma_start3A_285 : memref<10240x128xf32, #tpu.memory_space<vmem_shared>>) offsets(%dma_start3A_282 : memref<128xi32, #tpu.memory_space<vmem>>) semaphore(%arg15 : memref<!tpu.dma_semaphore, #tpu.memory_space<semaphore_mem>>) {add = true}
      %dma_wait3A_286 = arith.constant 15 : i32
      %dma_wait3A_287 = arith.constant 0 : i32
      %dma_wait3A_288 = tpu.memref_slice %arg6[%dma_wait3A_286, %dma_wait3A_287] : memref<16x128xi32, #tpu.memory_space<vmem>> -> memref<1x128xi32, #tpu.memory_space<vmem>>
      %dma_wait3A_289 = tpu.memref_squeeze %dma_wait3A_288 : memref<1x128xi32, #tpu.memory_space<vmem>> -> memref<128xi32, #tpu.memory_space<vmem>>
      %dma_wait3A_290 = arith.constant 0 : i32
      %dma_wait3A_291 = arith.constant 0 : i32
      %dma_wait3A_292 = tpu.memref_slice %arg5[%dma_wait3A_290, %dma_wait3A_291] : memref<10240x128xf32, #tpu.memory_space<vmem_shared>> -> memref<10240x128xf32, #tpu.memory_space<vmem_shared>>
      tpu.wait_indirect_dma semaphore(%arg15 : memref<!tpu.dma_semaphore, #tpu.memory_space<semaphore_mem>>) src(%arg9 : memref<128x128xf32, #tpu.memory_space<vmem>>) dst(%dma_wait3A_292 : memref<10240x128xf32, #tpu.memory_space<vmem_shared>>)
      %add3A_293 = arith.constant 1 : i32
      %add3A_294 = arith.addi %mul3A_51, %add3A_293 : i32
      %dma_wait3A_295 = arith.constant 0 : i32
      %dma_wait3A_296 = arith.constant 0 : i32
      %dma_wait3A_297 = tpu.memref_slice %arg3[%add3A, %add3A_294, %dma_wait3A_295, %dma_wait3A_296] : memref<32x10x16x128xi32, #tpu.memory_space<hbm>> -> memref<1x1x16x128xi32, #tpu.memory_space<hbm>>
      %dma_wait3A_298 = tpu.memref_squeeze %dma_wait3A_297 : memref<1x1x16x128xi32, #tpu.memory_space<hbm>> -> memref<16x128xi32, #tpu.memory_space<hbm>>
      %dma_wait3A_299 = arith.constant 0 : i32
      %dma_wait3A_300 = arith.constant 0 : i32
      %dma_wait3A_301 = tpu.memref_slice %arg3[%add3A, %add3A_294, %dma_wait3A_299, %dma_wait3A_300] : memref<32x10x16x128xi32, #tpu.memory_space<hbm>> -> memref<1x1x16x128xi32, #tpu.memory_space<hbm>>
      %dma_wait3A_302 = tpu.memref_squeeze %dma_wait3A_301 : memref<1x1x16x128xi32, #tpu.memory_space<hbm>> -> memref<16x128xi32, #tpu.memory_space<hbm>>
      tpu.wait_dma2 semaphore(%arg11 : memref<!tpu.dma_semaphore, #tpu.memory_space<semaphore_mem>>) src(%dma_wait3A_302 : memref<16x128xi32, #tpu.memory_space<hbm>>) dst(%arg7 : memref<16x128xi32, #tpu.memory_space<vmem>>)
      %lt3A = arith.constant 4 : i32
      %lt3A_303 = arith.cmpi slt, %scan3A_48, %lt3A : i32
      %convert_element_type3A = arith.extui %lt3A_303 : i1 to i32
      %cond3A = arith.constant 0 : i32
      %cond3A_304 = arith.cmpi ne, %convert_element_type3A, %cond3A : i32
      scf.if %cond3A_304 {
        %add3A_530 = arith.constant 2 : i32
        %add3A_531 = arith.addi %mul3A_51, %add3A_530 : i32
        %dma_start3A_532 = arith.constant 0 : i32
        %dma_start3A_533 = arith.constant 0 : i32
        %dma_start3A_534 = tpu.memref_slice %arg3[%add3A, %add3A_531, %dma_start3A_532, %dma_start3A_533] : memref<32x10x16x128xi32, #tpu.memory_space<hbm>> -> memref<1x1x16x128xi32, #tpu.memory_space<hbm>>
        %dma_start3A_535 = tpu.memref_squeeze %dma_start3A_534 : memref<1x1x16x128xi32, #tpu.memory_space<hbm>> -> memref<16x128xi32, #tpu.memory_space<hbm>>
        %dma_start3A_536 = arith.constant 0 : i32
        %dma_start3A_537 = arith.constant 0 : i32
        %dma_start3A_538 = tpu.memref_slice %arg3[%add3A, %add3A_531, %dma_start3A_536, %dma_start3A_537] : memref<32x10x16x128xi32, #tpu.memory_space<hbm>> -> memref<1x1x16x128xi32, #tpu.memory_space<hbm>>
        %dma_start3A_539 = tpu.memref_squeeze %dma_start3A_538 : memref<1x1x16x128xi32, #tpu.memory_space<hbm>> -> memref<16x128xi32, #tpu.memory_space<hbm>>
        tpu.enqueue_dma source(%dma_start3A_539 : memref<16x128xi32, #tpu.memory_space<hbm>>) target(%arg6 : memref<16x128xi32, #tpu.memory_space<vmem>>) target_semaphore(%arg10 : memref<!tpu.dma_semaphore, #tpu.memory_space<semaphore_mem>>)
      } else {
      }
      %dma_start3A_305 = arith.constant 0 : i32
      %dma_start3A_306 = arith.constant 0 : i32
      %dma_start3A_307 = tpu.memref_slice %arg7[%dma_start3A_305, %dma_start3A_306] : memref<16x128xi32, #tpu.memory_space<vmem>> -> memref<1x128xi32, #tpu.memory_space<vmem>>
      %dma_start3A_308 = tpu.memref_squeeze %dma_start3A_307 : memref<1x128xi32, #tpu.memory_space<vmem>> -> memref<128xi32, #tpu.memory_space<vmem>>
      %dma_start3A_309 = arith.constant 0 : i32
      %dma_start3A_310 = arith.constant 0 : i32
      %dma_start3A_311 = tpu.memref_slice %arg2[%dma_start3A_309, %dma_start3A_310] : memref<10000x128xf32, #tpu.memory_space<hbm>> -> memref<10000x128xf32, #tpu.memory_space<hbm>>
      tpu.enqueue_indirect_dma source(%dma_start3A_311 : memref<10000x128xf32, #tpu.memory_space<hbm>>) target(%arg8 : memref<128x128xf32, #tpu.memory_space<vmem>>) offsets(%dma_start3A_308 : memref<128xi32, #tpu.memory_space<vmem>>) semaphore(%arg12 : memref<!tpu.dma_semaphore, #tpu.memory_space<semaphore_mem>>)
      %dma_start3A_312 = arith.constant 2 : i32
      %dma_start3A_313 = arith.constant 0 : i32
      %dma_start3A_314 = tpu.memref_slice %arg7[%dma_start3A_312, %dma_start3A_313] : memref<16x128xi32, #tpu.memory_space<vmem>> -> memref<1x128xi32, #tpu.memory_space<vmem>>
      %dma_start3A_315 = tpu.memref_squeeze %dma_start3A_314 : memref<1x128xi32, #tpu.memory_space<vmem>> -> memref<128xi32, #tpu.memory_space<vmem>>
      %dma_start3A_316 = arith.constant 0 : i32
      %dma_start3A_317 = arith.constant 0 : i32
      %dma_start3A_318 = tpu.memref_slice %arg2[%dma_start3A_316, %dma_start3A_317] : memref<10000x128xf32, #tpu.memory_space<hbm>> -> memref<10000x128xf32, #tpu.memory_space<hbm>>
      tpu.enqueue_indirect_dma source(%dma_start3A_318 : memref<10000x128xf32, #tpu.memory_space<hbm>>) target(%arg9 : memref<128x128xf32, #tpu.memory_space<vmem>>) offsets(%dma_start3A_315 : memref<128xi32, #tpu.memory_space<vmem>>) semaphore(%arg13 : memref<!tpu.dma_semaphore, #tpu.memory_space<semaphore_mem>>)
      %dma_wait3A_319 = arith.constant 0 : i32
      %dma_wait3A_320 = arith.constant 0 : i32
      %dma_wait3A_321 = tpu.memref_slice %arg7[%dma_wait3A_319, %dma_wait3A_320] : memref<16x128xi32, #tpu.memory_space<vmem>> -> memref<1x128xi32, #tpu.memory_space<vmem>>
      %dma_wait3A_322 = tpu.memref_squeeze %dma_wait3A_321 : memref<1x128xi32, #tpu.memory_space<vmem>> -> memref<128xi32, #tpu.memory_space<vmem>>
      %dma_wait3A_323 = arith.constant 0 : i32
      %dma_wait3A_324 = arith.constant 0 : i32
      %dma_wait3A_325 = tpu.memref_slice %arg2[%dma_wait3A_323, %dma_wait3A_324] : memref<10000x128xf32, #tpu.memory_space<hbm>> -> memref<10000x128xf32, #tpu.memory_space<hbm>>
      tpu.wait_indirect_dma semaphore(%arg12 : memref<!tpu.dma_semaphore, #tpu.memory_space<semaphore_mem>>) src(%dma_wait3A_325 : memref<10000x128xf32, #tpu.memory_space<hbm>>) dst(%arg8 : memref<128x128xf32, #tpu.memory_space<vmem>>)
      %dma_start3A_326 = arith.constant 1 : i32
      %dma_start3A_327 = arith.constant 0 : i32
      %dma_start3A_328 = tpu.memref_slice %arg7[%dma_start3A_326, %dma_start3A_327] : memref<16x128xi32, #tpu.memory_space<vmem>> -> memref<1x128xi32, #tpu.memory_space<vmem>>
      %dma_start3A_329 = tpu.memref_squeeze %dma_start3A_328 : memref<1x128xi32, #tpu.memory_space<vmem>> -> memref<128xi32, #tpu.memory_space<vmem>>
      %dma_start3A_330 = arith.constant 0 : i32
      %dma_start3A_331 = arith.constant 0 : i32
      %dma_start3A_332 = tpu.memref_slice %arg5[%dma_start3A_330, %dma_start3A_331] : memref<10240x128xf32, #tpu.memory_space<vmem_shared>> -> memref<10240x128xf32, #tpu.memory_space<vmem_shared>>
      tpu.enqueue_indirect_dma source(%arg8 : memref<128x128xf32, #tpu.memory_space<vmem>>) target(%dma_start3A_332 : memref<10240x128xf32, #tpu.memory_space<vmem_shared>>) offsets(%dma_start3A_329 : memref<128xi32, #tpu.memory_space<vmem>>) semaphore(%arg14 : memref<!tpu.dma_semaphore, #tpu.memory_space<semaphore_mem>>) {add = true}
      %dma_wait3A_333 = arith.constant 1 : i32
      %dma_wait3A_334 = arith.constant 0 : i32
      %dma_wait3A_335 = tpu.memref_slice %arg7[%dma_wait3A_333, %dma_wait3A_334] : memref<16x128xi32, #tpu.memory_space<vmem>> -> memref<1x128xi32, #tpu.memory_space<vmem>>
      %dma_wait3A_336 = tpu.memref_squeeze %dma_wait3A_335 : memref<1x128xi32, #tpu.memory_space<vmem>> -> memref<128xi32, #tpu.memory_space<vmem>>
      %dma_wait3A_337 = arith.constant 0 : i32
      %dma_wait3A_338 = arith.constant 0 : i32
      %dma_wait3A_339 = tpu.memref_slice %arg5[%dma_wait3A_337, %dma_wait3A_338] : memref<10240x128xf32, #tpu.memory_space<vmem_shared>> -> memref<10240x128xf32, #tpu.memory_space<vmem_shared>>
      tpu.wait_indirect_dma semaphore(%arg14 : memref<!tpu.dma_semaphore, #tpu.memory_space<semaphore_mem>>) src(%arg8 : memref<128x128xf32, #tpu.memory_space<vmem>>) dst(%dma_wait3A_339 : memref<10240x128xf32, #tpu.memory_space<vmem_shared>>)
      %dma_start3A_340 = arith.constant 4 : i32
      %dma_start3A_341 = arith.constant 0 : i32
      %dma_start3A_342 = tpu.memref_slice %arg7[%dma_start3A_340, %dma_start3A_341] : memref<16x128xi32, #tpu.memory_space<vmem>> -> memref<1x128xi32, #tpu.memory_space<vmem>>
      %dma_start3A_343 = tpu.memref_squeeze %dma_start3A_342 : memref<1x128xi32, #tpu.memory_space<vmem>> -> memref<128xi32, #tpu.memory_space<vmem>>
      %dma_start3A_344 = arith.constant 0 : i32
      %dma_start3A_345 = arith.constant 0 : i32
      %dma_start3A_346 = tpu.memref_slice %arg2[%dma_start3A_344, %dma_start3A_345] : memref<10000x128xf32, #tpu.memory_space<hbm>> -> memref<10000x128xf32, #tpu.memory_space<hbm>>
      tpu.enqueue_indirect_dma source(%dma_start3A_346 : memref<10000x128xf32, #tpu.memory_space<hbm>>) target(%arg8 : memref<128x128xf32, #tpu.memory_space<vmem>>) offsets(%dma_start3A_343 : memref<128xi32, #tpu.memory_space<vmem>>) semaphore(%arg12 : memref<!tpu.dma_semaphore, #tpu.memory_space<semaphore_mem>>)
      %dma_wait3A_347 = arith.constant 2 : i32
      %dma_wait3A_348 = arith.constant 0 : i32
      %dma_wait3A_349 = tpu.memref_slice %arg7[%dma_wait3A_347, %dma_wait3A_348] : memref<16x128xi32, #tpu.memory_space<vmem>> -> memref<1x128xi32, #tpu.memory_space<vmem>>
      %dma_wait3A_350 = tpu.memref_squeeze %dma_wait3A_349 : memref<1x128xi32, #tpu.memory_space<vmem>> -> memref<128xi32, #tpu.memory_space<vmem>>
      %dma_wait3A_351 = arith.constant 0 : i32
      %dma_wait3A_352 = arith.constant 0 : i32
      %dma_wait3A_353 = tpu.memref_slice %arg2[%dma_wait3A_351, %dma_wait3A_352] : memref<10000x128xf32, #tpu.memory_space<hbm>> -> memref<10000x128xf32, #tpu.memory_space<hbm>>
      tpu.wait_indirect_dma semaphore(%arg13 : memref<!tpu.dma_semaphore, #tpu.memory_space<semaphore_mem>>) src(%dma_wait3A_353 : memref<10000x128xf32, #tpu.memory_space<hbm>>) dst(%arg9 : memref<128x128xf32, #tpu.memory_space<vmem>>)
      %dma_start3A_354 = arith.constant 3 : i32
      %dma_start3A_355 = arith.constant 0 : i32
      %dma_start3A_356 = tpu.memref_slice %arg7[%dma_start3A_354, %dma_start3A_355] : memref<16x128xi32, #tpu.memory_space<vmem>> -> memref<1x128xi32, #tpu.memory_space<vmem>>
      %dma_start3A_357 = tpu.memref_squeeze %dma_start3A_356 : memref<1x128xi32, #tpu.memory_space<vmem>> -> memref<128xi32, #tpu.memory_space<vmem>>
      %dma_start3A_358 = arith.constant 0 : i32
      %dma_start3A_359 = arith.constant 0 : i32
      %dma_start3A_360 = tpu.memref_slice %arg5[%dma_start3A_358, %dma_start3A_359] : memref<10240x128xf32, #tpu.memory_space<vmem_shared>> -> memref<10240x128xf32, #tpu.memory_space<vmem_shared>>
      tpu.enqueue_indirect_dma source(%arg9 : memref<128x128xf32, #tpu.memory_space<vmem>>) target(%dma_start3A_360 : memref<10240x128xf32, #tpu.memory_space<vmem_shared>>) offsets(%dma_start3A_357 : memref<128xi32, #tpu.memory_space<vmem>>) semaphore(%arg15 : memref<!tpu.dma_semaphore, #tpu.memory_space<semaphore_mem>>) {add = true}
      %dma_wait3A_361 = arith.constant 3 : i32
      %dma_wait3A_362 = arith.constant 0 : i32
      %dma_wait3A_363 = tpu.memref_slice %arg7[%dma_wait3A_361, %dma_wait3A_362] : memref<16x128xi32, #tpu.memory_space<vmem>> -> memref<1x128xi32, #tpu.memory_space<vmem>>
      %dma_wait3A_364 = tpu.memref_squeeze %dma_wait3A_363 : memref<1x128xi32, #tpu.memory_space<vmem>> -> memref<128xi32, #tpu.memory_space<vmem>>
      %dma_wait3A_365 = arith.constant 0 : i32
      %dma_wait3A_366 = arith.constant 0 : i32
      %dma_wait3A_367 = tpu.memref_slice %arg5[%dma_wait3A_365, %dma_wait3A_366] : memref<10240x128xf32, #tpu.memory_space<vmem_shared>> -> memref<10240x128xf32, #tpu.memory_space<vmem_shared>>
      tpu.wait_indirect_dma semaphore(%arg15 : memref<!tpu.dma_semaphore, #tpu.memory_space<semaphore_mem>>) src(%arg9 : memref<128x128xf32, #tpu.memory_space<vmem>>) dst(%dma_wait3A_367 : memref<10240x128xf32, #tpu.memory_space<vmem_shared>>)
      %dma_start3A_368 = arith.constant 6 : i32
      %dma_start3A_369 = arith.constant 0 : i32
      %dma_start3A_370 = tpu.memref_slice %arg7[%dma_start3A_368, %dma_start3A_369] : memref<16x128xi32, #tpu.memory_space<vmem>> -> memref<1x128xi32, #tpu.memory_space<vmem>>
      %dma_start3A_371 = tpu.memref_squeeze %dma_start3A_370 : memref<1x128xi32, #tpu.memory_space<vmem>> -> memref<128xi32, #tpu.memory_space<vmem>>
      %dma_start3A_372 = arith.constant 0 : i32
      %dma_start3A_373 = arith.constant 0 : i32
      %dma_start3A_374 = tpu.memref_slice %arg2[%dma_start3A_372, %dma_start3A_373] : memref<10000x128xf32, #tpu.memory_space<hbm>> -> memref<10000x128xf32, #tpu.memory_space<hbm>>
      tpu.enqueue_indirect_dma source(%dma_start3A_374 : memref<10000x128xf32, #tpu.memory_space<hbm>>) target(%arg9 : memref<128x128xf32, #tpu.memory_space<vmem>>) offsets(%dma_start3A_371 : memref<128xi32, #tpu.memory_space<vmem>>) semaphore(%arg13 : memref<!tpu.dma_semaphore, #tpu.memory_space<semaphore_mem>>)
      %dma_wait3A_375 = arith.constant 4 : i32
      %dma_wait3A_376 = arith.constant 0 : i32
      %dma_wait3A_377 = tpu.memref_slice %arg7[%dma_wait3A_375, %dma_wait3A_376] : memref<16x128xi32, #tpu.memory_space<vmem>> -> memref<1x128xi32, #tpu.memory_space<vmem>>
      %dma_wait3A_378 = tpu.memref_squeeze %dma_wait3A_377 : memref<1x128xi32, #tpu.memory_space<vmem>> -> memref<128xi32, #tpu.memory_space<vmem>>
      %dma_wait3A_379 = arith.constant 0 : i32
      %dma_wait3A_380 = arith.constant 0 : i32
      %dma_wait3A_381 = tpu.memref_slice %arg2[%dma_wait3A_379, %dma_wait3A_380] : memref<10000x128xf32, #tpu.memory_space<hbm>> -> memref<10000x128xf32, #tpu.memory_space<hbm>>
      tpu.wait_indirect_dma semaphore(%arg12 : memref<!tpu.dma_semaphore, #tpu.memory_space<semaphore_mem>>) src(%dma_wait3A_381 : memref<10000x128xf32, #tpu.memory_space<hbm>>) dst(%arg8 : memref<128x128xf32, #tpu.memory_space<vmem>>)
      %dma_start3A_382 = arith.constant 5 : i32
      %dma_start3A_383 = arith.constant 0 : i32
      %dma_start3A_384 = tpu.memref_slice %arg7[%dma_start3A_382, %dma_start3A_383] : memref<16x128xi32, #tpu.memory_space<vmem>> -> memref<1x128xi32, #tpu.memory_space<vmem>>
      %dma_start3A_385 = tpu.memref_squeeze %dma_start3A_384 : memref<1x128xi32, #tpu.memory_space<vmem>> -> memref<128xi32, #tpu.memory_space<vmem>>
      %dma_start3A_386 = arith.constant 0 : i32
      %dma_start3A_387 = arith.constant 0 : i32
      %dma_start3A_388 = tpu.memref_slice %arg5[%dma_start3A_386, %dma_start3A_387] : memref<10240x128xf32, #tpu.memory_space<vmem_shared>> -> memref<10240x128xf32, #tpu.memory_space<vmem_shared>>
      tpu.enqueue_indirect_dma source(%arg8 : memref<128x128xf32, #tpu.memory_space<vmem>>) target(%dma_start3A_388 : memref<10240x128xf32, #tpu.memory_space<vmem_shared>>) offsets(%dma_start3A_385 : memref<128xi32, #tpu.memory_space<vmem>>) semaphore(%arg14 : memref<!tpu.dma_semaphore, #tpu.memory_space<semaphore_mem>>) {add = true}
      %dma_wait3A_389 = arith.constant 5 : i32
      %dma_wait3A_390 = arith.constant 0 : i32
      %dma_wait3A_391 = tpu.memref_slice %arg7[%dma_wait3A_389, %dma_wait3A_390] : memref<16x128xi32, #tpu.memory_space<vmem>> -> memref<1x128xi32, #tpu.memory_space<vmem>>
      %dma_wait3A_392 = tpu.memref_squeeze %dma_wait3A_391 : memref<1x128xi32, #tpu.memory_space<vmem>> -> memref<128xi32, #tpu.memory_space<vmem>>
      %dma_wait3A_393 = arith.constant 0 : i32
      %dma_wait3A_394 = arith.constant 0 : i32
      %dma_wait3A_395 = tpu.memref_slice %arg5[%dma_wait3A_393, %dma_wait3A_394] : memref<10240x128xf32, #tpu.memory_space<vmem_shared>> -> memref<10240x128xf32, #tpu.memory_space<vmem_shared>>
      tpu.wait_indirect_dma semaphore(%arg14 : memref<!tpu.dma_semaphore, #tpu.memory_space<semaphore_mem>>) src(%arg8 : memref<128x128xf32, #tpu.memory_space<vmem>>) dst(%dma_wait3A_395 : memref<10240x128xf32, #tpu.memory_space<vmem_shared>>)
      %dma_start3A_396 = arith.constant 8 : i32
      %dma_start3A_397 = arith.constant 0 : i32
      %dma_start3A_398 = tpu.memref_slice %arg7[%dma_start3A_396, %dma_start3A_397] : memref<16x128xi32, #tpu.memory_space<vmem>> -> memref<1x128xi32, #tpu.memory_space<vmem>>
      %dma_start3A_399 = tpu.memref_squeeze %dma_start3A_398 : memref<1x128xi32, #tpu.memory_space<vmem>> -> memref<128xi32, #tpu.memory_space<vmem>>
      %dma_start3A_400 = arith.constant 0 : i32
      %dma_start3A_401 = arith.constant 0 : i32
      %dma_start3A_402 = tpu.memref_slice %arg2[%dma_start3A_400, %dma_start3A_401] : memref<10000x128xf32, #tpu.memory_space<hbm>> -> memref<10000x128xf32, #tpu.memory_space<hbm>>
      tpu.enqueue_indirect_dma source(%dma_start3A_402 : memref<10000x128xf32, #tpu.memory_space<hbm>>) target(%arg8 : memref<128x128xf32, #tpu.memory_space<vmem>>) offsets(%dma_start3A_399 : memref<128xi32, #tpu.memory_space<vmem>>) semaphore(%arg12 : memref<!tpu.dma_semaphore, #tpu.memory_space<semaphore_mem>>)
      %dma_wait3A_403 = arith.constant 6 : i32
      %dma_wait3A_404 = arith.constant 0 : i32
      %dma_wait3A_405 = tpu.memref_slice %arg7[%dma_wait3A_403, %dma_wait3A_404] : memref<16x128xi32, #tpu.memory_space<vmem>> -> memref<1x128xi32, #tpu.memory_space<vmem>>
      %dma_wait3A_406 = tpu.memref_squeeze %dma_wait3A_405 : memref<1x128xi32, #tpu.memory_space<vmem>> -> memref<128xi32, #tpu.memory_space<vmem>>
      %dma_wait3A_407 = arith.constant 0 : i32
      %dma_wait3A_408 = arith.constant 0 : i32
      %dma_wait3A_409 = tpu.memref_slice %arg2[%dma_wait3A_407, %dma_wait3A_408] : memref<10000x128xf32, #tpu.memory_space<hbm>> -> memref<10000x128xf32, #tpu.memory_space<hbm>>
      tpu.wait_indirect_dma semaphore(%arg13 : memref<!tpu.dma_semaphore, #tpu.memory_space<semaphore_mem>>) src(%dma_wait3A_409 : memref<10000x128xf32, #tpu.memory_space<hbm>>) dst(%arg9 : memref<128x128xf32, #tpu.memory_space<vmem>>)
      %dma_start3A_410 = arith.constant 7 : i32
      %dma_start3A_411 = arith.constant 0 : i32
      %dma_start3A_412 = tpu.memref_slice %arg7[%dma_start3A_410, %dma_start3A_411] : memref<16x128xi32, #tpu.memory_space<vmem>> -> memref<1x128xi32, #tpu.memory_space<vmem>>
      %dma_start3A_413 = tpu.memref_squeeze %dma_start3A_412 : memref<1x128xi32, #tpu.memory_space<vmem>> -> memref<128xi32, #tpu.memory_space<vmem>>
      %dma_start3A_414 = arith.constant 0 : i32
      %dma_start3A_415 = arith.constant 0 : i32
      %dma_start3A_416 = tpu.memref_slice %arg5[%dma_start3A_414, %dma_start3A_415] : memref<10240x128xf32, #tpu.memory_space<vmem_shared>> -> memref<10240x128xf32, #tpu.memory_space<vmem_shared>>
      tpu.enqueue_indirect_dma source(%arg9 : memref<128x128xf32, #tpu.memory_space<vmem>>) target(%dma_start3A_416 : memref<10240x128xf32, #tpu.memory_space<vmem_shared>>) offsets(%dma_start3A_413 : memref<128xi32, #tpu.memory_space<vmem>>) semaphore(%arg15 : memref<!tpu.dma_semaphore, #tpu.memory_space<semaphore_mem>>) {add = true}
      %dma_wait3A_417 = arith.constant 7 : i32
      %dma_wait3A_418 = arith.constant 0 : i32
      %dma_wait3A_419 = tpu.memref_slice %arg7[%dma_wait3A_417, %dma_wait3A_418] : memref<16x128xi32, #tpu.memory_space<vmem>> -> memref<1x128xi32, #tpu.memory_space<vmem>>
      %dma_wait3A_420 = tpu.memref_squeeze %dma_wait3A_419 : memref<1x128xi32, #tpu.memory_space<vmem>> -> memref<128xi32, #tpu.memory_space<vmem>>
      %dma_wait3A_421 = arith.constant 0 : i32
      %dma_wait3A_422 = arith.constant 0 : i32
      %dma_wait3A_423 = tpu.memref_slice %arg5[%dma_wait3A_421, %dma_wait3A_422] : memref<10240x128xf32, #tpu.memory_space<vmem_shared>> -> memref<10240x128xf32, #tpu.memory_space<vmem_shared>>
      tpu.wait_indirect_dma semaphore(%arg15 : memref<!tpu.dma_semaphore, #tpu.memory_space<semaphore_mem>>) src(%arg9 : memref<128x128xf32, #tpu.memory_space<vmem>>) dst(%dma_wait3A_423 : memref<10240x128xf32, #tpu.memory_space<vmem_shared>>)
      %dma_start3A_424 = arith.constant 10 : i32
      %dma_start3A_425 = arith.constant 0 : i32
      %dma_start3A_426 = tpu.memref_slice %arg7[%dma_start3A_424, %dma_start3A_425] : memref<16x128xi32, #tpu.memory_space<vmem>> -> memref<1x128xi32, #tpu.memory_space<vmem>>
      %dma_start3A_427 = tpu.memref_squeeze %dma_start3A_426 : memref<1x128xi32, #tpu.memory_space<vmem>> -> memref<128xi32, #tpu.memory_space<vmem>>
      %dma_start3A_428 = arith.constant 0 : i32
      %dma_start3A_429 = arith.constant 0 : i32
      %dma_start3A_430 = tpu.memref_slice %arg2[%dma_start3A_428, %dma_start3A_429] : memref<10000x128xf32, #tpu.memory_space<hbm>> -> memref<10000x128xf32, #tpu.memory_space<hbm>>
      tpu.enqueue_indirect_dma source(%dma_start3A_430 : memref<10000x128xf32, #tpu.memory_space<hbm>>) target(%arg9 : memref<128x128xf32, #tpu.memory_space<vmem>>) offsets(%dma_start3A_427 : memref<128xi32, #tpu.memory_space<vmem>>) semaphore(%arg13 : memref<!tpu.dma_semaphore, #tpu.memory_space<semaphore_mem>>)
      %dma_wait3A_431 = arith.constant 8 : i32
      %dma_wait3A_432 = arith.constant 0 : i32
      %dma_wait3A_433 = tpu.memref_slice %arg7[%dma_wait3A_431, %dma_wait3A_432] : memref<16x128xi32, #tpu.memory_space<vmem>> -> memref<1x128xi32, #tpu.memory_space<vmem>>
      %dma_wait3A_434 = tpu.memref_squeeze %dma_wait3A_433 : memref<1x128xi32, #tpu.memory_space<vmem>> -> memref<128xi32, #tpu.memory_space<vmem>>
      %dma_wait3A_435 = arith.constant 0 : i32
      %dma_wait3A_436 = arith.constant 0 : i32
      %dma_wait3A_437 = tpu.memref_slice %arg2[%dma_wait3A_435, %dma_wait3A_436] : memref<10000x128xf32, #tpu.memory_space<hbm>> -> memref<10000x128xf32, #tpu.memory_space<hbm>>
      tpu.wait_indirect_dma semaphore(%arg12 : memref<!tpu.dma_semaphore, #tpu.memory_space<semaphore_mem>>) src(%dma_wait3A_437 : memref<10000x128xf32, #tpu.memory_space<hbm>>) dst(%arg8 : memref<128x128xf32, #tpu.memory_space<vmem>>)
      %dma_start3A_438 = arith.constant 9 : i32
      %dma_start3A_439 = arith.constant 0 : i32
      %dma_start3A_440 = tpu.memref_slice %arg7[%dma_start3A_438, %dma_start3A_439] : memref<16x128xi32, #tpu.memory_space<vmem>> -> memref<1x128xi32, #tpu.memory_space<vmem>>
      %dma_start3A_441 = tpu.memref_squeeze %dma_start3A_440 : memref<1x128xi32, #tpu.memory_space<vmem>> -> memref<128xi32, #tpu.memory_space<vmem>>
      %dma_start3A_442 = arith.constant 0 : i32
      %dma_start3A_443 = arith.constant 0 : i32
      %dma_start3A_444 = tpu.memref_slice %arg5[%dma_start3A_442, %dma_start3A_443] : memref<10240x128xf32, #tpu.memory_space<vmem_shared>> -> memref<10240x128xf32, #tpu.memory_space<vmem_shared>>
      tpu.enqueue_indirect_dma source(%arg8 : memref<128x128xf32, #tpu.memory_space<vmem>>) target(%dma_start3A_444 : memref<10240x128xf32, #tpu.memory_space<vmem_shared>>) offsets(%dma_start3A_441 : memref<128xi32, #tpu.memory_space<vmem>>) semaphore(%arg14 : memref<!tpu.dma_semaphore, #tpu.memory_space<semaphore_mem>>) {add = true}
      %dma_wait3A_445 = arith.constant 9 : i32
      %dma_wait3A_446 = arith.constant 0 : i32
      %dma_wait3A_447 = tpu.memref_slice %arg7[%dma_wait3A_445, %dma_wait3A_446] : memref<16x128xi32, #tpu.memory_space<vmem>> -> memref<1x128xi32, #tpu.memory_space<vmem>>
      %dma_wait3A_448 = tpu.memref_squeeze %dma_wait3A_447 : memref<1x128xi32, #tpu.memory_space<vmem>> -> memref<128xi32, #tpu.memory_space<vmem>>
      %dma_wait3A_449 = arith.constant 0 : i32
      %dma_wait3A_450 = arith.constant 0 : i32
      %dma_wait3A_451 = tpu.memref_slice %arg5[%dma_wait3A_449, %dma_wait3A_450] : memref<10240x128xf32, #tpu.memory_space<vmem_shared>> -> memref<10240x128xf32, #tpu.memory_space<vmem_shared>>
      tpu.wait_indirect_dma semaphore(%arg14 : memref<!tpu.dma_semaphore, #tpu.memory_space<semaphore_mem>>) src(%arg8 : memref<128x128xf32, #tpu.memory_space<vmem>>) dst(%dma_wait3A_451 : memref<10240x128xf32, #tpu.memory_space<vmem_shared>>)
      %dma_start3A_452 = arith.constant 12 : i32
      %dma_start3A_453 = arith.constant 0 : i32
      %dma_start3A_454 = tpu.memref_slice %arg7[%dma_start3A_452, %dma_start3A_453] : memref<16x128xi32, #tpu.memory_space<vmem>> -> memref<1x128xi32, #tpu.memory_space<vmem>>
      %dma_start3A_455 = tpu.memref_squeeze %dma_start3A_454 : memref<1x128xi32, #tpu.memory_space<vmem>> -> memref<128xi32, #tpu.memory_space<vmem>>
      %dma_start3A_456 = arith.constant 0 : i32
      %dma_start3A_457 = arith.constant 0 : i32
      %dma_start3A_458 = tpu.memref_slice %arg2[%dma_start3A_456, %dma_start3A_457] : memref<10000x128xf32, #tpu.memory_space<hbm>> -> memref<10000x128xf32, #tpu.memory_space<hbm>>
      tpu.enqueue_indirect_dma source(%dma_start3A_458 : memref<10000x128xf32, #tpu.memory_space<hbm>>) target(%arg8 : memref<128x128xf32, #tpu.memory_space<vmem>>) offsets(%dma_start3A_455 : memref<128xi32, #tpu.memory_space<vmem>>) semaphore(%arg12 : memref<!tpu.dma_semaphore, #tpu.memory_space<semaphore_mem>>)
      %dma_wait3A_459 = arith.constant 10 : i32
      %dma_wait3A_460 = arith.constant 0 : i32
      %dma_wait3A_461 = tpu.memref_slice %arg7[%dma_wait3A_459, %dma_wait3A_460] : memref<16x128xi32, #tpu.memory_space<vmem>> -> memref<1x128xi32, #tpu.memory_space<vmem>>
      %dma_wait3A_462 = tpu.memref_squeeze %dma_wait3A_461 : memref<1x128xi32, #tpu.memory_space<vmem>> -> memref<128xi32, #tpu.memory_space<vmem>>
      %dma_wait3A_463 = arith.constant 0 : i32
      %dma_wait3A_464 = arith.constant 0 : i32
      %dma_wait3A_465 = tpu.memref_slice %arg2[%dma_wait3A_463, %dma_wait3A_464] : memref<10000x128xf32, #tpu.memory_space<hbm>> -> memref<10000x128xf32, #tpu.memory_space<hbm>>
      tpu.wait_indirect_dma semaphore(%arg13 : memref<!tpu.dma_semaphore, #tpu.memory_space<semaphore_mem>>) src(%dma_wait3A_465 : memref<10000x128xf32, #tpu.memory_space<hbm>>) dst(%arg9 : memref<128x128xf32, #tpu.memory_space<vmem>>)
      %dma_start3A_466 = arith.constant 11 : i32
      %dma_start3A_467 = arith.constant 0 : i32
      %dma_start3A_468 = tpu.memref_slice %arg7[%dma_start3A_466, %dma_start3A_467] : memref<16x128xi32, #tpu.memory_space<vmem>> -> memref<1x128xi32, #tpu.memory_space<vmem>>
      %dma_start3A_469 = tpu.memref_squeeze %dma_start3A_468 : memref<1x128xi32, #tpu.memory_space<vmem>> -> memref<128xi32, #tpu.memory_space<vmem>>
      %dma_start3A_470 = arith.constant 0 : i32
      %dma_start3A_471 = arith.constant 0 : i32
      %dma_start3A_472 = tpu.memref_slice %arg5[%dma_start3A_470, %dma_start3A_471] : memref<10240x128xf32, #tpu.memory_space<vmem_shared>> -> memref<10240x128xf32, #tpu.memory_space<vmem_shared>>
      tpu.enqueue_indirect_dma source(%arg9 : memref<128x128xf32, #tpu.memory_space<vmem>>) target(%dma_start3A_472 : memref<10240x128xf32, #tpu.memory_space<vmem_shared>>) offsets(%dma_start3A_469 : memref<128xi32, #tpu.memory_space<vmem>>) semaphore(%arg15 : memref<!tpu.dma_semaphore, #tpu.memory_space<semaphore_mem>>) {add = true}
      %dma_wait3A_473 = arith.constant 11 : i32
      %dma_wait3A_474 = arith.constant 0 : i32
      %dma_wait3A_475 = tpu.memref_slice %arg7[%dma_wait3A_473, %dma_wait3A_474] : memref<16x128xi32, #tpu.memory_space<vmem>> -> memref<1x128xi32, #tpu.memory_space<vmem>>
      %dma_wait3A_476 = tpu.memref_squeeze %dma_wait3A_475 : memref<1x128xi32, #tpu.memory_space<vmem>> -> memref<128xi32, #tpu.memory_space<vmem>>
      %dma_wait3A_477 = arith.constant 0 : i32
      %dma_wait3A_478 = arith.constant 0 : i32
      %dma_wait3A_479 = tpu.memref_slice %arg5[%dma_wait3A_477, %dma_wait3A_478] : memref<10240x128xf32, #tpu.memory_space<vmem_shared>> -> memref<10240x128xf32, #tpu.memory_space<vmem_shared>>
      tpu.wait_indirect_dma semaphore(%arg15 : memref<!tpu.dma_semaphore, #tpu.memory_space<semaphore_mem>>) src(%arg9 : memref<128x128xf32, #tpu.memory_space<vmem>>) dst(%dma_wait3A_479 : memref<10240x128xf32, #tpu.memory_space<vmem_shared>>)
      %dma_start3A_480 = arith.constant 14 : i32
      %dma_start3A_481 = arith.constant 0 : i32
      %dma_start3A_482 = tpu.memref_slice %arg7[%dma_start3A_480, %dma_start3A_481] : memref<16x128xi32, #tpu.memory_space<vmem>> -> memref<1x128xi32, #tpu.memory_space<vmem>>
      %dma_start3A_483 = tpu.memref_squeeze %dma_start3A_482 : memref<1x128xi32, #tpu.memory_space<vmem>> -> memref<128xi32, #tpu.memory_space<vmem>>
      %dma_start3A_484 = arith.constant 0 : i32
      %dma_start3A_485 = arith.constant 0 : i32
      %dma_start3A_486 = tpu.memref_slice %arg2[%dma_start3A_484, %dma_start3A_485] : memref<10000x128xf32, #tpu.memory_space<hbm>> -> memref<10000x128xf32, #tpu.memory_space<hbm>>
      tpu.enqueue_indirect_dma source(%dma_start3A_486 : memref<10000x128xf32, #tpu.memory_space<hbm>>) target(%arg9 : memref<128x128xf32, #tpu.memory_space<vmem>>) offsets(%dma_start3A_483 : memref<128xi32, #tpu.memory_space<vmem>>) semaphore(%arg13 : memref<!tpu.dma_semaphore, #tpu.memory_space<semaphore_mem>>)
      %dma_wait3A_487 = arith.constant 12 : i32
      %dma_wait3A_488 = arith.constant 0 : i32
      %dma_wait3A_489 = tpu.memref_slice %arg7[%dma_wait3A_487, %dma_wait3A_488] : memref<16x128xi32, #tpu.memory_space<vmem>> -> memref<1x128xi32, #tpu.memory_space<vmem>>
      %dma_wait3A_490 = tpu.memref_squeeze %dma_wait3A_489 : memref<1x128xi32, #tpu.memory_space<vmem>> -> memref<128xi32, #tpu.memory_space<vmem>>
      %dma_wait3A_491 = arith.constant 0 : i32
      %dma_wait3A_492 = arith.constant 0 : i32
      %dma_wait3A_493 = tpu.memref_slice %arg2[%dma_wait3A_491, %dma_wait3A_492] : memref<10000x128xf32, #tpu.memory_space<hbm>> -> memref<10000x128xf32, #tpu.memory_space<hbm>>
      tpu.wait_indirect_dma semaphore(%arg12 : memref<!tpu.dma_semaphore, #tpu.memory_space<semaphore_mem>>) src(%dma_wait3A_493 : memref<10000x128xf32, #tpu.memory_space<hbm>>) dst(%arg8 : memref<128x128xf32, #tpu.memory_space<vmem>>)
      %dma_start3A_494 = arith.constant 13 : i32
      %dma_start3A_495 = arith.constant 0 : i32
      %dma_start3A_496 = tpu.memref_slice %arg7[%dma_start3A_494, %dma_start3A_495] : memref<16x128xi32, #tpu.memory_space<vmem>> -> memref<1x128xi32, #tpu.memory_space<vmem>>
      %dma_start3A_497 = tpu.memref_squeeze %dma_start3A_496 : memref<1x128xi32, #tpu.memory_space<vmem>> -> memref<128xi32, #tpu.memory_space<vmem>>
      %dma_start3A_498 = arith.constant 0 : i32
      %dma_start3A_499 = arith.constant 0 : i32
      %dma_start3A_500 = tpu.memref_slice %arg5[%dma_start3A_498, %dma_start3A_499] : memref<10240x128xf32, #tpu.memory_space<vmem_shared>> -> memref<10240x128xf32, #tpu.memory_space<vmem_shared>>
      tpu.enqueue_indirect_dma source(%arg8 : memref<128x128xf32, #tpu.memory_space<vmem>>) target(%dma_start3A_500 : memref<10240x128xf32, #tpu.memory_space<vmem_shared>>) offsets(%dma_start3A_497 : memref<128xi32, #tpu.memory_space<vmem>>) semaphore(%arg14 : memref<!tpu.dma_semaphore, #tpu.memory_space<semaphore_mem>>) {add = true}
      %dma_wait3A_501 = arith.constant 13 : i32
      %dma_wait3A_502 = arith.constant 0 : i32
      %dma_wait3A_503 = tpu.memref_slice %arg7[%dma_wait3A_501, %dma_wait3A_502] : memref<16x128xi32, #tpu.memory_space<vmem>> -> memref<1x128xi32, #tpu.memory_space<vmem>>
      %dma_wait3A_504 = tpu.memref_squeeze %dma_wait3A_503 : memref<1x128xi32, #tpu.memory_space<vmem>> -> memref<128xi32, #tpu.memory_space<vmem>>
      %dma_wait3A_505 = arith.constant 0 : i32
      %dma_wait3A_506 = arith.constant 0 : i32
      %dma_wait3A_507 = tpu.memref_slice %arg5[%dma_wait3A_505, %dma_wait3A_506] : memref<10240x128xf32, #tpu.memory_space<vmem_shared>> -> memref<10240x128xf32, #tpu.memory_space<vmem_shared>>
      tpu.wait_indirect_dma semaphore(%arg14 : memref<!tpu.dma_semaphore, #tpu.memory_space<semaphore_mem>>) src(%arg8 : memref<128x128xf32, #tpu.memory_space<vmem>>) dst(%dma_wait3A_507 : memref<10240x128xf32, #tpu.memory_space<vmem_shared>>)
      %dma_wait3A_508 = arith.constant 14 : i32
      %dma_wait3A_509 = arith.constant 0 : i32
      %dma_wait3A_510 = tpu.memref_slice %arg7[%dma_wait3A_508, %dma_wait3A_509] : memref<16x128xi32, #tpu.memory_space<vmem>> -> memref<1x128xi32, #tpu.memory_space<vmem>>
      %dma_wait3A_511 = tpu.memref_squeeze %dma_wait3A_510 : memref<1x128xi32, #tpu.memory_space<vmem>> -> memref<128xi32, #tpu.memory_space<vmem>>
      %dma_wait3A_512 = arith.constant 0 : i32
      %dma_wait3A_513 = arith.constant 0 : i32
      %dma_wait3A_514 = tpu.memref_slice %arg2[%dma_wait3A_512, %dma_wait3A_513] : memref<10000x128xf32, #tpu.memory_space<hbm>> -> memref<10000x128xf32, #tpu.memory_space<hbm>>
      tpu.wait_indirect_dma semaphore(%arg13 : memref<!tpu.dma_semaphore, #tpu.memory_space<semaphore_mem>>) src(%dma_wait3A_514 : memref<10000x128xf32, #tpu.memory_space<hbm>>) dst(%arg9 : memref<128x128xf32, #tpu.memory_space<vmem>>)
      %dma_start3A_515 = arith.constant 15 : i32
      %dma_start3A_516 = arith.constant 0 : i32
      %dma_start3A_517 = tpu.memref_slice %arg7[%dma_start3A_515, %dma_start3A_516] : memref<16x128xi32, #tpu.memory_space<vmem>> -> memref<1x128xi32, #tpu.memory_space<vmem>>
      %dma_start3A_518 = tpu.memref_squeeze %dma_start3A_517 : memref<1x128xi32, #tpu.memory_space<vmem>> -> memref<128xi32, #tpu.memory_space<vmem>>
      %dma_start3A_519 = arith.constant 0 : i32
      %dma_start3A_520 = arith.constant 0 : i32
      %dma_start3A_521 = tpu.memref_slice %arg5[%dma_start3A_519, %dma_start3A_520] : memref<10240x128xf32, #tpu.memory_space<vmem_shared>> -> memref<10240x128xf32, #tpu.memory_space<vmem_shared>>
      tpu.enqueue_indirect_dma source(%arg9 : memref<128x128xf32, #tpu.memory_space<vmem>>) target(%dma_start3A_521 : memref<10240x128xf32, #tpu.memory_space<vmem_shared>>) offsets(%dma_start3A_518 : memref<128xi32, #tpu.memory_space<vmem>>) semaphore(%arg15 : memref<!tpu.dma_semaphore, #tpu.memory_space<semaphore_mem>>) {add = true}
      %dma_wait3A_522 = arith.constant 15 : i32
      %dma_wait3A_523 = arith.constant 0 : i32
      %dma_wait3A_524 = tpu.memref_slice %arg7[%dma_wait3A_522, %dma_wait3A_523] : memref<16x128xi32, #tpu.memory_space<vmem>> -> memref<1x128xi32, #tpu.memory_space<vmem>>
      %dma_wait3A_525 = tpu.memref_squeeze %dma_wait3A_524 : memref<1x128xi32, #tpu.memory_space<vmem>> -> memref<128xi32, #tpu.memory_space<vmem>>
      %dma_wait3A_526 = arith.constant 0 : i32
      %dma_wait3A_527 = arith.constant 0 : i32
      %dma_wait3A_528 = tpu.memref_slice %arg5[%dma_wait3A_526, %dma_wait3A_527] : memref<10240x128xf32, #tpu.memory_space<vmem_shared>> -> memref<10240x128xf32, #tpu.memory_space<vmem_shared>>
      tpu.wait_indirect_dma semaphore(%arg15 : memref<!tpu.dma_semaphore, #tpu.memory_space<semaphore_mem>>) src(%arg9 : memref<128x128xf32, #tpu.memory_space<vmem>>) dst(%dma_wait3A_528 : memref<10240x128xf32, #tpu.memory_space<vmem_shared>>)
      %scan3A_529 = arith.constant 0 : i32
      scf.yield %scan3A_529 : i32
    }
    %scan3A_42 = arith.constant 5 : i32
    %barrier3A_43 = arith.constant 0 : index
    tpu.barrier barrier_id(%barrier3A_43)
    %mul3A_44 = arith.constant 640 : i32
    %mul3A_45 = arith.muli %arg1, %mul3A_44 : i32
    %mul3A_46 = arith.constant 640 : i32
    %mul3A_47 = arith.muli %arg1, %mul3A_46 : i32
    "tpu.region"() ({
      %run_scoped3A = tpu.sem_alloc : memref<!tpu.dma_semaphore, #tpu.memory_space<semaphore_mem>>
      %dma_start3A_48 = arith.constant 0 : i32
      %dma_start3A_49 = tpu.memref_slice %arg4[%arg0, %mul3A_47, %dma_start3A_48] : memref<2x10240x128xf32, #tpu.memory_space<hbm>> -> memref<1x640x128xf32, #tpu.memory_space<hbm>>
      %dma_start3A_50 = tpu.memref_squeeze %dma_start3A_49 : memref<1x640x128xf32, #tpu.memory_space<hbm>> -> memref<640x128xf32, #tpu.memory_space<hbm>>
      %dma_start3A_51 = arith.constant 0 : i32
      %dma_start3A_52 = tpu.memref_slice %arg5[%mul3A_45, %dma_start3A_51] : memref<10240x128xf32, #tpu.memory_space<vmem_shared>> -> memref<640x128xf32, #tpu.memory_space<vmem_shared>>
      tpu.enqueue_dma source(%dma_start3A_52 : memref<640x128xf32, #tpu.memory_space<vmem_shared>>) target(%dma_start3A_50 : memref<640x128xf32, #tpu.memory_space<hbm>>) target_semaphore(%run_scoped3A : memref<!tpu.dma_semaphore, #tpu.memory_space<semaphore_mem>>)
      %dma_wait3A = arith.constant 0 : i32
      %dma_wait3A_53 = tpu.memref_slice %arg4[%arg0, %mul3A_47, %dma_wait3A] : memref<2x10240x128xf32, #tpu.memory_space<hbm>> -> memref<1x640x128xf32, #tpu.memory_space<hbm>>
      %dma_wait3A_54 = tpu.memref_squeeze %dma_wait3A_53 : memref<1x640x128xf32, #tpu.memory_space<hbm>> -> memref<640x128xf32, #tpu.memory_space<hbm>>
      %dma_wait3A_55 = arith.constant 0 : i32
      %dma_wait3A_56 = tpu.memref_slice %arg5[%mul3A_45, %dma_wait3A_55] : memref<10240x128xf32, #tpu.memory_space<vmem_shared>> -> memref<640x128xf32, #tpu.memory_space<vmem_shared>>
      tpu.wait_dma2 semaphore(%run_scoped3A : memref<!tpu.dma_semaphore, #tpu.memory_space<semaphore_mem>>) src(%dma_wait3A_56 : memref<640x128xf32, #tpu.memory_space<vmem_shared>>) dst(%dma_wait3A_54 : memref<640x128xf32, #tpu.memory_space<hbm>>)
      tpu.yield
    }) : () -> ()
    return
  }
}

#map = affine_map<(d0, d1) -> (0, 0, 0)>
module attributes {stable_mosaic.version = 14 : i64} {
  func.func @_deg_body(%arg0: i32, %arg1: i32, %arg2: memref<32x80x128xi32, #tpu.memory_space<hbm>>, %arg3: memref<2x10240x16xf32, #tpu.memory_space<hbm>>, %arg4: memref<10240x16xf32, #tpu.memory_space<vmem_shared>>, %arg5: memref<80x128xi32, #tpu.memory_space<vmem>>, %arg6: memref<128x16xf32, #tpu.memory_space<vmem>>, %arg7: memref<640x16xf32, #tpu.memory_space<vmem>>, %arg8: memref<!tpu.dma_semaphore, #tpu.memory_space<semaphore_mem>>, %arg9: memref<!tpu.dma_semaphore, #tpu.memory_space<semaphore_mem>>) attributes {dimension_semantics = [#tpu.dimension_semantics<core_parallel>, #tpu.dimension_semantics<subcore_parallel>], iteration_bounds = array<i64: 2, 16>, scalar_prefetch = 0 : i64, scratch_operands = 6 : i64, tpu.core_type = #tpu.core_type<sc_vector_subcore>, window_params = [{transform_indices = #map}, {transform_indices = #map}]} {
    %mul3A = arith.constant 16 : i32
    %mul3A_0 = arith.muli %arg0, %mul3A : i32
    %add3A = arith.addi %mul3A_0, %arg1 : i32
    %broadcast_in_dim3A = arith.constant 1.000000e+00 : f32
    %broadcast_in_dim3A_1 = vector.broadcast %broadcast_in_dim3A : f32 to vector<16xf32>
    %broadcast_in_dim3A_2 = arith.constant 0.000000e+00 : f32
    %broadcast_in_dim3A_3 = vector.broadcast %broadcast_in_dim3A_2 : f32 to vector<16xf32>
    %scan3A = arith.constant 0 : i32
    %scan3A_4 = arith.constant 0 : i32
    %scan3A_5 = arith.constant 128 : i32
    %scan3A_6 = arith.addi %scan3A_4, %scan3A_5 : i32
    %scan3A_7 = arith.constant 1 : i32
    %scan3A_8 = scf.for %scan3A_37 = %scan3A_4 to %scan3A_6 step %scan3A_7 iter_args(%scan3A_38 = %scan3A) -> (i32)  : i32 {
      %swap3A = arith.index_cast %scan3A_37 : i32 to index
      %swap3A_39 = arith.constant 0 : index
      %swap3A_40 = tpu.vector_load %arg6[%swap3A, %swap3A_39] {strides = array<i32>} : memref<128x16xf32, #tpu.memory_space<vmem>>, vector<1x16xf32>,
      %swap3A_41 = vector.shape_cast %swap3A_40 : vector<1x16xf32> to vector<16xf32>
      %swap3A_42 = vector.shape_cast %broadcast_in_dim3A_1 : vector<16xf32> to vector<1x16xf32>
      tpu.vector_store %arg6[%swap3A, %swap3A_39], %swap3A_42 {strides = array<i32>} : memref<128x16xf32, #tpu.memory_space<vmem>>, vector<1x16xf32>,
      %scan3A_43 = arith.constant 0 : i32
      scf.yield %scan3A_43 : i32
    }
    %scan3A_9 = arith.constant 128 : i32
    %scan3A_10 = arith.constant 0 : i32
    %scan3A_11 = arith.constant 0 : i32
    %scan3A_12 = arith.constant 640 : i32
    %scan3A_13 = arith.addi %scan3A_11, %scan3A_12 : i32
    %scan3A_14 = arith.constant 1 : i32
    %scan3A_15 = scf.for %scan3A_37 = %scan3A_11 to %scan3A_13 step %scan3A_14 iter_args(%scan3A_38 = %scan3A_10) -> (i32)  : i32 {
      %swap3A = arith.index_cast %scan3A_37 : i32 to index
      %swap3A_39 = arith.constant 0 : index
      %swap3A_40 = tpu.vector_load %arg7[%swap3A, %swap3A_39] {strides = array<i32>} : memref<640x16xf32, #tpu.memory_space<vmem>>, vector<1x16xf32>,
      %swap3A_41 = vector.shape_cast %swap3A_40 : vector<1x16xf32> to vector<16xf32>
      %swap3A_42 = vector.shape_cast %broadcast_in_dim3A_3 : vector<16xf32> to vector<1x16xf32>
      tpu.vector_store %arg7[%swap3A, %swap3A_39], %swap3A_42 {strides = array<i32>} : memref<640x16xf32, #tpu.memory_space<vmem>>, vector<1x16xf32>,
      %scan3A_43 = arith.constant 0 : i32
      scf.yield %scan3A_43 : i32
    }
    %scan3A_16 = arith.constant 640 : i32
    %mul3A_17 = arith.constant 640 : i32
    %mul3A_18 = arith.muli %arg1, %mul3A_17 : i32
    "tpu.region"() ({
      %run_scoped3A = tpu.sem_alloc : memref<!tpu.dma_semaphore, #tpu.memory_space<semaphore_mem>>
      %dma_start3A_37 = arith.constant 0 : i32
      %dma_start3A_38 = tpu.memref_slice %arg4[%mul3A_18, %dma_start3A_37] : memref<10240x16xf32, #tpu.memory_space<vmem_shared>> -> memref<640x16xf32, #tpu.memory_space<vmem_shared>>
      %dma_start3A_39 = arith.constant 0 : i32
      %dma_start3A_40 = tpu.memref_slice %arg4[%mul3A_18, %dma_start3A_39] : memref<10240x16xf32, #tpu.memory_space<vmem_shared>> -> memref<640x16xf32, #tpu.memory_space<vmem_shared>>
      tpu.enqueue_dma source(%arg7 : memref<640x16xf32, #tpu.memory_space<vmem>>) target(%dma_start3A_40 : memref<640x16xf32, #tpu.memory_space<vmem_shared>>) target_semaphore(%run_scoped3A : memref<!tpu.dma_semaphore, #tpu.memory_space<semaphore_mem>>)
      %dma_wait3A = arith.constant 0 : i32
      %dma_wait3A_41 = tpu.memref_slice %arg4[%mul3A_18, %dma_wait3A] : memref<10240x16xf32, #tpu.memory_space<vmem_shared>> -> memref<640x16xf32, #tpu.memory_space<vmem_shared>>
      %dma_wait3A_42 = arith.constant 0 : i32
      %dma_wait3A_43 = tpu.memref_slice %arg4[%mul3A_18, %dma_wait3A_42] : memref<10240x16xf32, #tpu.memory_space<vmem_shared>> -> memref<640x16xf32, #tpu.memory_space<vmem_shared>>
      tpu.wait_dma2 semaphore(%run_scoped3A : memref<!tpu.dma_semaphore, #tpu.memory_space<semaphore_mem>>) src(%arg7 : memref<640x16xf32, #tpu.memory_space<vmem>>) dst(%dma_wait3A_43 : memref<640x16xf32, #tpu.memory_space<vmem_shared>>)
      tpu.yield
    }) : () -> ()
    "tpu.region"() ({
      %run_scoped3A = tpu.sem_alloc : memref<!tpu.dma_semaphore, #tpu.memory_space<semaphore_mem>>
      %dma_start3A_37 = arith.constant 0 : i32
      %dma_start3A_38 = arith.constant 0 : i32
      %dma_start3A_39 = tpu.memref_slice %arg2[%add3A, %dma_start3A_37, %dma_start3A_38] : memref<32x80x128xi32, #tpu.memory_space<hbm>> -> memref<1x80x128xi32, #tpu.memory_space<hbm>>
      %dma_start3A_40 = tpu.memref_squeeze %dma_start3A_39 : memref<1x80x128xi32, #tpu.memory_space<hbm>> -> memref<80x128xi32, #tpu.memory_space<hbm>>
      %dma_start3A_41 = arith.constant 0 : i32
      %dma_start3A_42 = arith.constant 0 : i32
      %dma_start3A_43 = tpu.memref_slice %arg2[%add3A, %dma_start3A_41, %dma_start3A_42] : memref<32x80x128xi32, #tpu.memory_space<hbm>> -> memref<1x80x128xi32, #tpu.memory_space<hbm>>
      %dma_start3A_44 = tpu.memref_squeeze %dma_start3A_43 : memref<1x80x128xi32, #tpu.memory_space<hbm>> -> memref<80x128xi32, #tpu.memory_space<hbm>>
      tpu.enqueue_dma source(%dma_start3A_44 : memref<80x128xi32, #tpu.memory_space<hbm>>) target(%arg5 : memref<80x128xi32, #tpu.memory_space<vmem>>) target_semaphore(%run_scoped3A : memref<!tpu.dma_semaphore, #tpu.memory_space<semaphore_mem>>)
      %dma_wait3A = arith.constant 0 : i32
      %dma_wait3A_45 = arith.constant 0 : i32
      %dma_wait3A_46 = tpu.memref_slice %arg2[%add3A, %dma_wait3A, %dma_wait3A_45] : memref<32x80x128xi32, #tpu.memory_space<hbm>> -> memref<1x80x128xi32, #tpu.memory_space<hbm>>
      %dma_wait3A_47 = tpu.memref_squeeze %dma_wait3A_46 : memref<1x80x128xi32, #tpu.memory_space<hbm>> -> memref<80x128xi32, #tpu.memory_space<hbm>>
      %dma_wait3A_48 = arith.constant 0 : i32
      %dma_wait3A_49 = arith.constant 0 : i32
      %dma_wait3A_50 = tpu.memref_slice %arg2[%add3A, %dma_wait3A_48, %dma_wait3A_49] : memref<32x80x128xi32, #tpu.memory_space<hbm>> -> memref<1x80x128xi32, #tpu.memory_space<hbm>>
      %dma_wait3A_51 = tpu.memref_squeeze %dma_wait3A_50 : memref<1x80x128xi32, #tpu.memory_space<hbm>> -> memref<80x128xi32, #tpu.memory_space<hbm>>
      tpu.wait_dma2 semaphore(%run_scoped3A : memref<!tpu.dma_semaphore, #tpu.memory_space<semaphore_mem>>) src(%dma_wait3A_51 : memref<80x128xi32, #tpu.memory_space<hbm>>) dst(%arg5 : memref<80x128xi32, #tpu.memory_space<vmem>>)
      tpu.yield
    }) : () -> ()
    %barrier3A = arith.constant 0 : index
    tpu.barrier barrier_id(%barrier3A)
    %dma_start3A = arith.constant 0 : i32
    %dma_start3A_19 = arith.constant 0 : i32
    %dma_start3A_20 = tpu.memref_slice %arg5[%dma_start3A, %dma_start3A_19] : memref<80x128xi32, #tpu.memory_space<vmem>> -> memref<1x128xi32, #tpu.memory_space<vmem>>
    %dma_start3A_21 = tpu.memref_squeeze %dma_start3A_20 : memref<1x128xi32, #tpu.memory_space<vmem>> -> memref<128xi32, #tpu.memory_space<vmem>>
    %dma_start3A_22 = arith.constant 0 : i32
    %dma_start3A_23 = arith.constant 0 : i32
    %dma_start3A_24 = tpu.memref_slice %arg4[%dma_start3A_22, %dma_start3A_23] : memref<10240x16xf32, #tpu.memory_space<vmem_shared>> -> memref<10240x16xf32, #tpu.memory_space<vmem_shared>>
    tpu.enqueue_indirect_dma source(%arg6 : memref<128x16xf32, #tpu.memory_space<vmem>>) target(%dma_start3A_24 : memref<10240x16xf32, #tpu.memory_space<vmem_shared>>) offsets(%dma_start3A_21 : memref<128xi32, #tpu.memory_space<vmem>>) semaphore(%arg8 : memref<!tpu.dma_semaphore, #tpu.memory_space<semaphore_mem>>) {add = true}
    %scan3A_25 = arith.constant 0 : i32
    %scan3A_26 = arith.constant 0 : i32
    %scan3A_27 = arith.constant 40 : i32
    %scan3A_28 = arith.addi %scan3A_26, %scan3A_27 : i32
    %scan3A_29 = arith.constant 1 : i32
    %scan3A_30 = scf.for %scan3A_37 = %scan3A_26 to %scan3A_28 step %scan3A_29 iter_args(%scan3A_38 = %scan3A_25) -> (i32)  : i32 {
      %mul3A_39 = arith.constant 2 : i32
      %mul3A_40 = arith.muli %mul3A_39, %scan3A_37 : i32
      %mul3A_41 = arith.constant 2 : i32
      %mul3A_42 = arith.muli %mul3A_41, %scan3A_37 : i32
      %add3A_43 = arith.constant 1 : i32
      %add3A_44 = arith.addi %mul3A_42, %add3A_43 : i32
      %dma_start3A_45 = arith.constant 0 : i32
      %dma_start3A_46 = tpu.memref_slice %arg5[%add3A_44, %dma_start3A_45] : memref<80x128xi32, #tpu.memory_space<vmem>> -> memref<1x128xi32, #tpu.memory_space<vmem>>
      %dma_start3A_47 = tpu.memref_squeeze %dma_start3A_46 : memref<1x128xi32, #tpu.memory_space<vmem>> -> memref<128xi32, #tpu.memory_space<vmem>>
      %dma_start3A_48 = arith.constant 0 : i32
      %dma_start3A_49 = arith.constant 0 : i32
      %dma_start3A_50 = tpu.memref_slice %arg4[%dma_start3A_48, %dma_start3A_49] : memref<10240x16xf32, #tpu.memory_space<vmem_shared>> -> memref<10240x16xf32, #tpu.memory_space<vmem_shared>>
      tpu.enqueue_indirect_dma source(%arg6 : memref<128x16xf32, #tpu.memory_space<vmem>>) target(%dma_start3A_50 : memref<10240x16xf32, #tpu.memory_space<vmem_shared>>) offsets(%dma_start3A_47 : memref<128xi32, #tpu.memory_space<vmem>>) semaphore(%arg9 : memref<!tpu.dma_semaphore, #tpu.memory_space<semaphore_mem>>) {add = true}
      %dma_wait3A = arith.constant 0 : i32
      %dma_wait3A_51 = tpu.memref_slice %arg5[%mul3A_40, %dma_wait3A] : memref<80x128xi32, #tpu.memory_space<vmem>> -> memref<1x128xi32, #tpu.memory_space<vmem>>
      %dma_wait3A_52 = tpu.memref_squeeze %dma_wait3A_51 : memref<1x128xi32, #tpu.memory_space<vmem>> -> memref<128xi32, #tpu.memory_space<vmem>>
      %dma_wait3A_53 = arith.constant 0 : i32
      %dma_wait3A_54 = arith.constant 0 : i32
      %dma_wait3A_55 = tpu.memref_slice %arg4[%dma_wait3A_53, %dma_wait3A_54] : memref<10240x16xf32, #tpu.memory_space<vmem_shared>> -> memref<10240x16xf32, #tpu.memory_space<vmem_shared>>
      tpu.wait_indirect_dma semaphore(%arg8 : memref<!tpu.dma_semaphore, #tpu.memory_space<semaphore_mem>>) src(%arg6 : memref<128x16xf32, #tpu.memory_space<vmem>>) dst(%dma_wait3A_55 : memref<10240x16xf32, #tpu.memory_space<vmem_shared>>)
      %lt3A = arith.constant 39 : i32
      %lt3A_56 = arith.cmpi slt, %scan3A_37, %lt3A : i32
      %convert_element_type3A = arith.extui %lt3A_56 : i1 to i32
      %cond3A = arith.constant 0 : i32
      %cond3A_57 = arith.cmpi ne, %convert_element_type3A, %cond3A : i32
      scf.if %cond3A_57 {
        %add3A_65 = arith.constant 2 : i32
        %add3A_66 = arith.addi %mul3A_40, %add3A_65 : i32
        %dma_start3A_67 = arith.constant 0 : i32
        %dma_start3A_68 = tpu.memref_slice %arg5[%add3A_66, %dma_start3A_67] : memref<80x128xi32, #tpu.memory_space<vmem>> -> memref<1x128xi32, #tpu.memory_space<vmem>>
        %dma_start3A_69 = tpu.memref_squeeze %dma_start3A_68 : memref<1x128xi32, #tpu.memory_space<vmem>> -> memref<128xi32, #tpu.memory_space<vmem>>
        %dma_start3A_70 = arith.constant 0 : i32
        %dma_start3A_71 = arith.constant 0 : i32
        %dma_start3A_72 = tpu.memref_slice %arg4[%dma_start3A_70, %dma_start3A_71] : memref<10240x16xf32, #tpu.memory_space<vmem_shared>> -> memref<10240x16xf32, #tpu.memory_space<vmem_shared>>
        tpu.enqueue_indirect_dma source(%arg6 : memref<128x16xf32, #tpu.memory_space<vmem>>) target(%dma_start3A_72 : memref<10240x16xf32, #tpu.memory_space<vmem_shared>>) offsets(%dma_start3A_69 : memref<128xi32, #tpu.memory_space<vmem>>) semaphore(%arg8 : memref<!tpu.dma_semaphore, #tpu.memory_space<semaphore_mem>>) {add = true}
      } else {
      }
      %dma_wait3A_58 = arith.constant 0 : i32
      %dma_wait3A_59 = tpu.memref_slice %arg5[%add3A_44, %dma_wait3A_58] : memref<80x128xi32, #tpu.memory_space<vmem>> -> memref<1x128xi32, #tpu.memory_space<vmem>>
      %dma_wait3A_60 = tpu.memref_squeeze %dma_wait3A_59 : memref<1x128xi32, #tpu.memory_space<vmem>> -> memref<128xi32, #tpu.memory_space<vmem>>
      %dma_wait3A_61 = arith.constant 0 : i32
      %dma_wait3A_62 = arith.constant 0 : i32
      %dma_wait3A_63 = tpu.memref_slice %arg4[%dma_wait3A_61, %dma_wait3A_62] : memref<10240x16xf32, #tpu.memory_space<vmem_shared>> -> memref<10240x16xf32, #tpu.memory_space<vmem_shared>>
      tpu.wait_indirect_dma semaphore(%arg9 : memref<!tpu.dma_semaphore, #tpu.memory_space<semaphore_mem>>) src(%arg6 : memref<128x16xf32, #tpu.memory_space<vmem>>) dst(%dma_wait3A_63 : memref<10240x16xf32, #tpu.memory_space<vmem_shared>>)
      %scan3A_64 = arith.constant 0 : i32
      scf.yield %scan3A_64 : i32
    }
    %scan3A_31 = arith.constant 40 : i32
    %barrier3A_32 = arith.constant 0 : index
    tpu.barrier barrier_id(%barrier3A_32)
    %mul3A_33 = arith.constant 640 : i32
    %mul3A_34 = arith.muli %arg1, %mul3A_33 : i32
    %mul3A_35 = arith.constant 640 : i32
    %mul3A_36 = arith.muli %arg1, %mul3A_35 : i32
    "tpu.region"() ({
      %run_scoped3A = tpu.sem_alloc : memref<!tpu.dma_semaphore, #tpu.memory_space<semaphore_mem>>
      %dma_start3A_37 = arith.constant 0 : i32
      %dma_start3A_38 = tpu.memref_slice %arg3[%arg0, %mul3A_36, %dma_start3A_37] : memref<2x10240x16xf32, #tpu.memory_space<hbm>> -> memref<1x640x16xf32, #tpu.memory_space<hbm>>
      %dma_start3A_39 = tpu.memref_squeeze %dma_start3A_38 : memref<1x640x16xf32, #tpu.memory_space<hbm>> -> memref<640x16xf32, #tpu.memory_space<hbm>>
      %dma_start3A_40 = arith.constant 0 : i32
      %dma_start3A_41 = tpu.memref_slice %arg4[%mul3A_34, %dma_start3A_40] : memref<10240x16xf32, #tpu.memory_space<vmem_shared>> -> memref<640x16xf32, #tpu.memory_space<vmem_shared>>
      tpu.enqueue_dma source(%dma_start3A_41 : memref<640x16xf32, #tpu.memory_space<vmem_shared>>) target(%dma_start3A_39 : memref<640x16xf32, #tpu.memory_space<hbm>>) target_semaphore(%run_scoped3A : memref<!tpu.dma_semaphore, #tpu.memory_space<semaphore_mem>>)
      %dma_wait3A = arith.constant 0 : i32
      %dma_wait3A_42 = tpu.memref_slice %arg3[%arg0, %mul3A_36, %dma_wait3A] : memref<2x10240x16xf32, #tpu.memory_space<hbm>> -> memref<1x640x16xf32, #tpu.memory_space<hbm>>
      %dma_wait3A_43 = tpu.memref_squeeze %dma_wait3A_42 : memref<1x640x16xf32, #tpu.memory_space<hbm>> -> memref<640x16xf32, #tpu.memory_space<hbm>>
      %dma_wait3A_44 = arith.constant 0 : i32
      %dma_wait3A_45 = tpu.memref_slice %arg4[%mul3A_34, %dma_wait3A_44] : memref<10240x16xf32, #tpu.memory_space<vmem_shared>> -> memref<640x16xf32, #tpu.memory_space<vmem_shared>>
      tpu.wait_dma2 semaphore(%run_scoped3A : memref<!tpu.dma_semaphore, #tpu.memory_space<semaphore_mem>>) src(%dma_wait3A_45 : memref<640x16xf32, #tpu.memory_space<vmem_shared>>) dst(%dma_wait3A_43 : memref<640x16xf32, #tpu.memory_space<hbm>>)
      tpu.yield
    }) : () -> ()
    return
  }
}

#map = affine_map<(d0, d1) -> (0, 0)>
#map1 = affine_map<(d0, d1) -> (0, 0, 0, 0)>
#map2 = affine_map<(d0, d1) -> (0, 0, 0)>
module attributes {stable_mosaic.version = 14 : i64} {
  func.func @_agg_body(%arg0: i32, %arg1: i32, %arg2: memref<10000x128xf32, #tpu.memory_space<hbm>>, %arg3: memref<32x10x16x128xi32, #tpu.memory_space<hbm>>, %arg4: memref<2x10240x128xf32, #tpu.memory_space<hbm>>, %arg5: memref<10240x128xf32, #tpu.memory_space<vmem_shared>>, %arg6: memref<16x128xi32, #tpu.memory_space<vmem>>, %arg7: memref<16x128xi32, #tpu.memory_space<vmem>>, %arg8: memref<128x128xf32, #tpu.memory_space<vmem>>, %arg9: memref<128x128xf32, #tpu.memory_space<vmem>>, %arg10: memref<!tpu.dma_semaphore, #tpu.memory_space<semaphore_mem>>, %arg11: memref<!tpu.dma_semaphore, #tpu.memory_space<semaphore_mem>>, %arg12: memref<!tpu.dma_semaphore, #tpu.memory_space<semaphore_mem>>, %arg13: memref<!tpu.dma_semaphore, #tpu.memory_space<semaphore_mem>>, %arg14: memref<!tpu.dma_semaphore, #tpu.memory_space<semaphore_mem>>, %arg15: memref<!tpu.dma_semaphore, #tpu.memory_space<semaphore_mem>>) attributes {dimension_semantics = [#tpu.dimension_semantics<core_parallel>, #tpu.dimension_semantics<subcore_parallel>], iteration_bounds = array<i64: 2, 16>, scalar_prefetch = 0 : i64, scratch_operands = 11 : i64, tpu.core_type = #tpu.core_type<sc_vector_subcore>, window_params = [{transform_indices = #map}, {transform_indices = #map1}, {transform_indices = #map2}]} {
    %mul3A = arith.constant 16 : i32
    %mul3A_0 = arith.muli %arg0, %mul3A : i32
    %add3A = arith.addi %mul3A_0, %arg1 : i32
    %broadcast_in_dim3A = arith.constant 0.000000e+00 : f32
    %broadcast_in_dim3A_1 = vector.broadcast %broadcast_in_dim3A : f32 to vector<16xf32>
    %scan3A = arith.constant 0 : i32
    %scan3A_2 = arith.constant 0 : i32
    %scan3A_3 = arith.constant 128 : i32
    %scan3A_4 = arith.addi %scan3A_2, %scan3A_3 : i32
    %scan3A_5 = arith.constant 1 : i32
    %scan3A_6 = scf.for %scan3A_48 = %scan3A_2 to %scan3A_4 step %scan3A_5 iter_args(%scan3A_49 = %scan3A) -> (i32)  : i32 {
      %swap3A = arith.index_cast %scan3A_48 : i32 to index
      %swap3A_50 = arith.constant 0 : index
      %swap3A_51 = tpu.vector_load %arg8[%swap3A, %swap3A_50] {strides = array<i32>} : memref<128x128xf32, #tpu.memory_space<vmem>>, vector<1x16xf32>,
      %swap3A_52 = vector.shape_cast %swap3A_51 : vector<1x16xf32> to vector<16xf32>
      %swap3A_53 = vector.shape_cast %broadcast_in_dim3A_1 : vector<16xf32> to vector<1x16xf32>
      tpu.vector_store %arg8[%swap3A, %swap3A_50], %swap3A_53 {strides = array<i32>} : memref<128x128xf32, #tpu.memory_space<vmem>>, vector<1x16xf32>,
      %swap3A_54 = arith.index_cast %scan3A_48 : i32 to index
      %swap3A_55 = arith.constant 16 : index
      %swap3A_56 = tpu.vector_load %arg8[%swap3A_54, %swap3A_55] {strides = array<i32>} : memref<128x128xf32, #tpu.memory_space<vmem>>, vector<1x16xf32>,
      %swap3A_57 = vector.shape_cast %swap3A_56 : vector<1x16xf32> to vector<16xf32>
      %swap3A_58 = vector.shape_cast %broadcast_in_dim3A_1 : vector<16xf32> to vector<1x16xf32>
      tpu.vector_store %arg8[%swap3A_54, %swap3A_55], %swap3A_58 {strides = array<i32>} : memref<128x128xf32, #tpu.memory_space<vmem>>, vector<1x16xf32>,
      %swap3A_59 = arith.index_cast %scan3A_48 : i32 to index
      %swap3A_60 = arith.constant 32 : index
      %swap3A_61 = tpu.vector_load %arg8[%swap3A_59, %swap3A_60] {strides = array<i32>} : memref<128x128xf32, #tpu.memory_space<vmem>>, vector<1x16xf32>,
      %swap3A_62 = vector.shape_cast %swap3A_61 : vector<1x16xf32> to vector<16xf32>
      %swap3A_63 = vector.shape_cast %broadcast_in_dim3A_1 : vector<16xf32> to vector<1x16xf32>
      tpu.vector_store %arg8[%swap3A_59, %swap3A_60], %swap3A_63 {strides = array<i32>} : memref<128x128xf32, #tpu.memory_space<vmem>>, vector<1x16xf32>,
      %swap3A_64 = arith.index_cast %scan3A_48 : i32 to index
      %swap3A_65 = arith.constant 48 : index
      %swap3A_66 = tpu.vector_load %arg8[%swap3A_64, %swap3A_65] {strides = array<i32>} : memref<128x128xf32, #tpu.memory_space<vmem>>, vector<1x16xf32>,
      %swap3A_67 = vector.shape_cast %swap3A_66 : vector<1x16xf32> to vector<16xf32>
      %swap3A_68 = vector.shape_cast %broadcast_in_dim3A_1 : vector<16xf32> to vector<1x16xf32>
      tpu.vector_store %arg8[%swap3A_64, %swap3A_65], %swap3A_68 {strides = array<i32>} : memref<128x128xf32, #tpu.memory_space<vmem>>, vector<1x16xf32>,
      %swap3A_69 = arith.index_cast %scan3A_48 : i32 to index
      %swap3A_70 = arith.constant 64 : index
      %swap3A_71 = tpu.vector_load %arg8[%swap3A_69, %swap3A_70] {strides = array<i32>} : memref<128x128xf32, #tpu.memory_space<vmem>>, vector<1x16xf32>,
      %swap3A_72 = vector.shape_cast %swap3A_71 : vector<1x16xf32> to vector<16xf32>
      %swap3A_73 = vector.shape_cast %broadcast_in_dim3A_1 : vector<16xf32> to vector<1x16xf32>
      tpu.vector_store %arg8[%swap3A_69, %swap3A_70], %swap3A_73 {strides = array<i32>} : memref<128x128xf32, #tpu.memory_space<vmem>>, vector<1x16xf32>,
      %swap3A_74 = arith.index_cast %scan3A_48 : i32 to index
      %swap3A_75 = arith.constant 80 : index
      %swap3A_76 = tpu.vector_load %arg8[%swap3A_74, %swap3A_75] {strides = array<i32>} : memref<128x128xf32, #tpu.memory_space<vmem>>, vector<1x16xf32>,
      %swap3A_77 = vector.shape_cast %swap3A_76 : vector<1x16xf32> to vector<16xf32>
      %swap3A_78 = vector.shape_cast %broadcast_in_dim3A_1 : vector<16xf32> to vector<1x16xf32>
      tpu.vector_store %arg8[%swap3A_74, %swap3A_75], %swap3A_78 {strides = array<i32>} : memref<128x128xf32, #tpu.memory_space<vmem>>, vector<1x16xf32>,
      %swap3A_79 = arith.index_cast %scan3A_48 : i32 to index
      %swap3A_80 = arith.constant 96 : index
      %swap3A_81 = tpu.vector_load %arg8[%swap3A_79, %swap3A_80] {strides = array<i32>} : memref<128x128xf32, #tpu.memory_space<vmem>>, vector<1x16xf32>,
      %swap3A_82 = vector.shape_cast %swap3A_81 : vector<1x16xf32> to vector<16xf32>
      %swap3A_83 = vector.shape_cast %broadcast_in_dim3A_1 : vector<16xf32> to vector<1x16xf32>
      tpu.vector_store %arg8[%swap3A_79, %swap3A_80], %swap3A_83 {strides = array<i32>} : memref<128x128xf32, #tpu.memory_space<vmem>>, vector<1x16xf32>,
      %swap3A_84 = arith.index_cast %scan3A_48 : i32 to index
      %swap3A_85 = arith.constant 112 : index
      %swap3A_86 = tpu.vector_load %arg8[%swap3A_84, %swap3A_85] {strides = array<i32>} : memref<128x128xf32, #tpu.memory_space<vmem>>, vector<1x16xf32>,
      %swap3A_87 = vector.shape_cast %swap3A_86 : vector<1x16xf32> to vector<16xf32>
      %swap3A_88 = vector.shape_cast %broadcast_in_dim3A_1 : vector<16xf32> to vector<1x16xf32>
      tpu.vector_store %arg8[%swap3A_84, %swap3A_85], %swap3A_88 {strides = array<i32>} : memref<128x128xf32, #tpu.memory_space<vmem>>, vector<1x16xf32>,
      %scan3A_89 = arith.constant 0 : i32
      scf.yield %scan3A_89 : i32
    }
    %scan3A_7 = arith.constant 128 : i32
    %mul3A_8 = arith.constant 640 : i32
    %mul3A_9 = arith.muli %arg1, %mul3A_8 : i32
    %add3A_10 = arith.constant 0 : i32
    %add3A_11 = arith.addi %mul3A_9, %add3A_10 : i32
    "tpu.region"() ({
      %run_scoped3A = tpu.sem_alloc : memref<!tpu.dma_semaphore, #tpu.memory_space<semaphore_mem>>
      %dma_start3A_48 = arith.constant 0 : i32
      %dma_start3A_49 = tpu.memref_slice %arg5[%add3A_11, %dma_start3A_48] : memref<10240x128xf32, #tpu.memory_space<vmem_shared>> -> memref<128x128xf32, #tpu.memory_space<vmem_shared>>
      %dma_start3A_50 = arith.constant 0 : i32
      %dma_start3A_51 = tpu.memref_slice %arg5[%add3A_11, %dma_start3A_50] : memref<10240x128xf32, #tpu.memory_space<vmem_shared>> -> memref<128x128xf32, #tpu.memory_space<vmem_shared>>
      tpu.enqueue_dma source(%arg8 : memref<128x128xf32, #tpu.memory_space<vmem>>) target(%dma_start3A_51 : memref<128x128xf32, #tpu.memory_space<vmem_shared>>) target_semaphore(%run_scoped3A : memref<!tpu.dma_semaphore, #tpu.memory_space<semaphore_mem>>)
      %dma_wait3A = arith.constant 0 : i32
      %dma_wait3A_52 = tpu.memref_slice %arg5[%add3A_11, %dma_wait3A] : memref<10240x128xf32, #tpu.memory_space<vmem_shared>> -> memref<128x128xf32, #tpu.memory_space<vmem_shared>>
      %dma_wait3A_53 = arith.constant 0 : i32
      %dma_wait3A_54 = tpu.memref_slice %arg5[%add3A_11, %dma_wait3A_53] : memref<10240x128xf32, #tpu.memory_space<vmem_shared>> -> memref<128x128xf32, #tpu.memory_space<vmem_shared>>
      tpu.wait_dma2 semaphore(%run_scoped3A : memref<!tpu.dma_semaphore, #tpu.memory_space<semaphore_mem>>) src(%arg8 : memref<128x128xf32, #tpu.memory_space<vmem>>) dst(%dma_wait3A_54 : memref<128x128xf32, #tpu.memory_space<vmem_shared>>)
      tpu.yield
    }) : () -> ()
    %mul3A_12 = arith.constant 640 : i32
    %mul3A_13 = arith.muli %arg1, %mul3A_12 : i32
    %add3A_14 = arith.constant 128 : i32
    %add3A_15 = arith.addi %mul3A_13, %add3A_14 : i32
    "tpu.region"() ({
      %run_scoped3A = tpu.sem_alloc : memref<!tpu.dma_semaphore, #tpu.memory_space<semaphore_mem>>
      %dma_start3A_48 = arith.constant 0 : i32
      %dma_start3A_49 = tpu.memref_slice %arg5[%add3A_15, %dma_start3A_48] : memref<10240x128xf32, #tpu.memory_space<vmem_shared>> -> memref<128x128xf32, #tpu.memory_space<vmem_shared>>
      %dma_start3A_50 = arith.constant 0 : i32
      %dma_start3A_51 = tpu.memref_slice %arg5[%add3A_15, %dma_start3A_50] : memref<10240x128xf32, #tpu.memory_space<vmem_shared>> -> memref<128x128xf32, #tpu.memory_space<vmem_shared>>
      tpu.enqueue_dma source(%arg8 : memref<128x128xf32, #tpu.memory_space<vmem>>) target(%dma_start3A_51 : memref<128x128xf32, #tpu.memory_space<vmem_shared>>) target_semaphore(%run_scoped3A : memref<!tpu.dma_semaphore, #tpu.memory_space<semaphore_mem>>)
      %dma_wait3A = arith.constant 0 : i32
      %dma_wait3A_52 = tpu.memref_slice %arg5[%add3A_15, %dma_wait3A] : memref<10240x128xf32, #tpu.memory_space<vmem_shared>> -> memref<128x128xf32, #tpu.memory_space<vmem_shared>>
      %dma_wait3A_53 = arith.constant 0 : i32
      %dma_wait3A_54 = tpu.memref_slice %arg5[%add3A_15, %dma_wait3A_53] : memref<10240x128xf32, #tpu.memory_space<vmem_shared>> -> memref<128x128xf32, #tpu.memory_space<vmem_shared>>
      tpu.wait_dma2 semaphore(%run_scoped3A : memref<!tpu.dma_semaphore, #tpu.memory_space<semaphore_mem>>) src(%arg8 : memref<128x128xf32, #tpu.memory_space<vmem>>) dst(%dma_wait3A_54 : memref<128x128xf32, #tpu.memory_space<vmem_shared>>)
      tpu.yield
    }) : () -> ()
    %mul3A_16 = arith.constant 640 : i32
    %mul3A_17 = arith.muli %arg1, %mul3A_16 : i32
    %add3A_18 = arith.constant 256 : i32
    %add3A_19 = arith.addi %mul3A_17, %add3A_18 : i32
    "tpu.region"() ({
      %run_scoped3A = tpu.sem_alloc : memref<!tpu.dma_semaphore, #tpu.memory_space<semaphore_mem>>
      %dma_start3A_48 = arith.constant 0 : i32
      %dma_start3A_49 = tpu.memref_slice %arg5[%add3A_19, %dma_start3A_48] : memref<10240x128xf32, #tpu.memory_space<vmem_shared>> -> memref<128x128xf32, #tpu.memory_space<vmem_shared>>
      %dma_start3A_50 = arith.constant 0 : i32
      %dma_start3A_51 = tpu.memref_slice %arg5[%add3A_19, %dma_start3A_50] : memref<10240x128xf32, #tpu.memory_space<vmem_shared>> -> memref<128x128xf32, #tpu.memory_space<vmem_shared>>
      tpu.enqueue_dma source(%arg8 : memref<128x128xf32, #tpu.memory_space<vmem>>) target(%dma_start3A_51 : memref<128x128xf32, #tpu.memory_space<vmem_shared>>) target_semaphore(%run_scoped3A : memref<!tpu.dma_semaphore, #tpu.memory_space<semaphore_mem>>)
      %dma_wait3A = arith.constant 0 : i32
      %dma_wait3A_52 = tpu.memref_slice %arg5[%add3A_19, %dma_wait3A] : memref<10240x128xf32, #tpu.memory_space<vmem_shared>> -> memref<128x128xf32, #tpu.memory_space<vmem_shared>>
      %dma_wait3A_53 = arith.constant 0 : i32
      %dma_wait3A_54 = tpu.memref_slice %arg5[%add3A_19, %dma_wait3A_53] : memref<10240x128xf32, #tpu.memory_space<vmem_shared>> -> memref<128x128xf32, #tpu.memory_space<vmem_shared>>
      tpu.wait_dma2 semaphore(%run_scoped3A : memref<!tpu.dma_semaphore, #tpu.memory_space<semaphore_mem>>) src(%arg8 : memref<128x128xf32, #tpu.memory_space<vmem>>) dst(%dma_wait3A_54 : memref<128x128xf32, #tpu.memory_space<vmem_shared>>)
      tpu.yield
    }) : () -> ()
    %mul3A_20 = arith.constant 640 : i32
    %mul3A_21 = arith.muli %arg1, %mul3A_20 : i32
    %add3A_22 = arith.constant 384 : i32
    %add3A_23 = arith.addi %mul3A_21, %add3A_22 : i32
    "tpu.region"() ({
      %run_scoped3A = tpu.sem_alloc : memref<!tpu.dma_semaphore, #tpu.memory_space<semaphore_mem>>
      %dma_start3A_48 = arith.constant 0 : i32
      %dma_start3A_49 = tpu.memref_slice %arg5[%add3A_23, %dma_start3A_48] : memref<10240x128xf32, #tpu.memory_space<vmem_shared>> -> memref<128x128xf32, #tpu.memory_space<vmem_shared>>
      %dma_start3A_50 = arith.constant 0 : i32
      %dma_start3A_51 = tpu.memref_slice %arg5[%add3A_23, %dma_start3A_50] : memref<10240x128xf32, #tpu.memory_space<vmem_shared>> -> memref<128x128xf32, #tpu.memory_space<vmem_shared>>
      tpu.enqueue_dma source(%arg8 : memref<128x128xf32, #tpu.memory_space<vmem>>) target(%dma_start3A_51 : memref<128x128xf32, #tpu.memory_space<vmem_shared>>) target_semaphore(%run_scoped3A : memref<!tpu.dma_semaphore, #tpu.memory_space<semaphore_mem>>)
      %dma_wait3A = arith.constant 0 : i32
      %dma_wait3A_52 = tpu.memref_slice %arg5[%add3A_23, %dma_wait3A] : memref<10240x128xf32, #tpu.memory_space<vmem_shared>> -> memref<128x128xf32, #tpu.memory_space<vmem_shared>>
      %dma_wait3A_53 = arith.constant 0 : i32
      %dma_wait3A_54 = tpu.memref_slice %arg5[%add3A_23, %dma_wait3A_53] : memref<10240x128xf32, #tpu.memory_space<vmem_shared>> -> memref<128x128xf32, #tpu.memory_space<vmem_shared>>
      tpu.wait_dma2 semaphore(%run_scoped3A : memref<!tpu.dma_semaphore, #tpu.memory_space<semaphore_mem>>) src(%arg8 : memref<128x128xf32, #tpu.memory_space<vmem>>) dst(%dma_wait3A_54 : memref<128x128xf32, #tpu.memory_space<vmem_shared>>)
      tpu.yield
    }) : () -> ()
    %mul3A_24 = arith.constant 640 : i32
    %mul3A_25 = arith.muli %arg1, %mul3A_24 : i32
    %add3A_26 = arith.constant 512 : i32
    %add3A_27 = arith.addi %mul3A_25, %add3A_26 : i32
    "tpu.region"() ({
      %run_scoped3A = tpu.sem_alloc : memref<!tpu.dma_semaphore, #tpu.memory_space<semaphore_mem>>
      %dma_start3A_48 = arith.constant 0 : i32
      %dma_start3A_49 = tpu.memref_slice %arg5[%add3A_27, %dma_start3A_48] : memref<10240x128xf32, #tpu.memory_space<vmem_shared>> -> memref<128x128xf32, #tpu.memory_space<vmem_shared>>
      %dma_start3A_50 = arith.constant 0 : i32
      %dma_start3A_51 = tpu.memref_slice %arg5[%add3A_27, %dma_start3A_50] : memref<10240x128xf32, #tpu.memory_space<vmem_shared>> -> memref<128x128xf32, #tpu.memory_space<vmem_shared>>
      tpu.enqueue_dma source(%arg8 : memref<128x128xf32, #tpu.memory_space<vmem>>) target(%dma_start3A_51 : memref<128x128xf32, #tpu.memory_space<vmem_shared>>) target_semaphore(%run_scoped3A : memref<!tpu.dma_semaphore, #tpu.memory_space<semaphore_mem>>)
      %dma_wait3A = arith.constant 0 : i32
      %dma_wait3A_52 = tpu.memref_slice %arg5[%add3A_27, %dma_wait3A] : memref<10240x128xf32, #tpu.memory_space<vmem_shared>> -> memref<128x128xf32, #tpu.memory_space<vmem_shared>>
      %dma_wait3A_53 = arith.constant 0 : i32
      %dma_wait3A_54 = tpu.memref_slice %arg5[%add3A_27, %dma_wait3A_53] : memref<10240x128xf32, #tpu.memory_space<vmem_shared>> -> memref<128x128xf32, #tpu.memory_space<vmem_shared>>
      tpu.wait_dma2 semaphore(%run_scoped3A : memref<!tpu.dma_semaphore, #tpu.memory_space<semaphore_mem>>) src(%arg8 : memref<128x128xf32, #tpu.memory_space<vmem>>) dst(%dma_wait3A_54 : memref<128x128xf32, #tpu.memory_space<vmem_shared>>)
      tpu.yield
    }) : () -> ()
    %barrier3A = arith.constant 0 : index
    tpu.barrier barrier_id(%barrier3A)
    %dma_start3A = arith.constant 0 : i32
    %dma_start3A_28 = arith.constant 0 : i32
    %dma_start3A_29 = arith.constant 0 : i32
    %dma_start3A_30 = tpu.memref_slice %arg3[%add3A, %dma_start3A, %dma_start3A_28, %dma_start3A_29] : memref<32x10x16x128xi32, #tpu.memory_space<hbm>> -> memref<1x1x16x128xi32, #tpu.memory_space<hbm>>
    %dma_start3A_31 = tpu.memref_squeeze %dma_start3A_30 : memref<1x1x16x128xi32, #tpu.memory_space<hbm>> -> memref<16x128xi32, #tpu.memory_space<hbm>>
    %dma_start3A_32 = arith.constant 0 : i32
    %dma_start3A_33 = arith.constant 0 : i32
    %dma_start3A_34 = tpu.memref_slice %arg3[%add3A, %dma_start3A, %dma_start3A_32, %dma_start3A_33] : memref<32x10x16x128xi32, #tpu.memory_space<hbm>> -> memref<1x1x16x128xi32, #tpu.memory_space<hbm>>
    %dma_start3A_35 = tpu.memref_squeeze %dma_start3A_34 : memref<1x1x16x128xi32, #tpu.memory_space<hbm>> -> memref<16x128xi32, #tpu.memory_space<hbm>>
    tpu.enqueue_dma source(%dma_start3A_35 : memref<16x128xi32, #tpu.memory_space<hbm>>) target(%arg6 : memref<16x128xi32, #tpu.memory_space<vmem>>) target_semaphore(%arg10 : memref<!tpu.dma_semaphore, #tpu.memory_space<semaphore_mem>>)
    %scan3A_36 = arith.constant 0 : i32
    %scan3A_37 = arith.constant 0 : i32
    %scan3A_38 = arith.constant 5 : i32
    %scan3A_39 = arith.addi %scan3A_37, %scan3A_38 : i32
    %scan3A_40 = arith.constant 1 : i32
    %scan3A_41 = scf.for %scan3A_48 = %scan3A_37 to %scan3A_39 step %scan3A_40 iter_args(%scan3A_49 = %scan3A_36) -> (i32)  : i32 {
      %mul3A_50 = arith.constant 2 : i32
      %mul3A_51 = arith.muli %mul3A_50, %scan3A_48 : i32
      %dma_wait3A = arith.constant 0 : i32
      %dma_wait3A_52 = arith.constant 0 : i32
      %dma_wait3A_53 = tpu.memref_slice %arg3[%add3A, %mul3A_51, %dma_wait3A, %dma_wait3A_52] : memref<32x10x16x128xi32, #tpu.memory_space<hbm>> -> memref<1x1x16x128xi32, #tpu.memory_space<hbm>>
      %dma_wait3A_54 = tpu.memref_squeeze %dma_wait3A_53 : memref<1x1x16x128xi32, #tpu.memory_space<hbm>> -> memref<16x128xi32, #tpu.memory_space<hbm>>
      %dma_wait3A_55 = arith.constant 0 : i32
      %dma_wait3A_56 = arith.constant 0 : i32
      %dma_wait3A_57 = tpu.memref_slice %arg3[%add3A, %mul3A_51, %dma_wait3A_55, %dma_wait3A_56] : memref<32x10x16x128xi32, #tpu.memory_space<hbm>> -> memref<1x1x16x128xi32, #tpu.memory_space<hbm>>
      %dma_wait3A_58 = tpu.memref_squeeze %dma_wait3A_57 : memref<1x1x16x128xi32, #tpu.memory_space<hbm>> -> memref<16x128xi32, #tpu.memory_space<hbm>>
      tpu.wait_dma2 semaphore(%arg10 : memref<!tpu.dma_semaphore, #tpu.memory_space<semaphore_mem>>) src(%dma_wait3A_58 : memref<16x128xi32, #tpu.memory_space<hbm>>) dst(%arg6 : memref<16x128xi32, #tpu.memory_space<vmem>>)
      %add3A_59 = arith.constant 1 : i32
      %add3A_60 = arith.addi %mul3A_51, %add3A_59 : i32
      %dma_start3A_61 = arith.constant 0 : i32
      %dma_start3A_62 = arith.constant 0 : i32
      %dma_start3A_63 = tpu.memref_slice %arg3[%add3A, %add3A_60, %dma_start3A_61, %dma_start3A_62] : memref<32x10x16x128xi32, #tpu.memory_space<hbm>> -> memref<1x1x16x128xi32, #tpu.memory_space<hbm>>
      %dma_start3A_64 = tpu.memref_squeeze %dma_start3A_63 : memref<1x1x16x128xi32, #tpu.memory_space<hbm>> -> memref<16x128xi32, #tpu.memory_space<hbm>>
      %dma_start3A_65 = arith.constant 0 : i32
      %dma_start3A_66 = arith.constant 0 : i32
      %dma_start3A_67 = tpu.memref_slice %arg3[%add3A, %add3A_60, %dma_start3A_65, %dma_start3A_66] : memref<32x10x16x128xi32, #tpu.memory_space<hbm>> -> memref<1x1x16x128xi32, #tpu.memory_space<hbm>>
      %dma_start3A_68 = tpu.memref_squeeze %dma_start3A_67 : memref<1x1x16x128xi32, #tpu.memory_space<hbm>> -> memref<16x128xi32, #tpu.memory_space<hbm>>
      tpu.enqueue_dma source(%dma_start3A_68 : memref<16x128xi32, #tpu.memory_space<hbm>>) target(%arg7 : memref<16x128xi32, #tpu.memory_space<vmem>>) target_semaphore(%arg11 : memref<!tpu.dma_semaphore, #tpu.memory_space<semaphore_mem>>)
      %dma_start3A_69 = arith.constant 0 : i32
      %dma_start3A_70 = arith.constant 0 : i32
      %dma_start3A_71 = tpu.memref_slice %arg6[%dma_start3A_69, %dma_start3A_70] : memref<16x128xi32, #tpu.memory_space<vmem>> -> memref<1x128xi32, #tpu.memory_space<vmem>>
      %dma_start3A_72 = tpu.memref_squeeze %dma_start3A_71 : memref<1x128xi32, #tpu.memory_space<vmem>> -> memref<128xi32, #tpu.memory_space<vmem>>
      %dma_start3A_73 = arith.constant 0 : i32
      %dma_start3A_74 = arith.constant 0 : i32
      %dma_start3A_75 = tpu.memref_slice %arg2[%dma_start3A_73, %dma_start3A_74] : memref<10000x128xf32, #tpu.memory_space<hbm>> -> memref<10000x128xf32, #tpu.memory_space<hbm>>
      tpu.enqueue_indirect_dma source(%dma_start3A_75 : memref<10000x128xf32, #tpu.memory_space<hbm>>) target(%arg8 : memref<128x128xf32, #tpu.memory_space<vmem>>) offsets(%dma_start3A_72 : memref<128xi32, #tpu.memory_space<vmem>>) semaphore(%arg12 : memref<!tpu.dma_semaphore, #tpu.memory_space<semaphore_mem>>)
      %dma_start3A_76 = arith.constant 2 : i32
      %dma_start3A_77 = arith.constant 0 : i32
      %dma_start3A_78 = tpu.memref_slice %arg6[%dma_start3A_76, %dma_start3A_77] : memref<16x128xi32, #tpu.memory_space<vmem>> -> memref<1x128xi32, #tpu.memory_space<vmem>>
      %dma_start3A_79 = tpu.memref_squeeze %dma_start3A_78 : memref<1x128xi32, #tpu.memory_space<vmem>> -> memref<128xi32, #tpu.memory_space<vmem>>
      %dma_start3A_80 = arith.constant 0 : i32
      %dma_start3A_81 = arith.constant 0 : i32
      %dma_start3A_82 = tpu.memref_slice %arg2[%dma_start3A_80, %dma_start3A_81] : memref<10000x128xf32, #tpu.memory_space<hbm>> -> memref<10000x128xf32, #tpu.memory_space<hbm>>
      tpu.enqueue_indirect_dma source(%dma_start3A_82 : memref<10000x128xf32, #tpu.memory_space<hbm>>) target(%arg9 : memref<128x128xf32, #tpu.memory_space<vmem>>) offsets(%dma_start3A_79 : memref<128xi32, #tpu.memory_space<vmem>>) semaphore(%arg13 : memref<!tpu.dma_semaphore, #tpu.memory_space<semaphore_mem>>)
      %dma_wait3A_83 = arith.constant 0 : i32
      %dma_wait3A_84 = arith.constant 0 : i32
      %dma_wait3A_85 = tpu.memref_slice %arg6[%dma_wait3A_83, %dma_wait3A_84] : memref<16x128xi32, #tpu.memory_space<vmem>> -> memref<1x128xi32, #tpu.memory_space<vmem>>
      %dma_wait3A_86 = tpu.memref_squeeze %dma_wait3A_85 : memref<1x128xi32, #tpu.memory_space<vmem>> -> memref<128xi32, #tpu.memory_space<vmem>>
      %dma_wait3A_87 = arith.constant 0 : i32
      %dma_wait3A_88 = arith.constant 0 : i32
      %dma_wait3A_89 = tpu.memref_slice %arg2[%dma_wait3A_87, %dma_wait3A_88] : memref<10000x128xf32, #tpu.memory_space<hbm>> -> memref<10000x128xf32, #tpu.memory_space<hbm>>
      tpu.wait_indirect_dma semaphore(%arg12 : memref<!tpu.dma_semaphore, #tpu.memory_space<semaphore_mem>>) src(%dma_wait3A_89 : memref<10000x128xf32, #tpu.memory_space<hbm>>) dst(%arg8 : memref<128x128xf32, #tpu.memory_space<vmem>>)
      %dma_start3A_90 = arith.constant 1 : i32
      %dma_start3A_91 = arith.constant 0 : i32
      %dma_start3A_92 = tpu.memref_slice %arg6[%dma_start3A_90, %dma_start3A_91] : memref<16x128xi32, #tpu.memory_space<vmem>> -> memref<1x128xi32, #tpu.memory_space<vmem>>
      %dma_start3A_93 = tpu.memref_squeeze %dma_start3A_92 : memref<1x128xi32, #tpu.memory_space<vmem>> -> memref<128xi32, #tpu.memory_space<vmem>>
      %dma_start3A_94 = arith.constant 0 : i32
      %dma_start3A_95 = arith.constant 0 : i32
      %dma_start3A_96 = tpu.memref_slice %arg5[%dma_start3A_94, %dma_start3A_95] : memref<10240x128xf32, #tpu.memory_space<vmem_shared>> -> memref<10240x128xf32, #tpu.memory_space<vmem_shared>>
      tpu.enqueue_indirect_dma source(%arg8 : memref<128x128xf32, #tpu.memory_space<vmem>>) target(%dma_start3A_96 : memref<10240x128xf32, #tpu.memory_space<vmem_shared>>) offsets(%dma_start3A_93 : memref<128xi32, #tpu.memory_space<vmem>>) semaphore(%arg14 : memref<!tpu.dma_semaphore, #tpu.memory_space<semaphore_mem>>) {add = true}
      %dma_wait3A_97 = arith.constant 1 : i32
      %dma_wait3A_98 = arith.constant 0 : i32
      %dma_wait3A_99 = tpu.memref_slice %arg6[%dma_wait3A_97, %dma_wait3A_98] : memref<16x128xi32, #tpu.memory_space<vmem>> -> memref<1x128xi32, #tpu.memory_space<vmem>>
      %dma_wait3A_100 = tpu.memref_squeeze %dma_wait3A_99 : memref<1x128xi32, #tpu.memory_space<vmem>> -> memref<128xi32, #tpu.memory_space<vmem>>
      %dma_wait3A_101 = arith.constant 0 : i32
      %dma_wait3A_102 = arith.constant 0 : i32
      %dma_wait3A_103 = tpu.memref_slice %arg5[%dma_wait3A_101, %dma_wait3A_102] : memref<10240x128xf32, #tpu.memory_space<vmem_shared>> -> memref<10240x128xf32, #tpu.memory_space<vmem_shared>>
      tpu.wait_indirect_dma semaphore(%arg14 : memref<!tpu.dma_semaphore, #tpu.memory_space<semaphore_mem>>) src(%arg8 : memref<128x128xf32, #tpu.memory_space<vmem>>) dst(%dma_wait3A_103 : memref<10240x128xf32, #tpu.memory_space<vmem_shared>>)
      %dma_start3A_104 = arith.constant 4 : i32
      %dma_start3A_105 = arith.constant 0 : i32
      %dma_start3A_106 = tpu.memref_slice %arg6[%dma_start3A_104, %dma_start3A_105] : memref<16x128xi32, #tpu.memory_space<vmem>> -> memref<1x128xi32, #tpu.memory_space<vmem>>
      %dma_start3A_107 = tpu.memref_squeeze %dma_start3A_106 : memref<1x128xi32, #tpu.memory_space<vmem>> -> memref<128xi32, #tpu.memory_space<vmem>>
      %dma_start3A_108 = arith.constant 0 : i32
      %dma_start3A_109 = arith.constant 0 : i32
      %dma_start3A_110 = tpu.memref_slice %arg2[%dma_start3A_108, %dma_start3A_109] : memref<10000x128xf32, #tpu.memory_space<hbm>> -> memref<10000x128xf32, #tpu.memory_space<hbm>>
      tpu.enqueue_indirect_dma source(%dma_start3A_110 : memref<10000x128xf32, #tpu.memory_space<hbm>>) target(%arg8 : memref<128x128xf32, #tpu.memory_space<vmem>>) offsets(%dma_start3A_107 : memref<128xi32, #tpu.memory_space<vmem>>) semaphore(%arg12 : memref<!tpu.dma_semaphore, #tpu.memory_space<semaphore_mem>>)
      %dma_wait3A_111 = arith.constant 2 : i32
      %dma_wait3A_112 = arith.constant 0 : i32
      %dma_wait3A_113 = tpu.memref_slice %arg6[%dma_wait3A_111, %dma_wait3A_112] : memref<16x128xi32, #tpu.memory_space<vmem>> -> memref<1x128xi32, #tpu.memory_space<vmem>>
      %dma_wait3A_114 = tpu.memref_squeeze %dma_wait3A_113 : memref<1x128xi32, #tpu.memory_space<vmem>> -> memref<128xi32, #tpu.memory_space<vmem>>
      %dma_wait3A_115 = arith.constant 0 : i32
      %dma_wait3A_116 = arith.constant 0 : i32
      %dma_wait3A_117 = tpu.memref_slice %arg2[%dma_wait3A_115, %dma_wait3A_116] : memref<10000x128xf32, #tpu.memory_space<hbm>> -> memref<10000x128xf32, #tpu.memory_space<hbm>>
      tpu.wait_indirect_dma semaphore(%arg13 : memref<!tpu.dma_semaphore, #tpu.memory_space<semaphore_mem>>) src(%dma_wait3A_117 : memref<10000x128xf32, #tpu.memory_space<hbm>>) dst(%arg9 : memref<128x128xf32, #tpu.memory_space<vmem>>)
      %dma_start3A_118 = arith.constant 3 : i32
      %dma_start3A_119 = arith.constant 0 : i32
      %dma_start3A_120 = tpu.memref_slice %arg6[%dma_start3A_118, %dma_start3A_119] : memref<16x128xi32, #tpu.memory_space<vmem>> -> memref<1x128xi32, #tpu.memory_space<vmem>>
      %dma_start3A_121 = tpu.memref_squeeze %dma_start3A_120 : memref<1x128xi32, #tpu.memory_space<vmem>> -> memref<128xi32, #tpu.memory_space<vmem>>
      %dma_start3A_122 = arith.constant 0 : i32
      %dma_start3A_123 = arith.constant 0 : i32
      %dma_start3A_124 = tpu.memref_slice %arg5[%dma_start3A_122, %dma_start3A_123] : memref<10240x128xf32, #tpu.memory_space<vmem_shared>> -> memref<10240x128xf32, #tpu.memory_space<vmem_shared>>
      tpu.enqueue_indirect_dma source(%arg9 : memref<128x128xf32, #tpu.memory_space<vmem>>) target(%dma_start3A_124 : memref<10240x128xf32, #tpu.memory_space<vmem_shared>>) offsets(%dma_start3A_121 : memref<128xi32, #tpu.memory_space<vmem>>) semaphore(%arg15 : memref<!tpu.dma_semaphore, #tpu.memory_space<semaphore_mem>>) {add = true}
      %dma_wait3A_125 = arith.constant 3 : i32
      %dma_wait3A_126 = arith.constant 0 : i32
      %dma_wait3A_127 = tpu.memref_slice %arg6[%dma_wait3A_125, %dma_wait3A_126] : memref<16x128xi32, #tpu.memory_space<vmem>> -> memref<1x128xi32, #tpu.memory_space<vmem>>
      %dma_wait3A_128 = tpu.memref_squeeze %dma_wait3A_127 : memref<1x128xi32, #tpu.memory_space<vmem>> -> memref<128xi32, #tpu.memory_space<vmem>>
      %dma_wait3A_129 = arith.constant 0 : i32
      %dma_wait3A_130 = arith.constant 0 : i32
      %dma_wait3A_131 = tpu.memref_slice %arg5[%dma_wait3A_129, %dma_wait3A_130] : memref<10240x128xf32, #tpu.memory_space<vmem_shared>> -> memref<10240x128xf32, #tpu.memory_space<vmem_shared>>
      tpu.wait_indirect_dma semaphore(%arg15 : memref<!tpu.dma_semaphore, #tpu.memory_space<semaphore_mem>>) src(%arg9 : memref<128x128xf32, #tpu.memory_space<vmem>>) dst(%dma_wait3A_131 : memref<10240x128xf32, #tpu.memory_space<vmem_shared>>)
      %dma_start3A_132 = arith.constant 6 : i32
      %dma_start3A_133 = arith.constant 0 : i32
      %dma_start3A_134 = tpu.memref_slice %arg6[%dma_start3A_132, %dma_start3A_133] : memref<16x128xi32, #tpu.memory_space<vmem>> -> memref<1x128xi32, #tpu.memory_space<vmem>>
      %dma_start3A_135 = tpu.memref_squeeze %dma_start3A_134 : memref<1x128xi32, #tpu.memory_space<vmem>> -> memref<128xi32, #tpu.memory_space<vmem>>
      %dma_start3A_136 = arith.constant 0 : i32
      %dma_start3A_137 = arith.constant 0 : i32
      %dma_start3A_138 = tpu.memref_slice %arg2[%dma_start3A_136, %dma_start3A_137] : memref<10000x128xf32, #tpu.memory_space<hbm>> -> memref<10000x128xf32, #tpu.memory_space<hbm>>
      tpu.enqueue_indirect_dma source(%dma_start3A_138 : memref<10000x128xf32, #tpu.memory_space<hbm>>) target(%arg9 : memref<128x128xf32, #tpu.memory_space<vmem>>) offsets(%dma_start3A_135 : memref<128xi32, #tpu.memory_space<vmem>>) semaphore(%arg13 : memref<!tpu.dma_semaphore, #tpu.memory_space<semaphore_mem>>)
      %dma_wait3A_139 = arith.constant 4 : i32
      %dma_wait3A_140 = arith.constant 0 : i32
      %dma_wait3A_141 = tpu.memref_slice %arg6[%dma_wait3A_139, %dma_wait3A_140] : memref<16x128xi32, #tpu.memory_space<vmem>> -> memref<1x128xi32, #tpu.memory_space<vmem>>
      %dma_wait3A_142 = tpu.memref_squeeze %dma_wait3A_141 : memref<1x128xi32, #tpu.memory_space<vmem>> -> memref<128xi32, #tpu.memory_space<vmem>>
      %dma_wait3A_143 = arith.constant 0 : i32
      %dma_wait3A_144 = arith.constant 0 : i32
      %dma_wait3A_145 = tpu.memref_slice %arg2[%dma_wait3A_143, %dma_wait3A_144] : memref<10000x128xf32, #tpu.memory_space<hbm>> -> memref<10000x128xf32, #tpu.memory_space<hbm>>
      tpu.wait_indirect_dma semaphore(%arg12 : memref<!tpu.dma_semaphore, #tpu.memory_space<semaphore_mem>>) src(%dma_wait3A_145 : memref<10000x128xf32, #tpu.memory_space<hbm>>) dst(%arg8 : memref<128x128xf32, #tpu.memory_space<vmem>>)
      %dma_start3A_146 = arith.constant 5 : i32
      %dma_start3A_147 = arith.constant 0 : i32
      %dma_start3A_148 = tpu.memref_slice %arg6[%dma_start3A_146, %dma_start3A_147] : memref<16x128xi32, #tpu.memory_space<vmem>> -> memref<1x128xi32, #tpu.memory_space<vmem>>
      %dma_start3A_149 = tpu.memref_squeeze %dma_start3A_148 : memref<1x128xi32, #tpu.memory_space<vmem>> -> memref<128xi32, #tpu.memory_space<vmem>>
      %dma_start3A_150 = arith.constant 0 : i32
      %dma_start3A_151 = arith.constant 0 : i32
      %dma_start3A_152 = tpu.memref_slice %arg5[%dma_start3A_150, %dma_start3A_151] : memref<10240x128xf32, #tpu.memory_space<vmem_shared>> -> memref<10240x128xf32, #tpu.memory_space<vmem_shared>>
      tpu.enqueue_indirect_dma source(%arg8 : memref<128x128xf32, #tpu.memory_space<vmem>>) target(%dma_start3A_152 : memref<10240x128xf32, #tpu.memory_space<vmem_shared>>) offsets(%dma_start3A_149 : memref<128xi32, #tpu.memory_space<vmem>>) semaphore(%arg14 : memref<!tpu.dma_semaphore, #tpu.memory_space<semaphore_mem>>) {add = true}
      %dma_wait3A_153 = arith.constant 5 : i32
      %dma_wait3A_154 = arith.constant 0 : i32
      %dma_wait3A_155 = tpu.memref_slice %arg6[%dma_wait3A_153, %dma_wait3A_154] : memref<16x128xi32, #tpu.memory_space<vmem>> -> memref<1x128xi32, #tpu.memory_space<vmem>>
      %dma_wait3A_156 = tpu.memref_squeeze %dma_wait3A_155 : memref<1x128xi32, #tpu.memory_space<vmem>> -> memref<128xi32, #tpu.memory_space<vmem>>
      %dma_wait3A_157 = arith.constant 0 : i32
      %dma_wait3A_158 = arith.constant 0 : i32
      %dma_wait3A_159 = tpu.memref_slice %arg5[%dma_wait3A_157, %dma_wait3A_158] : memref<10240x128xf32, #tpu.memory_space<vmem_shared>> -> memref<10240x128xf32, #tpu.memory_space<vmem_shared>>
      tpu.wait_indirect_dma semaphore(%arg14 : memref<!tpu.dma_semaphore, #tpu.memory_space<semaphore_mem>>) src(%arg8 : memref<128x128xf32, #tpu.memory_space<vmem>>) dst(%dma_wait3A_159 : memref<10240x128xf32, #tpu.memory_space<vmem_shared>>)
      %dma_start3A_160 = arith.constant 8 : i32
      %dma_start3A_161 = arith.constant 0 : i32
      %dma_start3A_162 = tpu.memref_slice %arg6[%dma_start3A_160, %dma_start3A_161] : memref<16x128xi32, #tpu.memory_space<vmem>> -> memref<1x128xi32, #tpu.memory_space<vmem>>
      %dma_start3A_163 = tpu.memref_squeeze %dma_start3A_162 : memref<1x128xi32, #tpu.memory_space<vmem>> -> memref<128xi32, #tpu.memory_space<vmem>>
      %dma_start3A_164 = arith.constant 0 : i32
      %dma_start3A_165 = arith.constant 0 : i32
      %dma_start3A_166 = tpu.memref_slice %arg2[%dma_start3A_164, %dma_start3A_165] : memref<10000x128xf32, #tpu.memory_space<hbm>> -> memref<10000x128xf32, #tpu.memory_space<hbm>>
      tpu.enqueue_indirect_dma source(%dma_start3A_166 : memref<10000x128xf32, #tpu.memory_space<hbm>>) target(%arg8 : memref<128x128xf32, #tpu.memory_space<vmem>>) offsets(%dma_start3A_163 : memref<128xi32, #tpu.memory_space<vmem>>) semaphore(%arg12 : memref<!tpu.dma_semaphore, #tpu.memory_space<semaphore_mem>>)
      %dma_wait3A_167 = arith.constant 6 : i32
      %dma_wait3A_168 = arith.constant 0 : i32
      %dma_wait3A_169 = tpu.memref_slice %arg6[%dma_wait3A_167, %dma_wait3A_168] : memref<16x128xi32, #tpu.memory_space<vmem>> -> memref<1x128xi32, #tpu.memory_space<vmem>>
      %dma_wait3A_170 = tpu.memref_squeeze %dma_wait3A_169 : memref<1x128xi32, #tpu.memory_space<vmem>> -> memref<128xi32, #tpu.memory_space<vmem>>
      %dma_wait3A_171 = arith.constant 0 : i32
      %dma_wait3A_172 = arith.constant 0 : i32
      %dma_wait3A_173 = tpu.memref_slice %arg2[%dma_wait3A_171, %dma_wait3A_172] : memref<10000x128xf32, #tpu.memory_space<hbm>> -> memref<10000x128xf32, #tpu.memory_space<hbm>>
      tpu.wait_indirect_dma semaphore(%arg13 : memref<!tpu.dma_semaphore, #tpu.memory_space<semaphore_mem>>) src(%dma_wait3A_173 : memref<10000x128xf32, #tpu.memory_space<hbm>>) dst(%arg9 : memref<128x128xf32, #tpu.memory_space<vmem>>)
      %dma_start3A_174 = arith.constant 7 : i32
      %dma_start3A_175 = arith.constant 0 : i32
      %dma_start3A_176 = tpu.memref_slice %arg6[%dma_start3A_174, %dma_start3A_175] : memref<16x128xi32, #tpu.memory_space<vmem>> -> memref<1x128xi32, #tpu.memory_space<vmem>>
      %dma_start3A_177 = tpu.memref_squeeze %dma_start3A_176 : memref<1x128xi32, #tpu.memory_space<vmem>> -> memref<128xi32, #tpu.memory_space<vmem>>
      %dma_start3A_178 = arith.constant 0 : i32
      %dma_start3A_179 = arith.constant 0 : i32
      %dma_start3A_180 = tpu.memref_slice %arg5[%dma_start3A_178, %dma_start3A_179] : memref<10240x128xf32, #tpu.memory_space<vmem_shared>> -> memref<10240x128xf32, #tpu.memory_space<vmem_shared>>
      tpu.enqueue_indirect_dma source(%arg9 : memref<128x128xf32, #tpu.memory_space<vmem>>) target(%dma_start3A_180 : memref<10240x128xf32, #tpu.memory_space<vmem_shared>>) offsets(%dma_start3A_177 : memref<128xi32, #tpu.memory_space<vmem>>) semaphore(%arg15 : memref<!tpu.dma_semaphore, #tpu.memory_space<semaphore_mem>>) {add = true}
      %dma_wait3A_181 = arith.constant 7 : i32
      %dma_wait3A_182 = arith.constant 0 : i32
      %dma_wait3A_183 = tpu.memref_slice %arg6[%dma_wait3A_181, %dma_wait3A_182] : memref<16x128xi32, #tpu.memory_space<vmem>> -> memref<1x128xi32, #tpu.memory_space<vmem>>
      %dma_wait3A_184 = tpu.memref_squeeze %dma_wait3A_183 : memref<1x128xi32, #tpu.memory_space<vmem>> -> memref<128xi32, #tpu.memory_space<vmem>>
      %dma_wait3A_185 = arith.constant 0 : i32
      %dma_wait3A_186 = arith.constant 0 : i32
      %dma_wait3A_187 = tpu.memref_slice %arg5[%dma_wait3A_185, %dma_wait3A_186] : memref<10240x128xf32, #tpu.memory_space<vmem_shared>> -> memref<10240x128xf32, #tpu.memory_space<vmem_shared>>
      tpu.wait_indirect_dma semaphore(%arg15 : memref<!tpu.dma_semaphore, #tpu.memory_space<semaphore_mem>>) src(%arg9 : memref<128x128xf32, #tpu.memory_space<vmem>>) dst(%dma_wait3A_187 : memref<10240x128xf32, #tpu.memory_space<vmem_shared>>)
      %dma_start3A_188 = arith.constant 10 : i32
      %dma_start3A_189 = arith.constant 0 : i32
      %dma_start3A_190 = tpu.memref_slice %arg6[%dma_start3A_188, %dma_start3A_189] : memref<16x128xi32, #tpu.memory_space<vmem>> -> memref<1x128xi32, #tpu.memory_space<vmem>>
      %dma_start3A_191 = tpu.memref_squeeze %dma_start3A_190 : memref<1x128xi32, #tpu.memory_space<vmem>> -> memref<128xi32, #tpu.memory_space<vmem>>
      %dma_start3A_192 = arith.constant 0 : i32
      %dma_start3A_193 = arith.constant 0 : i32
      %dma_start3A_194 = tpu.memref_slice %arg2[%dma_start3A_192, %dma_start3A_193] : memref<10000x128xf32, #tpu.memory_space<hbm>> -> memref<10000x128xf32, #tpu.memory_space<hbm>>
      tpu.enqueue_indirect_dma source(%dma_start3A_194 : memref<10000x128xf32, #tpu.memory_space<hbm>>) target(%arg9 : memref<128x128xf32, #tpu.memory_space<vmem>>) offsets(%dma_start3A_191 : memref<128xi32, #tpu.memory_space<vmem>>) semaphore(%arg13 : memref<!tpu.dma_semaphore, #tpu.memory_space<semaphore_mem>>)
      %dma_wait3A_195 = arith.constant 8 : i32
      %dma_wait3A_196 = arith.constant 0 : i32
      %dma_wait3A_197 = tpu.memref_slice %arg6[%dma_wait3A_195, %dma_wait3A_196] : memref<16x128xi32, #tpu.memory_space<vmem>> -> memref<1x128xi32, #tpu.memory_space<vmem>>
      %dma_wait3A_198 = tpu.memref_squeeze %dma_wait3A_197 : memref<1x128xi32, #tpu.memory_space<vmem>> -> memref<128xi32, #tpu.memory_space<vmem>>
      %dma_wait3A_199 = arith.constant 0 : i32
      %dma_wait3A_200 = arith.constant 0 : i32
      %dma_wait3A_201 = tpu.memref_slice %arg2[%dma_wait3A_199, %dma_wait3A_200] : memref<10000x128xf32, #tpu.memory_space<hbm>> -> memref<10000x128xf32, #tpu.memory_space<hbm>>
      tpu.wait_indirect_dma semaphore(%arg12 : memref<!tpu.dma_semaphore, #tpu.memory_space<semaphore_mem>>) src(%dma_wait3A_201 : memref<10000x128xf32, #tpu.memory_space<hbm>>) dst(%arg8 : memref<128x128xf32, #tpu.memory_space<vmem>>)
      %dma_start3A_202 = arith.constant 9 : i32
      %dma_start3A_203 = arith.constant 0 : i32
      %dma_start3A_204 = tpu.memref_slice %arg6[%dma_start3A_202, %dma_start3A_203] : memref<16x128xi32, #tpu.memory_space<vmem>> -> memref<1x128xi32, #tpu.memory_space<vmem>>
      %dma_start3A_205 = tpu.memref_squeeze %dma_start3A_204 : memref<1x128xi32, #tpu.memory_space<vmem>> -> memref<128xi32, #tpu.memory_space<vmem>>
      %dma_start3A_206 = arith.constant 0 : i32
      %dma_start3A_207 = arith.constant 0 : i32
      %dma_start3A_208 = tpu.memref_slice %arg5[%dma_start3A_206, %dma_start3A_207] : memref<10240x128xf32, #tpu.memory_space<vmem_shared>> -> memref<10240x128xf32, #tpu.memory_space<vmem_shared>>
      tpu.enqueue_indirect_dma source(%arg8 : memref<128x128xf32, #tpu.memory_space<vmem>>) target(%dma_start3A_208 : memref<10240x128xf32, #tpu.memory_space<vmem_shared>>) offsets(%dma_start3A_205 : memref<128xi32, #tpu.memory_space<vmem>>) semaphore(%arg14 : memref<!tpu.dma_semaphore, #tpu.memory_space<semaphore_mem>>) {add = true}
      %dma_wait3A_209 = arith.constant 9 : i32
      %dma_wait3A_210 = arith.constant 0 : i32
      %dma_wait3A_211 = tpu.memref_slice %arg6[%dma_wait3A_209, %dma_wait3A_210] : memref<16x128xi32, #tpu.memory_space<vmem>> -> memref<1x128xi32, #tpu.memory_space<vmem>>
      %dma_wait3A_212 = tpu.memref_squeeze %dma_wait3A_211 : memref<1x128xi32, #tpu.memory_space<vmem>> -> memref<128xi32, #tpu.memory_space<vmem>>
      %dma_wait3A_213 = arith.constant 0 : i32
      %dma_wait3A_214 = arith.constant 0 : i32
      %dma_wait3A_215 = tpu.memref_slice %arg5[%dma_wait3A_213, %dma_wait3A_214] : memref<10240x128xf32, #tpu.memory_space<vmem_shared>> -> memref<10240x128xf32, #tpu.memory_space<vmem_shared>>
      tpu.wait_indirect_dma semaphore(%arg14 : memref<!tpu.dma_semaphore, #tpu.memory_space<semaphore_mem>>) src(%arg8 : memref<128x128xf32, #tpu.memory_space<vmem>>) dst(%dma_wait3A_215 : memref<10240x128xf32, #tpu.memory_space<vmem_shared>>)
      %dma_start3A_216 = arith.constant 12 : i32
      %dma_start3A_217 = arith.constant 0 : i32
      %dma_start3A_218 = tpu.memref_slice %arg6[%dma_start3A_216, %dma_start3A_217] : memref<16x128xi32, #tpu.memory_space<vmem>> -> memref<1x128xi32, #tpu.memory_space<vmem>>
      %dma_start3A_219 = tpu.memref_squeeze %dma_start3A_218 : memref<1x128xi32, #tpu.memory_space<vmem>> -> memref<128xi32, #tpu.memory_space<vmem>>
      %dma_start3A_220 = arith.constant 0 : i32
      %dma_start3A_221 = arith.constant 0 : i32
      %dma_start3A_222 = tpu.memref_slice %arg2[%dma_start3A_220, %dma_start3A_221] : memref<10000x128xf32, #tpu.memory_space<hbm>> -> memref<10000x128xf32, #tpu.memory_space<hbm>>
      tpu.enqueue_indirect_dma source(%dma_start3A_222 : memref<10000x128xf32, #tpu.memory_space<hbm>>) target(%arg8 : memref<128x128xf32, #tpu.memory_space<vmem>>) offsets(%dma_start3A_219 : memref<128xi32, #tpu.memory_space<vmem>>) semaphore(%arg12 : memref<!tpu.dma_semaphore, #tpu.memory_space<semaphore_mem>>)
      %dma_wait3A_223 = arith.constant 10 : i32
      %dma_wait3A_224 = arith.constant 0 : i32
      %dma_wait3A_225 = tpu.memref_slice %arg6[%dma_wait3A_223, %dma_wait3A_224] : memref<16x128xi32, #tpu.memory_space<vmem>> -> memref<1x128xi32, #tpu.memory_space<vmem>>
      %dma_wait3A_226 = tpu.memref_squeeze %dma_wait3A_225 : memref<1x128xi32, #tpu.memory_space<vmem>> -> memref<128xi32, #tpu.memory_space<vmem>>
      %dma_wait3A_227 = arith.constant 0 : i32
      %dma_wait3A_228 = arith.constant 0 : i32
      %dma_wait3A_229 = tpu.memref_slice %arg2[%dma_wait3A_227, %dma_wait3A_228] : memref<10000x128xf32, #tpu.memory_space<hbm>> -> memref<10000x128xf32, #tpu.memory_space<hbm>>
      tpu.wait_indirect_dma semaphore(%arg13 : memref<!tpu.dma_semaphore, #tpu.memory_space<semaphore_mem>>) src(%dma_wait3A_229 : memref<10000x128xf32, #tpu.memory_space<hbm>>) dst(%arg9 : memref<128x128xf32, #tpu.memory_space<vmem>>)
      %dma_start3A_230 = arith.constant 11 : i32
      %dma_start3A_231 = arith.constant 0 : i32
      %dma_start3A_232 = tpu.memref_slice %arg6[%dma_start3A_230, %dma_start3A_231] : memref<16x128xi32, #tpu.memory_space<vmem>> -> memref<1x128xi32, #tpu.memory_space<vmem>>
      %dma_start3A_233 = tpu.memref_squeeze %dma_start3A_232 : memref<1x128xi32, #tpu.memory_space<vmem>> -> memref<128xi32, #tpu.memory_space<vmem>>
      %dma_start3A_234 = arith.constant 0 : i32
      %dma_start3A_235 = arith.constant 0 : i32
      %dma_start3A_236 = tpu.memref_slice %arg5[%dma_start3A_234, %dma_start3A_235] : memref<10240x128xf32, #tpu.memory_space<vmem_shared>> -> memref<10240x128xf32, #tpu.memory_space<vmem_shared>>
      tpu.enqueue_indirect_dma source(%arg9 : memref<128x128xf32, #tpu.memory_space<vmem>>) target(%dma_start3A_236 : memref<10240x128xf32, #tpu.memory_space<vmem_shared>>) offsets(%dma_start3A_233 : memref<128xi32, #tpu.memory_space<vmem>>) semaphore(%arg15 : memref<!tpu.dma_semaphore, #tpu.memory_space<semaphore_mem>>) {add = true}
      %dma_wait3A_237 = arith.constant 11 : i32
      %dma_wait3A_238 = arith.constant 0 : i32
      %dma_wait3A_239 = tpu.memref_slice %arg6[%dma_wait3A_237, %dma_wait3A_238] : memref<16x128xi32, #tpu.memory_space<vmem>> -> memref<1x128xi32, #tpu.memory_space<vmem>>
      %dma_wait3A_240 = tpu.memref_squeeze %dma_wait3A_239 : memref<1x128xi32, #tpu.memory_space<vmem>> -> memref<128xi32, #tpu.memory_space<vmem>>
      %dma_wait3A_241 = arith.constant 0 : i32
      %dma_wait3A_242 = arith.constant 0 : i32
      %dma_wait3A_243 = tpu.memref_slice %arg5[%dma_wait3A_241, %dma_wait3A_242] : memref<10240x128xf32, #tpu.memory_space<vmem_shared>> -> memref<10240x128xf32, #tpu.memory_space<vmem_shared>>
      tpu.wait_indirect_dma semaphore(%arg15 : memref<!tpu.dma_semaphore, #tpu.memory_space<semaphore_mem>>) src(%arg9 : memref<128x128xf32, #tpu.memory_space<vmem>>) dst(%dma_wait3A_243 : memref<10240x128xf32, #tpu.memory_space<vmem_shared>>)
      %dma_start3A_244 = arith.constant 14 : i32
      %dma_start3A_245 = arith.constant 0 : i32
      %dma_start3A_246 = tpu.memref_slice %arg6[%dma_start3A_244, %dma_start3A_245] : memref<16x128xi32, #tpu.memory_space<vmem>> -> memref<1x128xi32, #tpu.memory_space<vmem>>
      %dma_start3A_247 = tpu.memref_squeeze %dma_start3A_246 : memref<1x128xi32, #tpu.memory_space<vmem>> -> memref<128xi32, #tpu.memory_space<vmem>>
      %dma_start3A_248 = arith.constant 0 : i32
      %dma_start3A_249 = arith.constant 0 : i32
      %dma_start3A_250 = tpu.memref_slice %arg2[%dma_start3A_248, %dma_start3A_249] : memref<10000x128xf32, #tpu.memory_space<hbm>> -> memref<10000x128xf32, #tpu.memory_space<hbm>>
      tpu.enqueue_indirect_dma source(%dma_start3A_250 : memref<10000x128xf32, #tpu.memory_space<hbm>>) target(%arg9 : memref<128x128xf32, #tpu.memory_space<vmem>>) offsets(%dma_start3A_247 : memref<128xi32, #tpu.memory_space<vmem>>) semaphore(%arg13 : memref<!tpu.dma_semaphore, #tpu.memory_space<semaphore_mem>>)
      %dma_wait3A_251 = arith.constant 12 : i32
      %dma_wait3A_252 = arith.constant 0 : i32
      %dma_wait3A_253 = tpu.memref_slice %arg6[%dma_wait3A_251, %dma_wait3A_252] : memref<16x128xi32, #tpu.memory_space<vmem>> -> memref<1x128xi32, #tpu.memory_space<vmem>>
      %dma_wait3A_254 = tpu.memref_squeeze %dma_wait3A_253 : memref<1x128xi32, #tpu.memory_space<vmem>> -> memref<128xi32, #tpu.memory_space<vmem>>
      %dma_wait3A_255 = arith.constant 0 : i32
      %dma_wait3A_256 = arith.constant 0 : i32
      %dma_wait3A_257 = tpu.memref_slice %arg2[%dma_wait3A_255, %dma_wait3A_256] : memref<10000x128xf32, #tpu.memory_space<hbm>> -> memref<10000x128xf32, #tpu.memory_space<hbm>>
      tpu.wait_indirect_dma semaphore(%arg12 : memref<!tpu.dma_semaphore, #tpu.memory_space<semaphore_mem>>) src(%dma_wait3A_257 : memref<10000x128xf32, #tpu.memory_space<hbm>>) dst(%arg8 : memref<128x128xf32, #tpu.memory_space<vmem>>)
      %dma_start3A_258 = arith.constant 13 : i32
      %dma_start3A_259 = arith.constant 0 : i32
      %dma_start3A_260 = tpu.memref_slice %arg6[%dma_start3A_258, %dma_start3A_259] : memref<16x128xi32, #tpu.memory_space<vmem>> -> memref<1x128xi32, #tpu.memory_space<vmem>>
      %dma_start3A_261 = tpu.memref_squeeze %dma_start3A_260 : memref<1x128xi32, #tpu.memory_space<vmem>> -> memref<128xi32, #tpu.memory_space<vmem>>
      %dma_start3A_262 = arith.constant 0 : i32
      %dma_start3A_263 = arith.constant 0 : i32
      %dma_start3A_264 = tpu.memref_slice %arg5[%dma_start3A_262, %dma_start3A_263] : memref<10240x128xf32, #tpu.memory_space<vmem_shared>> -> memref<10240x128xf32, #tpu.memory_space<vmem_shared>>
      tpu.enqueue_indirect_dma source(%arg8 : memref<128x128xf32, #tpu.memory_space<vmem>>) target(%dma_start3A_264 : memref<10240x128xf32, #tpu.memory_space<vmem_shared>>) offsets(%dma_start3A_261 : memref<128xi32, #tpu.memory_space<vmem>>) semaphore(%arg14 : memref<!tpu.dma_semaphore, #tpu.memory_space<semaphore_mem>>) {add = true}
      %dma_wait3A_265 = arith.constant 13 : i32
      %dma_wait3A_266 = arith.constant 0 : i32
      %dma_wait3A_267 = tpu.memref_slice %arg6[%dma_wait3A_265, %dma_wait3A_266] : memref<16x128xi32, #tpu.memory_space<vmem>> -> memref<1x128xi32, #tpu.memory_space<vmem>>
      %dma_wait3A_268 = tpu.memref_squeeze %dma_wait3A_267 : memref<1x128xi32, #tpu.memory_space<vmem>> -> memref<128xi32, #tpu.memory_space<vmem>>
      %dma_wait3A_269 = arith.constant 0 : i32
      %dma_wait3A_270 = arith.constant 0 : i32
      %dma_wait3A_271 = tpu.memref_slice %arg5[%dma_wait3A_269, %dma_wait3A_270] : memref<10240x128xf32, #tpu.memory_space<vmem_shared>> -> memref<10240x128xf32, #tpu.memory_space<vmem_shared>>
      tpu.wait_indirect_dma semaphore(%arg14 : memref<!tpu.dma_semaphore, #tpu.memory_space<semaphore_mem>>) src(%arg8 : memref<128x128xf32, #tpu.memory_space<vmem>>) dst(%dma_wait3A_271 : memref<10240x128xf32, #tpu.memory_space<vmem_shared>>)
      %dma_wait3A_272 = arith.constant 14 : i32
      %dma_wait3A_273 = arith.constant 0 : i32
      %dma_wait3A_274 = tpu.memref_slice %arg6[%dma_wait3A_272, %dma_wait3A_273] : memref<16x128xi32, #tpu.memory_space<vmem>> -> memref<1x128xi32, #tpu.memory_space<vmem>>
      %dma_wait3A_275 = tpu.memref_squeeze %dma_wait3A_274 : memref<1x128xi32, #tpu.memory_space<vmem>> -> memref<128xi32, #tpu.memory_space<vmem>>
      %dma_wait3A_276 = arith.constant 0 : i32
      %dma_wait3A_277 = arith.constant 0 : i32
      %dma_wait3A_278 = tpu.memref_slice %arg2[%dma_wait3A_276, %dma_wait3A_277] : memref<10000x128xf32, #tpu.memory_space<hbm>> -> memref<10000x128xf32, #tpu.memory_space<hbm>>
      tpu.wait_indirect_dma semaphore(%arg13 : memref<!tpu.dma_semaphore, #tpu.memory_space<semaphore_mem>>) src(%dma_wait3A_278 : memref<10000x128xf32, #tpu.memory_space<hbm>>) dst(%arg9 : memref<128x128xf32, #tpu.memory_space<vmem>>)
      %dma_start3A_279 = arith.constant 15 : i32
      %dma_start3A_280 = arith.constant 0 : i32
      %dma_start3A_281 = tpu.memref_slice %arg6[%dma_start3A_279, %dma_start3A_280] : memref<16x128xi32, #tpu.memory_space<vmem>> -> memref<1x128xi32, #tpu.memory_space<vmem>>
      %dma_start3A_282 = tpu.memref_squeeze %dma_start3A_281 : memref<1x128xi32, #tpu.memory_space<vmem>> -> memref<128xi32, #tpu.memory_space<vmem>>
      %dma_start3A_283 = arith.constant 0 : i32
      %dma_start3A_284 = arith.constant 0 : i32
      %dma_start3A_285 = tpu.memref_slice %arg5[%dma_start3A_283, %dma_start3A_284] : memref<10240x128xf32, #tpu.memory_space<vmem_shared>> -> memref<10240x128xf32, #tpu.memory_space<vmem_shared>>
      tpu.enqueue_indirect_dma source(%arg9 : memref<128x128xf32, #tpu.memory_space<vmem>>) target(%dma_start3A_285 : memref<10240x128xf32, #tpu.memory_space<vmem_shared>>) offsets(%dma_start3A_282 : memref<128xi32, #tpu.memory_space<vmem>>) semaphore(%arg15 : memref<!tpu.dma_semaphore, #tpu.memory_space<semaphore_mem>>) {add = true}
      %dma_wait3A_286 = arith.constant 15 : i32
      %dma_wait3A_287 = arith.constant 0 : i32
      %dma_wait3A_288 = tpu.memref_slice %arg6[%dma_wait3A_286, %dma_wait3A_287] : memref<16x128xi32, #tpu.memory_space<vmem>> -> memref<1x128xi32, #tpu.memory_space<vmem>>
      %dma_wait3A_289 = tpu.memref_squeeze %dma_wait3A_288 : memref<1x128xi32, #tpu.memory_space<vmem>> -> memref<128xi32, #tpu.memory_space<vmem>>
      %dma_wait3A_290 = arith.constant 0 : i32
      %dma_wait3A_291 = arith.constant 0 : i32
      %dma_wait3A_292 = tpu.memref_slice %arg5[%dma_wait3A_290, %dma_wait3A_291] : memref<10240x128xf32, #tpu.memory_space<vmem_shared>> -> memref<10240x128xf32, #tpu.memory_space<vmem_shared>>
      tpu.wait_indirect_dma semaphore(%arg15 : memref<!tpu.dma_semaphore, #tpu.memory_space<semaphore_mem>>) src(%arg9 : memref<128x128xf32, #tpu.memory_space<vmem>>) dst(%dma_wait3A_292 : memref<10240x128xf32, #tpu.memory_space<vmem_shared>>)
      %add3A_293 = arith.constant 1 : i32
      %add3A_294 = arith.addi %mul3A_51, %add3A_293 : i32
      %dma_wait3A_295 = arith.constant 0 : i32
      %dma_wait3A_296 = arith.constant 0 : i32
      %dma_wait3A_297 = tpu.memref_slice %arg3[%add3A, %add3A_294, %dma_wait3A_295, %dma_wait3A_296] : memref<32x10x16x128xi32, #tpu.memory_space<hbm>> -> memref<1x1x16x128xi32, #tpu.memory_space<hbm>>
      %dma_wait3A_298 = tpu.memref_squeeze %dma_wait3A_297 : memref<1x1x16x128xi32, #tpu.memory_space<hbm>> -> memref<16x128xi32, #tpu.memory_space<hbm>>
      %dma_wait3A_299 = arith.constant 0 : i32
      %dma_wait3A_300 = arith.constant 0 : i32
      %dma_wait3A_301 = tpu.memref_slice %arg3[%add3A, %add3A_294, %dma_wait3A_299, %dma_wait3A_300] : memref<32x10x16x128xi32, #tpu.memory_space<hbm>> -> memref<1x1x16x128xi32, #tpu.memory_space<hbm>>
      %dma_wait3A_302 = tpu.memref_squeeze %dma_wait3A_301 : memref<1x1x16x128xi32, #tpu.memory_space<hbm>> -> memref<16x128xi32, #tpu.memory_space<hbm>>
      tpu.wait_dma2 semaphore(%arg11 : memref<!tpu.dma_semaphore, #tpu.memory_space<semaphore_mem>>) src(%dma_wait3A_302 : memref<16x128xi32, #tpu.memory_space<hbm>>) dst(%arg7 : memref<16x128xi32, #tpu.memory_space<vmem>>)
      %lt3A = arith.constant 4 : i32
      %lt3A_303 = arith.cmpi slt, %scan3A_48, %lt3A : i32
      %convert_element_type3A = arith.extui %lt3A_303 : i1 to i32
      %cond3A = arith.constant 0 : i32
      %cond3A_304 = arith.cmpi ne, %convert_element_type3A, %cond3A : i32
      scf.if %cond3A_304 {
        %add3A_530 = arith.constant 2 : i32
        %add3A_531 = arith.addi %mul3A_51, %add3A_530 : i32
        %dma_start3A_532 = arith.constant 0 : i32
        %dma_start3A_533 = arith.constant 0 : i32
        %dma_start3A_534 = tpu.memref_slice %arg3[%add3A, %add3A_531, %dma_start3A_532, %dma_start3A_533] : memref<32x10x16x128xi32, #tpu.memory_space<hbm>> -> memref<1x1x16x128xi32, #tpu.memory_space<hbm>>
        %dma_start3A_535 = tpu.memref_squeeze %dma_start3A_534 : memref<1x1x16x128xi32, #tpu.memory_space<hbm>> -> memref<16x128xi32, #tpu.memory_space<hbm>>
        %dma_start3A_536 = arith.constant 0 : i32
        %dma_start3A_537 = arith.constant 0 : i32
        %dma_start3A_538 = tpu.memref_slice %arg3[%add3A, %add3A_531, %dma_start3A_536, %dma_start3A_537] : memref<32x10x16x128xi32, #tpu.memory_space<hbm>> -> memref<1x1x16x128xi32, #tpu.memory_space<hbm>>
        %dma_start3A_539 = tpu.memref_squeeze %dma_start3A_538 : memref<1x1x16x128xi32, #tpu.memory_space<hbm>> -> memref<16x128xi32, #tpu.memory_space<hbm>>
        tpu.enqueue_dma source(%dma_start3A_539 : memref<16x128xi32, #tpu.memory_space<hbm>>) target(%arg6 : memref<16x128xi32, #tpu.memory_space<vmem>>) target_semaphore(%arg10 : memref<!tpu.dma_semaphore, #tpu.memory_space<semaphore_mem>>)
      } else {
      }
      %dma_start3A_305 = arith.constant 0 : i32
      %dma_start3A_306 = arith.constant 0 : i32
      %dma_start3A_307 = tpu.memref_slice %arg7[%dma_start3A_305, %dma_start3A_306] : memref<16x128xi32, #tpu.memory_space<vmem>> -> memref<1x128xi32, #tpu.memory_space<vmem>>
      %dma_start3A_308 = tpu.memref_squeeze %dma_start3A_307 : memref<1x128xi32, #tpu.memory_space<vmem>> -> memref<128xi32, #tpu.memory_space<vmem>>
      %dma_start3A_309 = arith.constant 0 : i32
      %dma_start3A_310 = arith.constant 0 : i32
      %dma_start3A_311 = tpu.memref_slice %arg2[%dma_start3A_309, %dma_start3A_310] : memref<10000x128xf32, #tpu.memory_space<hbm>> -> memref<10000x128xf32, #tpu.memory_space<hbm>>
      tpu.enqueue_indirect_dma source(%dma_start3A_311 : memref<10000x128xf32, #tpu.memory_space<hbm>>) target(%arg8 : memref<128x128xf32, #tpu.memory_space<vmem>>) offsets(%dma_start3A_308 : memref<128xi32, #tpu.memory_space<vmem>>) semaphore(%arg12 : memref<!tpu.dma_semaphore, #tpu.memory_space<semaphore_mem>>)
      %dma_start3A_312 = arith.constant 2 : i32
      %dma_start3A_313 = arith.constant 0 : i32
      %dma_start3A_314 = tpu.memref_slice %arg7[%dma_start3A_312, %dma_start3A_313] : memref<16x128xi32, #tpu.memory_space<vmem>> -> memref<1x128xi32, #tpu.memory_space<vmem>>
      %dma_start3A_315 = tpu.memref_squeeze %dma_start3A_314 : memref<1x128xi32, #tpu.memory_space<vmem>> -> memref<128xi32, #tpu.memory_space<vmem>>
      %dma_start3A_316 = arith.constant 0 : i32
      %dma_start3A_317 = arith.constant 0 : i32
      %dma_start3A_318 = tpu.memref_slice %arg2[%dma_start3A_316, %dma_start3A_317] : memref<10000x128xf32, #tpu.memory_space<hbm>> -> memref<10000x128xf32, #tpu.memory_space<hbm>>
      tpu.enqueue_indirect_dma source(%dma_start3A_318 : memref<10000x128xf32, #tpu.memory_space<hbm>>) target(%arg9 : memref<128x128xf32, #tpu.memory_space<vmem>>) offsets(%dma_start3A_315 : memref<128xi32, #tpu.memory_space<vmem>>) semaphore(%arg13 : memref<!tpu.dma_semaphore, #tpu.memory_space<semaphore_mem>>)
      %dma_wait3A_319 = arith.constant 0 : i32
      %dma_wait3A_320 = arith.constant 0 : i32
      %dma_wait3A_321 = tpu.memref_slice %arg7[%dma_wait3A_319, %dma_wait3A_320] : memref<16x128xi32, #tpu.memory_space<vmem>> -> memref<1x128xi32, #tpu.memory_space<vmem>>
      %dma_wait3A_322 = tpu.memref_squeeze %dma_wait3A_321 : memref<1x128xi32, #tpu.memory_space<vmem>> -> memref<128xi32, #tpu.memory_space<vmem>>
      %dma_wait3A_323 = arith.constant 0 : i32
      %dma_wait3A_324 = arith.constant 0 : i32
      %dma_wait3A_325 = tpu.memref_slice %arg2[%dma_wait3A_323, %dma_wait3A_324] : memref<10000x128xf32, #tpu.memory_space<hbm>> -> memref<10000x128xf32, #tpu.memory_space<hbm>>
      tpu.wait_indirect_dma semaphore(%arg12 : memref<!tpu.dma_semaphore, #tpu.memory_space<semaphore_mem>>) src(%dma_wait3A_325 : memref<10000x128xf32, #tpu.memory_space<hbm>>) dst(%arg8 : memref<128x128xf32, #tpu.memory_space<vmem>>)
      %dma_start3A_326 = arith.constant 1 : i32
      %dma_start3A_327 = arith.constant 0 : i32
      %dma_start3A_328 = tpu.memref_slice %arg7[%dma_start3A_326, %dma_start3A_327] : memref<16x128xi32, #tpu.memory_space<vmem>> -> memref<1x128xi32, #tpu.memory_space<vmem>>
      %dma_start3A_329 = tpu.memref_squeeze %dma_start3A_328 : memref<1x128xi32, #tpu.memory_space<vmem>> -> memref<128xi32, #tpu.memory_space<vmem>>
      %dma_start3A_330 = arith.constant 0 : i32
      %dma_start3A_331 = arith.constant 0 : i32
      %dma_start3A_332 = tpu.memref_slice %arg5[%dma_start3A_330, %dma_start3A_331] : memref<10240x128xf32, #tpu.memory_space<vmem_shared>> -> memref<10240x128xf32, #tpu.memory_space<vmem_shared>>
      tpu.enqueue_indirect_dma source(%arg8 : memref<128x128xf32, #tpu.memory_space<vmem>>) target(%dma_start3A_332 : memref<10240x128xf32, #tpu.memory_space<vmem_shared>>) offsets(%dma_start3A_329 : memref<128xi32, #tpu.memory_space<vmem>>) semaphore(%arg14 : memref<!tpu.dma_semaphore, #tpu.memory_space<semaphore_mem>>) {add = true}
      %dma_wait3A_333 = arith.constant 1 : i32
      %dma_wait3A_334 = arith.constant 0 : i32
      %dma_wait3A_335 = tpu.memref_slice %arg7[%dma_wait3A_333, %dma_wait3A_334] : memref<16x128xi32, #tpu.memory_space<vmem>> -> memref<1x128xi32, #tpu.memory_space<vmem>>
      %dma_wait3A_336 = tpu.memref_squeeze %dma_wait3A_335 : memref<1x128xi32, #tpu.memory_space<vmem>> -> memref<128xi32, #tpu.memory_space<vmem>>
      %dma_wait3A_337 = arith.constant 0 : i32
      %dma_wait3A_338 = arith.constant 0 : i32
      %dma_wait3A_339 = tpu.memref_slice %arg5[%dma_wait3A_337, %dma_wait3A_338] : memref<10240x128xf32, #tpu.memory_space<vmem_shared>> -> memref<10240x128xf32, #tpu.memory_space<vmem_shared>>
      tpu.wait_indirect_dma semaphore(%arg14 : memref<!tpu.dma_semaphore, #tpu.memory_space<semaphore_mem>>) src(%arg8 : memref<128x128xf32, #tpu.memory_space<vmem>>) dst(%dma_wait3A_339 : memref<10240x128xf32, #tpu.memory_space<vmem_shared>>)
      %dma_start3A_340 = arith.constant 4 : i32
      %dma_start3A_341 = arith.constant 0 : i32
      %dma_start3A_342 = tpu.memref_slice %arg7[%dma_start3A_340, %dma_start3A_341] : memref<16x128xi32, #tpu.memory_space<vmem>> -> memref<1x128xi32, #tpu.memory_space<vmem>>
      %dma_start3A_343 = tpu.memref_squeeze %dma_start3A_342 : memref<1x128xi32, #tpu.memory_space<vmem>> -> memref<128xi32, #tpu.memory_space<vmem>>
      %dma_start3A_344 = arith.constant 0 : i32
      %dma_start3A_345 = arith.constant 0 : i32
      %dma_start3A_346 = tpu.memref_slice %arg2[%dma_start3A_344, %dma_start3A_345] : memref<10000x128xf32, #tpu.memory_space<hbm>> -> memref<10000x128xf32, #tpu.memory_space<hbm>>
      tpu.enqueue_indirect_dma source(%dma_start3A_346 : memref<10000x128xf32, #tpu.memory_space<hbm>>) target(%arg8 : memref<128x128xf32, #tpu.memory_space<vmem>>) offsets(%dma_start3A_343 : memref<128xi32, #tpu.memory_space<vmem>>) semaphore(%arg12 : memref<!tpu.dma_semaphore, #tpu.memory_space<semaphore_mem>>)
      %dma_wait3A_347 = arith.constant 2 : i32
      %dma_wait3A_348 = arith.constant 0 : i32
      %dma_wait3A_349 = tpu.memref_slice %arg7[%dma_wait3A_347, %dma_wait3A_348] : memref<16x128xi32, #tpu.memory_space<vmem>> -> memref<1x128xi32, #tpu.memory_space<vmem>>
      %dma_wait3A_350 = tpu.memref_squeeze %dma_wait3A_349 : memref<1x128xi32, #tpu.memory_space<vmem>> -> memref<128xi32, #tpu.memory_space<vmem>>
      %dma_wait3A_351 = arith.constant 0 : i32
      %dma_wait3A_352 = arith.constant 0 : i32
      %dma_wait3A_353 = tpu.memref_slice %arg2[%dma_wait3A_351, %dma_wait3A_352] : memref<10000x128xf32, #tpu.memory_space<hbm>> -> memref<10000x128xf32, #tpu.memory_space<hbm>>
      tpu.wait_indirect_dma semaphore(%arg13 : memref<!tpu.dma_semaphore, #tpu.memory_space<semaphore_mem>>) src(%dma_wait3A_353 : memref<10000x128xf32, #tpu.memory_space<hbm>>) dst(%arg9 : memref<128x128xf32, #tpu.memory_space<vmem>>)
      %dma_start3A_354 = arith.constant 3 : i32
      %dma_start3A_355 = arith.constant 0 : i32
      %dma_start3A_356 = tpu.memref_slice %arg7[%dma_start3A_354, %dma_start3A_355] : memref<16x128xi32, #tpu.memory_space<vmem>> -> memref<1x128xi32, #tpu.memory_space<vmem>>
      %dma_start3A_357 = tpu.memref_squeeze %dma_start3A_356 : memref<1x128xi32, #tpu.memory_space<vmem>> -> memref<128xi32, #tpu.memory_space<vmem>>
      %dma_start3A_358 = arith.constant 0 : i32
      %dma_start3A_359 = arith.constant 0 : i32
      %dma_start3A_360 = tpu.memref_slice %arg5[%dma_start3A_358, %dma_start3A_359] : memref<10240x128xf32, #tpu.memory_space<vmem_shared>> -> memref<10240x128xf32, #tpu.memory_space<vmem_shared>>
      tpu.enqueue_indirect_dma source(%arg9 : memref<128x128xf32, #tpu.memory_space<vmem>>) target(%dma_start3A_360 : memref<10240x128xf32, #tpu.memory_space<vmem_shared>>) offsets(%dma_start3A_357 : memref<128xi32, #tpu.memory_space<vmem>>) semaphore(%arg15 : memref<!tpu.dma_semaphore, #tpu.memory_space<semaphore_mem>>) {add = true}
      %dma_wait3A_361 = arith.constant 3 : i32
      %dma_wait3A_362 = arith.constant 0 : i32
      %dma_wait3A_363 = tpu.memref_slice %arg7[%dma_wait3A_361, %dma_wait3A_362] : memref<16x128xi32, #tpu.memory_space<vmem>> -> memref<1x128xi32, #tpu.memory_space<vmem>>
      %dma_wait3A_364 = tpu.memref_squeeze %dma_wait3A_363 : memref<1x128xi32, #tpu.memory_space<vmem>> -> memref<128xi32, #tpu.memory_space<vmem>>
      %dma_wait3A_365 = arith.constant 0 : i32
      %dma_wait3A_366 = arith.constant 0 : i32
      %dma_wait3A_367 = tpu.memref_slice %arg5[%dma_wait3A_365, %dma_wait3A_366] : memref<10240x128xf32, #tpu.memory_space<vmem_shared>> -> memref<10240x128xf32, #tpu.memory_space<vmem_shared>>
      tpu.wait_indirect_dma semaphore(%arg15 : memref<!tpu.dma_semaphore, #tpu.memory_space<semaphore_mem>>) src(%arg9 : memref<128x128xf32, #tpu.memory_space<vmem>>) dst(%dma_wait3A_367 : memref<10240x128xf32, #tpu.memory_space<vmem_shared>>)
      %dma_start3A_368 = arith.constant 6 : i32
      %dma_start3A_369 = arith.constant 0 : i32
      %dma_start3A_370 = tpu.memref_slice %arg7[%dma_start3A_368, %dma_start3A_369] : memref<16x128xi32, #tpu.memory_space<vmem>> -> memref<1x128xi32, #tpu.memory_space<vmem>>
      %dma_start3A_371 = tpu.memref_squeeze %dma_start3A_370 : memref<1x128xi32, #tpu.memory_space<vmem>> -> memref<128xi32, #tpu.memory_space<vmem>>
      %dma_start3A_372 = arith.constant 0 : i32
      %dma_start3A_373 = arith.constant 0 : i32
      %dma_start3A_374 = tpu.memref_slice %arg2[%dma_start3A_372, %dma_start3A_373] : memref<10000x128xf32, #tpu.memory_space<hbm>> -> memref<10000x128xf32, #tpu.memory_space<hbm>>
      tpu.enqueue_indirect_dma source(%dma_start3A_374 : memref<10000x128xf32, #tpu.memory_space<hbm>>) target(%arg9 : memref<128x128xf32, #tpu.memory_space<vmem>>) offsets(%dma_start3A_371 : memref<128xi32, #tpu.memory_space<vmem>>) semaphore(%arg13 : memref<!tpu.dma_semaphore, #tpu.memory_space<semaphore_mem>>)
      %dma_wait3A_375 = arith.constant 4 : i32
      %dma_wait3A_376 = arith.constant 0 : i32
      %dma_wait3A_377 = tpu.memref_slice %arg7[%dma_wait3A_375, %dma_wait3A_376] : memref<16x128xi32, #tpu.memory_space<vmem>> -> memref<1x128xi32, #tpu.memory_space<vmem>>
      %dma_wait3A_378 = tpu.memref_squeeze %dma_wait3A_377 : memref<1x128xi32, #tpu.memory_space<vmem>> -> memref<128xi32, #tpu.memory_space<vmem>>
      %dma_wait3A_379 = arith.constant 0 : i32
      %dma_wait3A_380 = arith.constant 0 : i32
      %dma_wait3A_381 = tpu.memref_slice %arg2[%dma_wait3A_379, %dma_wait3A_380] : memref<10000x128xf32, #tpu.memory_space<hbm>> -> memref<10000x128xf32, #tpu.memory_space<hbm>>
      tpu.wait_indirect_dma semaphore(%arg12 : memref<!tpu.dma_semaphore, #tpu.memory_space<semaphore_mem>>) src(%dma_wait3A_381 : memref<10000x128xf32, #tpu.memory_space<hbm>>) dst(%arg8 : memref<128x128xf32, #tpu.memory_space<vmem>>)
      %dma_start3A_382 = arith.constant 5 : i32
      %dma_start3A_383 = arith.constant 0 : i32
      %dma_start3A_384 = tpu.memref_slice %arg7[%dma_start3A_382, %dma_start3A_383] : memref<16x128xi32, #tpu.memory_space<vmem>> -> memref<1x128xi32, #tpu.memory_space<vmem>>
      %dma_start3A_385 = tpu.memref_squeeze %dma_start3A_384 : memref<1x128xi32, #tpu.memory_space<vmem>> -> memref<128xi32, #tpu.memory_space<vmem>>
      %dma_start3A_386 = arith.constant 0 : i32
      %dma_start3A_387 = arith.constant 0 : i32
      %dma_start3A_388 = tpu.memref_slice %arg5[%dma_start3A_386, %dma_start3A_387] : memref<10240x128xf32, #tpu.memory_space<vmem_shared>> -> memref<10240x128xf32, #tpu.memory_space<vmem_shared>>
      tpu.enqueue_indirect_dma source(%arg8 : memref<128x128xf32, #tpu.memory_space<vmem>>) target(%dma_start3A_388 : memref<10240x128xf32, #tpu.memory_space<vmem_shared>>) offsets(%dma_start3A_385 : memref<128xi32, #tpu.memory_space<vmem>>) semaphore(%arg14 : memref<!tpu.dma_semaphore, #tpu.memory_space<semaphore_mem>>) {add = true}
      %dma_wait3A_389 = arith.constant 5 : i32
      %dma_wait3A_390 = arith.constant 0 : i32
      %dma_wait3A_391 = tpu.memref_slice %arg7[%dma_wait3A_389, %dma_wait3A_390] : memref<16x128xi32, #tpu.memory_space<vmem>> -> memref<1x128xi32, #tpu.memory_space<vmem>>
      %dma_wait3A_392 = tpu.memref_squeeze %dma_wait3A_391 : memref<1x128xi32, #tpu.memory_space<vmem>> -> memref<128xi32, #tpu.memory_space<vmem>>
      %dma_wait3A_393 = arith.constant 0 : i32
      %dma_wait3A_394 = arith.constant 0 : i32
      %dma_wait3A_395 = tpu.memref_slice %arg5[%dma_wait3A_393, %dma_wait3A_394] : memref<10240x128xf32, #tpu.memory_space<vmem_shared>> -> memref<10240x128xf32, #tpu.memory_space<vmem_shared>>
      tpu.wait_indirect_dma semaphore(%arg14 : memref<!tpu.dma_semaphore, #tpu.memory_space<semaphore_mem>>) src(%arg8 : memref<128x128xf32, #tpu.memory_space<vmem>>) dst(%dma_wait3A_395 : memref<10240x128xf32, #tpu.memory_space<vmem_shared>>)
      %dma_start3A_396 = arith.constant 8 : i32
      %dma_start3A_397 = arith.constant 0 : i32
      %dma_start3A_398 = tpu.memref_slice %arg7[%dma_start3A_396, %dma_start3A_397] : memref<16x128xi32, #tpu.memory_space<vmem>> -> memref<1x128xi32, #tpu.memory_space<vmem>>
      %dma_start3A_399 = tpu.memref_squeeze %dma_start3A_398 : memref<1x128xi32, #tpu.memory_space<vmem>> -> memref<128xi32, #tpu.memory_space<vmem>>
      %dma_start3A_400 = arith.constant 0 : i32
      %dma_start3A_401 = arith.constant 0 : i32
      %dma_start3A_402 = tpu.memref_slice %arg2[%dma_start3A_400, %dma_start3A_401] : memref<10000x128xf32, #tpu.memory_space<hbm>> -> memref<10000x128xf32, #tpu.memory_space<hbm>>
      tpu.enqueue_indirect_dma source(%dma_start3A_402 : memref<10000x128xf32, #tpu.memory_space<hbm>>) target(%arg8 : memref<128x128xf32, #tpu.memory_space<vmem>>) offsets(%dma_start3A_399 : memref<128xi32, #tpu.memory_space<vmem>>) semaphore(%arg12 : memref<!tpu.dma_semaphore, #tpu.memory_space<semaphore_mem>>)
      %dma_wait3A_403 = arith.constant 6 : i32
      %dma_wait3A_404 = arith.constant 0 : i32
      %dma_wait3A_405 = tpu.memref_slice %arg7[%dma_wait3A_403, %dma_wait3A_404] : memref<16x128xi32, #tpu.memory_space<vmem>> -> memref<1x128xi32, #tpu.memory_space<vmem>>
      %dma_wait3A_406 = tpu.memref_squeeze %dma_wait3A_405 : memref<1x128xi32, #tpu.memory_space<vmem>> -> memref<128xi32, #tpu.memory_space<vmem>>
      %dma_wait3A_407 = arith.constant 0 : i32
      %dma_wait3A_408 = arith.constant 0 : i32
      %dma_wait3A_409 = tpu.memref_slice %arg2[%dma_wait3A_407, %dma_wait3A_408] : memref<10000x128xf32, #tpu.memory_space<hbm>> -> memref<10000x128xf32, #tpu.memory_space<hbm>>
      tpu.wait_indirect_dma semaphore(%arg13 : memref<!tpu.dma_semaphore, #tpu.memory_space<semaphore_mem>>) src(%dma_wait3A_409 : memref<10000x128xf32, #tpu.memory_space<hbm>>) dst(%arg9 : memref<128x128xf32, #tpu.memory_space<vmem>>)
      %dma_start3A_410 = arith.constant 7 : i32
      %dma_start3A_411 = arith.constant 0 : i32
      %dma_start3A_412 = tpu.memref_slice %arg7[%dma_start3A_410, %dma_start3A_411] : memref<16x128xi32, #tpu.memory_space<vmem>> -> memref<1x128xi32, #tpu.memory_space<vmem>>
      %dma_start3A_413 = tpu.memref_squeeze %dma_start3A_412 : memref<1x128xi32, #tpu.memory_space<vmem>> -> memref<128xi32, #tpu.memory_space<vmem>>
      %dma_start3A_414 = arith.constant 0 : i32
      %dma_start3A_415 = arith.constant 0 : i32
      %dma_start3A_416 = tpu.memref_slice %arg5[%dma_start3A_414, %dma_start3A_415] : memref<10240x128xf32, #tpu.memory_space<vmem_shared>> -> memref<10240x128xf32, #tpu.memory_space<vmem_shared>>
      tpu.enqueue_indirect_dma source(%arg9 : memref<128x128xf32, #tpu.memory_space<vmem>>) target(%dma_start3A_416 : memref<10240x128xf32, #tpu.memory_space<vmem_shared>>) offsets(%dma_start3A_413 : memref<128xi32, #tpu.memory_space<vmem>>) semaphore(%arg15 : memref<!tpu.dma_semaphore, #tpu.memory_space<semaphore_mem>>) {add = true}
      %dma_wait3A_417 = arith.constant 7 : i32
      %dma_wait3A_418 = arith.constant 0 : i32
      %dma_wait3A_419 = tpu.memref_slice %arg7[%dma_wait3A_417, %dma_wait3A_418] : memref<16x128xi32, #tpu.memory_space<vmem>> -> memref<1x128xi32, #tpu.memory_space<vmem>>
      %dma_wait3A_420 = tpu.memref_squeeze %dma_wait3A_419 : memref<1x128xi32, #tpu.memory_space<vmem>> -> memref<128xi32, #tpu.memory_space<vmem>>
      %dma_wait3A_421 = arith.constant 0 : i32
      %dma_wait3A_422 = arith.constant 0 : i32
      %dma_wait3A_423 = tpu.memref_slice %arg5[%dma_wait3A_421, %dma_wait3A_422] : memref<10240x128xf32, #tpu.memory_space<vmem_shared>> -> memref<10240x128xf32, #tpu.memory_space<vmem_shared>>
      tpu.wait_indirect_dma semaphore(%arg15 : memref<!tpu.dma_semaphore, #tpu.memory_space<semaphore_mem>>) src(%arg9 : memref<128x128xf32, #tpu.memory_space<vmem>>) dst(%dma_wait3A_423 : memref<10240x128xf32, #tpu.memory_space<vmem_shared>>)
      %dma_start3A_424 = arith.constant 10 : i32
      %dma_start3A_425 = arith.constant 0 : i32
      %dma_start3A_426 = tpu.memref_slice %arg7[%dma_start3A_424, %dma_start3A_425] : memref<16x128xi32, #tpu.memory_space<vmem>> -> memref<1x128xi32, #tpu.memory_space<vmem>>
      %dma_start3A_427 = tpu.memref_squeeze %dma_start3A_426 : memref<1x128xi32, #tpu.memory_space<vmem>> -> memref<128xi32, #tpu.memory_space<vmem>>
      %dma_start3A_428 = arith.constant 0 : i32
      %dma_start3A_429 = arith.constant 0 : i32
      %dma_start3A_430 = tpu.memref_slice %arg2[%dma_start3A_428, %dma_start3A_429] : memref<10000x128xf32, #tpu.memory_space<hbm>> -> memref<10000x128xf32, #tpu.memory_space<hbm>>
      tpu.enqueue_indirect_dma source(%dma_start3A_430 : memref<10000x128xf32, #tpu.memory_space<hbm>>) target(%arg9 : memref<128x128xf32, #tpu.memory_space<vmem>>) offsets(%dma_start3A_427 : memref<128xi32, #tpu.memory_space<vmem>>) semaphore(%arg13 : memref<!tpu.dma_semaphore, #tpu.memory_space<semaphore_mem>>)
      %dma_wait3A_431 = arith.constant 8 : i32
      %dma_wait3A_432 = arith.constant 0 : i32
      %dma_wait3A_433 = tpu.memref_slice %arg7[%dma_wait3A_431, %dma_wait3A_432] : memref<16x128xi32, #tpu.memory_space<vmem>> -> memref<1x128xi32, #tpu.memory_space<vmem>>
      %dma_wait3A_434 = tpu.memref_squeeze %dma_wait3A_433 : memref<1x128xi32, #tpu.memory_space<vmem>> -> memref<128xi32, #tpu.memory_space<vmem>>
      %dma_wait3A_435 = arith.constant 0 : i32
      %dma_wait3A_436 = arith.constant 0 : i32
      %dma_wait3A_437 = tpu.memref_slice %arg2[%dma_wait3A_435, %dma_wait3A_436] : memref<10000x128xf32, #tpu.memory_space<hbm>> -> memref<10000x128xf32, #tpu.memory_space<hbm>>
      tpu.wait_indirect_dma semaphore(%arg12 : memref<!tpu.dma_semaphore, #tpu.memory_space<semaphore_mem>>) src(%dma_wait3A_437 : memref<10000x128xf32, #tpu.memory_space<hbm>>) dst(%arg8 : memref<128x128xf32, #tpu.memory_space<vmem>>)
      %dma_start3A_438 = arith.constant 9 : i32
      %dma_start3A_439 = arith.constant 0 : i32
      %dma_start3A_440 = tpu.memref_slice %arg7[%dma_start3A_438, %dma_start3A_439] : memref<16x128xi32, #tpu.memory_space<vmem>> -> memref<1x128xi32, #tpu.memory_space<vmem>>
      %dma_start3A_441 = tpu.memref_squeeze %dma_start3A_440 : memref<1x128xi32, #tpu.memory_space<vmem>> -> memref<128xi32, #tpu.memory_space<vmem>>
      %dma_start3A_442 = arith.constant 0 : i32
      %dma_start3A_443 = arith.constant 0 : i32
      %dma_start3A_444 = tpu.memref_slice %arg5[%dma_start3A_442, %dma_start3A_443] : memref<10240x128xf32, #tpu.memory_space<vmem_shared>> -> memref<10240x128xf32, #tpu.memory_space<vmem_shared>>
      tpu.enqueue_indirect_dma source(%arg8 : memref<128x128xf32, #tpu.memory_space<vmem>>) target(%dma_start3A_444 : memref<10240x128xf32, #tpu.memory_space<vmem_shared>>) offsets(%dma_start3A_441 : memref<128xi32, #tpu.memory_space<vmem>>) semaphore(%arg14 : memref<!tpu.dma_semaphore, #tpu.memory_space<semaphore_mem>>) {add = true}
      %dma_wait3A_445 = arith.constant 9 : i32
      %dma_wait3A_446 = arith.constant 0 : i32
      %dma_wait3A_447 = tpu.memref_slice %arg7[%dma_wait3A_445, %dma_wait3A_446] : memref<16x128xi32, #tpu.memory_space<vmem>> -> memref<1x128xi32, #tpu.memory_space<vmem>>
      %dma_wait3A_448 = tpu.memref_squeeze %dma_wait3A_447 : memref<1x128xi32, #tpu.memory_space<vmem>> -> memref<128xi32, #tpu.memory_space<vmem>>
      %dma_wait3A_449 = arith.constant 0 : i32
      %dma_wait3A_450 = arith.constant 0 : i32
      %dma_wait3A_451 = tpu.memref_slice %arg5[%dma_wait3A_449, %dma_wait3A_450] : memref<10240x128xf32, #tpu.memory_space<vmem_shared>> -> memref<10240x128xf32, #tpu.memory_space<vmem_shared>>
      tpu.wait_indirect_dma semaphore(%arg14 : memref<!tpu.dma_semaphore, #tpu.memory_space<semaphore_mem>>) src(%arg8 : memref<128x128xf32, #tpu.memory_space<vmem>>) dst(%dma_wait3A_451 : memref<10240x128xf32, #tpu.memory_space<vmem_shared>>)
      %dma_start3A_452 = arith.constant 12 : i32
      %dma_start3A_453 = arith.constant 0 : i32
      %dma_start3A_454 = tpu.memref_slice %arg7[%dma_start3A_452, %dma_start3A_453] : memref<16x128xi32, #tpu.memory_space<vmem>> -> memref<1x128xi32, #tpu.memory_space<vmem>>
      %dma_start3A_455 = tpu.memref_squeeze %dma_start3A_454 : memref<1x128xi32, #tpu.memory_space<vmem>> -> memref<128xi32, #tpu.memory_space<vmem>>
      %dma_start3A_456 = arith.constant 0 : i32
      %dma_start3A_457 = arith.constant 0 : i32
      %dma_start3A_458 = tpu.memref_slice %arg2[%dma_start3A_456, %dma_start3A_457] : memref<10000x128xf32, #tpu.memory_space<hbm>> -> memref<10000x128xf32, #tpu.memory_space<hbm>>
      tpu.enqueue_indirect_dma source(%dma_start3A_458 : memref<10000x128xf32, #tpu.memory_space<hbm>>) target(%arg8 : memref<128x128xf32, #tpu.memory_space<vmem>>) offsets(%dma_start3A_455 : memref<128xi32, #tpu.memory_space<vmem>>) semaphore(%arg12 : memref<!tpu.dma_semaphore, #tpu.memory_space<semaphore_mem>>)
      %dma_wait3A_459 = arith.constant 10 : i32
      %dma_wait3A_460 = arith.constant 0 : i32
      %dma_wait3A_461 = tpu.memref_slice %arg7[%dma_wait3A_459, %dma_wait3A_460] : memref<16x128xi32, #tpu.memory_space<vmem>> -> memref<1x128xi32, #tpu.memory_space<vmem>>
      %dma_wait3A_462 = tpu.memref_squeeze %dma_wait3A_461 : memref<1x128xi32, #tpu.memory_space<vmem>> -> memref<128xi32, #tpu.memory_space<vmem>>
      %dma_wait3A_463 = arith.constant 0 : i32
      %dma_wait3A_464 = arith.constant 0 : i32
      %dma_wait3A_465 = tpu.memref_slice %arg2[%dma_wait3A_463, %dma_wait3A_464] : memref<10000x128xf32, #tpu.memory_space<hbm>> -> memref<10000x128xf32, #tpu.memory_space<hbm>>
      tpu.wait_indirect_dma semaphore(%arg13 : memref<!tpu.dma_semaphore, #tpu.memory_space<semaphore_mem>>) src(%dma_wait3A_465 : memref<10000x128xf32, #tpu.memory_space<hbm>>) dst(%arg9 : memref<128x128xf32, #tpu.memory_space<vmem>>)
      %dma_start3A_466 = arith.constant 11 : i32
      %dma_start3A_467 = arith.constant 0 : i32
      %dma_start3A_468 = tpu.memref_slice %arg7[%dma_start3A_466, %dma_start3A_467] : memref<16x128xi32, #tpu.memory_space<vmem>> -> memref<1x128xi32, #tpu.memory_space<vmem>>
      %dma_start3A_469 = tpu.memref_squeeze %dma_start3A_468 : memref<1x128xi32, #tpu.memory_space<vmem>> -> memref<128xi32, #tpu.memory_space<vmem>>
      %dma_start3A_470 = arith.constant 0 : i32
      %dma_start3A_471 = arith.constant 0 : i32
      %dma_start3A_472 = tpu.memref_slice %arg5[%dma_start3A_470, %dma_start3A_471] : memref<10240x128xf32, #tpu.memory_space<vmem_shared>> -> memref<10240x128xf32, #tpu.memory_space<vmem_shared>>
      tpu.enqueue_indirect_dma source(%arg9 : memref<128x128xf32, #tpu.memory_space<vmem>>) target(%dma_start3A_472 : memref<10240x128xf32, #tpu.memory_space<vmem_shared>>) offsets(%dma_start3A_469 : memref<128xi32, #tpu.memory_space<vmem>>) semaphore(%arg15 : memref<!tpu.dma_semaphore, #tpu.memory_space<semaphore_mem>>) {add = true}
      %dma_wait3A_473 = arith.constant 11 : i32
      %dma_wait3A_474 = arith.constant 0 : i32
      %dma_wait3A_475 = tpu.memref_slice %arg7[%dma_wait3A_473, %dma_wait3A_474] : memref<16x128xi32, #tpu.memory_space<vmem>> -> memref<1x128xi32, #tpu.memory_space<vmem>>
      %dma_wait3A_476 = tpu.memref_squeeze %dma_wait3A_475 : memref<1x128xi32, #tpu.memory_space<vmem>> -> memref<128xi32, #tpu.memory_space<vmem>>
      %dma_wait3A_477 = arith.constant 0 : i32
      %dma_wait3A_478 = arith.constant 0 : i32
      %dma_wait3A_479 = tpu.memref_slice %arg5[%dma_wait3A_477, %dma_wait3A_478] : memref<10240x128xf32, #tpu.memory_space<vmem_shared>> -> memref<10240x128xf32, #tpu.memory_space<vmem_shared>>
      tpu.wait_indirect_dma semaphore(%arg15 : memref<!tpu.dma_semaphore, #tpu.memory_space<semaphore_mem>>) src(%arg9 : memref<128x128xf32, #tpu.memory_space<vmem>>) dst(%dma_wait3A_479 : memref<10240x128xf32, #tpu.memory_space<vmem_shared>>)
      %dma_start3A_480 = arith.constant 14 : i32
      %dma_start3A_481 = arith.constant 0 : i32
      %dma_start3A_482 = tpu.memref_slice %arg7[%dma_start3A_480, %dma_start3A_481] : memref<16x128xi32, #tpu.memory_space<vmem>> -> memref<1x128xi32, #tpu.memory_space<vmem>>
      %dma_start3A_483 = tpu.memref_squeeze %dma_start3A_482 : memref<1x128xi32, #tpu.memory_space<vmem>> -> memref<128xi32, #tpu.memory_space<vmem>>
      %dma_start3A_484 = arith.constant 0 : i32
      %dma_start3A_485 = arith.constant 0 : i32
      %dma_start3A_486 = tpu.memref_slice %arg2[%dma_start3A_484, %dma_start3A_485] : memref<10000x128xf32, #tpu.memory_space<hbm>> -> memref<10000x128xf32, #tpu.memory_space<hbm>>
      tpu.enqueue_indirect_dma source(%dma_start3A_486 : memref<10000x128xf32, #tpu.memory_space<hbm>>) target(%arg9 : memref<128x128xf32, #tpu.memory_space<vmem>>) offsets(%dma_start3A_483 : memref<128xi32, #tpu.memory_space<vmem>>) semaphore(%arg13 : memref<!tpu.dma_semaphore, #tpu.memory_space<semaphore_mem>>)
      %dma_wait3A_487 = arith.constant 12 : i32
      %dma_wait3A_488 = arith.constant 0 : i32
      %dma_wait3A_489 = tpu.memref_slice %arg7[%dma_wait3A_487, %dma_wait3A_488] : memref<16x128xi32, #tpu.memory_space<vmem>> -> memref<1x128xi32, #tpu.memory_space<vmem>>
      %dma_wait3A_490 = tpu.memref_squeeze %dma_wait3A_489 : memref<1x128xi32, #tpu.memory_space<vmem>> -> memref<128xi32, #tpu.memory_space<vmem>>
      %dma_wait3A_491 = arith.constant 0 : i32
      %dma_wait3A_492 = arith.constant 0 : i32
      %dma_wait3A_493 = tpu.memref_slice %arg2[%dma_wait3A_491, %dma_wait3A_492] : memref<10000x128xf32, #tpu.memory_space<hbm>> -> memref<10000x128xf32, #tpu.memory_space<hbm>>
      tpu.wait_indirect_dma semaphore(%arg12 : memref<!tpu.dma_semaphore, #tpu.memory_space<semaphore_mem>>) src(%dma_wait3A_493 : memref<10000x128xf32, #tpu.memory_space<hbm>>) dst(%arg8 : memref<128x128xf32, #tpu.memory_space<vmem>>)
      %dma_start3A_494 = arith.constant 13 : i32
      %dma_start3A_495 = arith.constant 0 : i32
      %dma_start3A_496 = tpu.memref_slice %arg7[%dma_start3A_494, %dma_start3A_495] : memref<16x128xi32, #tpu.memory_space<vmem>> -> memref<1x128xi32, #tpu.memory_space<vmem>>
      %dma_start3A_497 = tpu.memref_squeeze %dma_start3A_496 : memref<1x128xi32, #tpu.memory_space<vmem>> -> memref<128xi32, #tpu.memory_space<vmem>>
      %dma_start3A_498 = arith.constant 0 : i32
      %dma_start3A_499 = arith.constant 0 : i32
      %dma_start3A_500 = tpu.memref_slice %arg5[%dma_start3A_498, %dma_start3A_499] : memref<10240x128xf32, #tpu.memory_space<vmem_shared>> -> memref<10240x128xf32, #tpu.memory_space<vmem_shared>>
      tpu.enqueue_indirect_dma source(%arg8 : memref<128x128xf32, #tpu.memory_space<vmem>>) target(%dma_start3A_500 : memref<10240x128xf32, #tpu.memory_space<vmem_shared>>) offsets(%dma_start3A_497 : memref<128xi32, #tpu.memory_space<vmem>>) semaphore(%arg14 : memref<!tpu.dma_semaphore, #tpu.memory_space<semaphore_mem>>) {add = true}
      %dma_wait3A_501 = arith.constant 13 : i32
      %dma_wait3A_502 = arith.constant 0 : i32
      %dma_wait3A_503 = tpu.memref_slice %arg7[%dma_wait3A_501, %dma_wait3A_502] : memref<16x128xi32, #tpu.memory_space<vmem>> -> memref<1x128xi32, #tpu.memory_space<vmem>>
      %dma_wait3A_504 = tpu.memref_squeeze %dma_wait3A_503 : memref<1x128xi32, #tpu.memory_space<vmem>> -> memref<128xi32, #tpu.memory_space<vmem>>
      %dma_wait3A_505 = arith.constant 0 : i32
      %dma_wait3A_506 = arith.constant 0 : i32
      %dma_wait3A_507 = tpu.memref_slice %arg5[%dma_wait3A_505, %dma_wait3A_506] : memref<10240x128xf32, #tpu.memory_space<vmem_shared>> -> memref<10240x128xf32, #tpu.memory_space<vmem_shared>>
      tpu.wait_indirect_dma semaphore(%arg14 : memref<!tpu.dma_semaphore, #tpu.memory_space<semaphore_mem>>) src(%arg8 : memref<128x128xf32, #tpu.memory_space<vmem>>) dst(%dma_wait3A_507 : memref<10240x128xf32, #tpu.memory_space<vmem_shared>>)
      %dma_wait3A_508 = arith.constant 14 : i32
      %dma_wait3A_509 = arith.constant 0 : i32
      %dma_wait3A_510 = tpu.memref_slice %arg7[%dma_wait3A_508, %dma_wait3A_509] : memref<16x128xi32, #tpu.memory_space<vmem>> -> memref<1x128xi32, #tpu.memory_space<vmem>>
      %dma_wait3A_511 = tpu.memref_squeeze %dma_wait3A_510 : memref<1x128xi32, #tpu.memory_space<vmem>> -> memref<128xi32, #tpu.memory_space<vmem>>
      %dma_wait3A_512 = arith.constant 0 : i32
      %dma_wait3A_513 = arith.constant 0 : i32
      %dma_wait3A_514 = tpu.memref_slice %arg2[%dma_wait3A_512, %dma_wait3A_513] : memref<10000x128xf32, #tpu.memory_space<hbm>> -> memref<10000x128xf32, #tpu.memory_space<hbm>>
      tpu.wait_indirect_dma semaphore(%arg13 : memref<!tpu.dma_semaphore, #tpu.memory_space<semaphore_mem>>) src(%dma_wait3A_514 : memref<10000x128xf32, #tpu.memory_space<hbm>>) dst(%arg9 : memref<128x128xf32, #tpu.memory_space<vmem>>)
      %dma_start3A_515 = arith.constant 15 : i32
      %dma_start3A_516 = arith.constant 0 : i32
      %dma_start3A_517 = tpu.memref_slice %arg7[%dma_start3A_515, %dma_start3A_516] : memref<16x128xi32, #tpu.memory_space<vmem>> -> memref<1x128xi32, #tpu.memory_space<vmem>>
      %dma_start3A_518 = tpu.memref_squeeze %dma_start3A_517 : memref<1x128xi32, #tpu.memory_space<vmem>> -> memref<128xi32, #tpu.memory_space<vmem>>
      %dma_start3A_519 = arith.constant 0 : i32
      %dma_start3A_520 = arith.constant 0 : i32
      %dma_start3A_521 = tpu.memref_slice %arg5[%dma_start3A_519, %dma_start3A_520] : memref<10240x128xf32, #tpu.memory_space<vmem_shared>> -> memref<10240x128xf32, #tpu.memory_space<vmem_shared>>
      tpu.enqueue_indirect_dma source(%arg9 : memref<128x128xf32, #tpu.memory_space<vmem>>) target(%dma_start3A_521 : memref<10240x128xf32, #tpu.memory_space<vmem_shared>>) offsets(%dma_start3A_518 : memref<128xi32, #tpu.memory_space<vmem>>) semaphore(%arg15 : memref<!tpu.dma_semaphore, #tpu.memory_space<semaphore_mem>>) {add = true}
      %dma_wait3A_522 = arith.constant 15 : i32
      %dma_wait3A_523 = arith.constant 0 : i32
      %dma_wait3A_524 = tpu.memref_slice %arg7[%dma_wait3A_522, %dma_wait3A_523] : memref<16x128xi32, #tpu.memory_space<vmem>> -> memref<1x128xi32, #tpu.memory_space<vmem>>
      %dma_wait3A_525 = tpu.memref_squeeze %dma_wait3A_524 : memref<1x128xi32, #tpu.memory_space<vmem>> -> memref<128xi32, #tpu.memory_space<vmem>>
      %dma_wait3A_526 = arith.constant 0 : i32
      %dma_wait3A_527 = arith.constant 0 : i32
      %dma_wait3A_528 = tpu.memref_slice %arg5[%dma_wait3A_526, %dma_wait3A_527] : memref<10240x128xf32, #tpu.memory_space<vmem_shared>> -> memref<10240x128xf32, #tpu.memory_space<vmem_shared>>
      tpu.wait_indirect_dma semaphore(%arg15 : memref<!tpu.dma_semaphore, #tpu.memory_space<semaphore_mem>>) src(%arg9 : memref<128x128xf32, #tpu.memory_space<vmem>>) dst(%dma_wait3A_528 : memref<10240x128xf32, #tpu.memory_space<vmem_shared>>)
      %scan3A_529 = arith.constant 0 : i32
      scf.yield %scan3A_529 : i32
    }
    %scan3A_42 = arith.constant 5 : i32
    %barrier3A_43 = arith.constant 0 : index
    tpu.barrier barrier_id(%barrier3A_43)
    %mul3A_44 = arith.constant 640 : i32
    %mul3A_45 = arith.muli %arg1, %mul3A_44 : i32
    %mul3A_46 = arith.constant 640 : i32
    %mul3A_47 = arith.muli %arg1, %mul3A_46 : i32
    "tpu.region"() ({
      %run_scoped3A = tpu.sem_alloc : memref<!tpu.dma_semaphore, #tpu.memory_space<semaphore_mem>>
      %dma_start3A_48 = arith.constant 0 : i32
      %dma_start3A_49 = tpu.memref_slice %arg4[%arg0, %mul3A_47, %dma_start3A_48] : memref<2x10240x128xf32, #tpu.memory_space<hbm>> -> memref<1x640x128xf32, #tpu.memory_space<hbm>>
      %dma_start3A_50 = tpu.memref_squeeze %dma_start3A_49 : memref<1x640x128xf32, #tpu.memory_space<hbm>> -> memref<640x128xf32, #tpu.memory_space<hbm>>
      %dma_start3A_51 = arith.constant 0 : i32
      %dma_start3A_52 = tpu.memref_slice %arg5[%mul3A_45, %dma_start3A_51] : memref<10240x128xf32, #tpu.memory_space<vmem_shared>> -> memref<640x128xf32, #tpu.memory_space<vmem_shared>>
      tpu.enqueue_dma source(%dma_start3A_52 : memref<640x128xf32, #tpu.memory_space<vmem_shared>>) target(%dma_start3A_50 : memref<640x128xf32, #tpu.memory_space<hbm>>) target_semaphore(%run_scoped3A : memref<!tpu.dma_semaphore, #tpu.memory_space<semaphore_mem>>)
      %dma_wait3A = arith.constant 0 : i32
      %dma_wait3A_53 = tpu.memref_slice %arg4[%arg0, %mul3A_47, %dma_wait3A] : memref<2x10240x128xf32, #tpu.memory_space<hbm>> -> memref<1x640x128xf32, #tpu.memory_space<hbm>>
      %dma_wait3A_54 = tpu.memref_squeeze %dma_wait3A_53 : memref<1x640x128xf32, #tpu.memory_space<hbm>> -> memref<640x128xf32, #tpu.memory_space<hbm>>
      %dma_wait3A_55 = arith.constant 0 : i32
      %dma_wait3A_56 = tpu.memref_slice %arg5[%mul3A_45, %dma_wait3A_55] : memref<10240x128xf32, #tpu.memory_space<vmem_shared>> -> memref<640x128xf32, #tpu.memory_space<vmem_shared>>
      tpu.wait_dma2 semaphore(%run_scoped3A : memref<!tpu.dma_semaphore, #tpu.memory_space<semaphore_mem>>) src(%dma_wait3A_56 : memref<640x128xf32, #tpu.memory_space<vmem_shared>>) dst(%dma_wait3A_54 : memref<640x128xf32, #tpu.memory_space<hbm>>)
      tpu.yield
    }) : () -> ()
    return
  }
}

module attributes {stable_mosaic.version = 14 : i64} {
  func.func @_mm1_body(%arg0: i32, %arg1: memref<2x400x16xf32, #tpu.memory_space<vmem>>, %arg2: memref<400x128xf32, #tpu.memory_space<vmem>>, %arg3: memref<128x128xf32, #tpu.memory_space<vmem>>, %arg4: memref<400x128xf32, #tpu.memory_space<vmem>>) attributes {dimension_semantics = [#tpu.dimension_semantics<arbitrary>], iteration_bounds = array<i64: 25>, scalar_prefetch = 0 : i64, scratch_operands = 0 : i64, tpu.core_type = #tpu.core_type<tc>, window_params = [{transform_indices = @transform_0, window_bounds = array<i64: 2, 400, 16>}, {transform_indices = @transform_1, window_bounds = array<i64: 400, 128>}, {pipeline_mode = #tpu.pipeline_mode<synchronous>, transform_indices = @transform_2, window_bounds = array<i64: 128, 128>}, {transform_indices = @transform_3, window_bounds = array<i64: 400, 128>}]} {
    %get3A = arith.constant 0 : index
    %get3A_0 = arith.constant 0 : index
    %get3A_1 = arith.constant 0 : index
    %get3A_2 = vector.load %arg1[%get3A, %get3A_0, %get3A_1] : memref<2x400x16xf32, #tpu.memory_space<vmem>>, vector<2x400x16xf32>
    %slice3A = vector.extract_strided_slice %get3A_2 {offsets = [0, 0, 0], sizes = [1, 400, 1], strides = [1, 1, 1]} : vector<2x400x16xf32> to vector<1x400x1xf32>
    %squeeze3A = vector.shape_cast %slice3A : vector<1x400x1xf32> to vector<400xf32>
    %slice3A_3 = vector.extract_strided_slice %get3A_2 {offsets = [1, 0, 0], sizes = [1, 400, 1], strides = [1, 1, 1]} : vector<2x400x16xf32> to vector<1x400x1xf32>
    %squeeze3A_4 = vector.shape_cast %slice3A_3 : vector<1x400x1xf32> to vector<400xf32>
    %add3A = arith.addf %squeeze3A, %squeeze3A_4 : vector<400xf32>
    %add3A_5 = arith.constant 1.000000e+00 : f32
    %add3A_6 = vector.broadcast %add3A_5 : f32 to vector<400xf32>
    %add3A_7 = arith.addf %add3A, %add3A_6 : vector<400xf32>
    %rsqrt3A = math.rsqrt %add3A_7 : vector<400xf32>
    %get3A_8 = arith.constant 0 : index
    %get3A_9 = arith.constant 0 : index
    %get3A_10 = vector.load %arg2[%get3A_8, %get3A_9] : memref<400x128xf32, #tpu.memory_space<vmem>>, vector<400x128xf32>
    %broadcast_in_dim3A = vector.shape_cast %rsqrt3A : vector<400xf32> to vector<400x1xf32>
    %mul3A = vector.broadcast %broadcast_in_dim3A : vector<400x1xf32> to vector<400x128xf32>
    %mul3A_11 = arith.mulf %get3A_10, %mul3A : vector<400x128xf32>
    %get3A_12 = arith.constant 0 : index
    %get3A_13 = arith.constant 0 : index
    %get3A_14 = vector.load %arg3[%get3A_12, %get3A_13] : memref<128x128xf32, #tpu.memory_space<vmem>>, vector<128x128xf32>
    %dot_general3A = arith.constant dense<0.000000e+00> : vector<400x128xf32>
    %dot_general3A_15 = tpu.matmul %mul3A_11, %get3A_14, %dot_general3A {dimension_numbers = #tpu.dot_dimension_numbers<[1], [0], [0], [1], [0, 0, 1, 1], [], []>, precision = #tpu.contract_precision<fp32>, transpose_lhs_hint = false} : vector<400x128xf32>, vector<128x128xf32>, vector<400x128xf32> -> vector<400x128xf32>
    %swap3A = arith.constant 0 : index
    %swap3A_16 = arith.constant 0 : index
    %swap3A_17 = vector.load %arg4[%swap3A, %swap3A_16] : memref<400x128xf32, #tpu.memory_space<vmem>>, vector<400x128xf32>
    tpu.vector_store %arg4[%swap3A, %swap3A_16], %dot_general3A_15 {strides = array<i32>} : memref<400x128xf32, #tpu.memory_space<vmem>>, vector<400x128xf32>,
    return
  }
  func.func @transform_0(%arg0: i32) -> (i32, i32, i32) {
    %c0_i32 = arith.constant 0 : i32
    %c0_i32_0 = arith.constant 0 : i32
    %c0_i32_1 = arith.constant 0 : i32
    return %c0_i32, %arg0, %c0_i32_0 : i32, i32, i32
  }
  func.func @transform_1(%arg0: i32) -> (i32, i32) {
    %c0_i32 = arith.constant 0 : i32
    %c0_i32_0 = arith.constant 0 : i32
    return %arg0, %c0_i32 : i32, i32
  }
  func.func @transform_2(%arg0: i32) -> (i32, i32) {
    %c0_i32 = arith.constant 0 : i32
    %c0_i32_0 = arith.constant 0 : i32
    %c0_i32_1 = arith.constant 0 : i32
    return %c0_i32, %c0_i32_0 : i32, i32
  }
  func.func @transform_3(%arg0: i32) -> (i32, i32) {
    %c0_i32 = arith.constant 0 : i32
    %c0_i32_0 = arith.constant 0 : i32
    return %arg0, %c0_i32 : i32, i32
  }
}

module attributes {stable_mosaic.version = 14 : i64} {
  func.func @_mm2_body(%arg0: i32, %arg1: memref<2x400x16xf32, #tpu.memory_space<vmem>>, %arg2: memref<2x400x128xf32, #tpu.memory_space<vmem>>, %arg3: memref<400x128xf32, #tpu.memory_space<vmem>>, %arg4: memref<1x128xf32, #tpu.memory_space<vmem>>, %arg5: memref<128x128xf32, #tpu.memory_space<vmem>>, %arg6: memref<400x128xf32, #tpu.memory_space<vmem>>) attributes {dimension_semantics = [#tpu.dimension_semantics<arbitrary>], iteration_bounds = array<i64: 25>, scalar_prefetch = 0 : i64, scratch_operands = 0 : i64, tpu.core_type = #tpu.core_type<tc>, window_params = [{transform_indices = @transform_0, window_bounds = array<i64: 2, 400, 16>}, {transform_indices = @transform_1, window_bounds = array<i64: 2, 400, 128>}, {transform_indices = @transform_2, window_bounds = array<i64: 400, 128>}, {pipeline_mode = #tpu.pipeline_mode<synchronous>, transform_indices = @transform_3, window_bounds = array<i64: 1, 128>}, {pipeline_mode = #tpu.pipeline_mode<synchronous>, transform_indices = @transform_4, window_bounds = array<i64: 128, 128>}, {transform_indices = @transform_5, window_bounds = array<i64: 400, 128>}]} {
    %get3A = arith.constant 0 : index
    %get3A_0 = arith.constant 0 : index
    %get3A_1 = arith.constant 0 : index
    %get3A_2 = vector.load %arg1[%get3A, %get3A_0, %get3A_1] : memref<2x400x16xf32, #tpu.memory_space<vmem>>, vector<2x400x16xf32>
    %slice3A = vector.extract_strided_slice %get3A_2 {offsets = [0, 0, 0], sizes = [1, 400, 1], strides = [1, 1, 1]} : vector<2x400x16xf32> to vector<1x400x1xf32>
    %squeeze3A = vector.shape_cast %slice3A : vector<1x400x1xf32> to vector<400xf32>
    %slice3A_3 = vector.extract_strided_slice %get3A_2 {offsets = [1, 0, 0], sizes = [1, 400, 1], strides = [1, 1, 1]} : vector<2x400x16xf32> to vector<1x400x1xf32>
    %squeeze3A_4 = vector.shape_cast %slice3A_3 : vector<1x400x1xf32> to vector<400xf32>
    %add3A = arith.addf %squeeze3A, %squeeze3A_4 : vector<400xf32>
    %add3A_5 = arith.constant 1.000000e+00 : f32
    %add3A_6 = vector.broadcast %add3A_5 : f32 to vector<400xf32>
    %add3A_7 = arith.addf %add3A, %add3A_6 : vector<400xf32>
    %rsqrt3A = math.rsqrt %add3A_7 : vector<400xf32>
    %get3A_8 = arith.constant 0 : index
    %get3A_9 = arith.constant 0 : index
    %get3A_10 = arith.constant 0 : index
    %get3A_11 = vector.load %arg2[%get3A_8, %get3A_9, %get3A_10] : memref<2x400x128xf32, #tpu.memory_space<vmem>>, vector<1x400x128xf32>
    %get3A_12 = vector.shape_cast %get3A_11 : vector<1x400x128xf32> to vector<400x128xf32>
    %get3A_13 = arith.constant 1 : index
    %get3A_14 = arith.constant 0 : index
    %get3A_15 = arith.constant 0 : index
    %get3A_16 = vector.load %arg2[%get3A_13, %get3A_14, %get3A_15] : memref<2x400x128xf32, #tpu.memory_space<vmem>>, vector<1x400x128xf32>
    %get3A_17 = vector.shape_cast %get3A_16 : vector<1x400x128xf32> to vector<400x128xf32>
    %add3A_18 = arith.addf %get3A_12, %get3A_17 : vector<400x128xf32>
    %get3A_19 = arith.constant 0 : index
    %get3A_20 = arith.constant 0 : index
    %get3A_21 = vector.load %arg3[%get3A_19, %get3A_20] : memref<400x128xf32, #tpu.memory_space<vmem>>, vector<400x128xf32>
    %add3A_22 = arith.addf %add3A_18, %get3A_21 : vector<400x128xf32>
    %broadcast_in_dim3A = vector.shape_cast %rsqrt3A : vector<400xf32> to vector<400x1xf32>
    %mul3A = vector.broadcast %broadcast_in_dim3A : vector<400x1xf32> to vector<400x128xf32>
    %mul3A_23 = arith.mulf %add3A_22, %mul3A : vector<400x128xf32>
    %get3A_24 = arith.constant 0 : index
    %get3A_25 = arith.constant 0 : index
    %get3A_26 = vector.load %arg4[%get3A_24, %get3A_25] : memref<1x128xf32, #tpu.memory_space<vmem>>, vector<1x128xf32>
    %add3A_27 = vector.broadcast %get3A_26 : vector<1x128xf32> to vector<400x128xf32>
    %add3A_28 = arith.addf %mul3A_23, %add3A_27 : vector<400x128xf32>
    %max3A = arith.constant 0.000000e+00 : f32
    %max3A_29 = vector.broadcast %max3A : f32 to vector<400x128xf32>
    %max3A_30 = arith.maximumf %add3A_28, %max3A_29 : vector<400x128xf32>
    %broadcast_in_dim3A_31 = vector.shape_cast %rsqrt3A : vector<400xf32> to vector<400x1xf32>
    %mul3A_32 = vector.broadcast %broadcast_in_dim3A_31 : vector<400x1xf32> to vector<400x128xf32>
    %mul3A_33 = arith.mulf %max3A_30, %mul3A_32 : vector<400x128xf32>
    %get3A_34 = arith.constant 0 : index
    %get3A_35 = arith.constant 0 : index
    %get3A_36 = vector.load %arg5[%get3A_34, %get3A_35] : memref<128x128xf32, #tpu.memory_space<vmem>>, vector<128x128xf32>
    %dot_general3A = arith.constant dense<0.000000e+00> : vector<400x128xf32>
    %dot_general3A_37 = tpu.matmul %mul3A_33, %get3A_36, %dot_general3A {dimension_numbers = #tpu.dot_dimension_numbers<[1], [0], [0], [1], [0, 0, 1, 1], [], []>, precision = #tpu.contract_precision<fp32>, transpose_lhs_hint = false} : vector<400x128xf32>, vector<128x128xf32>, vector<400x128xf32> -> vector<400x128xf32>
    %swap3A = arith.constant 0 : index
    %swap3A_38 = arith.constant 0 : index
    %swap3A_39 = vector.load %arg6[%swap3A, %swap3A_38] : memref<400x128xf32, #tpu.memory_space<vmem>>, vector<400x128xf32>
    tpu.vector_store %arg6[%swap3A, %swap3A_38], %dot_general3A_37 {strides = array<i32>} : memref<400x128xf32, #tpu.memory_space<vmem>>, vector<400x128xf32>,
    return
  }
  func.func @transform_0(%arg0: i32) -> (i32, i32, i32) {
    %c0_i32 = arith.constant 0 : i32
    %c0_i32_0 = arith.constant 0 : i32
    %c0_i32_1 = arith.constant 0 : i32
    return %c0_i32, %arg0, %c0_i32_0 : i32, i32, i32
  }
  func.func @transform_1(%arg0: i32) -> (i32, i32, i32) {
    %c0_i32 = arith.constant 0 : i32
    %c0_i32_0 = arith.constant 0 : i32
    %c0_i32_1 = arith.constant 0 : i32
    return %c0_i32, %arg0, %c0_i32_0 : i32, i32, i32
  }
  func.func @transform_2(%arg0: i32) -> (i32, i32) {
    %c0_i32 = arith.constant 0 : i32
    %c0_i32_0 = arith.constant 0 : i32
    return %arg0, %c0_i32 : i32, i32
  }
  func.func @transform_3(%arg0: i32) -> (i32, i32) {
    %c0_i32 = arith.constant 0 : i32
    %c0_i32_0 = arith.constant 0 : i32
    %c0_i32_1 = arith.constant 0 : i32
    return %c0_i32, %c0_i32_0 : i32, i32
  }
  func.func @transform_4(%arg0: i32) -> (i32, i32) {
    %c0_i32 = arith.constant 0 : i32
    %c0_i32_0 = arith.constant 0 : i32
    %c0_i32_1 = arith.constant 0 : i32
    return %c0_i32, %c0_i32_0 : i32, i32
  }
  func.func @transform_5(%arg0: i32) -> (i32, i32) {
    %c0_i32 = arith.constant 0 : i32
    %c0_i32_0 = arith.constant 0 : i32
    return %arg0, %c0_i32 : i32, i32
  }
}

module attributes {stable_mosaic.version = 14 : i64} {
  func.func @_final_body(%arg0: i32, %arg1: memref<2x400x16xf32, #tpu.memory_space<vmem>>, %arg2: memref<2x400x128xf32, #tpu.memory_space<vmem>>, %arg3: memref<400x128xf32, #tpu.memory_space<vmem>>, %arg4: memref<1x128xf32, #tpu.memory_space<vmem>>, %arg5: memref<1x1x400xi32, #tpu.memory_space<vmem>>, %arg6: memref<128x10xf32, #tpu.memory_space<vmem>>, %arg7: memref<1x10xf32, #tpu.memory_space<vmem>>, %arg8: memref<32x10xf32, #tpu.memory_space<vmem>>, %arg9: memref<32x128xf32, #tpu.memory_space<vmem>>, %arg10: memref<32x128xf32, #tpu.memory_space<vmem>>) attributes {dimension_semantics = [#tpu.dimension_semantics<arbitrary>], iteration_bounds = array<i64: 25>, scalar_prefetch = 0 : i64, scratch_operands = 2 : i64, tpu.core_type = #tpu.core_type<tc>, window_params = [{transform_indices = @transform_0, window_bounds = array<i64: 2, 400, 16>}, {transform_indices = @transform_1, window_bounds = array<i64: 2, 400, 128>}, {transform_indices = @transform_2, window_bounds = array<i64: 400, 128>}, {pipeline_mode = #tpu.pipeline_mode<synchronous>, transform_indices = @transform_3, window_bounds = array<i64: 1, 128>}, {transform_indices = @transform_4, window_bounds = array<i64: 1, 1, 400>}, {pipeline_mode = #tpu.pipeline_mode<synchronous>, transform_indices = @transform_5, window_bounds = array<i64: 128, 10>}, {pipeline_mode = #tpu.pipeline_mode<synchronous>, transform_indices = @transform_6, window_bounds = array<i64: 1, 10>}, {pipeline_mode = #tpu.pipeline_mode<synchronous>, transform_indices = @transform_7, window_bounds = array<i64: 32, 10>}]} {
    %eq3A = arith.constant 0 : i32
    %eq3A_0 = arith.cmpi eq, %arg0, %eq3A : i32
    %convert_element_type3A = arith.extui %eq3A_0 : i1 to i32
    %cond3A = arith.constant 0 : i32
    %cond3A_1 = arith.cmpi ne, %convert_element_type3A, %cond3A : i32
    scf.if %cond3A_1 {
      %broadcast_in_dim3A_65 = arith.constant 0.000000e+00 : f32
      %broadcast_in_dim3A_66 = vector.broadcast %broadcast_in_dim3A_65 : f32 to vector<32x128xf32>
      %swap3A_67 = arith.constant 0 : index
      %swap3A_68 = arith.constant 0 : index
      %swap3A_69 = vector.load %arg9[%swap3A_67, %swap3A_68] : memref<32x128xf32, #tpu.memory_space<vmem>>, vector<32x128xf32>
      tpu.vector_store %arg9[%swap3A_67, %swap3A_68], %broadcast_in_dim3A_66 {strides = array<i32>} : memref<32x128xf32, #tpu.memory_space<vmem>>, vector<32x128xf32>,
      %broadcast_in_dim3A_70 = arith.constant 0.000000e+00 : f32
      %broadcast_in_dim3A_71 = vector.broadcast %broadcast_in_dim3A_70 : f32 to vector<32x128xf32>
      %swap3A_72 = arith.constant 0 : index
      %swap3A_73 = arith.constant 0 : index
      %swap3A_74 = vector.load %arg10[%swap3A_72, %swap3A_73] : memref<32x128xf32, #tpu.memory_space<vmem>>, vector<32x128xf32>
      tpu.vector_store %arg10[%swap3A_72, %swap3A_73], %broadcast_in_dim3A_71 {strides = array<i32>} : memref<32x128xf32, #tpu.memory_space<vmem>>, vector<32x128xf32>,
    } else {
    }
    %get3A = arith.constant 0 : index
    %get3A_2 = arith.constant 0 : index
    %get3A_3 = arith.constant 0 : index
    %get3A_4 = vector.load %arg1[%get3A, %get3A_2, %get3A_3] : memref<2x400x16xf32, #tpu.memory_space<vmem>>, vector<2x400x16xf32>
    %slice3A = vector.extract_strided_slice %get3A_4 {offsets = [0, 0, 0], sizes = [1, 400, 1], strides = [1, 1, 1]} : vector<2x400x16xf32> to vector<1x400x1xf32>
    %squeeze3A = vector.shape_cast %slice3A : vector<1x400x1xf32> to vector<400xf32>
    %slice3A_5 = vector.extract_strided_slice %get3A_4 {offsets = [1, 0, 0], sizes = [1, 400, 1], strides = [1, 1, 1]} : vector<2x400x16xf32> to vector<1x400x1xf32>
    %squeeze3A_6 = vector.shape_cast %slice3A_5 : vector<1x400x1xf32> to vector<400xf32>
    %add3A = arith.addf %squeeze3A, %squeeze3A_6 : vector<400xf32>
    %add3A_7 = arith.constant 1.000000e+00 : f32
    %add3A_8 = vector.broadcast %add3A_7 : f32 to vector<400xf32>
    %add3A_9 = arith.addf %add3A, %add3A_8 : vector<400xf32>
    %rsqrt3A = math.rsqrt %add3A_9 : vector<400xf32>
    %get3A_10 = arith.constant 0 : index
    %get3A_11 = arith.constant 0 : index
    %get3A_12 = arith.constant 0 : index
    %get3A_13 = vector.load %arg2[%get3A_10, %get3A_11, %get3A_12] : memref<2x400x128xf32, #tpu.memory_space<vmem>>, vector<1x400x128xf32>
    %get3A_14 = vector.shape_cast %get3A_13 : vector<1x400x128xf32> to vector<400x128xf32>
    %get3A_15 = arith.constant 1 : index
    %get3A_16 = arith.constant 0 : index
    %get3A_17 = arith.constant 0 : index
    %get3A_18 = vector.load %arg2[%get3A_15, %get3A_16, %get3A_17] : memref<2x400x128xf32, #tpu.memory_space<vmem>>, vector<1x400x128xf32>
    %get3A_19 = vector.shape_cast %get3A_18 : vector<1x400x128xf32> to vector<400x128xf32>
    %add3A_20 = arith.addf %get3A_14, %get3A_19 : vector<400x128xf32>
    %get3A_21 = arith.constant 0 : index
    %get3A_22 = arith.constant 0 : index
    %get3A_23 = vector.load %arg3[%get3A_21, %get3A_22] : memref<400x128xf32, #tpu.memory_space<vmem>>, vector<400x128xf32>
    %add3A_24 = arith.addf %add3A_20, %get3A_23 : vector<400x128xf32>
    %broadcast_in_dim3A = vector.shape_cast %rsqrt3A : vector<400xf32> to vector<400x1xf32>
    %mul3A = vector.broadcast %broadcast_in_dim3A : vector<400x1xf32> to vector<400x128xf32>
    %mul3A_25 = arith.mulf %add3A_24, %mul3A : vector<400x128xf32>
    %get3A_26 = arith.constant 0 : index
    %get3A_27 = arith.constant 0 : index
    %get3A_28 = vector.load %arg4[%get3A_26, %get3A_27] : memref<1x128xf32, #tpu.memory_space<vmem>>, vector<1x128xf32>
    %add3A_29 = vector.broadcast %get3A_28 : vector<1x128xf32> to vector<400x128xf32>
    %add3A_30 = arith.addf %mul3A_25, %add3A_29 : vector<400x128xf32>
    %max3A = arith.constant 0.000000e+00 : f32
    %max3A_31 = vector.broadcast %max3A : f32 to vector<400x128xf32>
    %max3A_32 = arith.maximumf %add3A_30, %max3A_31 : vector<400x128xf32>
    %iota3A = tpu.iota {dimensions = array<i32: 0>} : vector<32x400xi32>
    %get3A_33 = arith.constant 0 : index
    %get3A_34 = arith.constant 0 : index
    %get3A_35 = arith.constant 0 : index
    %get3A_36 = vector.load %arg5[%get3A_33, %get3A_34, %get3A_35] : memref<1x1x400xi32, #tpu.memory_space<vmem>>, vector<1x1x400xi32>
    %get3A_37 = vector.shape_cast %get3A_36 : vector<1x1x400xi32> to vector<1x400xi32>
    %eq3A_38 = vector.broadcast %get3A_37 : vector<1x400xi32> to vector<32x400xi32>
    %eq3A_39 = arith.cmpi eq, %eq3A_38, %iota3A : vector<32x400xi32>
    %convert_element_type3A_40 = arith.extui %eq3A_39 : vector<32x400xi1> to vector<32x400xi32>
    %convert_element_type3A_41 = arith.sitofp %convert_element_type3A_40 : vector<32x400xi32> to vector<32x400xf32>
    %get3A_42 = arith.constant 0 : index
    %get3A_43 = arith.constant 0 : index
    %get3A_44 = vector.load %arg9[%get3A_42, %get3A_43] : memref<32x128xf32, #tpu.memory_space<vmem>>, vector<32x128xf32>
    %dot_general3A = arith.constant dense<0.000000e+00> : vector<32x128xf32>
    %dot_general3A_45 = tpu.matmul %convert_element_type3A_41, %max3A_32, %dot_general3A {dimension_numbers = #tpu.dot_dimension_numbers<[1], [0], [0], [1], [0, 0, 1, 1], [], []>, precision = #tpu.contract_precision<fp32>, transpose_lhs_hint = false} : vector<32x400xf32>, vector<400x128xf32>, vector<32x128xf32> -> vector<32x128xf32>
    %add3A_46 = arith.addf %get3A_44, %dot_general3A_45 : vector<32x128xf32>
    %swap3A = arith.constant 0 : index
    %swap3A_47 = arith.constant 0 : index
    %swap3A_48 = vector.load %arg9[%swap3A, %swap3A_47] : memref<32x128xf32, #tpu.memory_space<vmem>>, vector<32x128xf32>
    tpu.vector_store %arg9[%swap3A, %swap3A_47], %add3A_46 {strides = array<i32>} : memref<32x128xf32, #tpu.memory_space<vmem>>, vector<32x128xf32>,
    %get3A_49 = arith.constant 0 : index
    %get3A_50 = arith.constant 0 : index
    %get3A_51 = vector.load %arg10[%get3A_49, %get3A_50] : memref<32x128xf32, #tpu.memory_space<vmem>>, vector<32x128xf32>
    %reduce_sum3A = arith.constant dense<0.000000e+00> : vector<32xf32>
    %reduce_sum3A_52 = vector.multi_reduction <add>, %convert_element_type3A_41, %reduce_sum3A [1] : vector<32x400xf32> to vector<32xf32>
    %broadcast_in_dim3A_53 = vector.shape_cast %reduce_sum3A_52 : vector<32xf32> to vector<32x1xf32>
    %broadcast_in_dim3A_54 = vector.shape_cast %broadcast_in_dim3A_53 : vector<32x1xf32> to vector<32x1xf32>
    %broadcast_in_dim3A_55 = vector.broadcast %broadcast_in_dim3A_54 : vector<32x1xf32> to vector<32x128xf32>
    %add3A_56 = arith.addf %get3A_51, %broadcast_in_dim3A_55 : vector<32x128xf32>
    %swap3A_57 = arith.constant 0 : index
    %swap3A_58 = arith.constant 0 : index
    %swap3A_59 = vector.load %arg10[%swap3A_57, %swap3A_58] : memref<32x128xf32, #tpu.memory_space<vmem>>, vector<32x128xf32>
    tpu.vector_store %arg10[%swap3A_57, %swap3A_58], %add3A_56 {strides = array<i32>} : memref<32x128xf32, #tpu.memory_space<vmem>>, vector<32x128xf32>,
    %eq3A_60 = arith.constant 24 : i32
    %eq3A_61 = arith.cmpi eq, %arg0, %eq3A_60 : i32
    %convert_element_type3A_62 = arith.extui %eq3A_61 : i1 to i32
    %cond3A_63 = arith.constant 0 : i32
    %cond3A_64 = arith.cmpi ne, %convert_element_type3A_62, %cond3A_63 : i32
    scf.if %cond3A_64 {
      %get3A_65 = arith.constant 0 : index
      %get3A_66 = arith.constant 0 : index
      %get3A_67 = vector.load %arg9[%get3A_65, %get3A_66] : memref<32x128xf32, #tpu.memory_space<vmem>>, vector<32x128xf32>
      %get3A_68 = arith.constant 0 : index
      %get3A_69 = arith.constant 0 : index
      %get3A_70 = vector.load %arg10[%get3A_68, %get3A_69] : memref<32x128xf32, #tpu.memory_space<vmem>>, vector<32x128xf32>
      %max3A_71 = arith.constant 1.000000e+00 : f32
      %max3A_72 = vector.broadcast %max3A_71 : f32 to vector<32x128xf32>
      %max3A_73 = arith.maximumf %get3A_70, %max3A_72 : vector<32x128xf32>
      %div3A = arith.divf %get3A_67, %max3A_73 : vector<32x128xf32>
      %get3A_74 = arith.constant 0 : index
      %get3A_75 = arith.constant 0 : index
      %get3A_76 = vector.load %arg6[%get3A_74, %get3A_75] : memref<128x10xf32, #tpu.memory_space<vmem>>, vector<128x10xf32>
      %dot_general3A_77 = arith.constant dense<0.000000e+00> : vector<32x10xf32>
      %dot_general3A_78 = tpu.matmul %div3A, %get3A_76, %dot_general3A_77 {dimension_numbers = #tpu.dot_dimension_numbers<[1], [0], [0], [1], [0, 0, 1, 1], [], []>, precision = #tpu.contract_precision<fp32>, transpose_lhs_hint = false} : vector<32x128xf32>, vector<128x10xf32>, vector<32x10xf32> -> vector<32x10xf32>
      %get3A_79 = arith.constant 0 : index
      %get3A_80 = arith.constant 0 : index
      %get3A_81 = vector.load %arg7[%get3A_79, %get3A_80] : memref<1x10xf32, #tpu.memory_space<vmem>>, vector<1x10xf32>
      %add3A_82 = vector.broadcast %get3A_81 : vector<1x10xf32> to vector<32x10xf32>
      %add3A_83 = arith.addf %dot_general3A_78, %add3A_82 : vector<32x10xf32>
      %swap3A_84 = arith.constant 0 : index
      %swap3A_85 = arith.constant 0 : index
      %swap3A_86 = vector.load %arg8[%swap3A_84, %swap3A_85] : memref<32x10xf32, #tpu.memory_space<vmem>>, vector<32x10xf32>
      tpu.vector_store %arg8[%swap3A_84, %swap3A_85], %add3A_83 {strides = array<i32>} : memref<32x10xf32, #tpu.memory_space<vmem>>, vector<32x10xf32>,
    } else {
    }
    return
  }
  func.func @transform_0(%arg0: i32) -> (i32, i32, i32) {
    %c0_i32 = arith.constant 0 : i32
    %c0_i32_0 = arith.constant 0 : i32
    %c0_i32_1 = arith.constant 0 : i32
    return %c0_i32, %arg0, %c0_i32_0 : i32, i32, i32
  }
  func.func @transform_1(%arg0: i32) -> (i32, i32, i32) {
    %c0_i32 = arith.constant 0 : i32
    %c0_i32_0 = arith.constant 0 : i32
    %c0_i32_1 = arith.constant 0 : i32
    return %c0_i32, %arg0, %c0_i32_0 : i32, i32, i32
  }
  func.func @transform_2(%arg0: i32) -> (i32, i32) {
    %c0_i32 = arith.constant 0 : i32
    %c0_i32_0 = arith.constant 0 : i32
    return %arg0, %c0_i32 : i32, i32
  }
  func.func @transform_3(%arg0: i32) -> (i32, i32) {
    %c0_i32 = arith.constant 0 : i32
    %c0_i32_0 = arith.constant 0 : i32
    %c0_i32_1 = arith.constant 0 : i32
    return %c0_i32, %c0_i32_0 : i32, i32
  }
  func.func @transform_4(%arg0: i32) -> (i32, i32, i32) {
    %c0_i32 = arith.constant 0 : i32
    %c0_i32_0 = arith.constant 0 : i32
    %c0_i32_1 = arith.constant 0 : i32
    return %arg0, %c0_i32, %c0_i32_0 : i32, i32, i32
  }
  func.func @transform_5(%arg0: i32) -> (i32, i32) {
    %c0_i32 = arith.constant 0 : i32
    %c0_i32_0 = arith.constant 0 : i32
    %c0_i32_1 = arith.constant 0 : i32
    return %c0_i32, %c0_i32_0 : i32, i32
  }
  func.func @transform_6(%arg0: i32) -> (i32, i32) {
    %c0_i32 = arith.constant 0 : i32
    %c0_i32_0 = arith.constant 0 : i32
    %c0_i32_1 = arith.constant 0 : i32
    return %c0_i32, %c0_i32_0 : i32, i32
  }
  func.func @transform_7(%arg0: i32) -> (i32, i32) {
    %c0_i32 = arith.constant 0 : i32
    %c0_i32_0 = arith.constant 0 : i32
    %c0_i32_1 = arith.constant 0 : i32
    return %c0_i32, %c0_i32_0 : i32, i32
  }
}

</mosaic_0001>

<sc_bundles>
// kernel: kernel.11.cloned.1.call-start
scs
__scs_entry_jumppad:
0x0: {  	(pc) =	sbr.rel $0x88, $3  }
0x1: {  	(tag) =	ssettag $0x0;
	lr =	simm.s32 $0x1  }
0x2: {  	[smem:$0x3F98] =	sst lr;
	_ =	strace $0xD0000000  }
0x3: {  	_ = 	snop  }
0x4: {  	_ = 	snop  }
0x5: {  	_ = 	snop  }
0x6: {  	_ = 	snop  }
0x7: {  	_ = 	snop  }
__scs_overlays_trampoline_lowered:
0x8: {  	[smem:$0x3FA7] =	sst s0  }
0x9: {  	[smem:$0x3FA8] =	sst s1  }
0xa: {  	[smem:$0x3FA9] =	sst s2  }
0xb: {  	[smem:$0x3FAA] =	sst s3  }
0xc: {  	[smem:$0x3FAB] =	sst s4  }
0xd: {  	[smem:$0x3FAC] =	sst s5  }
0xe: {  	[smem:$0x3FAD] =	sst s6  }
0xf: {  	[smem:$0x3FAE] =	sst s7  }
0x10: {  	[smem:$0x3FAF] =	sst s8  }
0x11: {  	[smem:$0x3FB0] =	sst s9;
	s0 =	simm.s32 @!p0 $0x0  }
0x12: {  	s1 =	sld [smem:$0x3F96];
	s0 =	simm.s32 @p0 $0x1  }
0x13: {  	[smem:$0x3FB1] =	sst s0;
	s0 =	simm.s32 @!p1 $0x0  }
0x14: {  	s2 =	sld [smem:$0x3F95];
	s0 =	simm.s32 @p1 $0x1  }
0x15: {  	[smem:$0x3FB2] =	sst s0;
	s0 =	simm.s32 @!p2 $0x0  }
0x16: {  	s3 =	sld [smem:$0x3FDB];
	s0 =	simm.s32 @p2 $0x1  }
0x17: {  	s4 =	simm.s32 $0x1BF5;
	[smem:$0x3FB4] =	sst s0  }
0x18: {  	s0 =	sld [smem:$0x3F97];
	_ =	swait.ge [sflag:s4], $0x0  }
0x19: {  	s7 =	sld [smem:$0x3F98]  }
0x1a: {  	s8 =	sadd.s32 $0xFFFFE003, lr  }
0x1b: {  	s9 =	sadd.s32 $0xFFFFFEF7, lr;
	s5 =	simm.s32 $0xFFFFFFFF;
	p2 =	slt.u32 s8, $0xFFFFF086  }
0x1c: {  	p1 =	slt.u32 s9, $0xF7A;
	s5 =	simm.s32 @!p2 $0x0  }
0x1d: {  	s5 =	simm.s32 @p1 $0x1;
	p0 =	seq.s32 s7, s2  }
0x1e: {  	s7 =	smul.u32 @!p0 $0xF7A, s2;
	p2 =	seq.s32 @!p0 s5, $0x0  }
0x1f: {  	s9 =	smul.u32 $0xF7A, s1;
	s8 =	simm.s32 @!p0 $0x1BF5;
	p2 =	por !p2, p0  }
0x20: {  	[sflag:s8] =	ssyncset.s32 @!p0 $0xFFFFF086;
	s6 =	sadd.s32 @!p0 s3, s7;
	s7 =	simm.s32 @!p0 $0x108  }
0x21: {  	s3 =	sadd.s32 s3, s9;
	s6 =	sadd.s32 @!p0 $0x88, s6;
	s7 =	simm.s32 @p2 $0x1082  }
0x22: {  	[simem:s7], [sflag:s8] =	dma.local @!p0 [hbm:s6], $0xF7A  }
0x23: {  	s9 =	sor.u32 $0xD0000000, s2;
	s6 =	simm.s32 $0x108;
	_ =	swait.ge @!p0 [sflag:s8], $0x0  }
0x24: {  	s3 =	sadd.s32 $0x88, s3;
	s6 =	simm.s32 @!p1 $0x1082;
	[sflag:s4] =	ssyncset.s32 $0xFFFFF086  }
0x25: {  	[simem:s6], [sflag:s4] =	dma.local [hbm:s3], $0xF7A  }
0x26: {  	[smem:$0x3F98] =	sst s1;
	(tag) =	ssettag s2;
	_ =	strace s9  }
0x27: {  	s1 =	sld [smem:$0x3FA8]  }
0x28: {  	s2 =	sld [smem:$0x3FA9]  }
0x29: {  	s4 =	sld [smem:$0x3FAB]  }
0x2a: {  	p0 =	seq.s32 s5, $0x0;
	s5 =	sld [smem:$0x3FAC]  }
0x2b: {  	s6 =	sld [smem:$0x3FAD]  }
0x2c: {  	s7 =	sld [smem:$0x3FAE]  }
0x2d: {  	s3 =	simm.s32 $0x108;
	s8 =	sld [smem:$0x3FAF]  }
0x2e: {  	s3 =	simm.s32 @!p0 $0x1082;
	s9 =	sld [smem:$0x3FB0]  }
0x2f: {  	lr =	sadd.s32 s0, s3;
	s0 =	sld [smem:$0x3FA7]  }
0x30: {  	s3 =	sld [smem:$0x3FAA]  }
0x31: {  	[smem:$0x3FB3] =	sst s10  }
0x32: {  	s10 =	sld [smem:$0x3FB1];
	_ =	sdelay $0x3  }
0x33: {  	p0 =	seq.s32 s10, $0x1;
	s10 =	sld [smem:$0x3FB3];
	_ =	sdelay $0x3  }
0x34: {  	[smem:$0x3FB3] =	sst s10  }
0x35: {  	s10 =	sld [smem:$0x3FB2];
	_ =	sdelay $0x3  }
0x36: {  	p1 =	seq.s32 s10, $0x1;
	s10 =	sld [smem:$0x3FB3];
	_ =	sdelay $0x3  }
0x37: {  	[smem:$0x3FB3] =	sst s10  }
0x38: {  	s10 =	sld [smem:$0x3FB4]  }
0x39: {  	_ = 	snop;
	(pc) =	sbr.ind lr, $3  }
0x3a: {  	_ = 	snop  }
0x3b: {  	_ = 	snop  }
0x3c: {  	p2 =	seq.s32 s10, $0x1;
	s10 =	sld [smem:$0x3FB3]  }
0x3d: {  	_ =	shalt  }
0x3e: {  	_ =	shalt  }
0x3f: {  	_ =	shalt  }
0x40: {  	_ =	shalt  }
0x41: {  	_ =	shalt  }
0x42: {  	_ =	shalt  }
0x43: {  	_ =	shalt  }
0x44: {  	_ =	shalt  }
0x45: {  	_ =	shalt  }
0x46: {  	_ =	shalt  }
0x47: {  	_ =	shalt  }
0x48: {  	_ =	shalt  }
0x49: {  	_ =	shalt  }
0x4a: {  	_ =	shalt  }
0x4b: {  	_ =	shalt  }
0x4c: {  	_ =	shalt  }
0x4d: {  	_ =	shalt  }
0x4e: {  	_ =	shalt  }
0x4f: {  	_ =	shalt  }
0x50: {  	_ =	shalt  }
0x51: {  	_ =	shalt  }
0x52: {  	_ =	shalt  }
0x53: {  	_ =	shalt  }
0x54: {  	_ =	shalt  }
0x55: {  	_ =	shalt  }
0x56: {  	_ =	shalt  }
0x57: {  	_ =	shalt  }
0x58: {  	_ =	shalt  }
0x59: {  	_ =	shalt  }
0x5a: {  	_ =	shalt  }
0x5b: {  	_ =	shalt  }
0x5c: {  	_ =	shalt  }
0x5d: {  	_ =	shalt  }
0x5e: {  	_ =	shalt  }
0x5f: {  	_ =	shalt  }
0x60: {  	_ =	shalt  }
0x61: {  	_ =	shalt  }
0x62: {  	_ =	shalt  }
0x63: {  	_ =	shalt  }
0x64: {  	_ =	shalt  }
0x65: {  	_ =	shalt  }
0x66: {  	_ =	shalt  }
0x67: {  	_ =	shalt  }
0x68: {  	_ =	shalt  }
0x69: {  	_ =	shalt  }
0x6a: {  	_ =	shalt  }
0x6b: {  	_ =	shalt  }
0x6c: {  	_ =	shalt  }
0x6d: {  	_ =	shalt  }
0x6e: {  	_ =	shalt  }
0x6f: {  	_ =	shalt  }
0x70: {  	_ =	shalt  }
0x71: {  	_ =	shalt  }
0x72: {  	_ =	shalt  }
0x73: {  	_ =	shalt  }
0x74: {  	_ =	shalt  }
0x75: {  	_ =	shalt  }
0x76: {  	_ =	shalt  }
0x77: {  	_ =	shalt  }
0x78: {  	_ =	shalt  }
0x79: {  	_ =	shalt  }
0x7a: {  	_ =	shalt  }
0x7b: {  	_ =	shalt  }
0x7c: {  	_ =	shalt  }
0x7d: {  	_ =	shalt  }
0x7e: {  	_ =	shalt  }
0x7f: {  	_ =	shalt  }
0x80: {  	_ =	shalt  }
0x81: {  	_ =	shalt  }
0x82: {  	_ =	shalt  }
0x83: {  	_ =	shalt  }
0x84: {  	_ =	shalt  }
0x85: {  	_ =	shalt  }
0x86: {  	_ =	shalt  }
0x87: {  	_ =	shalt  }
.Lfunc_end0:
.L_simem_size_0:
called_computation.1_lowered:
.L_overlay_start_0:
0x88: {  	s2 =	sld [smem:$0x3FD9]  }
0x89: {  	s3 =	sld [smem:$0x3FFE];
	_ =	sdelay $0x1  }
0x8a: {  	s1 =	srdreg.scid  }
0x8b: {  	s0 =	sand.u32 $0x1, s1  }
0x8c: {  	s16 =	sshll.u32 s0, $0xA;
	s2 =	sadd.s32 s3, s2  }
0x8d: {  	s2 =	sadd.s32 s2, s16  }
0x8e: {  	[smem:$0x3FBF] =	sst s2  }
0x8f: {  	_ = 	snop  }
0x90: {  	(tm) =	ssettm $0x1  }
0x91: {  	s17 =	sld [smem:$0x3FFB];
	_ =	sdelay $0x3  }
0x92: {  	_ =	strace s17  }
0x93: {  	s2 =	sld [smem:$0x3FFC];
	_ =	sdelay $0x3  }
0x94: {  	_ =	strace s2  }
0x95: {  	s2 =	sld [smem:$0x3FFD];
	_ =	sdelay $0x3  }
0x96: {  	_ =	strace s2  }
0x97: {  	_ =	strace $0x8FFFFFFF  }
0x98: {  	s18 =	sld [smem:$0x3FDB];
	_ =	sdelay $0x1  }
0x99: {  	s19 =	simm.s32 $_scs_section_size  }
0x9a: {  	s4 =	simm.s32 $_size__tile_overlayer_lowered;
	s5 =	simm.s32 $_tile_overlayer_lowered  }
0x9b: {  	s22 =	simm.s32 $0x1BFF;
	s21 =	sshll.u32 s5, $0x1;
	s2 =	sadd.s32 s19, s18  }
0x9c: {  	s6 =	simm.s32 $0x0;
	s20 =	sshll.u32 s4, $0x1;
	s4 =	sadd.s32 s21, s2  }
0x9d: {  	[timem:s6], [sflag:s22] =	dma.local [hbm:s4], s20  }
0x9e: {  	_ =	swait.ge [sflag:s22], s20  }
0x9f: {  	s3 =	ssub.s32 $0x0, s20;
	[sflag:s22] =	ssyncset.done $0x0  }
0xa0: {  	[sflag:s22] =	ssyncadd.s32 s3;
	_ =	sdelay $0x1  }
0xa1: {  	s23 =	simm.s32 $0x1B8B  }
0xa2: {  	_ =	swait.ge [sflag:s23], $0x1  }
0xa3: {  	[sflag:s23] =	ssyncset.done $0x0  }
0xa4: {  	s25 =	simm.s32 $0x1B8E;
	s24 =	sld [smem:$0x3FFE];
	[sflag:s23] =	ssyncadd.s32 $0xFFFFFFFF  }
0xa5: {  	s26 =	simm.s32 $execute0_lowered;
	[smem:$0x3FD2] =	sst s25  }
0xa6: {  	s4 =	sshll.u32 s26, $0x1;
	_ =	strace $0x80000049;
	[dreg:$0x1] =	wrdreg $0xFFFFFFFF  }
0xa7: {  	s28 =	simm.s32 $_size_execute0_lowered;
	s2 =	sadd.s32 s2, s4;
	[dreg:$0x0] =	wrdreg $0x0  }
0xa8: {  	s4 =	sshll.u32 s28, $0x1;
	[dreg:$0x2] =	wrdreg s2  }
0xa9: {  	[dreg:$0x3] =	wrdreg s4  }
0xaa: {  	[dreg:$0x4] =	wrdreg $0xC0  }
0xab: {  	_ =	task [dreg:s6], $0x5FFFF  }
0xac: {  	[dreg:$0x1] =	wrdreg $0xFFFFFFFF  }
0xad: {  	[dreg:$0x0] =	wrdreg $0x60  }
0xae: {  	[dreg:$0x2] =	wrdreg s24  }
0xaf: {  	[dreg:$0x3] =	wrdreg $0x0  }
0xb0: {  	[dreg:$0x4] =	wrdreg $0x9  }
0xb1: {  	_ =	task.clear_ibuf [dreg:s6], $0x5FFFF;
	_ =	strace $0x90000049  }
0xb2: {  	s29 =	simm.s32 $0x9;
	_ =	strace $0x8000004B  }
0xb3: {  	_ =	swait.ge [sflag:s29], $0x1  }
0xb4: {  	[sflag:s29] =	ssyncadd.s32 $0xFFFFFFFF  }
0xb5: {  	_ =	strace $0x9000004B  }
0xb6: {  	_ =	sfence  }
0xb7: {  	s30 =	sld [smem:$0x0];
	_ =	sdelay $0x2  }
0xb8: {  	s31 =	sshll.u32 s1, $0xD;
	s1 =	sshrl.u32 s1, $0x2  }
0xb9: {  	s3 =	sand.u32 $0x4000, s31;
	s1 =	sadd.s32 s1, s30  }
0xba: {  	s0 =	sor.u32 s3, s0;
	s1 =	sshll.u32 s1, $0x11  }
0xbb: {  	s0 =	sor.u32 s1, s0  }
0xbc: {  	s0 =	sadd.s32 $0x8F2B, s0  }
0xbd: {  	[sflag:s0] =	ssyncadd.remote.s32 $0x1  }
0xbe: {  	_ =	sfence.sel $0xFFFF  }
0xbf: {  	[dreg:$0x0] =	wrdreg $0xFFFFFFFF;
	(pc) =	sbr.abs _section_cstart, $3  }
0xc0: {  	[dreg:$0x1] =	wrdreg $0xFFFFFFFF  }
0xc1: {  	_ =	task.clear_ibuf [dreg:s6], $0x2FFFF;
	_ =	strace $0x9FFFFFFF  }
0xc2: {  	(tm) =	ssettm $0x7FFFFFFF  }
0xc3: {  	_ =	shalt  }
tec
execute0_lowered:
.L_overlay_start_1:
0x0: {  	(tag) =	ssettag $0x1  }
0x1: {  	s0 =	rddreg [dreg:$0x0];
	s1 =	srdreg.scid  }
0x2: {  	s2 =	rddreg [dreg:$0x1];
	s11 =	stileid.u32;
	s3 =	simm.s32 $0x0  }
0x3: {  	s16 =	simm.s32 $0x14100;
	s17 =	simm.s32 $0x14080;
	s19 =	simm.s32 $0x14200  }
0x4: {  	s21 =	simm.s32 $0x14180;
	s23 =	simm.s32 $0x14300;
	s24 =	simm.s32 $0x14280  }
0x5: {  	s26 =	simm.s32 $0x14400;
	s28 =	simm.s32 $0x14B80;
	[smem:$0x7FF] =	sst s3  }
0x6: {  	s29 =	simm.s32 $0x14D00;
	_ =	strace $0x8000004A;
	[dreg:$0x4] =	wrdreg s16  }
0x7: {  	s30 =	simm.s32 $0x14C80;
	s7 =	smul.u32 $0x14000, s11;
	[dreg:$0x5] =	wrdreg s17  }
0x8: {  	s31 =	simm.s32 $0x14E00;
	s9 =	smul.u32 $0x5000, s11;
	[dreg:$0x6] =	wrdreg s19  }
0x9: {  	s1 =	sand.u32 $0x1, s1;
	s10 =	smul.u32 $0x50000, s11;
	[dreg:$0x7] =	wrdreg s21  }
0xa: {  	s4 =	sadd.s32 $0x2C00, s0;
	s6 =	smul.u32 $0x140000, s1;
	[dreg:$0x8] =	wrdreg s23  }
0xb: {  	s5 =	sadd.s32 $0x5CC00, s0;
	s8 =	smul.u32 $0x50000, s1;
	[dreg:$0x9] =	wrdreg s24  }
0xc: {  	s12 =	ssub.s32 $0x2, s1;
	s1 =	sshll.u32 s1, $0x4;
	[dreg:$0xa] =	wrdreg s26  }
0xd: {  	s16 =	simm.s32 $0x14580;
	s17 =	simm.s32 $0x14700;
	s19 =	simm.s32 $0x14780  }
0xe: {  	s21 =	simm.s32 $0x14880;
	s23 =	simm.s32 $0x14980;
	[dreg:$0xf] =	wrdreg s16  }
0xf: {  	s24 =	simm.s32 $0x14B00;
	s26 =	simm.s32 $0x14C00;
	[dreg:$0x10] =	wrdreg s17  }
0x10: {  	s13 =	sshrl.u32 s12, $0x1;
	s1 =	sor.u32 s11, s1;
	[dreg:$0x12] =	wrdreg s19  }
0x11: {  	s15 =	sshrl.u32 s10, $0x2;
	s10 =	simm.s32 $0x14380;
	[dreg:$0x14] =	wrdreg s21  }
0x12: {  	s11 =	simm.s32 $0x14500;
	s16 =	simm.s32 $0x7;
	[dreg:$0x16] =	wrdreg s23  }
0x13: {  	s17 =	simm.s32 $0x14000;
	s19 =	simm.s32 $0x14800;
	[dreg:$0x17] =	wrdreg s24  }
0x14: {  	s21 =	simm.s32 $0x19000;
	s23 =	simm.s32 $0x5;
	[dreg:$0x19] =	wrdreg s26  }
0x15: {  	s6 =	sadd.s32 s7, s6;
	s8 =	sadd.s32 s9, s8;
	[dreg:$0xb] =	wrdreg s10  }
0x16: {  	s7 =	ssub.s32 s12, s13;
	[dreg:$0xc] =	wrdreg s11;
	s12 =	simm.s32 $0x14480  }
0x17: {  	s6 =	sshrl.u32 s6, $0x3;
	s9 =	sor.u32 $0x800, s8;
	s13 =	smax.u32 s7, $0x1  }
0x18: {  	[dreg:$0xd] =	wrdreg s12;
	s0 =	sadd.s32 s6, s0;
	s9 =	sshrl.u32 s9, $0x3  }
0x19: {  	s6 =	sadd.s32 s15, s2;
	[smem:$0x7FC] =	sst s13;
	s15 =	sadd.s32 $0x1000, s8  }
0x1a: {  	s24 =	simm.s32 $0x4;
	s14 =	sadd.s32 s9, s5;
	[smem:$0x7FD] =	sst s15  }
0x1b: {  	s26 =	simm.s32 $0x2;
	s18 =	sadd.s32 $0x4000, s6;
	[dreg:$0x3] =	wrdreg s14  }
0x1c: {  	s1 =	smul.u32 $0x5000, s1;
	s20 =	sadd.s32 $0x8000, s6;
	[dreg:$0x1a] =	wrdreg s18  }
0x1d: {  	s7 =	simm.s32 $0x14E80;
	s22 =	sadd.s32 $0xC000, s6;
	[dreg:$0x1b] =	wrdreg s20  }
0x1e: {  	s1 =	sshrl.u32 s1, $0x3;
	s25 =	sadd.s32 $0x10000, s6;
	[dreg:$0x1c] =	wrdreg s22  }
0x1f: {  	s8 =	simm.s32 $0x14F80;
	s1 =	sadd.s32 s5, s1;
	[dreg:$0x1d] =	wrdreg s25  }
0x20: {  	s0 =	sadd.s32 $0x70C00, s0;
	s15 =	simm.s32 $0x15000;
	[dreg:$0x1e] =	wrdreg s1  }
0x21: {  	s9 =	simm.s32 $0x0;
	[dreg:$0x1f] =	wrdreg s0;
	s14 =	simm.s32 $0x14600  }
0x22: {  	s18 =	simm.s32 $0x14680;
	s20 =	simm.s32 $0x14900;
	[dreg:$0xe] =	wrdreg s14  }
0x23: {  	s22 =	simm.s32 $0x14A00;
	s25 =	simm.s32 $0x14A80;
	[dreg:$0x11] =	wrdreg s18  }
0x24: {  	s0 =	simm.s32 $0x14D80;
	s1 =	simm.s32 $0x14F00;
	[dreg:$0x13] =	wrdreg s20  }
0x25: {  	s18 =	simm.s32 $0x1;
	s20 =	simm.s32 $0x80;
	[dreg:$0x15] =	wrdreg s22  }
0x26: {  	v0 =	vimm.f32 $0.0e+00;
	s22 =	simm.s32 $0x3;
	[dreg:$0x18] =	wrdreg s25;
	s25 =	simm.s32 $0x6  }
.LBB2_1:
0x27: {  	s10 =	simm.s32 $0x0;
	s12 =	simm.s32 $0x200  }
.LBB2_2:
0x28: {  	p0 =	sne.s32 s12, $0xFE00;
	[tilespmem:s10+$0x15070] =	vst v0  }
0x29: {  	[tilespmem:s10+$0x15000] =	vst v0  }
0x2a: {  	[tilespmem:s10+$0x15010] =	vst v0  }
.Ltmp0:
0x2b: {  	[tilespmem:s10+$0x15020] =	vst v0;
	(pc) =	sbr.rel @p0 .LBB2_2-.Ltmp0, $4  }
0x2c: {  	[tilespmem:s10+$0x15030] =	vst v0  }
0x2d: {  	[tilespmem:s10+$0x15040] =	vst v0  }
0x2e: {  	[tilespmem:s10+$0x15050] =	vst v0  }
0x2f: {  	[tilespmem:s10+$0x15060] =	vst v0;
	s10 =	sshra.s32 s12, $0x2;
	s12 =	sadd.s32 $0x200, s12  }
0x30: {  	[tilespmem:s10+$0x15070] =	vst v0  }
0x31: {  	[tilespmem:s10+$0x15000] =	vst v0  }
0x32: {  	[tilespmem:s10+$0x15010] =	vst v0  }
0x33: {  	[tilespmem:s10+$0x15020] =	vst v0  }
0x34: {  	[tilespmem:s10+$0x15030] =	vst v0  }
0x35: {  	[tilespmem:s10+$0x15040] =	vst v0  }
0x36: {  	[tilespmem:s10+$0x15050] =	vst v0  }
0x37: {  	[tilespmem:s10+$0x15060] =	vst v0  }
0x38: {  	[spmem:s6] =	stream.linear.scatter [tilespmem:s15], [sflag:$0x7], $0x4000, $0x38;
	[tilespmem:$0x1D000] =	vst v63  }
0x39: {  	_ =	swait.ge [sflag:s16], $0x4000  }
0x3a: {  	[sflag:s16] =	ssyncset.done $0x0  }
0x3b: {  	s13 =	rddreg [dreg:$0x1a];
	[sflag:s16] =	ssyncadd.s32 $0xFFFFC000  }
0x3c: {  	[spmem:s13] =	stream.linear.scatter [tilespmem:s15], [sflag:$0x7], $0x4000, $0x38;
	[tilespmem:$0x1D000] =	vst v63  }
0x3d: {  	_ =	swait.ge [sflag:s16], $0x4000  }
0x3e: {  	[sflag:s16] =	ssyncset.done $0x0  }
0x3f: {  	s14 =	rddreg [dreg:$0x1b];
	[sflag:s16] =	ssyncadd.s32 $0xFFFFC000  }
0x40: {  	[spmem:s14] =	stream.linear.scatter [tilespmem:s15], [sflag:$0x7], $0x4000, $0x38;
	[tilespmem:$0x1D000] =	vst v63  }
0x41: {  	_ =	swait.ge [sflag:s16], $0x4000  }
0x42: {  	[sflag:s16] =	ssyncset.done $0x0  }
0x43: {  	s11 =	rddreg [dreg:$0x1c];
	[sflag:s16] =	ssyncadd.s32 $0xFFFFC000  }
0x44: {  	[spmem:s11] =	stream.linear.scatter [tilespmem:s15], [sflag:$0x7], $0x4000, $0x38;
	[tilespmem:$0x1D000] =	vst v63  }
0x45: {  	_ =	swait.ge [sflag:s16], $0x4000  }
0x46: {  	[sflag:s16] =	ssyncset.done $0x0  }
0x47: {  	s12 =	rddreg [dreg:$0x1d];
	[sflag:s16] =	ssyncadd.s32 $0xFFFFC000  }
0x48: {  	[spmem:s12] =	stream.linear.scatter [tilespmem:s15], [sflag:$0x7], $0x4000, $0x38;
	[tilespmem:$0x1D000] =	vst v63  }
0x49: {  	_ =	swait.ge [sflag:s16], $0x4000  }
0x4a: {  	[sflag:s16] =	ssyncset.done $0x0  }
0x4b: {  	[sflag:s16] =	ssyncadd.s32 $0xFFFFC000  }
0x4c: {  	[bflag:$0x0] =	sbarrier.arrive $0xFFFF  }
0x4d: {  	s13 =	simm.s32 $0x0;
	s11 =	rddreg [dreg:$0x1e]  }
0x4e: {  	[tilespmem:s17], [sflag:$0x1] =	stream.linear.gather [hbm4b:s11+s13], $0x800, $0x38;
	[tilespmem:$0x1D000] =	vst v63  }
0x4f: {  	_ =	swait.ge [sflag:s18], $0x800  }
0x50: {  	s14 =	rddreg [dreg:$0x3];
	[sflag:s18] =	ssyncset.done $0x0  }
0x51: {  	[sflag:s18] =	ssyncadd.s32 $0xFFFFF800;
	s10 =	sadd.s32 $0x0, s14  }
0x52: {  	[tilespmem:s19], [sflag:$0x2] =	stream.linear.gather [hbm4b:s10+s3], $0x800, $0x38;
	[tilespmem:$0x1D000] =	vst v63  }
0x53: {  	_ = 	snop  }
0x54: {  	[tilespmem:s15], [sflag:$0x3] =	stream.indirect.gather [hbm4b:s4+s20], $0x80, s17, s20, $0xb8;
	[tilespmem:$0x1D000] =	vst v63  }
0x55: {  	s11 =	rddreg [dreg:$0x4]  }
0x56: {  	[tilespmem:s21], [sflag:$0x4] =	stream.indirect.gather [hbm4b:s4+s20], $0x80, s11, s20, $0xb8;
	[tilespmem:$0x1D000] =	vst v63  }
0x57: {  	_ =	swait.ge [sflag:s22], $0x4000  }
0x58: {  	[sflag:s22] =	ssyncset.done $0x0  }
0x59: {  	s12 =	rddreg [dreg:$0x5];
	[sflag:s22] =	ssyncadd.s32 $0xFFFFC000  }
0x5a: {  	[spmem:s2] =	stream.indirect.scatter.add.f32 [tilespmem:s15], [sflag:$0x5], $0x80, s12, s20, $0xb8;
	[tilespmem:$0x1D000] =	vst v63  }
0x5b: {  	_ =	swait.ge [sflag:s23], $0x4000  }
0x5c: {  	[sflag:s23] =	ssyncset.done $0x0  }
0x5d: {  	s13 =	rddreg [dreg:$0x6];
	[sflag:s23] =	ssyncadd.s32 $0xFFFFC000  }
0x5e: {  	[tilespmem:s15], [sflag:$0x3] =	stream.indirect.gather [hbm4b:s4+s20], $0x80, s13, s20, $0xb8;
	[tilespmem:$0x1D000] =	vst v63  }
0x5f: {  	_ =	swait.ge [sflag:s24], $0x4000  }
0x60: {  	[sflag:s24] =	ssyncset.done $0x0  }
0x61: {  	s14 =	rddreg [dreg:$0x7];
	[sflag:s24] =	ssyncadd.s32 $0xFFFFC000  }
0x62: {  	[spmem:s2] =	stream.indirect.scatter.add.f32 [tilespmem:s21], [sflag:$0x6], $0x80, s14, s20, $0xb8;
	[tilespmem:$0x1D000] =	vst v63  }
0x63: {  	_ =	swait.ge [sflag:s25], $0x4000  }
0x64: {  	[sflag:s25] =	ssyncset.done $0x0  }
0x65: {  	s11 =	rddreg [dreg:$0x8];
	[sflag:s25] =	ssyncadd.s32 $0xFFFFC000  }
0x66: {  	[tilespmem:s21], [sflag:$0x4] =	stream.indirect.gather [hbm4b:s4+s20], $0x80, s11, s20, $0xb8;
	[tilespmem:$0x1D000] =	vst v63  }
0x67: {  	_ =	swait.ge [sflag:s22], $0x4000  }
0x68: {  	[sflag:s22] =	ssyncset.done $0x0  }
0x69: {  	s12 =	rddreg [dreg:$0x9];
	[sflag:s22] =	ssyncadd.s32 $0xFFFFC000  }
0x6a: {  	[spmem:s2] =	stream.indirect.scatter.add.f32 [tilespmem:s15], [sflag:$0x5], $0x80, s12, s20, $0xb8;
	[tilespmem:$0x1D000] =	vst v63  }
0x6b: {  	_ =	swait.ge [sflag:s23], $0x4000  }
0x6c: {  	[sflag:s23] =	ssyncset.done $0x0  }
0x6d: {  	s13 =	rddreg [dreg:$0xa];
	[sflag:s23] =	ssyncadd.s32 $0xFFFFC000  }
0x6e: {  	[tilespmem:s15], [sflag:$0x3] =	stream.indirect.gather [hbm4b:s4+s20], $0x80, s13, s20, $0xb8;
	[tilespmem:$0x1D000] =	vst v63  }
0x6f: {  	_ =	swait.ge [sflag:s24], $0x4000  }
0x70: {  	[sflag:s24] =	ssyncset.done $0x0  }
0x71: {  	s14 =	rddreg [dreg:$0xb];
	[sflag:s24] =	ssyncadd.s32 $0xFFFFC000  }
0x72: {  	[spmem:s2] =	stream.indirect.scatter.add.f32 [tilespmem:s21], [sflag:$0x6], $0x80, s14, s20, $0xb8;
	[tilespmem:$0x1D000] =	vst v63  }
0x73: {  	_ =	swait.ge [sflag:s25], $0x4000  }
0x74: {  	[sflag:s25] =	ssyncset.done $0x0  }
0x75: {  	s11 =	rddreg [dreg:$0xc];
	[sflag:s25] =	ssyncadd.s32 $0xFFFFC000  }
0x76: {  	[tilespmem:s21], [sflag:$0x4] =	stream.indirect.gather [hbm4b:s4+s20], $0x80, s11, s20, $0xb8;
	[tilespmem:$0x1D000] =	vst v63  }
0x77: {  	_ =	swait.ge [sflag:s22], $0x4000  }
0x78: {  	[sflag:s22] =	ssyncset.done $0x0  }
0x79: {  	s12 =	rddreg [dreg:$0xd];
	[sflag:s22] =	ssyncadd.s32 $0xFFFFC000  }
0x7a: {  	[spmem:s2] =	stream.indirect.scatter.add.f32 [tilespmem:s15], [sflag:$0x5], $0x80, s12, s20, $0xb8;
	[tilespmem:$0x1D000] =	vst v63  }
0x7b: {  	_ =	swait.ge [sflag:s23], $0x4000  }
0x7c: {  	[sflag:s23] =	ssyncset.done $0x0  }
0x7d: {  	s13 =	rddreg [dreg:$0xe];
	[sflag:s23] =	ssyncadd.s32 $0xFFFFC000  }
0x7e: {  	[tilespmem:s15], [sflag:$0x3] =	stream.indirect.gather [hbm4b:s4+s20], $0x80, s13, s20, $0xb8;
	[tilespmem:$0x1D000] =	vst v63  }
0x7f: {  	_ =	swait.ge [sflag:s24], $0x4000  }
0x80: {  	[sflag:s24] =	ssyncset.done $0x0  }
0x81: {  	s14 =	rddreg [dreg:$0xf];
	[sflag:s24] =	ssyncadd.s32 $0xFFFFC000  }
0x82: {  	[spmem:s2] =	stream.indirect.scatter.add.f32 [tilespmem:s21], [sflag:$0x6], $0x80, s14, s20, $0xb8;
	[tilespmem:$0x1D000] =	vst v63  }
0x83: {  	_ =	swait.ge [sflag:s25], $0x4000  }
0x84: {  	[sflag:s25] =	ssyncset.done $0x0  }
0x85: {  	s11 =	rddreg [dreg:$0x10];
	[sflag:s25] =	ssyncadd.s32 $0xFFFFC000  }
0x86: {  	[tilespmem:s21], [sflag:$0x4] =	stream.indirect.gather [hbm4b:s4+s20], $0x80, s11, s20, $0xb8;
	[tilespmem:$0x1D000] =	vst v63  }
0x87: {  	_ =	swait.ge [sflag:s22], $0x4000  }
0x88: {  	[sflag:s22] =	ssyncset.done $0x0  }
0x89: {  	s12 =	rddreg [dreg:$0x11];
	[sflag:s22] =	ssyncadd.s32 $0xFFFFC000  }
0x8a: {  	[spmem:s2] =	stream.indirect.scatter.add.f32 [tilespmem:s15], [sflag:$0x5], $0x80, s12, s20, $0xb8;
	[tilespmem:$0x1D000] =	vst v63  }
0x8b: {  	_ =	swait.ge [sflag:s23], $0x4000  }
0x8c: {  	[sflag:s23] =	ssyncset.done $0x0  }
0x8d: {  	[sflag:s23] =	ssyncadd.s32 $0xFFFFC000  }
0x8e: {  	_ =	swait.ge [sflag:s24], $0x4000  }
0x8f: {  	[sflag:s24] =	ssyncset.done $0x0  }
0x90: {  	s13 =	rddreg [dreg:$0x12];
	[sflag:s24] =	ssyncadd.s32 $0xFFFFC000  }
0x91: {  	[spmem:s2] =	stream.indirect.scatter.add.f32 [tilespmem:s21], [sflag:$0x6], $0x80, s13, s20, $0xb8;
	[tilespmem:$0x1D000] =	vst v63  }
0x92: {  	_ =	swait.ge [sflag:s25], $0x4000  }
0x93: {  	[sflag:s25] =	ssyncset.done $0x0  }
0x94: {  	[sflag:s25] =	ssyncadd.s32 $0xFFFFC000  }
0x95: {  	_ =	swait.ge [sflag:s26], $0x800  }
0x96: {  	s11 =	sld [smem:$0x7FD];
	_ =	sdelay $0x1  }
0x97: {  	p0 =	por $0x0, $0x0  }
0x98: {  	s14 =	simm.s32 @!p0 $0x0;
	[sflag:s26] =	ssyncset.done $0x0;
	s10 =	sshrl.u32 @!p0 s11, $0x3  }
0x99: {  	s12 =	simm.s32 @!p0 $0x14000;
	[sflag:s26] =	ssyncadd.s32 $0xFFFFF800;
	s10 =	sadd.s32 @!p0 s5, s10  }
0x9a: {  	[tilespmem:s12], [sflag:$0x1] =	stream.linear.gather @!p0 [hbm4b:s10+s14], $0x800, $0x38;
	[tilespmem:$0x1D000] =	vst v63  }
0x9b: {  	_ = 	snop  }
0x9c: {  	[tilespmem:s15], [sflag:$0x3] =	stream.indirect.gather [hbm4b:s4+s20], $0x80, s19, s20, $0xb8;
	[tilespmem:$0x1D000] =	vst v63  }
0x9d: {  	s14 =	rddreg [dreg:$0x13]  }
0x9e: {  	[tilespmem:s21], [sflag:$0x4] =	stream.indirect.gather [hbm4b:s4+s20], $0x80, s14, s20, $0xb8;
	[tilespmem:$0x1D000] =	vst v63  }
0x9f: {  	_ =	swait.ge [sflag:s22], $0x4000  }
0xa0: {  	[sflag:s22] =	ssyncset.done $0x0  }
0xa1: {  	s12 =	rddreg [dreg:$0x14];
	[sflag:s22] =	ssyncadd.s32 $0xFFFFC000  }
0xa2: {  	[spmem:s2] =	stream.indirect.scatter.add.f32 [tilespmem:s15], [sflag:$0x5], $0x80, s12, s20, $0xb8;
	[tilespmem:$0x1D000] =	vst v63  }
0xa3: {  	_ =	swait.ge [sflag:s23], $0x4000  }
0xa4: {  	[sflag:s23] =	ssyncset.done $0x0  }
0xa5: {  	s13 =	rddreg [dreg:$0x15];
	[sflag:s23] =	ssyncadd.s32 $0xFFFFC000  }
0xa6: {  	[tilespmem:s15], [sflag:$0x3] =	stream.indirect.gather [hbm4b:s4+s20], $0x80, s13, s20, $0xb8;
	[tilespmem:$0x1D000] =	vst v63  }
0xa7: {  	_ =	swait.ge [sflag:s24], $0x4000  }
0xa8: {  	[sflag:s24] =	ssyncset.done $0x0  }
0xa9: {  	s14 =	rddreg [dreg:$0x16];
	[sflag:s24] =	ssyncadd.s32 $0xFFFFC000  }
0xaa: {  	[spmem:s2] =	stream.indirect.scatter.add.f32 [tilespmem:s21], [sflag:$0x6], $0x80, s14, s20, $0xb8;
	[tilespmem:$0x1D000] =	vst v63  }
0xab: {  	_ =	swait.ge [sflag:s25], $0x4000  }
0xac: {  	[sflag:s25] =	ssyncset.done $0x0  }
0xad: {  	s12 =	rddreg [dreg:$0x17];
	[sflag:s25] =	ssyncadd.s32 $0xFFFFC000  }
0xae: {  	[tilespmem:s21], [sflag:$0x4] =	stream.indirect.gather [hbm4b:s4+s20], $0x80, s12, s20, $0xb8;
	[tilespmem:$0x1D000] =	vst v63  }
0xaf: {  	_ =	swait.ge [sflag:s22], $0x4000  }
0xb0: {  	[sflag:s22] =	ssyncset.done $0x0  }
0xb1: {  	s13 =	rddreg [dreg:$0x18];
	[sflag:s22] =	ssyncadd.s32 $0xFFFFC000  }
0xb2: {  	[spmem:s2] =	stream.indirect.scatter.add.f32 [tilespmem:s15], [sflag:$0x5], $0x80, s13, s20, $0xb8;
	[tilespmem:$0x1D000] =	vst v63  }
0xb3: {  	_ =	swait.ge [sflag:s23], $0x4000  }
0xb4: {  	[sflag:s23] =	ssyncset.done $0x0  }
0xb5: {  	s14 =	rddreg [dreg:$0x19];
	[sflag:s23] =	ssyncadd.s32 $0xFFFFC000  }
0xb6: {  	[tilespmem:s15], [sflag:$0x3] =	stream.indirect.gather [hbm4b:s4+s20], $0x80, s14, s20, $0xb8;
	[tilespmem:$0x1D000] =	vst v63  }
0xb7: {  	_ =	swait.ge [sflag:s24], $0x4000  }
0xb8: {  	[sflag:s24] =	ssyncset.done $0x0  }
0xb9: {  	[sflag:s24] =	ssyncadd.s32 $0xFFFFC000  }
0xba: {  	[spmem:s2] =	stream.indirect.scatter.add.f32 [tilespmem:s21], [sflag:$0x6], $0x80, s28, s20, $0xb8;
	[tilespmem:$0x1D000] =	vst v63  }
0xbb: {  	_ =	swait.ge [sflag:s25], $0x4000  }
0xbc: {  	[sflag:s25] =	ssyncset.done $0x0  }
0xbd: {  	[sflag:s25] =	ssyncadd.s32 $0xFFFFC000  }
0xbe: {  	[tilespmem:s21], [sflag:$0x4] =	stream.indirect.gather [hbm4b:s4+s20], $0x80, s29, s20, $0xb8;
	[tilespmem:$0x1D000] =	vst v63  }
0xbf: {  	_ =	swait.ge [sflag:s22], $0x4000  }
0xc0: {  	[sflag:s22] =	ssyncset.done $0x0  }
0xc1: {  	[sflag:s22] =	ssyncadd.s32 $0xFFFFC000  }
0xc2: {  	[spmem:s2] =	stream.indirect.scatter.add.f32 [tilespmem:s15], [sflag:$0x5], $0x80, s30, s20, $0xb8;
	[tilespmem:$0x1D000] =	vst v63  }
0xc3: {  	_ =	swait.ge [sflag:s23], $0x4000  }
0xc4: {  	[sflag:s23] =	ssyncset.done $0x0  }
0xc5: {  	[sflag:s23] =	ssyncadd.s32 $0xFFFFC000  }
0xc6: {  	[tilespmem:s15], [sflag:$0x3] =	stream.indirect.gather [hbm4b:s4+s20], $0x80, s31, s20, $0xb8;
	[tilespmem:$0x1D000] =	vst v63  }
0xc7: {  	_ =	swait.ge [sflag:s24], $0x4000  }
0xc8: {  	[sflag:s24] =	ssyncset.done $0x0  }
0xc9: {  	[sflag:s24] =	ssyncadd.s32 $0xFFFFC000  }
0xca: {  	[spmem:s2] =	stream.indirect.scatter.add.f32 [tilespmem:s21], [sflag:$0x6], $0x80, s0, s20, $0xb8;
	[tilespmem:$0x1D000] =	vst v63  }
0xcb: {  	_ =	swait.ge [sflag:s25], $0x4000  }
0xcc: {  	[sflag:s25] =	ssyncset.done $0x0  }
0xcd: {  	[sflag:s25] =	ssyncadd.s32 $0xFFFFC000  }
0xce: {  	[tilespmem:s21], [sflag:$0x4] =	stream.indirect.gather [hbm4b:s4+s20], $0x80, s1, s20, $0xb8;
	[tilespmem:$0x1D000] =	vst v63  }
0xcf: {  	_ =	swait.ge [sflag:s22], $0x4000  }
0xd0: {  	[sflag:s22] =	ssyncset.done $0x0  }
0xd1: {  	[sflag:s22] =	ssyncadd.s32 $0xFFFFC000  }
0xd2: {  	[spmem:s2] =	stream.indirect.scatter.add.f32 [tilespmem:s15], [sflag:$0x5], $0x80, s7, s20, $0xb8;
	[tilespmem:$0x1D000] =	vst v63  }
0xd3: {  	_ =	swait.ge [sflag:s23], $0x4000  }
0xd4: {  	[sflag:s23] =	ssyncset.done $0x0  }
0xd5: {  	[sflag:s23] =	ssyncadd.s32 $0xFFFFC000  }
0xd6: {  	_ =	swait.ge [sflag:s24], $0x4000  }
0xd7: {  	[sflag:s24] =	ssyncset.done $0x0  }
0xd8: {  	[sflag:s24] =	ssyncadd.s32 $0xFFFFC000  }
0xd9: {  	[spmem:s2] =	stream.indirect.scatter.add.f32 [tilespmem:s21], [sflag:$0x6], $0x80, s8, s20, $0xb8;
	[tilespmem:$0x1D000] =	vst v63  }
0xda: {  	_ =	swait.ge [sflag:s25], $0x4000  }
0xdb: {  	s10 =	simm.s32 $0x200;
	s14 =	smov.u32 s11;
	[sflag:s25] =	ssyncset.done $0x0  }
.LBB2_4:
0xdc: {  	[sflag:s25] =	ssyncadd.s32 $0xFFFFC000  }
0xdd: {  	_ =	swait.ge [sflag:s18], $0x800  }
0xde: {  	s12 =	smov.u32 s10;
	s13 =	rddreg [dreg:$0x3];
	[sflag:s18] =	ssyncset.done $0x0  }
0xdf: {  	[sflag:s18] =	ssyncadd.s32 $0xFFFFF800;
	s13 =	sadd.s32 s12, s13  }
0xe0: {  	[tilespmem:s19], [sflag:$0x2] =	stream.linear.gather [hbm4b:s13+s3], $0x800, $0x38;
	[tilespmem:$0x1D000] =	vst v63  }
0xe1: {  	_ = 	snop  }
0xe2: {  	[tilespmem:s15], [sflag:$0x3] =	stream.indirect.gather [hbm4b:s4+s20], $0x80, s17, s20, $0xb8;
	[tilespmem:$0x1D000] =	vst v63  }
0xe3: {  	s11 =	rddreg [dreg:$0x4]  }
0xe4: {  	[tilespmem:s21], [sflag:$0x4] =	stream.indirect.gather [hbm4b:s4+s20], $0x80, s11, s20, $0xb8;
	[tilespmem:$0x1D000] =	vst v63  }
0xe5: {  	_ =	swait.ge [sflag:s22], $0x4000  }
0xe6: {  	[sflag:s22] =	ssyncset.done $0x0  }
0xe7: {  	s11 =	rddreg [dreg:$0x5];
	[sflag:s22] =	ssyncadd.s32 $0xFFFFC000  }
0xe8: {  	[spmem:s2] =	stream.indirect.scatter.add.f32 [tilespmem:s15], [sflag:$0x5], $0x80, s11, s20, $0xb8;
	[tilespmem:$0x1D000] =	vst v63  }
0xe9: {  	_ =	swait.ge [sflag:s23], $0x4000  }
0xea: {  	[sflag:s23] =	ssyncset.done $0x0  }
0xeb: {  	s11 =	rddreg [dreg:$0x6];
	[sflag:s23] =	ssyncadd.s32 $0xFFFFC000  }
0xec: {  	[tilespmem:s15], [sflag:$0x3] =	stream.indirect.gather [hbm4b:s4+s20], $0x80, s11, s20, $0xb8;
	[tilespmem:$0x1D000] =	vst v63  }
0xed: {  	_ =	swait.ge [sflag:s24], $0x4000  }
0xee: {  	[sflag:s24] =	ssyncset.done $0x0  }
0xef: {  	s11 =	rddreg [dreg:$0x7];
	[sflag:s24] =	ssyncadd.s32 $0xFFFFC000  }
0xf0: {  	[spmem:s2] =	stream.indirect.scatter.add.f32 [tilespmem:s21], [sflag:$0x6], $0x80, s11, s20, $0xb8;
	[tilespmem:$0x1D000] =	vst v63  }
0xf1: {  	_ =	swait.ge [sflag:s25], $0x4000  }
0xf2: {  	[sflag:s25] =	ssyncset.done $0x0  }
0xf3: {  	s11 =	rddreg [dreg:$0x8];
	[sflag:s25] =	ssyncadd.s32 $0xFFFFC000  }
0xf4: {  	[tilespmem:s21], [sflag:$0x4] =	stream.indirect.gather [hbm4b:s4+s20], $0x80, s11, s20, $0xb8;
	[tilespmem:$0x1D000] =	vst v63  }
0xf5: {  	_ =	swait.ge [sflag:s22], $0x4000  }
0xf6: {  	[sflag:s22] =	ssyncset.done $0x0  }
0xf7: {  	s11 =	rddreg [dreg:$0x9];
	[sflag:s22] =	ssyncadd.s32 $0xFFFFC000  }
0xf8: {  	[spmem:s2] =	stream.indirect.scatter.add.f32 [tilespmem:s15], [sflag:$0x5], $0x80, s11, s20, $0xb8;
	[tilespmem:$0x1D000] =	vst v63  }
0xf9: {  	_ =	swait.ge [sflag:s23], $0x4000  }
0xfa: {  	[sflag:s23] =	ssyncset.done $0x0  }
0xfb: {  	s11 =	rddreg [dreg:$0xa];
	[sflag:s23] =	ssyncadd.s32 $0xFFFFC000  }
0xfc: {  	[tilespmem:s15], [sflag:$0x3] =	stream.indirect.gather [hbm4b:s4+s20], $0x80, s11, s20, $0xb8;
	[tilespmem:$0x1D000] =	vst v63  }
0xfd: {  	_ =	swait.ge [sflag:s24], $0x4000  }
0xfe: {  	[sflag:s24] =	ssyncset.done $0x0  }
0xff: {  	s11 =	rddreg [dreg:$0xb];
	[sflag:s24] =	ssyncadd.s32 $0xFFFFC000  }
0x100: {  	[spmem:s2] =	stream.indirect.scatter.add.f32 [tilespmem:s21], [sflag:$0x6], $0x80, s11, s20, $0xb8;
	[tilespmem:$0x1D000] =	vst v63  }
0x101: {  	_ =	swait.ge [sflag:s25], $0x4000  }
0x102: {  	[sflag:s25] =	ssyncset.done $0x0  }
0x103: {  	s11 =	rddreg [dreg:$0xc];
	[sflag:s25] =	ssyncadd.s32 $0xFFFFC000  }
0x104: {  	[tilespmem:s21], [sflag:$0x4] =	stream.indirect.gather [hbm4b:s4+s20], $0x80, s11, s20, $0xb8;
	[tilespmem:$0x1D000] =	vst v63  }
0x105: {  	_ =	swait.ge [sflag:s22], $0x4000  }
0x106: {  	[sflag:s22] =	ssyncset.done $0x0  }
0x107: {  	s11 =	rddreg [dreg:$0xd];
	[sflag:s22] =	ssyncadd.s32 $0xFFFFC000  }
0x108: {  	[spmem:s2] =	stream.indirect.scatter.add.f32 [tilespmem:s15], [sflag:$0x5], $0x80, s11, s20, $0xb8;
	[tilespmem:$0x1D000] =	vst v63  }
0x109: {  	_ =	swait.ge [sflag:s23], $0x4000  }
0x10a: {  	[sflag:s23] =	ssyncset.done $0x0  }
0x10b: {  	s11 =	rddreg [dreg:$0xe];
	[sflag:s23] =	ssyncadd.s32 $0xFFFFC000  }
0x10c: {  	[tilespmem:s15], [sflag:$0x3] =	stream.indirect.gather [hbm4b:s4+s20], $0x80, s11, s20, $0xb8;
	[tilespmem:$0x1D000] =	vst v63  }
0x10d: {  	_ =	swait.ge [sflag:s24], $0x4000  }
0x10e: {  	[sflag:s24] =	ssyncset.done $0x0  }
0x10f: {  	s11 =	rddreg [dreg:$0xf];
	[sflag:s24] =	ssyncadd.s32 $0xFFFFC000  }
0x110: {  	[spmem:s2] =	stream.indirect.scatter.add.f32 [tilespmem:s21], [sflag:$0x6], $0x80, s11, s20, $0xb8;
	[tilespmem:$0x1D000] =	vst v63  }
0x111: {  	_ =	swait.ge [sflag:s25], $0x4000  }
0x112: {  	[sflag:s25] =	ssyncset.done $0x0  }
0x113: {  	s11 =	rddreg [dreg:$0x10];
	[sflag:s25] =	ssyncadd.s32 $0xFFFFC000  }
0x114: {  	[tilespmem:s21], [sflag:$0x4] =	stream.indirect.gather [hbm4b:s4+s20], $0x80, s11, s20, $0xb8;
	[tilespmem:$0x1D000] =	vst v63  }
0x115: {  	_ =	swait.ge [sflag:s22], $0x4000  }
0x116: {  	[sflag:s22] =	ssyncset.done $0x0  }
0x117: {  	s11 =	rddreg [dreg:$0x11];
	[sflag:s22] =	ssyncadd.s32 $0xFFFFC000  }
0x118: {  	[spmem:s2] =	stream.indirect.scatter.add.f32 [tilespmem:s15], [sflag:$0x5], $0x80, s11, s20, $0xb8;
	[tilespmem:$0x1D000] =	vst v63  }
0x119: {  	_ =	swait.ge [sflag:s23], $0x4000  }
0x11a: {  	[sflag:s23] =	ssyncset.done $0x0  }
0x11b: {  	[sflag:s23] =	ssyncadd.s32 $0xFFFFC000  }
0x11c: {  	_ =	swait.ge [sflag:s24], $0x4000  }
0x11d: {  	[sflag:s24] =	ssyncset.done $0x0  }
0x11e: {  	s11 =	rddreg [dreg:$0x12];
	[sflag:s24] =	ssyncadd.s32 $0xFFFFC000  }
0x11f: {  	[spmem:s2] =	stream.indirect.scatter.add.f32 [tilespmem:s21], [sflag:$0x6], $0x80, s11, s20, $0xb8;
	[tilespmem:$0x1D000] =	vst v63  }
0x120: {  	_ =	swait.ge [sflag:s25], $0x4000  }
0x121: {  	[sflag:s25] =	ssyncset.done $0x0  }
0x122: {  	[sflag:s25] =	ssyncadd.s32 $0xFFFFC000  }
0x123: {  	s14 =	sadd.s32 $0x1000, s14;
	p1 =	seq.s32 s12, $0x800;
	_ =	swait.ge [sflag:s26], $0x800  }
0x124: {  	s12 =	sshrl.u32 @!p1 s14, $0x3;
	s13 =	simm.s32 @!p1 $0x14000;
	[sflag:s26] =	ssyncset.done $0x0  }
0x125: {  	s12 =	sadd.s32 @!p1 s5, s12;
	s11 =	simm.s32 @!p1 $0x0;
	[sflag:s26] =	ssyncadd.s32 $0xFFFFF800  }
0x126: {  	[tilespmem:s13], [sflag:$0x1] =	stream.linear.gather @!p1 [hbm4b:s12+s11], $0x800, $0x38;
	[tilespmem:$0x1D000] =	vst v63  }
0x127: {  	_ = 	snop  }
0x128: {  	[tilespmem:s15], [sflag:$0x3] =	stream.indirect.gather [hbm4b:s4+s20], $0x80, s19, s20, $0xb8;
	[tilespmem:$0x1D000] =	vst v63  }
0x129: {  	s13 =	rddreg [dreg:$0x13]  }
0x12a: {  	[tilespmem:s21], [sflag:$0x4] =	stream.indirect.gather [hbm4b:s4+s20], $0x80, s13, s20, $0xb8;
	[tilespmem:$0x1D000] =	vst v63  }
0x12b: {  	_ =	swait.ge [sflag:s22], $0x4000  }
0x12c: {  	[sflag:s22] =	ssyncset.done $0x0  }
0x12d: {  	s12 =	rddreg [dreg:$0x14];
	[sflag:s22] =	ssyncadd.s32 $0xFFFFC000  }
0x12e: {  	[spmem:s2] =	stream.indirect.scatter.add.f32 [tilespmem:s15], [sflag:$0x5], $0x80, s12, s20, $0xb8;
	[tilespmem:$0x1D000] =	vst v63  }
0x12f: {  	_ =	swait.ge [sflag:s23], $0x4000  }
0x130: {  	[sflag:s23] =	ssyncset.done $0x0  }
0x131: {  	s13 =	rddreg [dreg:$0x15];
	[sflag:s23] =	ssyncadd.s32 $0xFFFFC000  }
0x132: {  	[tilespmem:s15], [sflag:$0x3] =	stream.indirect.gather [hbm4b:s4+s20], $0x80, s13, s20, $0xb8;
	[tilespmem:$0x1D000] =	vst v63  }
0x133: {  	_ =	swait.ge [sflag:s24], $0x4000  }
0x134: {  	[sflag:s24] =	ssyncset.done $0x0  }
0x135: {  	s12 =	rddreg [dreg:$0x16];
	[sflag:s24] =	ssyncadd.s32 $0xFFFFC000  }
0x136: {  	[spmem:s2] =	stream.indirect.scatter.add.f32 [tilespmem:s21], [sflag:$0x6], $0x80, s12, s20, $0xb8;
	[tilespmem:$0x1D000] =	vst v63  }
0x137: {  	_ =	swait.ge [sflag:s25], $0x4000  }
0x138: {  	[sflag:s25] =	ssyncset.done $0x0  }
0x139: {  	s13 =	rddreg [dreg:$0x17];
	[sflag:s25] =	ssyncadd.s32 $0xFFFFC000  }
0x13a: {  	[tilespmem:s21], [sflag:$0x4] =	stream.indirect.gather [hbm4b:s4+s20], $0x80, s13, s20, $0xb8;
	[tilespmem:$0x1D000] =	vst v63  }
0x13b: {  	_ =	swait.ge [sflag:s22], $0x4000  }
0x13c: {  	[sflag:s22] =	ssyncset.done $0x0  }
0x13d: {  	s12 =	rddreg [dreg:$0x18];
	[sflag:s22] =	ssyncadd.s32 $0xFFFFC000  }
0x13e: {  	[spmem:s2] =	stream.indirect.scatter.add.f32 [tilespmem:s15], [sflag:$0x5], $0x80, s12, s20, $0xb8;
	[tilespmem:$0x1D000] =	vst v63  }
0x13f: {  	_ =	swait.ge [sflag:s23], $0x4000  }
0x140: {  	[sflag:s23] =	ssyncset.done $0x0  }
0x141: {  	s13 =	rddreg [dreg:$0x19];
	[sflag:s23] =	ssyncadd.s32 $0xFFFFC000  }
0x142: {  	[tilespmem:s15], [sflag:$0x3] =	stream.indirect.gather [hbm4b:s4+s20], $0x80, s13, s20, $0xb8;
	[tilespmem:$0x1D000] =	vst v63  }
0x143: {  	_ =	swait.ge [sflag:s24], $0x4000  }
0x144: {  	[sflag:s24] =	ssyncset.done $0x0  }
0x145: {  	[sflag:s24] =	ssyncadd.s32 $0xFFFFC000  }
0x146: {  	[spmem:s2] =	stream.indirect.scatter.add.f32 [tilespmem:s21], [sflag:$0x6], $0x80, s28, s20, $0xb8;
	[tilespmem:$0x1D000] =	vst v63  }
0x147: {  	_ =	swait.ge [sflag:s25], $0x4000  }
0x148: {  	[sflag:s25] =	ssyncset.done $0x0  }
0x149: {  	[sflag:s25] =	ssyncadd.s32 $0xFFFFC000  }
0x14a: {  	[tilespmem:s21], [sflag:$0x4] =	stream.indirect.gather [hbm4b:s4+s20], $0x80, s29, s20, $0xb8;
	[tilespmem:$0x1D000] =	vst v63  }
0x14b: {  	_ =	swait.ge [sflag:s22], $0x4000  }
0x14c: {  	[sflag:s22] =	ssyncset.done $0x0  }
0x14d: {  	[sflag:s22] =	ssyncadd.s32 $0xFFFFC000  }
0x14e: {  	[spmem:s2] =	stream.indirect.scatter.add.f32 [tilespmem:s15], [sflag:$0x5], $0x80, s30, s20, $0xb8;
	[tilespmem:$0x1D000] =	vst v63  }
0x14f: {  	_ =	swait.ge [sflag:s23], $0x4000  }
0x150: {  	[sflag:s23] =	ssyncset.done $0x0  }
0x151: {  	[sflag:s23] =	ssyncadd.s32 $0xFFFFC000  }
0x152: {  	[tilespmem:s15], [sflag:$0x3] =	stream.indirect.gather [hbm4b:s4+s20], $0x80, s31, s20, $0xb8;
	[tilespmem:$0x1D000] =	vst v63  }
0x153: {  	_ =	swait.ge [sflag:s24], $0x4000  }
0x154: {  	[sflag:s24] =	ssyncset.done $0x0  }
0x155: {  	[sflag:s24] =	ssyncadd.s32 $0xFFFFC000  }
0x156: {  	[spmem:s2] =	stream.indirect.scatter.add.f32 [tilespmem:s21], [sflag:$0x6], $0x80, s0, s20, $0xb8;
	[tilespmem:$0x1D000] =	vst v63  }
0x157: {  	_ =	swait.ge [sflag:s25], $0x4000  }
0x158: {  	[sflag:s25] =	ssyncset.done $0x0  }
0x159: {  	[sflag:s25] =	ssyncadd.s32 $0xFFFFC000  }
0x15a: {  	[tilespmem:s21], [sflag:$0x4] =	stream.indirect.gather [hbm4b:s4+s20], $0x80, s1, s20, $0xb8;
	[tilespmem:$0x1D000] =	vst v63  }
0x15b: {  	_ =	swait.ge [sflag:s22], $0x4000  }
0x15c: {  	[sflag:s22] =	ssyncset.done $0x0  }
0x15d: {  	[sflag:s22] =	ssyncadd.s32 $0xFFFFC000  }
0x15e: {  	[spmem:s2] =	stream.indirect.scatter.add.f32 [tilespmem:s15], [sflag:$0x5], $0x80, s7, s20, $0xb8;
	[tilespmem:$0x1D000] =	vst v63  }
0x15f: {  	_ =	swait.ge [sflag:s23], $0x4000  }
0x160: {  	[sflag:s23] =	ssyncset.done $0x0  }
0x161: {  	s10 =	sadd.s32 $0x200, s10;
	[sflag:s23] =	ssyncadd.s32 $0xFFFFC000  }
0x162: {  	p0 =	sne.s32 s10, $0xA00;
	_ =	swait.ge [sflag:s24], $0x4000  }
.Ltmp1:
0x163: {  	[sflag:s24] =	ssyncset.done $0x0;
	(pc) =	sbr.rel @p0 .LBB2_4-.Ltmp1, $4  }
0x164: {  	[sflag:s24] =	ssyncadd.s32 $0xFFFFC000  }
0x165: {  	[spmem:s2] =	stream.indirect.scatter.add.f32 [tilespmem:s21], [sflag:$0x6], $0x80, s8, s20, $0xb8;
	[tilespmem:$0x1D000] =	vst v63  }
0x166: {  	_ =	swait.ge [sflag:s25], $0x4000  }
0x167: {  	[sflag:s25] =	ssyncset.done $0x0  }
0x168: {  	[sflag:s25] =	ssyncadd.s32 $0xFFFFC000;
	s10 =	stileid.u32  }
0x169: {  	s10 =	sshll.u32 s10, $0x6;
	[bflag:$0x0] =	sbarrier.arrive $0xFFFF  }
0x16a: {  	s11 =	sshrl.u32 s6, $0x3;
	s10 =	sor.u32 $0x1C07, s10;
	s12 =	rddreg [dreg:$0x1f]  }
0x16b: {  	[hbm:s12], [sflag:s10] =	dma.local [spmem:s11], $0x2800  }
0x16c: {  	_ =	swait.ge [sflag:s16], $0x2800  }
0x16d: {  	s14 =	sld [smem:$0x7FC];
	_ =	sdelay $0x1  }
0x16e: {  	s9 =	sadd.s32 $0x1, s9  }
0x16f: {  	p0 =	sne.s32 s9, s14  }
.Ltmp2:
0x170: {  	_ = 	snop;
	(pc) =	sbr.rel @p0 .LBB2_1-.Ltmp2, $3  }
0x171: {  	_ =	sdelay $0x1  }
0x172: {  	[sflag:s16] =	ssyncset.done $0x0  }
0x173: {  	[sflag:s16] =	ssyncadd.s32 $0xFFFFD800  }
0x174: {  	_ =	sfence.sel $0x180000  }
0x175: {  	[bflag:$0x0] =	sbarrier.arrive $0xFFFF  }
0x176: {  	_ =	strace $0x9000004A  }
0x177: {  	s0 =	stileid.u32;
	[bflag:$0x2] =	sbarrier.arrive $0xFFFF  }
0x178: {  	p0 =	sne.s32 s0, $0x0;
	s0 =	rddreg [dreg:$0x2]  }
0x179: {  	s0 =	sadd.s32 @!p0 $0x100000, s0  }
0x17a: {  	[sflag:s0] =	ssyncadd.tile.s32 @!p0 $0x1;
	_ =	shalt  }
.Lfunc_end2:
_tile_overlayer_lowered:
.L_overlay_start_2:
0x17b: {  	(tag) =	ssettag $0x2  }
0x17c: {  	s0 =	rddreg [dreg:$0x0];
	s2 =	stileid.u32  }
0x17d: {  	s1 =	rddreg [dreg:$0x1];
	p0 =	sne.s32 s2, $0x0  }
0x17e: {  	s3 =	rddreg [dreg:$0x2];
	[bflag:$0x3] =	sbarrier.arrive $0xFFFF;
	s2 =	simm.s32 @!p0 $0x1C07  }
0x17f: {  	[timem:s3], [sflag:s2] =	dma.local @!p0 [hbm:s0], s1  }
0x180: {  	s0 =	simm.s32 @!p0 $0x7  }
0x181: {  	_ =	swait.ge @!p0 [sflag:s0], s1  }
0x182: {  	s1 =	ssub.s32 @!p0 $0x0, s1;
	[sflag:s0] =	ssyncset.done @!p0 $0x0  }
0x183: {  	[sflag:s0] =	ssyncadd.s32 @!p0 s1  }
0x184: {  	[bflag:$0x3] =	sbarrier.arrive $0xFFFF  }
0x185: {  	_ =	shalt  }

// kernel: kernel.14.cloned.1.call-start
scs
__scs_entry_jumppad:
0x0: {  	(pc) =	sbr.rel $0x88, $3  }
0x1: {  	(tag) =	ssettag $0x0;
	lr =	simm.s32 $0x1  }
0x2: {  	[smem:$0x3F98] =	sst lr;
	_ =	strace $0xD0000000  }
0x3: {  	_ = 	snop  }
0x4: {  	_ = 	snop  }
0x5: {  	_ = 	snop  }
0x6: {  	_ = 	snop  }
0x7: {  	_ = 	snop  }
__scs_overlays_trampoline_lowered:
0x8: {  	[smem:$0x3FA7] =	sst s0  }
0x9: {  	[smem:$0x3FA8] =	sst s1  }
0xa: {  	[smem:$0x3FA9] =	sst s2  }
0xb: {  	[smem:$0x3FAA] =	sst s3  }
0xc: {  	[smem:$0x3FAB] =	sst s4  }
0xd: {  	[smem:$0x3FAC] =	sst s5  }
0xe: {  	[smem:$0x3FAD] =	sst s6  }
0xf: {  	[smem:$0x3FAE] =	sst s7  }
0x10: {  	[smem:$0x3FAF] =	sst s8  }
0x11: {  	[smem:$0x3FB0] =	sst s9;
	s0 =	simm.s32 @!p0 $0x0  }
0x12: {  	s1 =	sld [smem:$0x3F96];
	s0 =	simm.s32 @p0 $0x1  }
0x13: {  	[smem:$0x3FB1] =	sst s0;
	s0 =	simm.s32 @!p1 $0x0  }
0x14: {  	s2 =	sld [smem:$0x3F95];
	s0 =	simm.s32 @p1 $0x1  }
0x15: {  	[smem:$0x3FB2] =	sst s0;
	s0 =	simm.s32 @!p2 $0x0  }
0x16: {  	s3 =	sld [smem:$0x3FDB];
	s0 =	simm.s32 @p2 $0x1  }
0x17: {  	s4 =	simm.s32 $0x1BF5;
	[smem:$0x3FB4] =	sst s0  }
0x18: {  	s0 =	sld [smem:$0x3F97];
	_ =	swait.ge [sflag:s4], $0x0  }
0x19: {  	s7 =	sld [smem:$0x3F98]  }
0x1a: {  	s8 =	sadd.s32 $0xFFFFE003, lr  }
0x1b: {  	s9 =	sadd.s32 $0xFFFFFEF7, lr;
	s5 =	simm.s32 $0xFFFFFFFF;
	p2 =	slt.u32 s8, $0xFFFFF086  }
0x1c: {  	p1 =	slt.u32 s9, $0xF7A;
	s5 =	simm.s32 @!p2 $0x0  }
0x1d: {  	s5 =	simm.s32 @p1 $0x1;
	p0 =	seq.s32 s7, s2  }
0x1e: {  	s7 =	smul.u32 @!p0 $0xF7A, s2;
	p2 =	seq.s32 @!p0 s5, $0x0  }
0x1f: {  	s9 =	smul.u32 $0xF7A, s1;
	s8 =	simm.s32 @!p0 $0x1BF5;
	p2 =	por !p2, p0  }
0x20: {  	[sflag:s8] =	ssyncset.s32 @!p0 $0xFFFFF086;
	s6 =	sadd.s32 @!p0 s3, s7;
	s7 =	simm.s32 @!p0 $0x108  }
0x21: {  	s3 =	sadd.s32 s3, s9;
	s6 =	sadd.s32 @!p0 $0x88, s6;
	s7 =	simm.s32 @p2 $0x1082  }
0x22: {  	[simem:s7], [sflag:s8] =	dma.local @!p0 [hbm:s6], $0xF7A  }
0x23: {  	s9 =	sor.u32 $0xD0000000, s2;
	s6 =	simm.s32 $0x108;
	_ =	swait.ge @!p0 [sflag:s8], $0x0  }
0x24: {  	s3 =	sadd.s32 $0x88, s3;
	s6 =	simm.s32 @!p1 $0x1082;
	[sflag:s4] =	ssyncset.s32 $0xFFFFF086  }
0x25: {  	[simem:s6], [sflag:s4] =	dma.local [hbm:s3], $0xF7A  }
0x26: {  	[smem:$0x3F98] =	sst s1;
	(tag) =	ssettag s2;
	_ =	strace s9  }
0x27: {  	s1 =	sld [smem:$0x3FA8]  }
0x28: {  	s2 =	sld [smem:$0x3FA9]  }
0x29: {  	s4 =	sld [smem:$0x3FAB]  }
0x2a: {  	p0 =	seq.s32 s5, $0x0;
	s5 =	sld [smem:$0x3FAC]  }
0x2b: {  	s6 =	sld [smem:$0x3FAD]  }
0x2c: {  	s7 =	sld [smem:$0x3FAE]  }
0x2d: {  	s3 =	simm.s32 $0x108;
	s8 =	sld [smem:$0x3FAF]  }
0x2e: {  	s3 =	simm.s32 @!p0 $0x1082;
	s9 =	sld [smem:$0x3FB0]  }
0x2f: {  	lr =	sadd.s32 s0, s3;
	s0 =	sld [smem:$0x3FA7]  }
0x30: {  	s3 =	sld [smem:$0x3FAA]  }
0x31: {  	[smem:$0x3FB3] =	sst s10  }
0x32: {  	s10 =	sld [smem:$0x3FB1];
	_ =	sdelay $0x3  }
0x33: {  	p0 =	seq.s32 s10, $0x1;
	s10 =	sld [smem:$0x3FB3];
	_ =	sdelay $0x3  }
0x34: {  	[smem:$0x3FB3] =	sst s10  }
0x35: {  	s10 =	sld [smem:$0x3FB2];
	_ =	sdelay $0x3  }
0x36: {  	p1 =	seq.s32 s10, $0x1;
	s10 =	sld [smem:$0x3FB3];
	_ =	sdelay $0x3  }
0x37: {  	[smem:$0x3FB3] =	sst s10  }
0x38: {  	s10 =	sld [smem:$0x3FB4]  }
0x39: {  	_ = 	snop;
	(pc) =	sbr.ind lr, $3  }
0x3a: {  	_ = 	snop  }
0x3b: {  	_ = 	snop  }
0x3c: {  	p2 =	seq.s32 s10, $0x1;
	s10 =	sld [smem:$0x3FB3]  }
0x3d: {  	_ =	shalt  }
0x3e: {  	_ =	shalt  }
0x3f: {  	_ =	shalt  }
0x40: {  	_ =	shalt  }
0x41: {  	_ =	shalt  }
0x42: {  	_ =	shalt  }
0x43: {  	_ =	shalt  }
0x44: {  	_ =	shalt  }
0x45: {  	_ =	shalt  }
0x46: {  	_ =	shalt  }
0x47: {  	_ =	shalt  }
0x48: {  	_ =	shalt  }
0x49: {  	_ =	shalt  }
0x4a: {  	_ =	shalt  }
0x4b: {  	_ =	shalt  }
0x4c: {  	_ =	shalt  }
0x4d: {  	_ =	shalt  }
0x4e: {  	_ =	shalt  }
0x4f: {  	_ =	shalt  }
0x50: {  	_ =	shalt  }
0x51: {  	_ =	shalt  }
0x52: {  	_ =	shalt  }
0x53: {  	_ =	shalt  }
0x54: {  	_ =	shalt  }
0x55: {  	_ =	shalt  }
0x56: {  	_ =	shalt  }
0x57: {  	_ =	shalt  }
0x58: {  	_ =	shalt  }
0x59: {  	_ =	shalt  }
0x5a: {  	_ =	shalt  }
0x5b: {  	_ =	shalt  }
0x5c: {  	_ =	shalt  }
0x5d: {  	_ =	shalt  }
0x5e: {  	_ =	shalt  }
0x5f: {  	_ =	shalt  }
0x60: {  	_ =	shalt  }
0x61: {  	_ =	shalt  }
0x62: {  	_ =	shalt  }
0x63: {  	_ =	shalt  }
0x64: {  	_ =	shalt  }
0x65: {  	_ =	shalt  }
0x66: {  	_ =	shalt  }
0x67: {  	_ =	shalt  }
0x68: {  	_ =	shalt  }
0x69: {  	_ =	shalt  }
0x6a: {  	_ =	shalt  }
0x6b: {  	_ =	shalt  }
0x6c: {  	_ =	shalt  }
0x6d: {  	_ =	shalt  }
0x6e: {  	_ =	shalt  }
0x6f: {  	_ =	shalt  }
0x70: {  	_ =	shalt  }
0x71: {  	_ =	shalt  }
0x72: {  	_ =	shalt  }
0x73: {  	_ =	shalt  }
0x74: {  	_ =	shalt  }
0x75: {  	_ =	shalt  }
0x76: {  	_ =	shalt  }
0x77: {  	_ =	shalt  }
0x78: {  	_ =	shalt  }
0x79: {  	_ =	shalt  }
0x7a: {  	_ =	shalt  }
0x7b: {  	_ =	shalt  }
0x7c: {  	_ =	shalt  }
0x7d: {  	_ =	shalt  }
0x7e: {  	_ =	shalt  }
0x7f: {  	_ =	shalt  }
0x80: {  	_ =	shalt  }
0x81: {  	_ =	shalt  }
0x82: {  	_ =	shalt  }
0x83: {  	_ =	shalt  }
0x84: {  	_ =	shalt  }
0x85: {  	_ =	shalt  }
0x86: {  	_ =	shalt  }
0x87: {  	_ =	shalt  }
.Lfunc_end0:
.L_simem_size_0:
called_computation.2_lowered:
.L_overlay_start_0:
0x88: {  	s2 =	sld [smem:$0x3FD9]  }
0x89: {  	s3 =	sld [smem:$0x3FFE];
	_ =	sdelay $0x1  }
0x8a: {  	s1 =	srdreg.scid  }
0x8b: {  	s0 =	sand.u32 $0x1, s1  }
0x8c: {  	s16 =	sshll.u32 s0, $0xA;
	s2 =	sadd.s32 s3, s2  }
0x8d: {  	s2 =	sadd.s32 s2, s16  }
0x8e: {  	[smem:$0x3FBF] =	sst s2  }
0x8f: {  	_ = 	snop  }
0x90: {  	(tm) =	ssettm $0x1  }
0x91: {  	s17 =	sld [smem:$0x3FFB];
	_ =	sdelay $0x3  }
0x92: {  	_ =	strace s17  }
0x93: {  	s2 =	sld [smem:$0x3FFC];
	_ =	sdelay $0x3  }
0x94: {  	_ =	strace s2  }
0x95: {  	s2 =	sld [smem:$0x3FFD];
	_ =	sdelay $0x3  }
0x96: {  	_ =	strace s2  }
0x97: {  	_ =	strace $0x8FFFFFFF  }
0x98: {  	s18 =	sld [smem:$0x3FDB];
	_ =	sdelay $0x1  }
0x99: {  	s19 =	simm.s32 $_scs_section_size  }
0x9a: {  	s4 =	simm.s32 $_size__tile_overlayer_lowered;
	s5 =	simm.s32 $_tile_overlayer_lowered  }
0x9b: {  	s22 =	simm.s32 $0x1BFF;
	s21 =	sshll.u32 s5, $0x1;
	s2 =	sadd.s32 s19, s18  }
0x9c: {  	s6 =	simm.s32 $0x0;
	s20 =	sshll.u32 s4, $0x1;
	s4 =	sadd.s32 s21, s2  }
0x9d: {  	[timem:s6], [sflag:s22] =	dma.local [hbm:s4], s20  }
0x9e: {  	_ =	swait.ge [sflag:s22], s20  }
0x9f: {  	s3 =	ssub.s32 $0x0, s20;
	[sflag:s22] =	ssyncset.done $0x0  }
0xa0: {  	[sflag:s22] =	ssyncadd.s32 s3;
	_ =	sdelay $0x1  }
0xa1: {  	s23 =	simm.s32 $0x1B8B  }
0xa2: {  	_ =	swait.ge [sflag:s23], $0x1  }
0xa3: {  	[sflag:s23] =	ssyncset.done $0x0  }
0xa4: {  	s25 =	simm.s32 $0x1B8E;
	s24 =	sld [smem:$0x3FFE];
	[sflag:s23] =	ssyncadd.s32 $0xFFFFFFFF  }
0xa5: {  	s26 =	simm.s32 $execute0_lowered;
	[smem:$0x3FD2] =	sst s25  }
0xa6: {  	s4 =	sshll.u32 s26, $0x1;
	_ =	strace $0x8000004C;
	[dreg:$0x1] =	wrdreg $0xFFFFFFFF  }
0xa7: {  	s28 =	simm.s32 $_size_execute0_lowered;
	s2 =	sadd.s32 s2, s4;
	[dreg:$0x0] =	wrdreg $0x0  }
0xa8: {  	s4 =	sshll.u32 s28, $0x1;
	[dreg:$0x2] =	wrdreg s2  }
0xa9: {  	[dreg:$0x3] =	wrdreg s4  }
0xaa: {  	[dreg:$0x4] =	wrdreg $0xC0  }
0xab: {  	_ =	task [dreg:s6], $0x5FFFF  }
0xac: {  	[dreg:$0x1] =	wrdreg $0xFFFFFFFF  }
0xad: {  	[dreg:$0x0] =	wrdreg $0x60  }
0xae: {  	[dreg:$0x2] =	wrdreg s24  }
0xaf: {  	[dreg:$0x3] =	wrdreg $0x0  }
0xb0: {  	[dreg:$0x4] =	wrdreg $0x9  }
0xb1: {  	_ =	task.clear_ibuf [dreg:s6], $0x5FFFF;
	_ =	strace $0x9000004C  }
0xb2: {  	s29 =	simm.s32 $0x9;
	_ =	strace $0x8000004E  }
0xb3: {  	_ =	swait.ge [sflag:s29], $0x1  }
0xb4: {  	[sflag:s29] =	ssyncadd.s32 $0xFFFFFFFF  }
0xb5: {  	_ =	strace $0x9000004E  }
0xb6: {  	_ =	sfence  }
0xb7: {  	s30 =	sld [smem:$0x0];
	_ =	sdelay $0x2  }
0xb8: {  	s31 =	sshll.u32 s1, $0xD;
	s1 =	sshrl.u32 s1, $0x2  }
0xb9: {  	s3 =	sand.u32 $0x4000, s31;
	s1 =	sadd.s32 s1, s30  }
0xba: {  	s0 =	sor.u32 s3, s0;
	s1 =	sshll.u32 s1, $0x11  }
0xbb: {  	s0 =	sor.u32 s1, s0  }
0xbc: {  	s0 =	sadd.s32 $0x8F2B, s0  }
0xbd: {  	[sflag:s0] =	ssyncadd.remote.s32 $0x1  }
0xbe: {  	_ =	sfence.sel $0xFFFF  }
0xbf: {  	[dreg:$0x0] =	wrdreg $0xFFFFFFFF;
	(pc) =	sbr.abs _section_cstart, $3  }
0xc0: {  	[dreg:$0x1] =	wrdreg $0xFFFFFFFF  }
0xc1: {  	_ =	task.clear_ibuf [dreg:s6], $0x2FFFF;
	_ =	strace $0x9FFFFFFF  }
0xc2: {  	(tm) =	ssettm $0x7FFFFFFF  }
0xc3: {  	_ =	shalt  }
tec
execute0_lowered:
.L_overlay_start_1:
0x0: {  	(tag) =	ssettag $0x1  }
0x1: {  	s0 =	rddreg [dreg:$0x0];
	s1 =	srdreg.scid  }
0x2: {  	s2 =	rddreg [dreg:$0x1];
	s11 =	stileid.u32;
	s3 =	simm.s32 $0x0  }
0x3: {  	s16 =	simm.s32 $0x14100;
	s17 =	simm.s32 $0x14080;
	s19 =	simm.s32 $0x14200  }
0x4: {  	s21 =	simm.s32 $0x14180;
	s23 =	simm.s32 $0x14300;
	s24 =	simm.s32 $0x14280  }
0x5: {  	s26 =	simm.s32 $0x14400;
	s28 =	simm.s32 $0x14B80;
	[smem:$0x7FF] =	sst s3  }
0x6: {  	s29 =	simm.s32 $0x14D00;
	_ =	strace $0x8000004D;
	[dreg:$0x4] =	wrdreg s16  }
0x7: {  	s30 =	simm.s32 $0x14C80;
	s7 =	smul.u32 $0x14000, s11;
	[dreg:$0x5] =	wrdreg s17  }
0x8: {  	s31 =	simm.s32 $0x14E00;
	s9 =	smul.u32 $0x5000, s11;
	[dreg:$0x6] =	wrdreg s19  }
0x9: {  	s1 =	sand.u32 $0x1, s1;
	s10 =	smul.u32 $0x50000, s11;
	[dreg:$0x7] =	wrdreg s21  }
0xa: {  	s4 =	sadd.s32 $0x2C00, s0;
	s6 =	smul.u32 $0x140000, s1;
	[dreg:$0x8] =	wrdreg s23  }
0xb: {  	s5 =	sadd.s32 $0x5CC00, s0;
	s8 =	smul.u32 $0x50000, s1;
	[dreg:$0x9] =	wrdreg s24  }
0xc: {  	s12 =	ssub.s32 $0x2, s1;
	s1 =	sshll.u32 s1, $0x4;
	[dreg:$0xa] =	wrdreg s26  }
0xd: {  	s16 =	simm.s32 $0x14580;
	s17 =	simm.s32 $0x14700;
	s19 =	simm.s32 $0x14780  }
0xe: {  	s21 =	simm.s32 $0x14880;
	s23 =	simm.s32 $0x14980;
	[dreg:$0xf] =	wrdreg s16  }
0xf: {  	s24 =	simm.s32 $0x14B00;
	s26 =	simm.s32 $0x14C00;
	[dreg:$0x10] =	wrdreg s17  }
0x10: {  	s13 =	sshrl.u32 s12, $0x1;
	s1 =	sor.u32 s11, s1;
	[dreg:$0x12] =	wrdreg s19  }
0x11: {  	s15 =	sshrl.u32 s10, $0x2;
	s10 =	simm.s32 $0x14380;
	[dreg:$0x14] =	wrdreg s21  }
0x12: {  	s11 =	simm.s32 $0x14500;
	s16 =	simm.s32 $0x7;
	[dreg:$0x16] =	wrdreg s23  }
0x13: {  	s17 =	simm.s32 $0x14000;
	s19 =	simm.s32 $0x14800;
	[dreg:$0x17] =	wrdreg s24  }
0x14: {  	s21 =	simm.s32 $0x19000;
	s23 =	simm.s32 $0x5;
	[dreg:$0x19] =	wrdreg s26  }
0x15: {  	s6 =	sadd.s32 s7, s6;
	s8 =	sadd.s32 s9, s8;
	[dreg:$0xb] =	wrdreg s10  }
0x16: {  	s7 =	ssub.s32 s12, s13;
	[dreg:$0xc] =	wrdreg s11;
	s12 =	simm.s32 $0x14480  }
0x17: {  	s6 =	sshrl.u32 s6, $0x3;
	s9 =	sor.u32 $0x800, s8;
	s13 =	smax.u32 s7, $0x1  }
0x18: {  	[dreg:$0xd] =	wrdreg s12;
	s0 =	sadd.s32 s6, s0;
	s9 =	sshrl.u32 s9, $0x3  }
0x19: {  	s6 =	sadd.s32 s15, s2;
	[smem:$0x7FC] =	sst s13;
	s15 =	sadd.s32 $0x1000, s8  }
0x1a: {  	s24 =	simm.s32 $0x4;
	s14 =	sadd.s32 s9, s5;
	[smem:$0x7FD] =	sst s15  }
0x1b: {  	s26 =	simm.s32 $0x2;
	s18 =	sadd.s32 $0x4000, s6;
	[dreg:$0x3] =	wrdreg s14  }
0x1c: {  	s1 =	smul.u32 $0x5000, s1;
	s20 =	sadd.s32 $0x8000, s6;
	[dreg:$0x1a] =	wrdreg s18  }
0x1d: {  	s7 =	simm.s32 $0x14E80;
	s22 =	sadd.s32 $0xC000, s6;
	[dreg:$0x1b] =	wrdreg s20  }
0x1e: {  	s1 =	sshrl.u32 s1, $0x3;
	s25 =	sadd.s32 $0x10000, s6;
	[dreg:$0x1c] =	wrdreg s22  }
0x1f: {  	s8 =	simm.s32 $0x14F80;
	s1 =	sadd.s32 s5, s1;
	[dreg:$0x1d] =	wrdreg s25  }
0x20: {  	s0 =	sadd.s32 $0x70C00, s0;
	s15 =	simm.s32 $0x15000;
	[dreg:$0x1e] =	wrdreg s1  }
0x21: {  	s9 =	simm.s32 $0x0;
	[dreg:$0x1f] =	wrdreg s0;
	s14 =	simm.s32 $0x14600  }
0x22: {  	s18 =	simm.s32 $0x14680;
	s20 =	simm.s32 $0x14900;
	[dreg:$0xe] =	wrdreg s14  }
0x23: {  	s22 =	simm.s32 $0x14A00;
	s25 =	simm.s32 $0x14A80;
	[dreg:$0x11] =	wrdreg s18  }
0x24: {  	s0 =	simm.s32 $0x14D80;
	s1 =	simm.s32 $0x14F00;
	[dreg:$0x13] =	wrdreg s20  }
0x25: {  	s18 =	simm.s32 $0x1;
	s20 =	simm.s32 $0x80;
	[dreg:$0x15] =	wrdreg s22  }
0x26: {  	v0 =	vimm.f32 $0.0e+00;
	s22 =	simm.s32 $0x3;
	[dreg:$0x18] =	wrdreg s25;
	s25 =	simm.s32 $0x6  }
.LBB2_1:
0x27: {  	s10 =	simm.s32 $0x0;
	s12 =	simm.s32 $0x200  }
.LBB2_2:
0x28: {  	p0 =	sne.s32 s12, $0xFE00;
	[tilespmem:s10+$0x15070] =	vst v0  }
0x29: {  	[tilespmem:s10+$0x15000] =	vst v0  }
0x2a: {  	[tilespmem:s10+$0x15010] =	vst v0  }
.Ltmp0:
0x2b: {  	[tilespmem:s10+$0x15020] =	vst v0;
	(pc) =	sbr.rel @p0 .LBB2_2-.Ltmp0, $4  }
0x2c: {  	[tilespmem:s10+$0x15030] =	vst v0  }
0x2d: {  	[tilespmem:s10+$0x15040] =	vst v0  }
0x2e: {  	[tilespmem:s10+$0x15050] =	vst v0  }
0x2f: {  	[tilespmem:s10+$0x15060] =	vst v0;
	s10 =	sshra.s32 s12, $0x2;
	s12 =	sadd.s32 $0x200, s12  }
0x30: {  	[tilespmem:s10+$0x15070] =	vst v0  }
0x31: {  	[tilespmem:s10+$0x15000] =	vst v0  }
0x32: {  	[tilespmem:s10+$0x15010] =	vst v0  }
0x33: {  	[tilespmem:s10+$0x15020] =	vst v0  }
0x34: {  	[tilespmem:s10+$0x15030] =	vst v0  }
0x35: {  	[tilespmem:s10+$0x15040] =	vst v0  }
0x36: {  	[tilespmem:s10+$0x15050] =	vst v0  }
0x37: {  	[tilespmem:s10+$0x15060] =	vst v0  }
0x38: {  	[spmem:s6] =	stream.linear.scatter [tilespmem:s15], [sflag:$0x7], $0x4000, $0x38;
	[tilespmem:$0x1D000] =	vst v63  }
0x39: {  	_ =	swait.ge [sflag:s16], $0x4000  }
0x3a: {  	[sflag:s16] =	ssyncset.done $0x0  }
0x3b: {  	s13 =	rddreg [dreg:$0x1a];
	[sflag:s16] =	ssyncadd.s32 $0xFFFFC000  }
0x3c: {  	[spmem:s13] =	stream.linear.scatter [tilespmem:s15], [sflag:$0x7], $0x4000, $0x38;
	[tilespmem:$0x1D000] =	vst v63  }
0x3d: {  	_ =	swait.ge [sflag:s16], $0x4000  }
0x3e: {  	[sflag:s16] =	ssyncset.done $0x0  }
0x3f: {  	s14 =	rddreg [dreg:$0x1b];
	[sflag:s16] =	ssyncadd.s32 $0xFFFFC000  }
0x40: {  	[spmem:s14] =	stream.linear.scatter [tilespmem:s15], [sflag:$0x7], $0x4000, $0x38;
	[tilespmem:$0x1D000] =	vst v63  }
0x41: {  	_ =	swait.ge [sflag:s16], $0x4000  }
0x42: {  	[sflag:s16] =	ssyncset.done $0x0  }
0x43: {  	s11 =	rddreg [dreg:$0x1c];
	[sflag:s16] =	ssyncadd.s32 $0xFFFFC000  }
0x44: {  	[spmem:s11] =	stream.linear.scatter [tilespmem:s15], [sflag:$0x7], $0x4000, $0x38;
	[tilespmem:$0x1D000] =	vst v63  }
0x45: {  	_ =	swait.ge [sflag:s16], $0x4000  }
0x46: {  	[sflag:s16] =	ssyncset.done $0x0  }
0x47: {  	s12 =	rddreg [dreg:$0x1d];
	[sflag:s16] =	ssyncadd.s32 $0xFFFFC000  }
0x48: {  	[spmem:s12] =	stream.linear.scatter [tilespmem:s15], [sflag:$0x7], $0x4000, $0x38;
	[tilespmem:$0x1D000] =	vst v63  }
0x49: {  	_ =	swait.ge [sflag:s16], $0x4000  }
0x4a: {  	[sflag:s16] =	ssyncset.done $0x0  }
0x4b: {  	[sflag:s16] =	ssyncadd.s32 $0xFFFFC000  }
0x4c: {  	[bflag:$0x0] =	sbarrier.arrive $0xFFFF  }
0x4d: {  	s13 =	simm.s32 $0x0;
	s11 =	rddreg [dreg:$0x1e]  }
0x4e: {  	[tilespmem:s17], [sflag:$0x1] =	stream.linear.gather [hbm4b:s11+s13], $0x800, $0x38;
	[tilespmem:$0x1D000] =	vst v63  }
0x4f: {  	_ =	swait.ge [sflag:s18], $0x800  }
0x50: {  	s14 =	rddreg [dreg:$0x3];
	[sflag:s18] =	ssyncset.done $0x0  }
0x51: {  	[sflag:s18] =	ssyncadd.s32 $0xFFFFF800;
	s10 =	sadd.s32 $0x0, s14  }
0x52: {  	[tilespmem:s19], [sflag:$0x2] =	stream.linear.gather [hbm4b:s10+s3], $0x800, $0x38;
	[tilespmem:$0x1D000] =	vst v63  }
0x53: {  	_ = 	snop  }
0x54: {  	[tilespmem:s15], [sflag:$0x3] =	stream.indirect.gather [hbm4b:s4+s20], $0x80, s17, s20, $0xb8;
	[tilespmem:$0x1D000] =	vst v63  }
0x55: {  	s11 =	rddreg [dreg:$0x4]  }
0x56: {  	[tilespmem:s21], [sflag:$0x4] =	stream.indirect.gather [hbm4b:s4+s20], $0x80, s11, s20, $0xb8;
	[tilespmem:$0x1D000] =	vst v63  }
0x57: {  	_ =	swait.ge [sflag:s22], $0x4000  }
0x58: {  	[sflag:s22] =	ssyncset.done $0x0  }
0x59: {  	s12 =	rddreg [dreg:$0x5];
	[sflag:s22] =	ssyncadd.s32 $0xFFFFC000  }
0x5a: {  	[spmem:s2] =	stream.indirect.scatter.add.f32 [tilespmem:s15], [sflag:$0x5], $0x80, s12, s20, $0xb8;
	[tilespmem:$0x1D000] =	vst v63  }
0x5b: {  	_ =	swait.ge [sflag:s23], $0x4000  }
0x5c: {  	[sflag:s23] =	ssyncset.done $0x0  }
0x5d: {  	s13 =	rddreg [dreg:$0x6];
	[sflag:s23] =	ssyncadd.s32 $0xFFFFC000  }
0x5e: {  	[tilespmem:s15], [sflag:$0x3] =	stream.indirect.gather [hbm4b:s4+s20], $0x80, s13, s20, $0xb8;
	[tilespmem:$0x1D000] =	vst v63  }
0x5f: {  	_ =	swait.ge [sflag:s24], $0x4000  }
0x60: {  	[sflag:s24] =	ssyncset.done $0x0  }
0x61: {  	s14 =	rddreg [dreg:$0x7];
	[sflag:s24] =	ssyncadd.s32 $0xFFFFC000  }
0x62: {  	[spmem:s2] =	stream.indirect.scatter.add.f32 [tilespmem:s21], [sflag:$0x6], $0x80, s14, s20, $0xb8;
	[tilespmem:$0x1D000] =	vst v63  }
0x63: {  	_ =	swait.ge [sflag:s25], $0x4000  }
0x64: {  	[sflag:s25] =	ssyncset.done $0x0  }
0x65: {  	s11 =	rddreg [dreg:$0x8];
	[sflag:s25] =	ssyncadd.s32 $0xFFFFC000  }
0x66: {  	[tilespmem:s21], [sflag:$0x4] =	stream.indirect.gather [hbm4b:s4+s20], $0x80, s11, s20, $0xb8;
	[tilespmem:$0x1D000] =	vst v63  }
0x67: {  	_ =	swait.ge [sflag:s22], $0x4000  }
0x68: {  	[sflag:s22] =	ssyncset.done $0x0  }
0x69: {  	s12 =	rddreg [dreg:$0x9];
	[sflag:s22] =	ssyncadd.s32 $0xFFFFC000  }
0x6a: {  	[spmem:s2] =	stream.indirect.scatter.add.f32 [tilespmem:s15], [sflag:$0x5], $0x80, s12, s20, $0xb8;
	[tilespmem:$0x1D000] =	vst v63  }
0x6b: {  	_ =	swait.ge [sflag:s23], $0x4000  }
0x6c: {  	[sflag:s23] =	ssyncset.done $0x0  }
0x6d: {  	s13 =	rddreg [dreg:$0xa];
	[sflag:s23] =	ssyncadd.s32 $0xFFFFC000  }
0x6e: {  	[tilespmem:s15], [sflag:$0x3] =	stream.indirect.gather [hbm4b:s4+s20], $0x80, s13, s20, $0xb8;
	[tilespmem:$0x1D000] =	vst v63  }
0x6f: {  	_ =	swait.ge [sflag:s24], $0x4000  }
0x70: {  	[sflag:s24] =	ssyncset.done $0x0  }
0x71: {  	s14 =	rddreg [dreg:$0xb];
	[sflag:s24] =	ssyncadd.s32 $0xFFFFC000  }
0x72: {  	[spmem:s2] =	stream.indirect.scatter.add.f32 [tilespmem:s21], [sflag:$0x6], $0x80, s14, s20, $0xb8;
	[tilespmem:$0x1D000] =	vst v63  }
0x73: {  	_ =	swait.ge [sflag:s25], $0x4000  }
0x74: {  	[sflag:s25] =	ssyncset.done $0x0  }
0x75: {  	s11 =	rddreg [dreg:$0xc];
	[sflag:s25] =	ssyncadd.s32 $0xFFFFC000  }
0x76: {  	[tilespmem:s21], [sflag:$0x4] =	stream.indirect.gather [hbm4b:s4+s20], $0x80, s11, s20, $0xb8;
	[tilespmem:$0x1D000] =	vst v63  }
0x77: {  	_ =	swait.ge [sflag:s22], $0x4000  }
0x78: {  	[sflag:s22] =	ssyncset.done $0x0  }
0x79: {  	s12 =	rddreg [dreg:$0xd];
	[sflag:s22] =	ssyncadd.s32 $0xFFFFC000  }
0x7a: {  	[spmem:s2] =	stream.indirect.scatter.add.f32 [tilespmem:s15], [sflag:$0x5], $0x80, s12, s20, $0xb8;
	[tilespmem:$0x1D000] =	vst v63  }
0x7b: {  	_ =	swait.ge [sflag:s23], $0x4000  }
0x7c: {  	[sflag:s23] =	ssyncset.done $0x0  }
0x7d: {  	s13 =	rddreg [dreg:$0xe];
	[sflag:s23] =	ssyncadd.s32 $0xFFFFC000  }
0x7e: {  	[tilespmem:s15], [sflag:$0x3] =	stream.indirect.gather [hbm4b:s4+s20], $0x80, s13, s20, $0xb8;
	[tilespmem:$0x1D000] =	vst v63  }
0x7f: {  	_ =	swait.ge [sflag:s24], $0x4000  }
0x80: {  	[sflag:s24] =	ssyncset.done $0x0  }
0x81: {  	s14 =	rddreg [dreg:$0xf];
	[sflag:s24] =	ssyncadd.s32 $0xFFFFC000  }
0x82: {  	[spmem:s2] =	stream.indirect.scatter.add.f32 [tilespmem:s21], [sflag:$0x6], $0x80, s14, s20, $0xb8;
	[tilespmem:$0x1D000] =	vst v63  }
0x83: {  	_ =	swait.ge [sflag:s25], $0x4000  }
0x84: {  	[sflag:s25] =	ssyncset.done $0x0  }
0x85: {  	s11 =	rddreg [dreg:$0x10];
	[sflag:s25] =	ssyncadd.s32 $0xFFFFC000  }
0x86: {  	[tilespmem:s21], [sflag:$0x4] =	stream.indirect.gather [hbm4b:s4+s20], $0x80, s11, s20, $0xb8;
	[tilespmem:$0x1D000] =	vst v63  }
0x87: {  	_ =	swait.ge [sflag:s22], $0x4000  }
0x88: {  	[sflag:s22] =	ssyncset.done $0x0  }
0x89: {  	s12 =	rddreg [dreg:$0x11];
	[sflag:s22] =	ssyncadd.s32 $0xFFFFC000  }
0x8a: {  	[spmem:s2] =	stream.indirect.scatter.add.f32 [tilespmem:s15], [sflag:$0x5], $0x80, s12, s20, $0xb8;
	[tilespmem:$0x1D000] =	vst v63  }
0x8b: {  	_ =	swait.ge [sflag:s23], $0x4000  }
0x8c: {  	[sflag:s23] =	ssyncset.done $0x0  }
0x8d: {  	[sflag:s23] =	ssyncadd.s32 $0xFFFFC000  }
0x8e: {  	_ =	swait.ge [sflag:s24], $0x4000  }
0x8f: {  	[sflag:s24] =	ssyncset.done $0x0  }
0x90: {  	s13 =	rddreg [dreg:$0x12];
	[sflag:s24] =	ssyncadd.s32 $0xFFFFC000  }
0x91: {  	[spmem:s2] =	stream.indirect.scatter.add.f32 [tilespmem:s21], [sflag:$0x6], $0x80, s13, s20, $0xb8;
	[tilespmem:$0x1D000] =	vst v63  }
0x92: {  	_ =	swait.ge [sflag:s25], $0x4000  }
0x93: {  	[sflag:s25] =	ssyncset.done $0x0  }
0x94: {  	[sflag:s25] =	ssyncadd.s32 $0xFFFFC000  }
0x95: {  	_ =	swait.ge [sflag:s26], $0x800  }
0x96: {  	s11 =	sld [smem:$0x7FD];
	_ =	sdelay $0x1  }
0x97: {  	p0 =	por $0x0, $0x0  }
0x98: {  	s14 =	simm.s32 @!p0 $0x0;
	[sflag:s26] =	ssyncset.done $0x0;
	s10 =	sshrl.u32 @!p0 s11, $0x3  }
0x99: {  	s12 =	simm.s32 @!p0 $0x14000;
	[sflag:s26] =	ssyncadd.s32 $0xFFFFF800;
	s10 =	sadd.s32 @!p0 s5, s10  }
0x9a: {  	[tilespmem:s12], [sflag:$0x1] =	stream.linear.gather @!p0 [hbm4b:s10+s14], $0x800, $0x38;
	[tilespmem:$0x1D000] =	vst v63  }
0x9b: {  	_ = 	snop  }
0x9c: {  	[tilespmem:s15], [sflag:$0x3] =	stream.indirect.gather [hbm4b:s4+s20], $0x80, s19, s20, $0xb8;
	[tilespmem:$0x1D000] =	vst v63  }
0x9d: {  	s14 =	rddreg [dreg:$0x13]  }
0x9e: {  	[tilespmem:s21], [sflag:$0x4] =	stream.indirect.gather [hbm4b:s4+s20], $0x80, s14, s20, $0xb8;
	[tilespmem:$0x1D000] =	vst v63  }
0x9f: {  	_ =	swait.ge [sflag:s22], $0x4000  }
0xa0: {  	[sflag:s22] =	ssyncset.done $0x0  }
0xa1: {  	s12 =	rddreg [dreg:$0x14];
	[sflag:s22] =	ssyncadd.s32 $0xFFFFC000  }
0xa2: {  	[spmem:s2] =	stream.indirect.scatter.add.f32 [tilespmem:s15], [sflag:$0x5], $0x80, s12, s20, $0xb8;
	[tilespmem:$0x1D000] =	vst v63  }
0xa3: {  	_ =	swait.ge [sflag:s23], $0x4000  }
0xa4: {  	[sflag:s23] =	ssyncset.done $0x0  }
0xa5: {  	s13 =	rddreg [dreg:$0x15];
	[sflag:s23] =	ssyncadd.s32 $0xFFFFC000  }
0xa6: {  	[tilespmem:s15], [sflag:$0x3] =	stream.indirect.gather [hbm4b:s4+s20], $0x80, s13, s20, $0xb8;
	[tilespmem:$0x1D000] =	vst v63  }
0xa7: {  	_ =	swait.ge [sflag:s24], $0x4000  }
0xa8: {  	[sflag:s24] =	ssyncset.done $0x0  }
0xa9: {  	s14 =	rddreg [dreg:$0x16];
	[sflag:s24] =	ssyncadd.s32 $0xFFFFC000  }
0xaa: {  	[spmem:s2] =	stream.indirect.scatter.add.f32 [tilespmem:s21], [sflag:$0x6], $0x80, s14, s20, $0xb8;
	[tilespmem:$0x1D000] =	vst v63  }
0xab: {  	_ =	swait.ge [sflag:s25], $0x4000  }
0xac: {  	[sflag:s25] =	ssyncset.done $0x0  }
0xad: {  	s12 =	rddreg [dreg:$0x17];
	[sflag:s25] =	ssyncadd.s32 $0xFFFFC000  }
0xae: {  	[tilespmem:s21], [sflag:$0x4] =	stream.indirect.gather [hbm4b:s4+s20], $0x80, s12, s20, $0xb8;
	[tilespmem:$0x1D000] =	vst v63  }
0xaf: {  	_ =	swait.ge [sflag:s22], $0x4000  }
0xb0: {  	[sflag:s22] =	ssyncset.done $0x0  }
0xb1: {  	s13 =	rddreg [dreg:$0x18];
	[sflag:s22] =	ssyncadd.s32 $0xFFFFC000  }
0xb2: {  	[spmem:s2] =	stream.indirect.scatter.add.f32 [tilespmem:s15], [sflag:$0x5], $0x80, s13, s20, $0xb8;
	[tilespmem:$0x1D000] =	vst v63  }
0xb3: {  	_ =	swait.ge [sflag:s23], $0x4000  }
0xb4: {  	[sflag:s23] =	ssyncset.done $0x0  }
0xb5: {  	s14 =	rddreg [dreg:$0x19];
	[sflag:s23] =	ssyncadd.s32 $0xFFFFC000  }
0xb6: {  	[tilespmem:s15], [sflag:$0x3] =	stream.indirect.gather [hbm4b:s4+s20], $0x80, s14, s20, $0xb8;
	[tilespmem:$0x1D000] =	vst v63  }
0xb7: {  	_ =	swait.ge [sflag:s24], $0x4000  }
0xb8: {  	[sflag:s24] =	ssyncset.done $0x0  }
0xb9: {  	[sflag:s24] =	ssyncadd.s32 $0xFFFFC000  }
0xba: {  	[spmem:s2] =	stream.indirect.scatter.add.f32 [tilespmem:s21], [sflag:$0x6], $0x80, s28, s20, $0xb8;
	[tilespmem:$0x1D000] =	vst v63  }
0xbb: {  	_ =	swait.ge [sflag:s25], $0x4000  }
0xbc: {  	[sflag:s25] =	ssyncset.done $0x0  }
0xbd: {  	[sflag:s25] =	ssyncadd.s32 $0xFFFFC000  }
0xbe: {  	[tilespmem:s21], [sflag:$0x4] =	stream.indirect.gather [hbm4b:s4+s20], $0x80, s29, s20, $0xb8;
	[tilespmem:$0x1D000] =	vst v63  }
0xbf: {  	_ =	swait.ge [sflag:s22], $0x4000  }
0xc0: {  	[sflag:s22] =	ssyncset.done $0x0  }
0xc1: {  	[sflag:s22] =	ssyncadd.s32 $0xFFFFC000  }
0xc2: {  	[spmem:s2] =	stream.indirect.scatter.add.f32 [tilespmem:s15], [sflag:$0x5], $0x80, s30, s20, $0xb8;
	[tilespmem:$0x1D000] =	vst v63  }
0xc3: {  	_ =	swait.ge [sflag:s23], $0x4000  }
0xc4: {  	[sflag:s23] =	ssyncset.done $0x0  }
0xc5: {  	[sflag:s23] =	ssyncadd.s32 $0xFFFFC000  }
0xc6: {  	[tilespmem:s15], [sflag:$0x3] =	stream.indirect.gather [hbm4b:s4+s20], $0x80, s31, s20, $0xb8;
	[tilespmem:$0x1D000] =	vst v63  }
0xc7: {  	_ =	swait.ge [sflag:s24], $0x4000  }
0xc8: {  	[sflag:s24] =	ssyncset.done $0x0  }
0xc9: {  	[sflag:s24] =	ssyncadd.s32 $0xFFFFC000  }
0xca: {  	[spmem:s2] =	stream.indirect.scatter.add.f32 [tilespmem:s21], [sflag:$0x6], $0x80, s0, s20, $0xb8;
	[tilespmem:$0x1D000] =	vst v63  }
0xcb: {  	_ =	swait.ge [sflag:s25], $0x4000  }
0xcc: {  	[sflag:s25] =	ssyncset.done $0x0  }
0xcd: {  	[sflag:s25] =	ssyncadd.s32 $0xFFFFC000  }
0xce: {  	[tilespmem:s21], [sflag:$0x4] =	stream.indirect.gather [hbm4b:s4+s20], $0x80, s1, s20, $0xb8;
	[tilespmem:$0x1D000] =	vst v63  }
0xcf: {  	_ =	swait.ge [sflag:s22], $0x4000  }
0xd0: {  	[sflag:s22] =	ssyncset.done $0x0  }
0xd1: {  	[sflag:s22] =	ssyncadd.s32 $0xFFFFC000  }
0xd2: {  	[spmem:s2] =	stream.indirect.scatter.add.f32 [tilespmem:s15], [sflag:$0x5], $0x80, s7, s20, $0xb8;
	[tilespmem:$0x1D000] =	vst v63  }
0xd3: {  	_ =	swait.ge [sflag:s23], $0x4000  }
0xd4: {  	[sflag:s23] =	ssyncset.done $0x0  }
0xd5: {  	[sflag:s23] =	ssyncadd.s32 $0xFFFFC000  }
0xd6: {  	_ =	swait.ge [sflag:s24], $0x4000  }
0xd7: {  	[sflag:s24] =	ssyncset.done $0x0  }
0xd8: {  	[sflag:s24] =	ssyncadd.s32 $0xFFFFC000  }
0xd9: {  	[spmem:s2] =	stream.indirect.scatter.add.f32 [tilespmem:s21], [sflag:$0x6], $0x80, s8, s20, $0xb8;
	[tilespmem:$0x1D000] =	vst v63  }
0xda: {  	_ =	swait.ge [sflag:s25], $0x4000  }
0xdb: {  	s10 =	simm.s32 $0x200;
	s14 =	smov.u32 s11;
	[sflag:s25] =	ssyncset.done $0x0  }
.LBB2_4:
0xdc: {  	[sflag:s25] =	ssyncadd.s32 $0xFFFFC000  }
0xdd: {  	_ =	swait.ge [sflag:s18], $0x800  }
0xde: {  	s12 =	smov.u32 s10;
	s13 =	rddreg [dreg:$0x3];
	[sflag:s18] =	ssyncset.done $0x0  }
0xdf: {  	[sflag:s18] =	ssyncadd.s32 $0xFFFFF800;
	s13 =	sadd.s32 s12, s13  }
0xe0: {  	[tilespmem:s19], [sflag:$0x2] =	stream.linear.gather [hbm4b:s13+s3], $0x800, $0x38;
	[tilespmem:$0x1D000] =	vst v63  }
0xe1: {  	_ = 	snop  }
0xe2: {  	[tilespmem:s15], [sflag:$0x3] =	stream.indirect.gather [hbm4b:s4+s20], $0x80, s17, s20, $0xb8;
	[tilespmem:$0x1D000] =	vst v63  }
0xe3: {  	s11 =	rddreg [dreg:$0x4]  }
0xe4: {  	[tilespmem:s21], [sflag:$0x4] =	stream.indirect.gather [hbm4b:s4+s20], $0x80, s11, s20, $0xb8;
	[tilespmem:$0x1D000] =	vst v63  }
0xe5: {  	_ =	swait.ge [sflag:s22], $0x4000  }
0xe6: {  	[sflag:s22] =	ssyncset.done $0x0  }
0xe7: {  	s11 =	rddreg [dreg:$0x5];
	[sflag:s22] =	ssyncadd.s32 $0xFFFFC000  }
0xe8: {  	[spmem:s2] =	stream.indirect.scatter.add.f32 [tilespmem:s15], [sflag:$0x5], $0x80, s11, s20, $0xb8;
	[tilespmem:$0x1D000] =	vst v63  }
0xe9: {  	_ =	swait.ge [sflag:s23], $0x4000  }
0xea: {  	[sflag:s23] =	ssyncset.done $0x0  }
0xeb: {  	s11 =	rddreg [dreg:$0x6];
	[sflag:s23] =	ssyncadd.s32 $0xFFFFC000  }
0xec: {  	[tilespmem:s15], [sflag:$0x3] =	stream.indirect.gather [hbm4b:s4+s20], $0x80, s11, s20, $0xb8;
	[tilespmem:$0x1D000] =	vst v63  }
0xed: {  	_ =	swait.ge [sflag:s24], $0x4000  }
0xee: {  	[sflag:s24] =	ssyncset.done $0x0  }
0xef: {  	s11 =	rddreg [dreg:$0x7];
	[sflag:s24] =	ssyncadd.s32 $0xFFFFC000  }
0xf0: {  	[spmem:s2] =	stream.indirect.scatter.add.f32 [tilespmem:s21], [sflag:$0x6], $0x80, s11, s20, $0xb8;
	[tilespmem:$0x1D000] =	vst v63  }
0xf1: {  	_ =	swait.ge [sflag:s25], $0x4000  }
0xf2: {  	[sflag:s25] =	ssyncset.done $0x0  }
0xf3: {  	s11 =	rddreg [dreg:$0x8];
	[sflag:s25] =	ssyncadd.s32 $0xFFFFC000  }
0xf4: {  	[tilespmem:s21], [sflag:$0x4] =	stream.indirect.gather [hbm4b:s4+s20], $0x80, s11, s20, $0xb8;
	[tilespmem:$0x1D000] =	vst v63  }
0xf5: {  	_ =	swait.ge [sflag:s22], $0x4000  }
0xf6: {  	[sflag:s22] =	ssyncset.done $0x0  }
0xf7: {  	s11 =	rddreg [dreg:$0x9];
	[sflag:s22] =	ssyncadd.s32 $0xFFFFC000  }
0xf8: {  	[spmem:s2] =	stream.indirect.scatter.add.f32 [tilespmem:s15], [sflag:$0x5], $0x80, s11, s20, $0xb8;
	[tilespmem:$0x1D000] =	vst v63  }
0xf9: {  	_ =	swait.ge [sflag:s23], $0x4000  }
0xfa: {  	[sflag:s23] =	ssyncset.done $0x0  }
0xfb: {  	s11 =	rddreg [dreg:$0xa];
	[sflag:s23] =	ssyncadd.s32 $0xFFFFC000  }
0xfc: {  	[tilespmem:s15], [sflag:$0x3] =	stream.indirect.gather [hbm4b:s4+s20], $0x80, s11, s20, $0xb8;
	[tilespmem:$0x1D000] =	vst v63  }
0xfd: {  	_ =	swait.ge [sflag:s24], $0x4000  }
0xfe: {  	[sflag:s24] =	ssyncset.done $0x0  }
0xff: {  	s11 =	rddreg [dreg:$0xb];
	[sflag:s24] =	ssyncadd.s32 $0xFFFFC000  }
0x100: {  	[spmem:s2] =	stream.indirect.scatter.add.f32 [tilespmem:s21], [sflag:$0x6], $0x80, s11, s20, $0xb8;
	[tilespmem:$0x1D000] =	vst v63  }
0x101: {  	_ =	swait.ge [sflag:s25], $0x4000  }
0x102: {  	[sflag:s25] =	ssyncset.done $0x0  }
0x103: {  	s11 =	rddreg [dreg:$0xc];
	[sflag:s25] =	ssyncadd.s32 $0xFFFFC000  }
0x104: {  	[tilespmem:s21], [sflag:$0x4] =	stream.indirect.gather [hbm4b:s4+s20], $0x80, s11, s20, $0xb8;
	[tilespmem:$0x1D000] =	vst v63  }
0x105: {  	_ =	swait.ge [sflag:s22], $0x4000  }
0x106: {  	[sflag:s22] =	ssyncset.done $0x0  }
0x107: {  	s11 =	rddreg [dreg:$0xd];
	[sflag:s22] =	ssyncadd.s32 $0xFFFFC000  }
0x108: {  	[spmem:s2] =	stream.indirect.scatter.add.f32 [tilespmem:s15], [sflag:$0x5], $0x80, s11, s20, $0xb8;
	[tilespmem:$0x1D000] =	vst v63  }
0x109: {  	_ =	swait.ge [sflag:s23], $0x4000  }
0x10a: {  	[sflag:s23] =	ssyncset.done $0x0  }
0x10b: {  	s11 =	rddreg [dreg:$0xe];
	[sflag:s23] =	ssyncadd.s32 $0xFFFFC000  }
0x10c: {  	[tilespmem:s15], [sflag:$0x3] =	stream.indirect.gather [hbm4b:s4+s20], $0x80, s11, s20, $0xb8;
	[tilespmem:$0x1D000] =	vst v63  }
0x10d: {  	_ =	swait.ge [sflag:s24], $0x4000  }
0x10e: {  	[sflag:s24] =	ssyncset.done $0x0  }
0x10f: {  	s11 =	rddreg [dreg:$0xf];
	[sflag:s24] =	ssyncadd.s32 $0xFFFFC000  }
0x110: {  	[spmem:s2] =	stream.indirect.scatter.add.f32 [tilespmem:s21], [sflag:$0x6], $0x80, s11, s20, $0xb8;
	[tilespmem:$0x1D000] =	vst v63  }
0x111: {  	_ =	swait.ge [sflag:s25], $0x4000  }
0x112: {  	[sflag:s25] =	ssyncset.done $0x0  }
0x113: {  	s11 =	rddreg [dreg:$0x10];
	[sflag:s25] =	ssyncadd.s32 $0xFFFFC000  }
0x114: {  	[tilespmem:s21], [sflag:$0x4] =	stream.indirect.gather [hbm4b:s4+s20], $0x80, s11, s20, $0xb8;
	[tilespmem:$0x1D000] =	vst v63  }
0x115: {  	_ =	swait.ge [sflag:s22], $0x4000  }
0x116: {  	[sflag:s22] =	ssyncset.done $0x0  }
0x117: {  	s11 =	rddreg [dreg:$0x11];
	[sflag:s22] =	ssyncadd.s32 $0xFFFFC000  }
0x118: {  	[spmem:s2] =	stream.indirect.scatter.add.f32 [tilespmem:s15], [sflag:$0x5], $0x80, s11, s20, $0xb8;
	[tilespmem:$0x1D000] =	vst v63  }
0x119: {  	_ =	swait.ge [sflag:s23], $0x4000  }
0x11a: {  	[sflag:s23] =	ssyncset.done $0x0  }
0x11b: {  	[sflag:s23] =	ssyncadd.s32 $0xFFFFC000  }
0x11c: {  	_ =	swait.ge [sflag:s24], $0x4000  }
0x11d: {  	[sflag:s24] =	ssyncset.done $0x0  }
0x11e: {  	s11 =	rddreg [dreg:$0x12];
	[sflag:s24] =	ssyncadd.s32 $0xFFFFC000  }
0x11f: {  	[spmem:s2] =	stream.indirect.scatter.add.f32 [tilespmem:s21], [sflag:$0x6], $0x80, s11, s20, $0xb8;
	[tilespmem:$0x1D000] =	vst v63  }
0x120: {  	_ =	swait.ge [sflag:s25], $0x4000  }
0x121: {  	[sflag:s25] =	ssyncset.done $0x0  }
0x122: {  	[sflag:s25] =	ssyncadd.s32 $0xFFFFC000  }
0x123: {  	s14 =	sadd.s32 $0x1000, s14;
	p1 =	seq.s32 s12, $0x800;
	_ =	swait.ge [sflag:s26], $0x800  }
0x124: {  	s12 =	sshrl.u32 @!p1 s14, $0x3;
	s13 =	simm.s32 @!p1 $0x14000;
	[sflag:s26] =	ssyncset.done $0x0  }
0x125: {  	s12 =	sadd.s32 @!p1 s5, s12;
	s11 =	simm.s32 @!p1 $0x0;
	[sflag:s26] =	ssyncadd.s32 $0xFFFFF800  }
0x126: {  	[tilespmem:s13], [sflag:$0x1] =	stream.linear.gather @!p1 [hbm4b:s12+s11], $0x800, $0x38;
	[tilespmem:$0x1D000] =	vst v63  }
0x127: {  	_ = 	snop  }
0x128: {  	[tilespmem:s15], [sflag:$0x3] =	stream.indirect.gather [hbm4b:s4+s20], $0x80, s19, s20, $0xb8;
	[tilespmem:$0x1D000] =	vst v63  }
0x129: {  	s13 =	rddreg [dreg:$0x13]  }
0x12a: {  	[tilespmem:s21], [sflag:$0x4] =	stream.indirect.gather [hbm4b:s4+s20], $0x80, s13, s20, $0xb8;
	[tilespmem:$0x1D000] =	vst v63  }
0x12b: {  	_ =	swait.ge [sflag:s22], $0x4000  }
0x12c: {  	[sflag:s22] =	ssyncset.done $0x0  }
0x12d: {  	s12 =	rddreg [dreg:$0x14];
	[sflag:s22] =	ssyncadd.s32 $0xFFFFC000  }
0x12e: {  	[spmem:s2] =	stream.indirect.scatter.add.f32 [tilespmem:s15], [sflag:$0x5], $0x80, s12, s20, $0xb8;
	[tilespmem:$0x1D000] =	vst v63  }
0x12f: {  	_ =	swait.ge [sflag:s23], $0x4000  }
0x130: {  	[sflag:s23] =	ssyncset.done $0x0  }
0x131: {  	s13 =	rddreg [dreg:$0x15];
	[sflag:s23] =	ssyncadd.s32 $0xFFFFC000  }
0x132: {  	[tilespmem:s15], [sflag:$0x3] =	stream.indirect.gather [hbm4b:s4+s20], $0x80, s13, s20, $0xb8;
	[tilespmem:$0x1D000] =	vst v63  }
0x133: {  	_ =	swait.ge [sflag:s24], $0x4000  }
0x134: {  	[sflag:s24] =	ssyncset.done $0x0  }
0x135: {  	s12 =	rddreg [dreg:$0x16];
	[sflag:s24] =	ssyncadd.s32 $0xFFFFC000  }
0x136: {  	[spmem:s2] =	stream.indirect.scatter.add.f32 [tilespmem:s21], [sflag:$0x6], $0x80, s12, s20, $0xb8;
	[tilespmem:$0x1D000] =	vst v63  }
0x137: {  	_ =	swait.ge [sflag:s25], $0x4000  }
0x138: {  	[sflag:s25] =	ssyncset.done $0x0  }
0x139: {  	s13 =	rddreg [dreg:$0x17];
	[sflag:s25] =	ssyncadd.s32 $0xFFFFC000  }
0x13a: {  	[tilespmem:s21], [sflag:$0x4] =	stream.indirect.gather [hbm4b:s4+s20], $0x80, s13, s20, $0xb8;
	[tilespmem:$0x1D000] =	vst v63  }
0x13b: {  	_ =	swait.ge [sflag:s22], $0x4000  }
0x13c: {  	[sflag:s22] =	ssyncset.done $0x0  }
0x13d: {  	s12 =	rddreg [dreg:$0x18];
	[sflag:s22] =	ssyncadd.s32 $0xFFFFC000  }
0x13e: {  	[spmem:s2] =	stream.indirect.scatter.add.f32 [tilespmem:s15], [sflag:$0x5], $0x80, s12, s20, $0xb8;
	[tilespmem:$0x1D000] =	vst v63  }
0x13f: {  	_ =	swait.ge [sflag:s23], $0x4000  }
0x140: {  	[sflag:s23] =	ssyncset.done $0x0  }
0x141: {  	s13 =	rddreg [dreg:$0x19];
	[sflag:s23] =	ssyncadd.s32 $0xFFFFC000  }
0x142: {  	[tilespmem:s15], [sflag:$0x3] =	stream.indirect.gather [hbm4b:s4+s20], $0x80, s13, s20, $0xb8;
	[tilespmem:$0x1D000] =	vst v63  }
0x143: {  	_ =	swait.ge [sflag:s24], $0x4000  }
0x144: {  	[sflag:s24] =	ssyncset.done $0x0  }
0x145: {  	[sflag:s24] =	ssyncadd.s32 $0xFFFFC000  }
0x146: {  	[spmem:s2] =	stream.indirect.scatter.add.f32 [tilespmem:s21], [sflag:$0x6], $0x80, s28, s20, $0xb8;
	[tilespmem:$0x1D000] =	vst v63  }
0x147: {  	_ =	swait.ge [sflag:s25], $0x4000  }
0x148: {  	[sflag:s25] =	ssyncset.done $0x0  }
0x149: {  	[sflag:s25] =	ssyncadd.s32 $0xFFFFC000  }
0x14a: {  	[tilespmem:s21], [sflag:$0x4] =	stream.indirect.gather [hbm4b:s4+s20], $0x80, s29, s20, $0xb8;
	[tilespmem:$0x1D000] =	vst v63  }
0x14b: {  	_ =	swait.ge [sflag:s22], $0x4000  }
0x14c: {  	[sflag:s22] =	ssyncset.done $0x0  }
0x14d: {  	[sflag:s22] =	ssyncadd.s32 $0xFFFFC000  }
0x14e: {  	[spmem:s2] =	stream.indirect.scatter.add.f32 [tilespmem:s15], [sflag:$0x5], $0x80, s30, s20, $0xb8;
	[tilespmem:$0x1D000] =	vst v63  }
0x14f: {  	_ =	swait.ge [sflag:s23], $0x4000  }
0x150: {  	[sflag:s23] =	ssyncset.done $0x0  }
0x151: {  	[sflag:s23] =	ssyncadd.s32 $0xFFFFC000  }
0x152: {  	[tilespmem:s15], [sflag:$0x3] =	stream.indirect.gather [hbm4b:s4+s20], $0x80, s31, s20, $0xb8;
	[tilespmem:$0x1D000] =	vst v63  }
0x153: {  	_ =	swait.ge [sflag:s24], $0x4000  }
0x154: {  	[sflag:s24] =	ssyncset.done $0x0  }
0x155: {  	[sflag:s24] =	ssyncadd.s32 $0xFFFFC000  }
0x156: {  	[spmem:s2] =	stream.indirect.scatter.add.f32 [tilespmem:s21], [sflag:$0x6], $0x80, s0, s20, $0xb8;
	[tilespmem:$0x1D000] =	vst v63  }
0x157: {  	_ =	swait.ge [sflag:s25], $0x4000  }
0x158: {  	[sflag:s25] =	ssyncset.done $0x0  }
0x159: {  	[sflag:s25] =	ssyncadd.s32 $0xFFFFC000  }
0x15a: {  	[tilespmem:s21], [sflag:$0x4] =	stream.indirect.gather [hbm4b:s4+s20], $0x80, s1, s20, $0xb8;
	[tilespmem:$0x1D000] =	vst v63  }
0x15b: {  	_ =	swait.ge [sflag:s22], $0x4000  }
0x15c: {  	[sflag:s22] =	ssyncset.done $0x0  }
0x15d: {  	[sflag:s22] =	ssyncadd.s32 $0xFFFFC000  }
0x15e: {  	[spmem:s2] =	stream.indirect.scatter.add.f32 [tilespmem:s15], [sflag:$0x5], $0x80, s7, s20, $0xb8;
	[tilespmem:$0x1D000] =	vst v63  }
0x15f: {  	_ =	swait.ge [sflag:s23], $0x4000  }
0x160: {  	[sflag:s23] =	ssyncset.done $0x0  }
0x161: {  	s10 =	sadd.s32 $0x200, s10;
	[sflag:s23] =	ssyncadd.s32 $0xFFFFC000  }
0x162: {  	p0 =	sne.s32 s10, $0xA00;
	_ =	swait.ge [sflag:s24], $0x4000  }
.Ltmp1:
0x163: {  	[sflag:s24] =	ssyncset.done $0x0;
	(pc) =	sbr.rel @p0 .LBB2_4-.Ltmp1, $4  }
0x164: {  	[sflag:s24] =	ssyncadd.s32 $0xFFFFC000  }
0x165: {  	[spmem:s2] =	stream.indirect.scatter.add.f32 [tilespmem:s21], [sflag:$0x6], $0x80, s8, s20, $0xb8;
	[tilespmem:$0x1D000] =	vst v63  }
0x166: {  	_ =	swait.ge [sflag:s25], $0x4000  }
0x167: {  	[sflag:s25] =	ssyncset.done $0x0  }
0x168: {  	[sflag:s25] =	ssyncadd.s32 $0xFFFFC000;
	s10 =	stileid.u32  }
0x169: {  	s10 =	sshll.u32 s10, $0x6;
	[bflag:$0x0] =	sbarrier.arrive $0xFFFF  }
0x16a: {  	s11 =	sshrl.u32 s6, $0x3;
	s10 =	sor.u32 $0x1C07, s10;
	s12 =	rddreg [dreg:$0x1f]  }
0x16b: {  	[hbm:s12], [sflag:s10] =	dma.local [spmem:s11], $0x2800  }
0x16c: {  	_ =	swait.ge [sflag:s16], $0x2800  }
0x16d: {  	s14 =	sld [smem:$0x7FC];
	_ =	sdelay $0x1  }
0x16e: {  	s9 =	sadd.s32 $0x1, s9  }
0x16f: {  	p0 =	sne.s32 s9, s14  }
.Ltmp2:
0x170: {  	_ = 	snop;
	(pc) =	sbr.rel @p0 .LBB2_1-.Ltmp2, $3  }
0x171: {  	_ =	sdelay $0x1  }
0x172: {  	[sflag:s16] =	ssyncset.done $0x0  }
0x173: {  	[sflag:s16] =	ssyncadd.s32 $0xFFFFD800  }
0x174: {  	_ =	sfence.sel $0x180000  }
0x175: {  	[bflag:$0x0] =	sbarrier.arrive $0xFFFF  }
0x176: {  	_ =	strace $0x9000004D  }
0x177: {  	s0 =	stileid.u32;
	[bflag:$0x2] =	sbarrier.arrive $0xFFFF  }
0x178: {  	p0 =	sne.s32 s0, $0x0;
	s0 =	rddreg [dreg:$0x2]  }
0x179: {  	s0 =	sadd.s32 @!p0 $0x100000, s0  }
0x17a: {  	[sflag:s0] =	ssyncadd.tile.s32 @!p0 $0x1;
	_ =	shalt  }
.Lfunc_end2:
_tile_overlayer_lowered:
.L_overlay_start_2:
0x17b: {  	(tag) =	ssettag $0x2  }
0x17c: {  	s0 =	rddreg [dreg:$0x0];
	s2 =	stileid.u32  }
0x17d: {  	s1 =	rddreg [dreg:$0x1];
	p0 =	sne.s32 s2, $0x0  }
0x17e: {  	s3 =	rddreg [dreg:$0x2];
	[bflag:$0x3] =	sbarrier.arrive $0xFFFF;
	s2 =	simm.s32 @!p0 $0x1C07  }
0x17f: {  	[timem:s3], [sflag:s2] =	dma.local @!p0 [hbm:s0], s1  }
0x180: {  	s0 =	simm.s32 @!p0 $0x7  }
0x181: {  	_ =	swait.ge @!p0 [sflag:s0], s1  }
0x182: {  	s1 =	ssub.s32 @!p0 $0x0, s1;
	[sflag:s0] =	ssyncset.done @!p0 $0x0  }
0x183: {  	[sflag:s0] =	ssyncadd.s32 @!p0 s1  }
0x184: {  	[bflag:$0x3] =	sbarrier.arrive $0xFFFF  }
0x185: {  	_ =	shalt  }

// kernel: kernel.8.cloned.1.call-start
scs
__scs_entry_jumppad:
0x0: {  	(pc) =	sbr.rel $0x88, $3  }
0x1: {  	(tag) =	ssettag $0x0;
	lr =	simm.s32 $0x1  }
0x2: {  	[smem:$0x3F98] =	sst lr;
	_ =	strace $0xD0000000  }
0x3: {  	_ = 	snop  }
0x4: {  	_ = 	snop  }
0x5: {  	_ = 	snop  }
0x6: {  	_ = 	snop  }
0x7: {  	_ = 	snop  }
__scs_overlays_trampoline_lowered:
0x8: {  	[smem:$0x3FA7] =	sst s0  }
0x9: {  	[smem:$0x3FA8] =	sst s1  }
0xa: {  	[smem:$0x3FA9] =	sst s2  }
0xb: {  	[smem:$0x3FAA] =	sst s3  }
0xc: {  	[smem:$0x3FAB] =	sst s4  }
0xd: {  	[smem:$0x3FAC] =	sst s5  }
0xe: {  	[smem:$0x3FAD] =	sst s6  }
0xf: {  	[smem:$0x3FAE] =	sst s7  }
0x10: {  	[smem:$0x3FAF] =	sst s8  }
0x11: {  	[smem:$0x3FB0] =	sst s9;
	s0 =	simm.s32 @!p0 $0x0  }
0x12: {  	s1 =	sld [smem:$0x3F96];
	s0 =	simm.s32 @p0 $0x1  }
0x13: {  	[smem:$0x3FB1] =	sst s0;
	s0 =	simm.s32 @!p1 $0x0  }
0x14: {  	s2 =	sld [smem:$0x3F95];
	s0 =	simm.s32 @p1 $0x1  }
0x15: {  	[smem:$0x3FB2] =	sst s0;
	s0 =	simm.s32 @!p2 $0x0  }
0x16: {  	s3 =	sld [smem:$0x3FDB];
	s0 =	simm.s32 @p2 $0x1  }
0x17: {  	s4 =	simm.s32 $0x1BF5;
	[smem:$0x3FB4] =	sst s0  }
0x18: {  	s0 =	sld [smem:$0x3F97];
	_ =	swait.ge [sflag:s4], $0x0  }
0x19: {  	s7 =	sld [smem:$0x3F98]  }
0x1a: {  	s8 =	sadd.s32 $0xFFFFE003, lr  }
0x1b: {  	s9 =	sadd.s32 $0xFFFFFEF7, lr;
	s5 =	simm.s32 $0xFFFFFFFF;
	p2 =	slt.u32 s8, $0xFFFFF086  }
0x1c: {  	p1 =	slt.u32 s9, $0xF7A;
	s5 =	simm.s32 @!p2 $0x0  }
0x1d: {  	s5 =	simm.s32 @p1 $0x1;
	p0 =	seq.s32 s7, s2  }
0x1e: {  	s7 =	smul.u32 @!p0 $0xF7A, s2;
	p2 =	seq.s32 @!p0 s5, $0x0  }
0x1f: {  	s9 =	smul.u32 $0xF7A, s1;
	s8 =	simm.s32 @!p0 $0x1BF5;
	p2 =	por !p2, p0  }
0x20: {  	[sflag:s8] =	ssyncset.s32 @!p0 $0xFFFFF086;
	s6 =	sadd.s32 @!p0 s3, s7;
	s7 =	simm.s32 @!p0 $0x108  }
0x21: {  	s3 =	sadd.s32 s3, s9;
	s6 =	sadd.s32 @!p0 $0x88, s6;
	s7 =	simm.s32 @p2 $0x1082  }
0x22: {  	[simem:s7], [sflag:s8] =	dma.local @!p0 [hbm:s6], $0xF7A  }
0x23: {  	s9 =	sor.u32 $0xD0000000, s2;
	s6 =	simm.s32 $0x108;
	_ =	swait.ge @!p0 [sflag:s8], $0x0  }
0x24: {  	s3 =	sadd.s32 $0x88, s3;
	s6 =	simm.s32 @!p1 $0x1082;
	[sflag:s4] =	ssyncset.s32 $0xFFFFF086  }
0x25: {  	[simem:s6], [sflag:s4] =	dma.local [hbm:s3], $0xF7A  }
0x26: {  	[smem:$0x3F98] =	sst s1;
	(tag) =	ssettag s2;
	_ =	strace s9  }
0x27: {  	s1 =	sld [smem:$0x3FA8]  }
0x28: {  	s2 =	sld [smem:$0x3FA9]  }
0x29: {  	s4 =	sld [smem:$0x3FAB]  }
0x2a: {  	p0 =	seq.s32 s5, $0x0;
	s5 =	sld [smem:$0x3FAC]  }
0x2b: {  	s6 =	sld [smem:$0x3FAD]  }
0x2c: {  	s7 =	sld [smem:$0x3FAE]  }
0x2d: {  	s3 =	simm.s32 $0x108;
	s8 =	sld [smem:$0x3FAF]  }
0x2e: {  	s3 =	simm.s32 @!p0 $0x1082;
	s9 =	sld [smem:$0x3FB0]  }
0x2f: {  	lr =	sadd.s32 s0, s3;
	s0 =	sld [smem:$0x3FA7]  }
0x30: {  	s3 =	sld [smem:$0x3FAA]  }
0x31: {  	[smem:$0x3FB3] =	sst s10  }
0x32: {  	s10 =	sld [smem:$0x3FB1];
	_ =	sdelay $0x3  }
0x33: {  	p0 =	seq.s32 s10, $0x1;
	s10 =	sld [smem:$0x3FB3];
	_ =	sdelay $0x3  }
0x34: {  	[smem:$0x3FB3] =	sst s10  }
0x35: {  	s10 =	sld [smem:$0x3FB2];
	_ =	sdelay $0x3  }
0x36: {  	p1 =	seq.s32 s10, $0x1;
	s10 =	sld [smem:$0x3FB3];
	_ =	sdelay $0x3  }
0x37: {  	[smem:$0x3FB3] =	sst s10  }
0x38: {  	s10 =	sld [smem:$0x3FB4]  }
0x39: {  	_ = 	snop;
	(pc) =	sbr.ind lr, $3  }
0x3a: {  	_ = 	snop  }
0x3b: {  	_ = 	snop  }
0x3c: {  	p2 =	seq.s32 s10, $0x1;
	s10 =	sld [smem:$0x3FB3]  }
0x3d: {  	_ =	shalt  }
0x3e: {  	_ =	shalt  }
0x3f: {  	_ =	shalt  }
0x40: {  	_ =	shalt  }
0x41: {  	_ =	shalt  }
0x42: {  	_ =	shalt  }
0x43: {  	_ =	shalt  }
0x44: {  	_ =	shalt  }
0x45: {  	_ =	shalt  }
0x46: {  	_ =	shalt  }
0x47: {  	_ =	shalt  }
0x48: {  	_ =	shalt  }
0x49: {  	_ =	shalt  }
0x4a: {  	_ =	shalt  }
0x4b: {  	_ =	shalt  }
0x4c: {  	_ =	shalt  }
0x4d: {  	_ =	shalt  }
0x4e: {  	_ =	shalt  }
0x4f: {  	_ =	shalt  }
0x50: {  	_ =	shalt  }
0x51: {  	_ =	shalt  }
0x52: {  	_ =	shalt  }
0x53: {  	_ =	shalt  }
0x54: {  	_ =	shalt  }
0x55: {  	_ =	shalt  }
0x56: {  	_ =	shalt  }
0x57: {  	_ =	shalt  }
0x58: {  	_ =	shalt  }
0x59: {  	_ =	shalt  }
0x5a: {  	_ =	shalt  }
0x5b: {  	_ =	shalt  }
0x5c: {  	_ =	shalt  }
0x5d: {  	_ =	shalt  }
0x5e: {  	_ =	shalt  }
0x5f: {  	_ =	shalt  }
0x60: {  	_ =	shalt  }
0x61: {  	_ =	shalt  }
0x62: {  	_ =	shalt  }
0x63: {  	_ =	shalt  }
0x64: {  	_ =	shalt  }
0x65: {  	_ =	shalt  }
0x66: {  	_ =	shalt  }
0x67: {  	_ =	shalt  }
0x68: {  	_ =	shalt  }
0x69: {  	_ =	shalt  }
0x6a: {  	_ =	shalt  }
0x6b: {  	_ =	shalt  }
0x6c: {  	_ =	shalt  }
0x6d: {  	_ =	shalt  }
0x6e: {  	_ =	shalt  }
0x6f: {  	_ =	shalt  }
0x70: {  	_ =	shalt  }
0x71: {  	_ =	shalt  }
0x72: {  	_ =	shalt  }
0x73: {  	_ =	shalt  }
0x74: {  	_ =	shalt  }
0x75: {  	_ =	shalt  }
0x76: {  	_ =	shalt  }
0x77: {  	_ =	shalt  }
0x78: {  	_ =	shalt  }
0x79: {  	_ =	shalt  }
0x7a: {  	_ =	shalt  }
0x7b: {  	_ =	shalt  }
0x7c: {  	_ =	shalt  }
0x7d: {  	_ =	shalt  }
0x7e: {  	_ =	shalt  }
0x7f: {  	_ =	shalt  }
0x80: {  	_ =	shalt  }
0x81: {  	_ =	shalt  }
0x82: {  	_ =	shalt  }
0x83: {  	_ =	shalt  }
0x84: {  	_ =	shalt  }
0x85: {  	_ =	shalt  }
0x86: {  	_ =	shalt  }
0x87: {  	_ =	shalt  }
.Lfunc_end0:
.L_simem_size_0:
called_computation_lowered:
.L_overlay_start_0:
0x88: {  	s2 =	sld [smem:$0x3FD9]  }
0x89: {  	s3 =	sld [smem:$0x3FFE];
	_ =	sdelay $0x1  }
0x8a: {  	s1 =	srdreg.scid  }
0x8b: {  	s0 =	sand.u32 $0x1, s1  }
0x8c: {  	s16 =	sshll.u32 s0, $0xA;
	s2 =	sadd.s32 s3, s2  }
0x8d: {  	s2 =	sadd.s32 s2, s16  }
0x8e: {  	[smem:$0x3FBF] =	sst s2  }
0x8f: {  	_ = 	snop  }
0x90: {  	(tm) =	ssettm $0x1  }
0x91: {  	s17 =	sld [smem:$0x3FFB];
	_ =	sdelay $0x3  }
0x92: {  	_ =	strace s17  }
0x93: {  	s2 =	sld [smem:$0x3FFC];
	_ =	sdelay $0x3  }
0x94: {  	_ =	strace s2  }
0x95: {  	s2 =	sld [smem:$0x3FFD];
	_ =	sdelay $0x3  }
0x96: {  	_ =	strace s2  }
0x97: {  	_ =	strace $0x8FFFFFFF  }
0x98: {  	s18 =	sld [smem:$0x3FDB];
	_ =	sdelay $0x1  }
0x99: {  	s19 =	simm.s32 $_scs_section_size  }
0x9a: {  	s4 =	simm.s32 $_size__tile_overlayer_lowered;
	s5 =	simm.s32 $_tile_overlayer_lowered  }
0x9b: {  	s22 =	simm.s32 $0x1BFF;
	s21 =	sshll.u32 s5, $0x1;
	s2 =	sadd.s32 s19, s18  }
0x9c: {  	s6 =	simm.s32 $0x0;
	s20 =	sshll.u32 s4, $0x1;
	s4 =	sadd.s32 s21, s2  }
0x9d: {  	[timem:s6], [sflag:s22] =	dma.local [hbm:s4], s20  }
0x9e: {  	_ =	swait.ge [sflag:s22], s20  }
0x9f: {  	s3 =	ssub.s32 $0x0, s20;
	[sflag:s22] =	ssyncset.done $0x0  }
0xa0: {  	[sflag:s22] =	ssyncadd.s32 s3;
	_ =	sdelay $0x1  }
0xa1: {  	s23 =	simm.s32 $0x1B8B  }
0xa2: {  	_ =	swait.ge [sflag:s23], $0x1  }
0xa3: {  	[sflag:s23] =	ssyncset.done $0x0  }
0xa4: {  	s25 =	simm.s32 $0x1B8E;
	s24 =	sld [smem:$0x3FFE];
	[sflag:s23] =	ssyncadd.s32 $0xFFFFFFFF  }
0xa5: {  	s26 =	simm.s32 $execute0_lowered;
	[smem:$0x3FD2] =	sst s25  }
0xa6: {  	s4 =	sshll.u32 s26, $0x1;
	_ =	strace $0x80000046;
	[dreg:$0x1] =	wrdreg $0xFFFFFFFF  }
0xa7: {  	s28 =	simm.s32 $_size_execute0_lowered;
	s2 =	sadd.s32 s2, s4;
	[dreg:$0x0] =	wrdreg $0x0  }
0xa8: {  	s4 =	sshll.u32 s28, $0x1;
	[dreg:$0x2] =	wrdreg s2  }
0xa9: {  	[dreg:$0x3] =	wrdreg s4  }
0xaa: {  	[dreg:$0x4] =	wrdreg $0xC0  }
0xab: {  	_ =	task [dreg:s6], $0x5FFFF  }
0xac: {  	[dreg:$0x1] =	wrdreg $0xFFFFFFFF  }
0xad: {  	[dreg:$0x0] =	wrdreg $0x60  }
0xae: {  	[dreg:$0x2] =	wrdreg s24  }
0xaf: {  	[dreg:$0x3] =	wrdreg $0x0  }
0xb0: {  	[dreg:$0x4] =	wrdreg $0x9  }
0xb1: {  	_ =	task.clear_ibuf [dreg:s6], $0x5FFFF;
	_ =	strace $0x90000046  }
0xb2: {  	s29 =	simm.s32 $0x9;
	_ =	strace $0x80000048  }
0xb3: {  	_ =	swait.ge [sflag:s29], $0x1  }
0xb4: {  	[sflag:s29] =	ssyncadd.s32 $0xFFFFFFFF  }
0xb5: {  	_ =	strace $0x90000048  }
0xb6: {  	_ =	sfence  }
0xb7: {  	s30 =	sld [smem:$0x0];
	_ =	sdelay $0x2  }
0xb8: {  	s31 =	sshll.u32 s1, $0xD;
	s1 =	sshrl.u32 s1, $0x2  }
0xb9: {  	s3 =	sand.u32 $0x4000, s31;
	s1 =	sadd.s32 s1, s30  }
0xba: {  	s0 =	sor.u32 s3, s0;
	s1 =	sshll.u32 s1, $0x11  }
0xbb: {  	s0 =	sor.u32 s1, s0  }
0xbc: {  	s0 =	sadd.s32 $0x8F2B, s0  }
0xbd: {  	[sflag:s0] =	ssyncadd.remote.s32 $0x1  }
0xbe: {  	_ =	sfence.sel $0xFFFF  }
0xbf: {  	[dreg:$0x0] =	wrdreg $0xFFFFFFFF;
	(pc) =	sbr.abs _section_cstart, $3  }
0xc0: {  	[dreg:$0x1] =	wrdreg $0xFFFFFFFF  }
0xc1: {  	_ =	task.clear_ibuf [dreg:s6], $0x2FFFF;
	_ =	strace $0x9FFFFFFF  }
0xc2: {  	(tm) =	ssettm $0x7FFFFFFF  }
0xc3: {  	_ =	shalt  }
tec
execute0_lowered:
.L_overlay_start_1:
0x0: {  	(tag) =	ssettag $0x1  }
0x1: {  	s5 =	rddreg [dreg:$0x0]  }
0x2: {  	s0 =	srdreg.scid;
	s2 =	rddreg [dreg:$0x1]  }
0x3: {  	s3 =	simm.s32 $0x0;
	s10 =	simm.s32 $0x2800;
	s11 =	simm.s32 $0x80  }
0x4: {  	s12 =	simm.s32 $0x5000;
	s13 =	simm.s32 $0x1;
	s4 =	sand.u32 $0x1, s0  }
0x5: {  	s14 =	simm.s32 $0x2;
	s0 =	stileid.u32;
	s7 =	smul.u32 $0x140000, s4  }
0x6: {  	s15 =	simm.s32 $0x4F80;
	s18 =	simm.s32 $0x0;
	s8 =	smul.u32 $0x14000, s0  }
0x7: {  	[smem:$0x7FF] =	sst s3;
	s1 =	sshll.u32 s4, $0x4;
	s9 =	smul.u32 $0x50000, s0  }
0x8: {  	s4 =	ssub.s32 $0x2, s4;
	s16 =	sshll.u32 s0, $0x6;
	s1 =	sor.u32 s0, s1  }
0x9: {  	s31 =	sshrl.u32 s4, $0x1;
	s16 =	sor.u32 $0x1C03, s16;
	s6 =	smul.u32 $0x500, s1  }
0xa: {  	s1 =	rddreg [dreg:$0x2];
	_ =	strace $0x80000047;
	s7 =	sadd.s32 s8, s7  }
0xb: {  	s9 =	sshrl.u32 s9, $0x2;
	s8 =	ssub.s32 s4, s31;
	s7 =	sshrl.u32 s7, $0x3  }
0xc: {  	s4 =	sadd.s32 s9, s2;
	s9 =	simm.s32 $0x3;
	s6 =	sadd.s32 s6, s5  }
0xd: {  	s7 =	sadd.s32 s7, s5;
	s17 =	sshrl.u32 s4, $0x3;
	s5 =	sadd.s32 $0x2C00, s6  }
0xe: {  	v0 =	vimm.f32 $1.000000000e+00;
	v1 =	vimm.f32 $0.0e+00;
	s6 =	sadd.s32 $0xCC00, s7;
	s7 =	smax.u32 s8, $0x1;
	s8 =	simm.s32 $0x9000  }
.LBB2_1:
0xf: {  	s19 =	simm.s32 $0x0  }
.LBB2_2:
0x10: {  	p0 =	sne.s32 s19, $0xFE00  }
.Ltmp0:
0x11: {  	_ = 	snop;
	(pc) =	sbr.rel @p0 .LBB2_2-.Ltmp0, $3  }
0x12: {  	_ =	sdelay $0x1  }
0x13: {  	s20 =	sshra.s32 s19, $0x2  }
0x14: {  	s19 =	sadd.s32 $0x200, s19;
	[tilespmem:s20+$0x5000] =	vst v0  }
0x15: {  	s19 =	simm.s32 $0x200;
	s20 =	simm.s32 $0x0  }
.LBB2_4:
0x16: {  	p0 =	sne.s32 s19, $0x4FE00;
	[tilespmem:s20+$0x9000] =	vst v1;
	s20 =	smov.u32 s19;
	s19 =	sadd.s32 $0x200, s19  }
.Ltmp1:
0x17: {  	(pc) =	sbr.rel @p0 .LBB2_4-.Ltmp1, $2  }
0x18: {  	_ =	sdelay $0x2  }
0x19: {  	s20 =	sshra.s32 s20, $0x2  }
0x1a: {  	[tilespmem:s20+$0x9000] =	vst v1  }
0x1b: {  	[spmem:s4] =	stream.linear.scatter [tilespmem:s8], [sflag:$0x3], $0x14000, $0x38;
	[tilespmem:$0x1D000] =	vst v63  }
0x1c: {  	_ =	swait.ge [sflag:s9], $0x14000  }
0x1d: {  	[sflag:s9] =	ssyncset.done $0x0  }
0x1e: {  	[sflag:s9] =	ssyncadd.s32 $0xFFFEC000  }
0x1f: {  	[tilespmem:s10], [sflag:$0x3] =	stream.linear.gather [hbm4b:s5+s3], $0x2800, $0x38;
	[tilespmem:$0x1D000] =	vst v63  }
0x20: {  	_ =	swait.ge [sflag:s9], $0x2800  }
0x21: {  	[sflag:s9] =	ssyncset.done $0x0  }
0x22: {  	[sflag:s9] =	ssyncadd.s32 $0xFFFFD800  }
0x23: {  	[bflag:$0x0] =	sbarrier.arrive $0xFFFF  }
0x24: {  	[spmem:s2] =	stream.indirect.scatter.add.f32 [tilespmem:s12], [sflag:$0x1], $0x10, s10, s11, $0xb8;
	[tilespmem:$0x1D000] =	vst v63  }
0x25: {  	s19 =	simm.s32 $0x2880  }
0x26: {  	[spmem:s2] =	stream.indirect.scatter.add.f32 [tilespmem:s12], [sflag:$0x2], $0x10, s19, s11, $0xb8;
	[tilespmem:$0x1D000] =	vst v63  }
0x27: {  	_ =	swait.ge [sflag:s13], $0x800  }
0x28: {  	[sflag:s13] =	ssyncset.done $0x0  }
0x29: {  	s31 =	simm.s32 $0x2900;
	[sflag:s13] =	ssyncadd.s32 $0xFFFFF800  }
0x2a: {  	[spmem:s2] =	stream.indirect.scatter.add.f32 [tilespmem:s12], [sflag:$0x1], $0x10, s31, s11, $0xb8;
	[tilespmem:$0x1D000] =	vst v63  }
0x2b: {  	_ =	swait.ge [sflag:s14], $0x800  }
0x2c: {  	s20 =	simm.s32 $0xFFFF6C00;
	s19 =	simm.s32 $0xFFFFDA00;
	[sflag:s14] =	ssyncset.done $0x0  }
.LBB2_6:
0x2d: {  	s21 =	sadd.s32 $0x4F80, s19  }
0x2e: {  	[sflag:s14] =	ssyncadd.s32 $0xFFFFF800;
	s22 =	smov.u32 s20;
	s23 =	sadd.s32 $0x400, s20  }
0x2f: {  	[spmem:s2] =	stream.indirect.scatter.add.f32 [tilespmem:s12], [sflag:$0x2], $0x10, s21, s11, $0xb8;
	[tilespmem:$0x1D000] =	vst v63  }
0x30: {  	p0 =	sne.s32 s20, $0xFFFFFC00;
	_ =	swait.ge [sflag:s13], $0x800  }
.Ltmp2:
0x31: {  	[sflag:s13] =	ssyncset.done $0x0;
	(pc) =	sbr.rel @p0 .LBB2_6-.Ltmp2, $4  }
0x32: {  	s19 =	sadd.s32 $0x5000, s19;
	[sflag:s13] =	ssyncadd.s32 $0xFFFFF800  }
0x33: {  	[spmem:s2] =	stream.indirect.scatter.add.f32 [tilespmem:s12], [sflag:$0x1], $0x10, s19, s11, $0xb8;
	[tilespmem:$0x1D000] =	vst v63  }
0x34: {  	_ =	swait.ge [sflag:s14], $0x800  }
0x35: {  	s20 =	smov.u32 s23;
	s19 =	sshra.s32 s22, $0x2;
	[sflag:s14] =	ssyncset.done $0x0  }
0x36: {  	s20 =	sadd.s32 $0x4F80, s19;
	[sflag:s14] =	ssyncadd.s32 $0xFFFFF800  }
0x37: {  	[spmem:s2] =	stream.indirect.scatter.add.f32 [tilespmem:s12], [sflag:$0x2], $0x10, s20, s11, $0xb8;
	[tilespmem:$0x1D000] =	vst v63  }
0x38: {  	_ =	swait.ge [sflag:s13], $0x800  }
0x39: {  	[sflag:s13] =	ssyncset.done $0x0  }
0x3a: {  	s31 =	sadd.s32 $0x5000, s19;
	[sflag:s13] =	ssyncadd.s32 $0xFFFFF800  }
0x3b: {  	[spmem:s2] =	stream.indirect.scatter.add.f32 [tilespmem:s12], [sflag:$0x1], $0x10, s31, s11, $0xb8;
	[tilespmem:$0x1D000] =	vst v63  }
0x3c: {  	_ =	swait.ge [sflag:s14], $0x800  }
0x3d: {  	[sflag:s14] =	ssyncset.done $0x0  }
0x3e: {  	[sflag:s14] =	ssyncadd.s32 $0xFFFFF800  }
0x3f: {  	[spmem:s2] =	stream.indirect.scatter.add.f32 [tilespmem:s12], [sflag:$0x2], $0x10, s15, s11, $0xb8;
	[tilespmem:$0x1D000] =	vst v63  }
0x40: {  	_ =	swait.ge [sflag:s13], $0x800  }
0x41: {  	[sflag:s13] =	ssyncset.done $0x0  }
0x42: {  	[sflag:s13] =	ssyncadd.s32 $0xFFFFF800  }
0x43: {  	_ =	swait.ge [sflag:s14], $0x800  }
0x44: {  	s18 =	sadd.s32 $0x1, s18;
	[sflag:s14] =	ssyncset.done $0x0  }
0x45: {  	p0 =	sne.s32 s18, s7;
	[sflag:s14] =	ssyncadd.s32 $0xFFFFF800  }
.Ltmp3:
0x46: {  	[bflag:$0x0] =	sbarrier.arrive $0xFFFF;
	(pc) =	sbr.rel @p0 .LBB2_1-.Ltmp3, $4  }
0x47: {  	[hbm:s6], [sflag:s16] =	dma.local [spmem:s17], $0x2800  }
0x48: {  	_ =	swait.ge [sflag:s9], $0x2800  }
0x49: {  	[sflag:s9] =	ssyncset.done $0x0  }
0x4a: {  	[sflag:s9] =	ssyncadd.s32 $0xFFFFD800  }
0x4b: {  	_ =	sfence.sel $0x180000  }
0x4c: {  	[bflag:$0x0] =	sbarrier.arrive $0xFFFF  }
0x4d: {  	p0 =	sne.s32 s0, $0x0;
	_ =	strace $0x90000047  }
0x4e: {  	s0 =	sadd.s32 @!p0 $0x100000, s1;
	[bflag:$0x2] =	sbarrier.arrive $0xFFFF  }
0x4f: {  	[sflag:s0] =	ssyncadd.tile.s32 @!p0 $0x1;
	_ =	shalt  }
.Lfunc_end2:
_tile_overlayer_lowered:
.L_overlay_start_2:
0x50: {  	(tag) =	ssettag $0x2  }
0x51: {  	s0 =	rddreg [dreg:$0x0];
	s2 =	stileid.u32  }
0x52: {  	s1 =	rddreg [dreg:$0x1];
	p0 =	sne.s32 s2, $0x0  }
0x53: {  	s3 =	rddreg [dreg:$0x2];
	[bflag:$0x3] =	sbarrier.arrive $0xFFFF;
	s2 =	simm.s32 @!p0 $0x1C03  }
0x54: {  	[timem:s3], [sflag:s2] =	dma.local @!p0 [hbm:s0], s1  }
0x55: {  	s0 =	simm.s32 @!p0 $0x3  }
0x56: {  	_ =	swait.ge @!p0 [sflag:s0], s1  }
0x57: {  	s1 =	ssub.s32 @!p0 $0x0, s1;
	[sflag:s0] =	ssyncset.done @!p0 $0x0  }
0x58: {  	[sflag:s0] =	ssyncadd.s32 @!p0 s1  }
0x59: {  	[bflag:$0x3] =	sbarrier.arrive $0xFFFF  }
0x5a: {  	_ =	shalt  }

</sc_bundles>
